<compile_context>
chip_gen: v7x
topology: tpu7x:2x2x1
jax: 0.10.2.dev20260603
libtpu: 0.0.44.dev20260713+nightly
codegen_flags: <defaults>
</compile_context>

<pallas_src>
import functools

import jax
import jax.numpy as jnp
from jax import lax
from jax.experimental import pallas as pl
from jax.experimental.pallas import tpu as pltpu
from jax.experimental.pallas import tpu_sc as plsc

N = 10000
D = 128
DH = D // 2
E = 320000
EPS = 1e-8

NC, NS = 2, 16
NPAD = 10240
CHUNK = 128
EROWS = E // CHUNK
RPT_ROWS = EROWS // NS
EXTRA = EROWS - RPT_ROWS * NS
G = 2
PB = 3
GP = G * PB
NIT = RPT_ROWS // GP
LEFT = RPT_ROWS - NIT * GP

_mesh = plsc.VectorSubcoreMesh(
    core_axis_name="c", subcore_axis_name="s", num_cores=NC, num_subcores=NS)
_untiled = pltpu.CompilerParams(use_tc_tiling_on_sc=False)


def _deg_body(src2_hbm, dst2_hbm, z_hbm, outd_hbm, outs_hbm,
              idx, ones_b, deg_sh, sem):
    cid = lax.axis_index("c")
    sid = lax.axis_index("s")

    one = jnp.ones((16,), jnp.float32)

    def fill(r, _):
        ones_b[r, :] = one
        return _
    lax.fori_loop(0, CHUNK, fill, None)

    @pl.when(sid == 0)
    def _():
        pltpu.sync_copy(z_hbm, deg_sh)
    plsc.subcore_barrier()

    row0 = sid * RPT_ROWS + jnp.minimum(sid, EXTRA)

    def run(e2_hbm):
        def it(k, _):
            gb = row0 + k * GP
            sds = []
            for p in range(PB):
                pltpu.sync_copy(e2_hbm.at[pl.ds(gb + p * G, G)],
                                idx.at[pl.ds(p * G, G)])
                for c in range(p * G, p * G + G):
                    sds.append(pltpu.async_copy(
                        ones_b, deg_sh.at[idx.at[c]], sem, add=True))
            for d in sds:
                d.wait()
            return _
        lax.fori_loop(0, NIT, it, None)

        if LEFT:
            lb = row0 + NIT * GP
            pltpu.sync_copy(e2_hbm.at[pl.ds(lb, LEFT)], idx.at[pl.ds(0, LEFT)])
            sds = [pltpu.async_copy(ones_b, deg_sh.at[idx.at[c]], sem,
                                    add=True)
                   for c in range(LEFT)]
            for d in sds:
                d.wait()

        @pl.when(sid < EXTRA)
        def _():
            er = row0 + RPT_ROWS
            pltpu.sync_copy(e2_hbm.at[pl.ds(er, 1)], idx.at[pl.ds(0, 1)])
            pltpu.sync_copy(ones_b, deg_sh.at[idx.at[0]], add=True)

    @pl.when(cid == 0)
    def _():
        run(dst2_hbm)

    @pl.when(cid == 1)
    def _():
        run(src2_hbm)

    plsc.subcore_barrier()

    @pl.when(jnp.logical_and(cid == 0, sid == 0))
    def _():
        pltpu.sync_copy(deg_sh, outd_hbm)

    @pl.when(jnp.logical_and(cid == 1, sid == 0))
    def _():
        pltpu.sync_copy(deg_sh, outs_hbm)


_deg_kernel = functools.partial(
    pl.kernel,
    out_type=(jax.ShapeDtypeStruct((NPAD, 16), jnp.float32),
              jax.ShapeDtypeStruct((NPAD, 16), jnp.float32)),
    mesh=_mesh,
    scratch_types=[
        pltpu.VMEM((GP, CHUNK), jnp.int32),
        pltpu.VMEM((CHUNK, 16), jnp.float32),
        pltpu.VMEM_SHARED((NPAD, 16), jnp.float32),
        pltpu.SemaphoreType.DMA,
    ],
    compiler_params=_untiled,
)(_deg_body)


def _spmm_body(g0_hbm, g1_hbm, src2_hbm, dst2_hbm, z_hbm, out0_hbm, out1_hbm,
               idxs, idxd, rows, acc_sh, sg0, sg1, sg2, sem_s):
    cid = lax.axis_index("c")
    sid = lax.axis_index("s")
    sg = [sg0, sg1, sg2]

    @pl.when(sid == 0)
    def _():
        pltpu.sync_copy(z_hbm, acc_sh)
    plsc.subcore_barrier()

    row0 = sid * RPT_ROWS + jnp.minimum(sid, EXTRA)

    def run(g_hbm):
        def it(k, _):
            gb = row0 + k * GP
            gds = []
            for p in range(PB):
                pltpu.sync_copy(src2_hbm.at[pl.ds(gb + p * G, G)],
                                idxs.at[pl.ds(p * G, G)])
                pltpu.sync_copy(dst2_hbm.at[pl.ds(gb + p * G, G)],
                                idxd.at[pl.ds(p * G, G)])
                for j in range(G):
                    c = p * G + j
                    gds.append(pltpu.async_copy(
                        g_hbm.at[idxs.at[c]],
                        rows.at[pl.ds(c * CHUNK, CHUNK)], sg[p]))
            sds = []
            for p in range(PB):
                for j in range(G):
                    gds[p * G + j].wait()
                for j in range(G):
                    c = p * G + j
                    sds.append(pltpu.async_copy(
                        rows.at[pl.ds(c * CHUNK, CHUNK)],
                        acc_sh.at[idxd.at[c]], sem_s, add=True))
            for d in sds:
                d.wait()
            return _
        lax.fori_loop(0, NIT, it, None)

        if LEFT:
            lb = row0 + NIT * GP
            pltpu.sync_copy(src2_hbm.at[pl.ds(lb, LEFT)],
                            idxs.at[pl.ds(0, LEFT)])
            pltpu.sync_copy(dst2_hbm.at[pl.ds(lb, LEFT)],
                            idxd.at[pl.ds(0, LEFT)])
            gds = [pltpu.async_copy(g_hbm.at[idxs.at[c]],
                                    rows.at[pl.ds(c * CHUNK, CHUNK)], sg0)
                   for c in range(LEFT)]
            for d in gds:
                d.wait()
            sds = [pltpu.async_copy(rows.at[pl.ds(c * CHUNK, CHUNK)],
                                    acc_sh.at[idxd.at[c]], sem_s, add=True)
                   for c in range(LEFT)]
            for d in sds:
                d.wait()

        @pl.when(sid < EXTRA)
        def _():
            er = row0 + RPT_ROWS
            pltpu.sync_copy(src2_hbm.at[pl.ds(er, 1)], idxs.at[pl.ds(0, 1)])
            pltpu.sync_copy(dst2_hbm.at[pl.ds(er, 1)], idxd.at[pl.ds(0, 1)])
            pltpu.async_copy(g_hbm.at[idxs.at[0]],
                             rows.at[pl.ds(0, CHUNK)], sg0).wait()
            pltpu.sync_copy(rows.at[pl.ds(0, CHUNK)],
                            acc_sh.at[idxd.at[0]], add=True)

    @pl.when(cid == 0)
    def _():
        run(g0_hbm)

    @pl.when(cid == 1)
    def _():
        run(g1_hbm)

    plsc.subcore_barrier()

    @pl.when(jnp.logical_and(cid == 0, sid == 0))
    def _():
        pltpu.sync_copy(acc_sh, out0_hbm)

    @pl.when(jnp.logical_and(cid == 1, sid == 0))
    def _():
        pltpu.sync_copy(acc_sh, out1_hbm)


_spmm_kernel = functools.partial(
    pl.kernel,
    out_type=(jax.ShapeDtypeStruct((NPAD, DH), jnp.float32),
              jax.ShapeDtypeStruct((NPAD, DH), jnp.float32)),
    mesh=_mesh,
    scratch_types=[
        pltpu.VMEM((GP, CHUNK), jnp.int32),
        pltpu.VMEM((GP, CHUNK), jnp.int32),
        pltpu.VMEM((GP * CHUNK, DH), jnp.float32),
        pltpu.VMEM_SHARED((NPAD, DH), jnp.float32),
        pltpu.SemaphoreType.DMA,
        pltpu.SemaphoreType.DMA,
        pltpu.SemaphoreType.DMA,
        pltpu.SemaphoreType.DMA,
    ],
    compiler_params=_untiled,
)(_spmm_body)


NB = 1000
_GRID = N // NB

_bN = pl.BlockSpec((NB, DH), lambda i: (i, 0))
_bX = pl.BlockSpec((NB, D), lambda i: (i, 0))
_bAB = pl.BlockSpec((NB, 2), lambda i: (i, 0))
_b16 = pl.BlockSpec((NB, 16), lambda i: (i, 0))


def _prep_body(degd_ref, degs_ref, x_ref, g0_ref, g1_ref, ab_ref):
    dr = degd_ref[:, 0]
    dc = degs_ref[:, 0]
    a = 1.0 / (jnp.sqrt(dr) + EPS)
    b = 1.0 / (jnp.sqrt(dc) + EPS)
    ab_ref[:, 0] = a
    ab_ref[:, 1] = b
    x = x_ref[...]
    g0_ref[...] = x[:, :DH] * b[:, None]
    g1_ref[...] = x[:, DH:] * b[:, None]


def _prep(degd, degs, x):
    return pl.pallas_call(
        _prep_body,
        grid=(_GRID,),
        in_specs=[_b16, _b16, _bX],
        out_specs=(_bN, _bN, _bAB),
        out_shape=(jax.ShapeDtypeStruct((N, DH), jnp.float32),
                   jax.ShapeDtypeStruct((N, DH), jnp.float32),
                   jax.ShapeDtypeStruct((N, 2), jnp.float32)),
    )(degd, degs, x)


def _mid_body(acc0_ref, acc1_ref, ab_ref, x_ref, g0_ref, g1_ref, op_ref):
    s0 = acc0_ref[...]
    s1 = acc1_ref[...]
    a = ab_ref[:, 0]
    b = ab_ref[:, 1]
    f0 = s0 * (a * 0.5)[:, None]
    f1 = s1 * (a * 0.5)[:, None]
    n2 = jnp.sum(f0 * f0, axis=1, keepdims=True) + \
        jnp.sum(f1 * f1, axis=1, keepdims=True)
    inv = 1.0 / jnp.maximum(jnp.sqrt(n2), 1e-12)
    op_ref[...] = x_ref[...] + jnp.concatenate([f0 * inv, f1 * inv], axis=1)
    g0_ref[...] = f0 * b[:, None]
    g1_ref[...] = f1 * b[:, None]


def _mid(acc0, acc1, ab, x):
    return pl.pallas_call(
        _mid_body,
        grid=(_GRID,),
        in_specs=[_bN, _bN, _bAB, _bX],
        out_specs=(_bN, _bN, _bX),
        out_shape=(jax.ShapeDtypeStruct((N, DH), jnp.float32),
                   jax.ShapeDtypeStruct((N, DH), jnp.float32),
                   jax.ShapeDtypeStruct((N, D), jnp.float32)),
    )(acc0, acc1, ab, x)


def _fin_body(acc0_ref, acc1_ref, ab_ref, op_ref, out_ref):
    a = ab_ref[:, 0]
    f0 = acc0_ref[...] * a[:, None]
    f1 = acc1_ref[...] * a[:, None]
    n2 = jnp.sum(f0 * f0, axis=1, keepdims=True) + \
        jnp.sum(f1 * f1, axis=1, keepdims=True)
    inv = 1.0 / jnp.maximum(jnp.sqrt(n2), 1e-12)
    out_ref[...] = op_ref[...] + jnp.concatenate([f0 * inv, f1 * inv], axis=1)


def _fin(acc0, acc1, ab, op):
    return pl.pallas_call(
        _fin_body,
        grid=(_GRID,),
        in_specs=[_bN, _bN, _bAB, _bX],
        out_specs=_bX,
        out_shape=jax.ShapeDtypeStruct((N, D), jnp.float32),
    )(acc0, acc1, ab, op)


def kernel(x, edge_index):
    src2 = edge_index[0].reshape(EROWS, CHUNK)
    dst2 = edge_index[1].reshape(EROWS, CHUNK)
    z16 = jnp.zeros((NPAD, 16), jnp.float32)
    zDH = jnp.zeros((NPAD, DH), jnp.float32)
    degd, degs = _deg_kernel(src2, dst2, z16)
    g0, g1, ab = _prep(degd, degs, x)
    a10, a11 = _spmm_kernel(g0, g1, src2, dst2, zDH)
    h0, h1, out_part = _mid(a10, a11, ab, x)
    a20, a21 = _spmm_kernel(h0, h1, src2, dst2, zDH)
    return _fin(a20, a21, ab, out_part)

# --- scband reference (transcript-rebuilt; emitter-appended) ---
"""Pipeline reference for scband-clhe-6425271075474 (READ-ONLY COPY).

The authoritative reference and input builder live on the scoring server;
editing this copy changes nothing except your own understanding.
"""

import jax, jax.numpy as jnp
import numpy as np

NUM_LAYERS = 2
EPS = 1e-8
N_NODES = 10000
D_FEAT = 128
N_EDGES = 320000


def setup_inputs(seed: int = 0) -> dict:
    key = jax.random.key(seed)
    k1, k2 = jax.random.split(key)
    x = jax.random.normal(k1, (N_NODES, D_FEAT), dtype=jnp.float32)
    edge_index = jax.random.randint(k2, (2, N_EDGES), 0, N_NODES, dtype=jnp.int32)
    return {"x": x, "edge_index": edge_index}


def reference(x, edge_index):
    # Faithful JAX translation of BunCa/CLHE one_propagate:
    #   graph = laplace_transform(A)  (symmetric degree normalization)
    #   features = cat inputs; for i in range(num_layers):
    #       features = spmm(graph, features); features /= (i+2);
    #       all_features.append(F.normalize(features, p=2, dim=1))
    #   out = sum(stack(all_features), dim=1)
    src = edge_index[0]
    dst = edge_index[1]
    n = x.shape[0]
    ones = jnp.ones((src.shape[0],), dtype=x.dtype)
    # rowsum / colsum of sparse adjacency (dst = row, src = col for spmm A @ f)
    deg_row = jnp.zeros((n,), dtype=x.dtype).at[dst].add(ones)
    deg_col = jnp.zeros((n,), dtype=x.dtype).at[src].add(ones)
    inv_sqrt_row = 1.0 / (jnp.sqrt(deg_row) + EPS)
    inv_sqrt_col = 1.0 / (jnp.sqrt(deg_col) + EPS)
    edge_w = inv_sqrt_row[dst] * inv_sqrt_col[src]
    feats = x
    out = x  # all_features starts with the raw input features
    for i in range(NUM_LAYERS):
        msg = feats[src] * edge_w[:, None]                 # gather + edge weighting
        feats = jnp.zeros_like(x).at[dst].add(msg)          # scatter-add (spmm)
        feats = feats / (i + 2.0)
        nrm = jnp.linalg.norm(feats, axis=1, keepdims=True)
        normalized = feats / jnp.maximum(nrm, 1e-12)        # F.normalize(p=2, dim=1)
        out = out + normalized                              # sum over stacked layers
    return out

if __name__ == "__main__":
    import jax
    _d = setup_inputs()
    print(jax.jit(kernel)(*tuple(_d.values())))

</pallas_src>

<mosaic_0001>
#map = affine_map<(d0, d1) -> (0, 0)>
module attributes {stable_mosaic.version = 14 : i64} {
  func.func @_spmm_body(%arg0: i32, %arg1: i32, %arg2: memref<10000x64xf32, #tpu.memory_space<hbm>>, %arg3: memref<10000x64xf32, #tpu.memory_space<hbm>>, %arg4: memref<2500x128xi32, #tpu.memory_space<hbm>>, %arg5: memref<2500x128xi32, #tpu.memory_space<hbm>>, %arg6: memref<10240x64xf32, #tpu.memory_space<hbm>>, %arg7: memref<10240x64xf32, #tpu.memory_space<hbm>>, %arg8: memref<10240x64xf32, #tpu.memory_space<hbm>>, %arg9: memref<6x128xi32, #tpu.memory_space<vmem>>, %arg10: memref<6x128xi32, #tpu.memory_space<vmem>>, %arg11: memref<768x64xf32, #tpu.memory_space<vmem>>, %arg12: memref<10240x64xf32, #tpu.memory_space<vmem_shared>>, %arg13: memref<!tpu.dma_semaphore, #tpu.memory_space<semaphore_mem>>, %arg14: memref<!tpu.dma_semaphore, #tpu.memory_space<semaphore_mem>>, %arg15: memref<!tpu.dma_semaphore, #tpu.memory_space<semaphore_mem>>, %arg16: memref<!tpu.dma_semaphore, #tpu.memory_space<semaphore_mem>>) attributes {dimension_semantics = [#tpu.dimension_semantics<core_parallel>, #tpu.dimension_semantics<subcore_parallel>], iteration_bounds = array<i64: 2, 16>, scalar_prefetch = 0 : i64, scratch_operands = 8 : i64, tpu.core_type = #tpu.core_type<sc_vector_subcore>, window_params = [{transform_indices = #map}, {transform_indices = #map}, {transform_indices = #map}, {transform_indices = #map}, {transform_indices = #map}, {transform_indices = #map}, {transform_indices = #map}]} {
    %eq3A = arith.constant 0 : i32
    %eq3A_0 = arith.cmpi eq, %arg1, %eq3A : i32
    %convert_element_type3A = arith.extui %eq3A_0 : i1 to i32
    %cond3A = arith.constant 0 : i32
    %cond3A_1 = arith.cmpi ne, %convert_element_type3A, %cond3A : i32
    scf.if %cond3A_1 {
      "tpu.region"() ({
        %run_scoped3A = tpu.sem_alloc : memref<!tpu.dma_semaphore, #tpu.memory_space<semaphore_mem>>
        tpu.enqueue_dma source(%arg6 : memref<10240x64xf32, #tpu.memory_space<hbm>>) target(%arg12 : memref<10240x64xf32, #tpu.memory_space<vmem_shared>>) target_semaphore(%run_scoped3A : memref<!tpu.dma_semaphore, #tpu.memory_space<semaphore_mem>>)
        tpu.wait_dma2 semaphore(%run_scoped3A : memref<!tpu.dma_semaphore, #tpu.memory_space<semaphore_mem>>) src(%arg6 : memref<10240x64xf32, #tpu.memory_space<hbm>>) dst(%arg12 : memref<10240x64xf32, #tpu.memory_space<vmem_shared>>)
        tpu.yield
      }) : () -> ()
    } else {
    }
    %barrier3A = arith.constant 0 : index
    tpu.barrier barrier_id(%barrier3A)
    %mul3A = arith.constant 156 : i32
    %mul3A_2 = arith.muli %arg1, %mul3A : i32
    %min3A = arith.constant 4 : i32
    %min3A_3 = arith.minsi %arg1, %min3A : i32
    %add3A = arith.addi %mul3A_2, %min3A_3 : i32
    %eq3A_4 = arith.constant 0 : i32
    %eq3A_5 = arith.cmpi eq, %arg0, %eq3A_4 : i32
    %convert_element_type3A_6 = arith.extui %eq3A_5 : i1 to i32
    %cond3A_7 = arith.constant 0 : i32
    %cond3A_8 = arith.cmpi ne, %convert_element_type3A_6, %cond3A_7 : i32
    scf.if %cond3A_8 {
      %scan3A = arith.constant 0 : i32
      %scan3A_30 = arith.constant 26 : i32
      %scan3A_31 = arith.addi %scan3A, %scan3A_30 : i32
      %scan3A_32 = arith.constant 1 : i32
      scf.for %scan3A_38 = %scan3A to %scan3A_31 step %scan3A_32  : i32 {
        %mul3A_39 = arith.constant 6 : i32
        %mul3A_40 = arith.muli %scan3A_38, %mul3A_39 : i32
        %add3A_41 = arith.addi %add3A, %mul3A_40 : i32
        %add3A_42 = arith.constant 0 : i32
        %add3A_43 = arith.addi %add3A_41, %add3A_42 : i32
        "tpu.region"() ({
          %run_scoped3A = tpu.sem_alloc : memref<!tpu.dma_semaphore, #tpu.memory_space<semaphore_mem>>
          %dma_start3A_292 = arith.constant 0 : i32
          %dma_start3A_293 = arith.constant 0 : i32
          %dma_start3A_294 = tpu.memref_slice %arg9[%dma_start3A_292, %dma_start3A_293] : memref<6x128xi32, #tpu.memory_space<vmem>> -> memref<2x128xi32, #tpu.memory_space<vmem>>
          %dma_start3A_295 = arith.constant 0 : i32
          %dma_start3A_296 = tpu.memref_slice %arg4[%add3A_43, %dma_start3A_295] : memref<2500x128xi32, #tpu.memory_space<hbm>> -> memref<2x128xi32, #tpu.memory_space<hbm>>
          %dma_start3A_297 = arith.constant 0 : i32
          %dma_start3A_298 = arith.constant 0 : i32
          %dma_start3A_299 = tpu.memref_slice %arg9[%dma_start3A_297, %dma_start3A_298] : memref<6x128xi32, #tpu.memory_space<vmem>> -> memref<2x128xi32, #tpu.memory_space<vmem>>
          %dma_start3A_300 = arith.constant 0 : i32
          %dma_start3A_301 = tpu.memref_slice %arg4[%add3A_43, %dma_start3A_300] : memref<2500x128xi32, #tpu.memory_space<hbm>> -> memref<2x128xi32, #tpu.memory_space<hbm>>
          tpu.enqueue_dma source(%dma_start3A_301 : memref<2x128xi32, #tpu.memory_space<hbm>>) target(%dma_start3A_299 : memref<2x128xi32, #tpu.memory_space<vmem>>) target_semaphore(%run_scoped3A : memref<!tpu.dma_semaphore, #tpu.memory_space<semaphore_mem>>)
          %dma_wait3A_302 = arith.constant 0 : i32
          %dma_wait3A_303 = arith.constant 0 : i32
          %dma_wait3A_304 = tpu.memref_slice %arg9[%dma_wait3A_302, %dma_wait3A_303] : memref<6x128xi32, #tpu.memory_space<vmem>> -> memref<2x128xi32, #tpu.memory_space<vmem>>
          %dma_wait3A_305 = arith.constant 0 : i32
          %dma_wait3A_306 = tpu.memref_slice %arg4[%add3A_43, %dma_wait3A_305] : memref<2500x128xi32, #tpu.memory_space<hbm>> -> memref<2x128xi32, #tpu.memory_space<hbm>>
          %dma_wait3A_307 = arith.constant 0 : i32
          %dma_wait3A_308 = arith.constant 0 : i32
          %dma_wait3A_309 = tpu.memref_slice %arg9[%dma_wait3A_307, %dma_wait3A_308] : memref<6x128xi32, #tpu.memory_space<vmem>> -> memref<2x128xi32, #tpu.memory_space<vmem>>
          %dma_wait3A_310 = arith.constant 0 : i32
          %dma_wait3A_311 = tpu.memref_slice %arg4[%add3A_43, %dma_wait3A_310] : memref<2500x128xi32, #tpu.memory_space<hbm>> -> memref<2x128xi32, #tpu.memory_space<hbm>>
          tpu.wait_dma2 semaphore(%run_scoped3A : memref<!tpu.dma_semaphore, #tpu.memory_space<semaphore_mem>>) src(%dma_wait3A_311 : memref<2x128xi32, #tpu.memory_space<hbm>>) dst(%dma_wait3A_309 : memref<2x128xi32, #tpu.memory_space<vmem>>)
          tpu.yield
        }) : () -> ()
        %add3A_44 = arith.constant 0 : i32
        %add3A_45 = arith.addi %add3A_41, %add3A_44 : i32
        "tpu.region"() ({
          %run_scoped3A = tpu.sem_alloc : memref<!tpu.dma_semaphore, #tpu.memory_space<semaphore_mem>>
          %dma_start3A_292 = arith.constant 0 : i32
          %dma_start3A_293 = arith.constant 0 : i32
          %dma_start3A_294 = tpu.memref_slice %arg10[%dma_start3A_292, %dma_start3A_293] : memref<6x128xi32, #tpu.memory_space<vmem>> -> memref<2x128xi32, #tpu.memory_space<vmem>>
          %dma_start3A_295 = arith.constant 0 : i32
          %dma_start3A_296 = tpu.memref_slice %arg5[%add3A_45, %dma_start3A_295] : memref<2500x128xi32, #tpu.memory_space<hbm>> -> memref<2x128xi32, #tpu.memory_space<hbm>>
          %dma_start3A_297 = arith.constant 0 : i32
          %dma_start3A_298 = arith.constant 0 : i32
          %dma_start3A_299 = tpu.memref_slice %arg10[%dma_start3A_297, %dma_start3A_298] : memref<6x128xi32, #tpu.memory_space<vmem>> -> memref<2x128xi32, #tpu.memory_space<vmem>>
          %dma_start3A_300 = arith.constant 0 : i32
          %dma_start3A_301 = tpu.memref_slice %arg5[%add3A_45, %dma_start3A_300] : memref<2500x128xi32, #tpu.memory_space<hbm>> -> memref<2x128xi32, #tpu.memory_space<hbm>>
          tpu.enqueue_dma source(%dma_start3A_301 : memref<2x128xi32, #tpu.memory_space<hbm>>) target(%dma_start3A_299 : memref<2x128xi32, #tpu.memory_space<vmem>>) target_semaphore(%run_scoped3A : memref<!tpu.dma_semaphore, #tpu.memory_space<semaphore_mem>>)
          %dma_wait3A_302 = arith.constant 0 : i32
          %dma_wait3A_303 = arith.constant 0 : i32
          %dma_wait3A_304 = tpu.memref_slice %arg10[%dma_wait3A_302, %dma_wait3A_303] : memref<6x128xi32, #tpu.memory_space<vmem>> -> memref<2x128xi32, #tpu.memory_space<vmem>>
          %dma_wait3A_305 = arith.constant 0 : i32
          %dma_wait3A_306 = tpu.memref_slice %arg5[%add3A_45, %dma_wait3A_305] : memref<2500x128xi32, #tpu.memory_space<hbm>> -> memref<2x128xi32, #tpu.memory_space<hbm>>
          %dma_wait3A_307 = arith.constant 0 : i32
          %dma_wait3A_308 = arith.constant 0 : i32
          %dma_wait3A_309 = tpu.memref_slice %arg10[%dma_wait3A_307, %dma_wait3A_308] : memref<6x128xi32, #tpu.memory_space<vmem>> -> memref<2x128xi32, #tpu.memory_space<vmem>>
          %dma_wait3A_310 = arith.constant 0 : i32
          %dma_wait3A_311 = tpu.memref_slice %arg5[%add3A_45, %dma_wait3A_310] : memref<2500x128xi32, #tpu.memory_space<hbm>> -> memref<2x128xi32, #tpu.memory_space<hbm>>
          tpu.wait_dma2 semaphore(%run_scoped3A : memref<!tpu.dma_semaphore, #tpu.memory_space<semaphore_mem>>) src(%dma_wait3A_311 : memref<2x128xi32, #tpu.memory_space<hbm>>) dst(%dma_wait3A_309 : memref<2x128xi32, #tpu.memory_space<vmem>>)
          tpu.yield
        }) : () -> ()
        %dma_start3A = arith.constant 0 : i32
        %dma_start3A_46 = arith.constant 0 : i32
        %dma_start3A_47 = arith.constant 0 : i32
        %dma_start3A_48 = tpu.memref_slice %arg11[%dma_start3A_46, %dma_start3A_47] : memref<768x64xf32, #tpu.memory_space<vmem>> -> memref<128x64xf32, #tpu.memory_space<vmem>>
        %dma_start3A_49 = arith.constant 0 : i32
        %dma_start3A_50 = tpu.memref_slice %arg9[%dma_start3A, %dma_start3A_49] : memref<6x128xi32, #tpu.memory_space<vmem>> -> memref<1x128xi32, #tpu.memory_space<vmem>>
        %dma_start3A_51 = tpu.memref_squeeze %dma_start3A_50 : memref<1x128xi32, #tpu.memory_space<vmem>> -> memref<128xi32, #tpu.memory_space<vmem>>
        %dma_start3A_52 = arith.constant 0 : i32
        %dma_start3A_53 = arith.constant 0 : i32
        %dma_start3A_54 = tpu.memref_slice %arg2[%dma_start3A_52, %dma_start3A_53] : memref<10000x64xf32, #tpu.memory_space<hbm>> -> memref<10000x64xf32, #tpu.memory_space<hbm>>
        tpu.enqueue_indirect_dma source(%dma_start3A_54 : memref<10000x64xf32, #tpu.memory_space<hbm>>) target(%dma_start3A_48 : memref<128x64xf32, #tpu.memory_space<vmem>>) offsets(%dma_start3A_51 : memref<128xi32, #tpu.memory_space<vmem>>) semaphore(%arg13 : memref<!tpu.dma_semaphore, #tpu.memory_space<semaphore_mem>>)
        %dma_start3A_55 = arith.constant 1 : i32
        %dma_start3A_56 = arith.constant 128 : i32
        %dma_start3A_57 = arith.constant 0 : i32
        %dma_start3A_58 = tpu.memref_slice %arg11[%dma_start3A_56, %dma_start3A_57] : memref<768x64xf32, #tpu.memory_space<vmem>> -> memref<128x64xf32, #tpu.memory_space<vmem>>
        %dma_start3A_59 = arith.constant 0 : i32
        %dma_start3A_60 = tpu.memref_slice %arg9[%dma_start3A_55, %dma_start3A_59] : memref<6x128xi32, #tpu.memory_space<vmem>> -> memref<1x128xi32, #tpu.memory_space<vmem>>
        %dma_start3A_61 = tpu.memref_squeeze %dma_start3A_60 : memref<1x128xi32, #tpu.memory_space<vmem>> -> memref<128xi32, #tpu.memory_space<vmem>>
        %dma_start3A_62 = arith.constant 0 : i32
        %dma_start3A_63 = arith.constant 0 : i32
        %dma_start3A_64 = tpu.memref_slice %arg2[%dma_start3A_62, %dma_start3A_63] : memref<10000x64xf32, #tpu.memory_space<hbm>> -> memref<10000x64xf32, #tpu.memory_space<hbm>>
        tpu.enqueue_indirect_dma source(%dma_start3A_64 : memref<10000x64xf32, #tpu.memory_space<hbm>>) target(%dma_start3A_58 : memref<128x64xf32, #tpu.memory_space<vmem>>) offsets(%dma_start3A_61 : memref<128xi32, #tpu.memory_space<vmem>>) semaphore(%arg13 : memref<!tpu.dma_semaphore, #tpu.memory_space<semaphore_mem>>)
        %add3A_65 = arith.constant 2 : i32
        %add3A_66 = arith.addi %add3A_41, %add3A_65 : i32
        "tpu.region"() ({
          %run_scoped3A = tpu.sem_alloc : memref<!tpu.dma_semaphore, #tpu.memory_space<semaphore_mem>>
          %dma_start3A_292 = arith.constant 2 : i32
          %dma_start3A_293 = arith.constant 0 : i32
          %dma_start3A_294 = tpu.memref_slice %arg9[%dma_start3A_292, %dma_start3A_293] : memref<6x128xi32, #tpu.memory_space<vmem>> -> memref<2x128xi32, #tpu.memory_space<vmem>>
          %dma_start3A_295 = arith.constant 0 : i32
          %dma_start3A_296 = tpu.memref_slice %arg4[%add3A_66, %dma_start3A_295] : memref<2500x128xi32, #tpu.memory_space<hbm>> -> memref<2x128xi32, #tpu.memory_space<hbm>>
          %dma_start3A_297 = arith.constant 2 : i32
          %dma_start3A_298 = arith.constant 0 : i32
          %dma_start3A_299 = tpu.memref_slice %arg9[%dma_start3A_297, %dma_start3A_298] : memref<6x128xi32, #tpu.memory_space<vmem>> -> memref<2x128xi32, #tpu.memory_space<vmem>>
          %dma_start3A_300 = arith.constant 0 : i32
          %dma_start3A_301 = tpu.memref_slice %arg4[%add3A_66, %dma_start3A_300] : memref<2500x128xi32, #tpu.memory_space<hbm>> -> memref<2x128xi32, #tpu.memory_space<hbm>>
          tpu.enqueue_dma source(%dma_start3A_301 : memref<2x128xi32, #tpu.memory_space<hbm>>) target(%dma_start3A_299 : memref<2x128xi32, #tpu.memory_space<vmem>>) target_semaphore(%run_scoped3A : memref<!tpu.dma_semaphore, #tpu.memory_space<semaphore_mem>>)
          %dma_wait3A_302 = arith.constant 2 : i32
          %dma_wait3A_303 = arith.constant 0 : i32
          %dma_wait3A_304 = tpu.memref_slice %arg9[%dma_wait3A_302, %dma_wait3A_303] : memref<6x128xi32, #tpu.memory_space<vmem>> -> memref<2x128xi32, #tpu.memory_space<vmem>>
          %dma_wait3A_305 = arith.constant 0 : i32
          %dma_wait3A_306 = tpu.memref_slice %arg4[%add3A_66, %dma_wait3A_305] : memref<2500x128xi32, #tpu.memory_space<hbm>> -> memref<2x128xi32, #tpu.memory_space<hbm>>
          %dma_wait3A_307 = arith.constant 2 : i32
          %dma_wait3A_308 = arith.constant 0 : i32
          %dma_wait3A_309 = tpu.memref_slice %arg9[%dma_wait3A_307, %dma_wait3A_308] : memref<6x128xi32, #tpu.memory_space<vmem>> -> memref<2x128xi32, #tpu.memory_space<vmem>>
          %dma_wait3A_310 = arith.constant 0 : i32
          %dma_wait3A_311 = tpu.memref_slice %arg4[%add3A_66, %dma_wait3A_310] : memref<2500x128xi32, #tpu.memory_space<hbm>> -> memref<2x128xi32, #tpu.memory_space<hbm>>
          tpu.wait_dma2 semaphore(%run_scoped3A : memref<!tpu.dma_semaphore, #tpu.memory_space<semaphore_mem>>) src(%dma_wait3A_311 : memref<2x128xi32, #tpu.memory_space<hbm>>) dst(%dma_wait3A_309 : memref<2x128xi32, #tpu.memory_space<vmem>>)
          tpu.yield
        }) : () -> ()
        %add3A_67 = arith.constant 2 : i32
        %add3A_68 = arith.addi %add3A_41, %add3A_67 : i32
        "tpu.region"() ({
          %run_scoped3A = tpu.sem_alloc : memref<!tpu.dma_semaphore, #tpu.memory_space<semaphore_mem>>
          %dma_start3A_292 = arith.constant 2 : i32
          %dma_start3A_293 = arith.constant 0 : i32
          %dma_start3A_294 = tpu.memref_slice %arg10[%dma_start3A_292, %dma_start3A_293] : memref<6x128xi32, #tpu.memory_space<vmem>> -> memref<2x128xi32, #tpu.memory_space<vmem>>
          %dma_start3A_295 = arith.constant 0 : i32
          %dma_start3A_296 = tpu.memref_slice %arg5[%add3A_68, %dma_start3A_295] : memref<2500x128xi32, #tpu.memory_space<hbm>> -> memref<2x128xi32, #tpu.memory_space<hbm>>
          %dma_start3A_297 = arith.constant 2 : i32
          %dma_start3A_298 = arith.constant 0 : i32
          %dma_start3A_299 = tpu.memref_slice %arg10[%dma_start3A_297, %dma_start3A_298] : memref<6x128xi32, #tpu.memory_space<vmem>> -> memref<2x128xi32, #tpu.memory_space<vmem>>
          %dma_start3A_300 = arith.constant 0 : i32
          %dma_start3A_301 = tpu.memref_slice %arg5[%add3A_68, %dma_start3A_300] : memref<2500x128xi32, #tpu.memory_space<hbm>> -> memref<2x128xi32, #tpu.memory_space<hbm>>
          tpu.enqueue_dma source(%dma_start3A_301 : memref<2x128xi32, #tpu.memory_space<hbm>>) target(%dma_start3A_299 : memref<2x128xi32, #tpu.memory_space<vmem>>) target_semaphore(%run_scoped3A : memref<!tpu.dma_semaphore, #tpu.memory_space<semaphore_mem>>)
          %dma_wait3A_302 = arith.constant 2 : i32
          %dma_wait3A_303 = arith.constant 0 : i32
          %dma_wait3A_304 = tpu.memref_slice %arg10[%dma_wait3A_302, %dma_wait3A_303] : memref<6x128xi32, #tpu.memory_space<vmem>> -> memref<2x128xi32, #tpu.memory_space<vmem>>
          %dma_wait3A_305 = arith.constant 0 : i32
          %dma_wait3A_306 = tpu.memref_slice %arg5[%add3A_68, %dma_wait3A_305] : memref<2500x128xi32, #tpu.memory_space<hbm>> -> memref<2x128xi32, #tpu.memory_space<hbm>>
          %dma_wait3A_307 = arith.constant 2 : i32
          %dma_wait3A_308 = arith.constant 0 : i32
          %dma_wait3A_309 = tpu.memref_slice %arg10[%dma_wait3A_307, %dma_wait3A_308] : memref<6x128xi32, #tpu.memory_space<vmem>> -> memref<2x128xi32, #tpu.memory_space<vmem>>
          %dma_wait3A_310 = arith.constant 0 : i32
          %dma_wait3A_311 = tpu.memref_slice %arg5[%add3A_68, %dma_wait3A_310] : memref<2500x128xi32, #tpu.memory_space<hbm>> -> memref<2x128xi32, #tpu.memory_space<hbm>>
          tpu.wait_dma2 semaphore(%run_scoped3A : memref<!tpu.dma_semaphore, #tpu.memory_space<semaphore_mem>>) src(%dma_wait3A_311 : memref<2x128xi32, #tpu.memory_space<hbm>>) dst(%dma_wait3A_309 : memref<2x128xi32, #tpu.memory_space<vmem>>)
          tpu.yield
        }) : () -> ()
        %dma_start3A_69 = arith.constant 2 : i32
        %dma_start3A_70 = arith.constant 256 : i32
        %dma_start3A_71 = arith.constant 0 : i32
        %dma_start3A_72 = tpu.memref_slice %arg11[%dma_start3A_70, %dma_start3A_71] : memref<768x64xf32, #tpu.memory_space<vmem>> -> memref<128x64xf32, #tpu.memory_space<vmem>>
        %dma_start3A_73 = arith.constant 0 : i32
        %dma_start3A_74 = tpu.memref_slice %arg9[%dma_start3A_69, %dma_start3A_73] : memref<6x128xi32, #tpu.memory_space<vmem>> -> memref<1x128xi32, #tpu.memory_space<vmem>>
        %dma_start3A_75 = tpu.memref_squeeze %dma_start3A_74 : memref<1x128xi32, #tpu.memory_space<vmem>> -> memref<128xi32, #tpu.memory_space<vmem>>
        %dma_start3A_76 = arith.constant 0 : i32
        %dma_start3A_77 = arith.constant 0 : i32
        %dma_start3A_78 = tpu.memref_slice %arg2[%dma_start3A_76, %dma_start3A_77] : memref<10000x64xf32, #tpu.memory_space<hbm>> -> memref<10000x64xf32, #tpu.memory_space<hbm>>
        tpu.enqueue_indirect_dma source(%dma_start3A_78 : memref<10000x64xf32, #tpu.memory_space<hbm>>) target(%dma_start3A_72 : memref<128x64xf32, #tpu.memory_space<vmem>>) offsets(%dma_start3A_75 : memref<128xi32, #tpu.memory_space<vmem>>) semaphore(%arg14 : memref<!tpu.dma_semaphore, #tpu.memory_space<semaphore_mem>>)
        %dma_start3A_79 = arith.constant 3 : i32
        %dma_start3A_80 = arith.constant 384 : i32
        %dma_start3A_81 = arith.constant 0 : i32
        %dma_start3A_82 = tpu.memref_slice %arg11[%dma_start3A_80, %dma_start3A_81] : memref<768x64xf32, #tpu.memory_space<vmem>> -> memref<128x64xf32, #tpu.memory_space<vmem>>
        %dma_start3A_83 = arith.constant 0 : i32
        %dma_start3A_84 = tpu.memref_slice %arg9[%dma_start3A_79, %dma_start3A_83] : memref<6x128xi32, #tpu.memory_space<vmem>> -> memref<1x128xi32, #tpu.memory_space<vmem>>
        %dma_start3A_85 = tpu.memref_squeeze %dma_start3A_84 : memref<1x128xi32, #tpu.memory_space<vmem>> -> memref<128xi32, #tpu.memory_space<vmem>>
        %dma_start3A_86 = arith.constant 0 : i32
        %dma_start3A_87 = arith.constant 0 : i32
        %dma_start3A_88 = tpu.memref_slice %arg2[%dma_start3A_86, %dma_start3A_87] : memref<10000x64xf32, #tpu.memory_space<hbm>> -> memref<10000x64xf32, #tpu.memory_space<hbm>>
        tpu.enqueue_indirect_dma source(%dma_start3A_88 : memref<10000x64xf32, #tpu.memory_space<hbm>>) target(%dma_start3A_82 : memref<128x64xf32, #tpu.memory_space<vmem>>) offsets(%dma_start3A_85 : memref<128xi32, #tpu.memory_space<vmem>>) semaphore(%arg14 : memref<!tpu.dma_semaphore, #tpu.memory_space<semaphore_mem>>)
        %add3A_89 = arith.constant 4 : i32
        %add3A_90 = arith.addi %add3A_41, %add3A_89 : i32
        "tpu.region"() ({
          %run_scoped3A = tpu.sem_alloc : memref<!tpu.dma_semaphore, #tpu.memory_space<semaphore_mem>>
          %dma_start3A_292 = arith.constant 4 : i32
          %dma_start3A_293 = arith.constant 0 : i32
          %dma_start3A_294 = tpu.memref_slice %arg9[%dma_start3A_292, %dma_start3A_293] : memref<6x128xi32, #tpu.memory_space<vmem>> -> memref<2x128xi32, #tpu.memory_space<vmem>>
          %dma_start3A_295 = arith.constant 0 : i32
          %dma_start3A_296 = tpu.memref_slice %arg4[%add3A_90, %dma_start3A_295] : memref<2500x128xi32, #tpu.memory_space<hbm>> -> memref<2x128xi32, #tpu.memory_space<hbm>>
          %dma_start3A_297 = arith.constant 4 : i32
          %dma_start3A_298 = arith.constant 0 : i32
          %dma_start3A_299 = tpu.memref_slice %arg9[%dma_start3A_297, %dma_start3A_298] : memref<6x128xi32, #tpu.memory_space<vmem>> -> memref<2x128xi32, #tpu.memory_space<vmem>>
          %dma_start3A_300 = arith.constant 0 : i32
          %dma_start3A_301 = tpu.memref_slice %arg4[%add3A_90, %dma_start3A_300] : memref<2500x128xi32, #tpu.memory_space<hbm>> -> memref<2x128xi32, #tpu.memory_space<hbm>>
          tpu.enqueue_dma source(%dma_start3A_301 : memref<2x128xi32, #tpu.memory_space<hbm>>) target(%dma_start3A_299 : memref<2x128xi32, #tpu.memory_space<vmem>>) target_semaphore(%run_scoped3A : memref<!tpu.dma_semaphore, #tpu.memory_space<semaphore_mem>>)
          %dma_wait3A_302 = arith.constant 4 : i32
          %dma_wait3A_303 = arith.constant 0 : i32
          %dma_wait3A_304 = tpu.memref_slice %arg9[%dma_wait3A_302, %dma_wait3A_303] : memref<6x128xi32, #tpu.memory_space<vmem>> -> memref<2x128xi32, #tpu.memory_space<vmem>>
          %dma_wait3A_305 = arith.constant 0 : i32
          %dma_wait3A_306 = tpu.memref_slice %arg4[%add3A_90, %dma_wait3A_305] : memref<2500x128xi32, #tpu.memory_space<hbm>> -> memref<2x128xi32, #tpu.memory_space<hbm>>
          %dma_wait3A_307 = arith.constant 4 : i32
          %dma_wait3A_308 = arith.constant 0 : i32
          %dma_wait3A_309 = tpu.memref_slice %arg9[%dma_wait3A_307, %dma_wait3A_308] : memref<6x128xi32, #tpu.memory_space<vmem>> -> memref<2x128xi32, #tpu.memory_space<vmem>>
          %dma_wait3A_310 = arith.constant 0 : i32
          %dma_wait3A_311 = tpu.memref_slice %arg4[%add3A_90, %dma_wait3A_310] : memref<2500x128xi32, #tpu.memory_space<hbm>> -> memref<2x128xi32, #tpu.memory_space<hbm>>
          tpu.wait_dma2 semaphore(%run_scoped3A : memref<!tpu.dma_semaphore, #tpu.memory_space<semaphore_mem>>) src(%dma_wait3A_311 : memref<2x128xi32, #tpu.memory_space<hbm>>) dst(%dma_wait3A_309 : memref<2x128xi32, #tpu.memory_space<vmem>>)
          tpu.yield
        }) : () -> ()
        %add3A_91 = arith.constant 4 : i32
        %add3A_92 = arith.addi %add3A_41, %add3A_91 : i32
        "tpu.region"() ({
          %run_scoped3A = tpu.sem_alloc : memref<!tpu.dma_semaphore, #tpu.memory_space<semaphore_mem>>
          %dma_start3A_292 = arith.constant 4 : i32
          %dma_start3A_293 = arith.constant 0 : i32
          %dma_start3A_294 = tpu.memref_slice %arg10[%dma_start3A_292, %dma_start3A_293] : memref<6x128xi32, #tpu.memory_space<vmem>> -> memref<2x128xi32, #tpu.memory_space<vmem>>
          %dma_start3A_295 = arith.constant 0 : i32
          %dma_start3A_296 = tpu.memref_slice %arg5[%add3A_92, %dma_start3A_295] : memref<2500x128xi32, #tpu.memory_space<hbm>> -> memref<2x128xi32, #tpu.memory_space<hbm>>
          %dma_start3A_297 = arith.constant 4 : i32
          %dma_start3A_298 = arith.constant 0 : i32
          %dma_start3A_299 = tpu.memref_slice %arg10[%dma_start3A_297, %dma_start3A_298] : memref<6x128xi32, #tpu.memory_space<vmem>> -> memref<2x128xi32, #tpu.memory_space<vmem>>
          %dma_start3A_300 = arith.constant 0 : i32
          %dma_start3A_301 = tpu.memref_slice %arg5[%add3A_92, %dma_start3A_300] : memref<2500x128xi32, #tpu.memory_space<hbm>> -> memref<2x128xi32, #tpu.memory_space<hbm>>
          tpu.enqueue_dma source(%dma_start3A_301 : memref<2x128xi32, #tpu.memory_space<hbm>>) target(%dma_start3A_299 : memref<2x128xi32, #tpu.memory_space<vmem>>) target_semaphore(%run_scoped3A : memref<!tpu.dma_semaphore, #tpu.memory_space<semaphore_mem>>)
          %dma_wait3A_302 = arith.constant 4 : i32
          %dma_wait3A_303 = arith.constant 0 : i32
          %dma_wait3A_304 = tpu.memref_slice %arg10[%dma_wait3A_302, %dma_wait3A_303] : memref<6x128xi32, #tpu.memory_space<vmem>> -> memref<2x128xi32, #tpu.memory_space<vmem>>
          %dma_wait3A_305 = arith.constant 0 : i32
          %dma_wait3A_306 = tpu.memref_slice %arg5[%add3A_92, %dma_wait3A_305] : memref<2500x128xi32, #tpu.memory_space<hbm>> -> memref<2x128xi32, #tpu.memory_space<hbm>>
          %dma_wait3A_307 = arith.constant 4 : i32
          %dma_wait3A_308 = arith.constant 0 : i32
          %dma_wait3A_309 = tpu.memref_slice %arg10[%dma_wait3A_307, %dma_wait3A_308] : memref<6x128xi32, #tpu.memory_space<vmem>> -> memref<2x128xi32, #tpu.memory_space<vmem>>
          %dma_wait3A_310 = arith.constant 0 : i32
          %dma_wait3A_311 = tpu.memref_slice %arg5[%add3A_92, %dma_wait3A_310] : memref<2500x128xi32, #tpu.memory_space<hbm>> -> memref<2x128xi32, #tpu.memory_space<hbm>>
          tpu.wait_dma2 semaphore(%run_scoped3A : memref<!tpu.dma_semaphore, #tpu.memory_space<semaphore_mem>>) src(%dma_wait3A_311 : memref<2x128xi32, #tpu.memory_space<hbm>>) dst(%dma_wait3A_309 : memref<2x128xi32, #tpu.memory_space<vmem>>)
          tpu.yield
        }) : () -> ()
        %dma_start3A_93 = arith.constant 4 : i32
        %dma_start3A_94 = arith.constant 512 : i32
        %dma_start3A_95 = arith.constant 0 : i32
        %dma_start3A_96 = tpu.memref_slice %arg11[%dma_start3A_94, %dma_start3A_95] : memref<768x64xf32, #tpu.memory_space<vmem>> -> memref<128x64xf32, #tpu.memory_space<vmem>>
        %dma_start3A_97 = arith.constant 0 : i32
        %dma_start3A_98 = tpu.memref_slice %arg9[%dma_start3A_93, %dma_start3A_97] : memref<6x128xi32, #tpu.memory_space<vmem>> -> memref<1x128xi32, #tpu.memory_space<vmem>>
        %dma_start3A_99 = tpu.memref_squeeze %dma_start3A_98 : memref<1x128xi32, #tpu.memory_space<vmem>> -> memref<128xi32, #tpu.memory_space<vmem>>
        %dma_start3A_100 = arith.constant 0 : i32
        %dma_start3A_101 = arith.constant 0 : i32
        %dma_start3A_102 = tpu.memref_slice %arg2[%dma_start3A_100, %dma_start3A_101] : memref<10000x64xf32, #tpu.memory_space<hbm>> -> memref<10000x64xf32, #tpu.memory_space<hbm>>
        tpu.enqueue_indirect_dma source(%dma_start3A_102 : memref<10000x64xf32, #tpu.memory_space<hbm>>) target(%dma_start3A_96 : memref<128x64xf32, #tpu.memory_space<vmem>>) offsets(%dma_start3A_99 : memref<128xi32, #tpu.memory_space<vmem>>) semaphore(%arg15 : memref<!tpu.dma_semaphore, #tpu.memory_space<semaphore_mem>>)
        %dma_start3A_103 = arith.constant 5 : i32
        %dma_start3A_104 = arith.constant 640 : i32
        %dma_start3A_105 = arith.constant 0 : i32
        %dma_start3A_106 = tpu.memref_slice %arg11[%dma_start3A_104, %dma_start3A_105] : memref<768x64xf32, #tpu.memory_space<vmem>> -> memref<128x64xf32, #tpu.memory_space<vmem>>
        %dma_start3A_107 = arith.constant 0 : i32
        %dma_start3A_108 = tpu.memref_slice %arg9[%dma_start3A_103, %dma_start3A_107] : memref<6x128xi32, #tpu.memory_space<vmem>> -> memref<1x128xi32, #tpu.memory_space<vmem>>
        %dma_start3A_109 = tpu.memref_squeeze %dma_start3A_108 : memref<1x128xi32, #tpu.memory_space<vmem>> -> memref<128xi32, #tpu.memory_space<vmem>>
        %dma_start3A_110 = arith.constant 0 : i32
        %dma_start3A_111 = arith.constant 0 : i32
        %dma_start3A_112 = tpu.memref_slice %arg2[%dma_start3A_110, %dma_start3A_111] : memref<10000x64xf32, #tpu.memory_space<hbm>> -> memref<10000x64xf32, #tpu.memory_space<hbm>>
        tpu.enqueue_indirect_dma source(%dma_start3A_112 : memref<10000x64xf32, #tpu.memory_space<hbm>>) target(%dma_start3A_106 : memref<128x64xf32, #tpu.memory_space<vmem>>) offsets(%dma_start3A_109 : memref<128xi32, #tpu.memory_space<vmem>>) semaphore(%arg15 : memref<!tpu.dma_semaphore, #tpu.memory_space<semaphore_mem>>)
        %dma_wait3A = arith.constant 0 : i32
        %dma_wait3A_113 = arith.constant 0 : i32
        %dma_wait3A_114 = arith.constant 0 : i32
        %dma_wait3A_115 = tpu.memref_slice %arg11[%dma_wait3A_113, %dma_wait3A_114] : memref<768x64xf32, #tpu.memory_space<vmem>> -> memref<128x64xf32, #tpu.memory_space<vmem>>
        %dma_wait3A_116 = arith.constant 0 : i32
        %dma_wait3A_117 = tpu.memref_slice %arg9[%dma_wait3A, %dma_wait3A_116] : memref<6x128xi32, #tpu.memory_space<vmem>> -> memref<1x128xi32, #tpu.memory_space<vmem>>
        %dma_wait3A_118 = tpu.memref_squeeze %dma_wait3A_117 : memref<1x128xi32, #tpu.memory_space<vmem>> -> memref<128xi32, #tpu.memory_space<vmem>>
        %dma_wait3A_119 = arith.constant 0 : i32
        %dma_wait3A_120 = arith.constant 0 : i32
        %dma_wait3A_121 = tpu.memref_slice %arg2[%dma_wait3A_119, %dma_wait3A_120] : memref<10000x64xf32, #tpu.memory_space<hbm>> -> memref<10000x64xf32, #tpu.memory_space<hbm>>
        tpu.wait_indirect_dma semaphore(%arg13 : memref<!tpu.dma_semaphore, #tpu.memory_space<semaphore_mem>>) src(%dma_wait3A_121 : memref<10000x64xf32, #tpu.memory_space<hbm>>) dst(%dma_wait3A_115 : memref<128x64xf32, #tpu.memory_space<vmem>>)
        %dma_wait3A_122 = arith.constant 1 : i32
        %dma_wait3A_123 = arith.constant 128 : i32
        %dma_wait3A_124 = arith.constant 0 : i32
        %dma_wait3A_125 = tpu.memref_slice %arg11[%dma_wait3A_123, %dma_wait3A_124] : memref<768x64xf32, #tpu.memory_space<vmem>> -> memref<128x64xf32, #tpu.memory_space<vmem>>
        %dma_wait3A_126 = arith.constant 0 : i32
        %dma_wait3A_127 = tpu.memref_slice %arg9[%dma_wait3A_122, %dma_wait3A_126] : memref<6x128xi32, #tpu.memory_space<vmem>> -> memref<1x128xi32, #tpu.memory_space<vmem>>
        %dma_wait3A_128 = tpu.memref_squeeze %dma_wait3A_127 : memref<1x128xi32, #tpu.memory_space<vmem>> -> memref<128xi32, #tpu.memory_space<vmem>>
        %dma_wait3A_129 = arith.constant 0 : i32
        %dma_wait3A_130 = arith.constant 0 : i32
        %dma_wait3A_131 = tpu.memref_slice %arg2[%dma_wait3A_129, %dma_wait3A_130] : memref<10000x64xf32, #tpu.memory_space<hbm>> -> memref<10000x64xf32, #tpu.memory_space<hbm>>
        tpu.wait_indirect_dma semaphore(%arg13 : memref<!tpu.dma_semaphore, #tpu.memory_space<semaphore_mem>>) src(%dma_wait3A_131 : memref<10000x64xf32, #tpu.memory_space<hbm>>) dst(%dma_wait3A_125 : memref<128x64xf32, #tpu.memory_space<vmem>>)
        %dma_start3A_132 = arith.constant 0 : i32
        %dma_start3A_133 = arith.constant 0 : i32
        %dma_start3A_134 = arith.constant 0 : i32
        %dma_start3A_135 = tpu.memref_slice %arg11[%dma_start3A_133, %dma_start3A_134] : memref<768x64xf32, #tpu.memory_space<vmem>> -> memref<128x64xf32, #tpu.memory_space<vmem>>
        %dma_start3A_136 = arith.constant 0 : i32
        %dma_start3A_137 = tpu.memref_slice %arg10[%dma_start3A_132, %dma_start3A_136] : memref<6x128xi32, #tpu.memory_space<vmem>> -> memref<1x128xi32, #tpu.memory_space<vmem>>
        %dma_start3A_138 = tpu.memref_squeeze %dma_start3A_137 : memref<1x128xi32, #tpu.memory_space<vmem>> -> memref<128xi32, #tpu.memory_space<vmem>>
        %dma_start3A_139 = arith.constant 0 : i32
        %dma_start3A_140 = arith.constant 0 : i32
        %dma_start3A_141 = tpu.memref_slice %arg12[%dma_start3A_139, %dma_start3A_140] : memref<10240x64xf32, #tpu.memory_space<vmem_shared>> -> memref<10240x64xf32, #tpu.memory_space<vmem_shared>>
        tpu.enqueue_indirect_dma source(%dma_start3A_135 : memref<128x64xf32, #tpu.memory_space<vmem>>) target(%dma_start3A_141 : memref<10240x64xf32, #tpu.memory_space<vmem_shared>>) offsets(%dma_start3A_138 : memref<128xi32, #tpu.memory_space<vmem>>) semaphore(%arg16 : memref<!tpu.dma_semaphore, #tpu.memory_space<semaphore_mem>>) {add = true}
        %dma_start3A_142 = arith.constant 1 : i32
        %dma_start3A_143 = arith.constant 128 : i32
        %dma_start3A_144 = arith.constant 0 : i32
        %dma_start3A_145 = tpu.memref_slice %arg11[%dma_start3A_143, %dma_start3A_144] : memref<768x64xf32, #tpu.memory_space<vmem>> -> memref<128x64xf32, #tpu.memory_space<vmem>>
        %dma_start3A_146 = arith.constant 0 : i32
        %dma_start3A_147 = tpu.memref_slice %arg10[%dma_start3A_142, %dma_start3A_146] : memref<6x128xi32, #tpu.memory_space<vmem>> -> memref<1x128xi32, #tpu.memory_space<vmem>>
        %dma_start3A_148 = tpu.memref_squeeze %dma_start3A_147 : memref<1x128xi32, #tpu.memory_space<vmem>> -> memref<128xi32, #tpu.memory_space<vmem>>
        %dma_start3A_149 = arith.constant 0 : i32
        %dma_start3A_150 = arith.constant 0 : i32
        %dma_start3A_151 = tpu.memref_slice %arg12[%dma_start3A_149, %dma_start3A_150] : memref<10240x64xf32, #tpu.memory_space<vmem_shared>> -> memref<10240x64xf32, #tpu.memory_space<vmem_shared>>
        tpu.enqueue_indirect_dma source(%dma_start3A_145 : memref<128x64xf32, #tpu.memory_space<vmem>>) target(%dma_start3A_151 : memref<10240x64xf32, #tpu.memory_space<vmem_shared>>) offsets(%dma_start3A_148 : memref<128xi32, #tpu.memory_space<vmem>>) semaphore(%arg16 : memref<!tpu.dma_semaphore, #tpu.memory_space<semaphore_mem>>) {add = true}
        %dma_wait3A_152 = arith.constant 2 : i32
        %dma_wait3A_153 = arith.constant 256 : i32
        %dma_wait3A_154 = arith.constant 0 : i32
        %dma_wait3A_155 = tpu.memref_slice %arg11[%dma_wait3A_153, %dma_wait3A_154] : memref<768x64xf32, #tpu.memory_space<vmem>> -> memref<128x64xf32, #tpu.memory_space<vmem>>
        %dma_wait3A_156 = arith.constant 0 : i32
        %dma_wait3A_157 = tpu.memref_slice %arg9[%dma_wait3A_152, %dma_wait3A_156] : memref<6x128xi32, #tpu.memory_space<vmem>> -> memref<1x128xi32, #tpu.memory_space<vmem>>
        %dma_wait3A_158 = tpu.memref_squeeze %dma_wait3A_157 : memref<1x128xi32, #tpu.memory_space<vmem>> -> memref<128xi32, #tpu.memory_space<vmem>>
        %dma_wait3A_159 = arith.constant 0 : i32
        %dma_wait3A_160 = arith.constant 0 : i32
        %dma_wait3A_161 = tpu.memref_slice %arg2[%dma_wait3A_159, %dma_wait3A_160] : memref<10000x64xf32, #tpu.memory_space<hbm>> -> memref<10000x64xf32, #tpu.memory_space<hbm>>
        tpu.wait_indirect_dma semaphore(%arg14 : memref<!tpu.dma_semaphore, #tpu.memory_space<semaphore_mem>>) src(%dma_wait3A_161 : memref<10000x64xf32, #tpu.memory_space<hbm>>) dst(%dma_wait3A_155 : memref<128x64xf32, #tpu.memory_space<vmem>>)
        %dma_wait3A_162 = arith.constant 3 : i32
        %dma_wait3A_163 = arith.constant 384 : i32
        %dma_wait3A_164 = arith.constant 0 : i32
        %dma_wait3A_165 = tpu.memref_slice %arg11[%dma_wait3A_163, %dma_wait3A_164] : memref<768x64xf32, #tpu.memory_space<vmem>> -> memref<128x64xf32, #tpu.memory_space<vmem>>
        %dma_wait3A_166 = arith.constant 0 : i32
        %dma_wait3A_167 = tpu.memref_slice %arg9[%dma_wait3A_162, %dma_wait3A_166] : memref<6x128xi32, #tpu.memory_space<vmem>> -> memref<1x128xi32, #tpu.memory_space<vmem>>
        %dma_wait3A_168 = tpu.memref_squeeze %dma_wait3A_167 : memref<1x128xi32, #tpu.memory_space<vmem>> -> memref<128xi32, #tpu.memory_space<vmem>>
        %dma_wait3A_169 = arith.constant 0 : i32
        %dma_wait3A_170 = arith.constant 0 : i32
        %dma_wait3A_171 = tpu.memref_slice %arg2[%dma_wait3A_169, %dma_wait3A_170] : memref<10000x64xf32, #tpu.memory_space<hbm>> -> memref<10000x64xf32, #tpu.memory_space<hbm>>
        tpu.wait_indirect_dma semaphore(%arg14 : memref<!tpu.dma_semaphore, #tpu.memory_space<semaphore_mem>>) src(%dma_wait3A_171 : memref<10000x64xf32, #tpu.memory_space<hbm>>) dst(%dma_wait3A_165 : memref<128x64xf32, #tpu.memory_space<vmem>>)
        %dma_start3A_172 = arith.constant 2 : i32
        %dma_start3A_173 = arith.constant 256 : i32
        %dma_start3A_174 = arith.constant 0 : i32
        %dma_start3A_175 = tpu.memref_slice %arg11[%dma_start3A_173, %dma_start3A_174] : memref<768x64xf32, #tpu.memory_space<vmem>> -> memref<128x64xf32, #tpu.memory_space<vmem>>
        %dma_start3A_176 = arith.constant 0 : i32
        %dma_start3A_177 = tpu.memref_slice %arg10[%dma_start3A_172, %dma_start3A_176] : memref<6x128xi32, #tpu.memory_space<vmem>> -> memref<1x128xi32, #tpu.memory_space<vmem>>
        %dma_start3A_178 = tpu.memref_squeeze %dma_start3A_177 : memref<1x128xi32, #tpu.memory_space<vmem>> -> memref<128xi32, #tpu.memory_space<vmem>>
        %dma_start3A_179 = arith.constant 0 : i32
        %dma_start3A_180 = arith.constant 0 : i32
        %dma_start3A_181 = tpu.memref_slice %arg12[%dma_start3A_179, %dma_start3A_180] : memref<10240x64xf32, #tpu.memory_space<vmem_shared>> -> memref<10240x64xf32, #tpu.memory_space<vmem_shared>>
        tpu.enqueue_indirect_dma source(%dma_start3A_175 : memref<128x64xf32, #tpu.memory_space<vmem>>) target(%dma_start3A_181 : memref<10240x64xf32, #tpu.memory_space<vmem_shared>>) offsets(%dma_start3A_178 : memref<128xi32, #tpu.memory_space<vmem>>) semaphore(%arg16 : memref<!tpu.dma_semaphore, #tpu.memory_space<semaphore_mem>>) {add = true}
        %dma_start3A_182 = arith.constant 3 : i32
        %dma_start3A_183 = arith.constant 384 : i32
        %dma_start3A_184 = arith.constant 0 : i32
        %dma_start3A_185 = tpu.memref_slice %arg11[%dma_start3A_183, %dma_start3A_184] : memref<768x64xf32, #tpu.memory_space<vmem>> -> memref<128x64xf32, #tpu.memory_space<vmem>>
        %dma_start3A_186 = arith.constant 0 : i32
        %dma_start3A_187 = tpu.memref_slice %arg10[%dma_start3A_182, %dma_start3A_186] : memref<6x128xi32, #tpu.memory_space<vmem>> -> memref<1x128xi32, #tpu.memory_space<vmem>>
        %dma_start3A_188 = tpu.memref_squeeze %dma_start3A_187 : memref<1x128xi32, #tpu.memory_space<vmem>> -> memref<128xi32, #tpu.memory_space<vmem>>
        %dma_start3A_189 = arith.constant 0 : i32
        %dma_start3A_190 = arith.constant 0 : i32
        %dma_start3A_191 = tpu.memref_slice %arg12[%dma_start3A_189, %dma_start3A_190] : memref<10240x64xf32, #tpu.memory_space<vmem_shared>> -> memref<10240x64xf32, #tpu.memory_space<vmem_shared>>
        tpu.enqueue_indirect_dma source(%dma_start3A_185 : memref<128x64xf32, #tpu.memory_space<vmem>>) target(%dma_start3A_191 : memref<10240x64xf32, #tpu.memory_space<vmem_shared>>) offsets(%dma_start3A_188 : memref<128xi32, #tpu.memory_space<vmem>>) semaphore(%arg16 : memref<!tpu.dma_semaphore, #tpu.memory_space<semaphore_mem>>) {add = true}
        %dma_wait3A_192 = arith.constant 4 : i32
        %dma_wait3A_193 = arith.constant 512 : i32
        %dma_wait3A_194 = arith.constant 0 : i32
        %dma_wait3A_195 = tpu.memref_slice %arg11[%dma_wait3A_193, %dma_wait3A_194] : memref<768x64xf32, #tpu.memory_space<vmem>> -> memref<128x64xf32, #tpu.memory_space<vmem>>
        %dma_wait3A_196 = arith.constant 0 : i32
        %dma_wait3A_197 = tpu.memref_slice %arg9[%dma_wait3A_192, %dma_wait3A_196] : memref<6x128xi32, #tpu.memory_space<vmem>> -> memref<1x128xi32, #tpu.memory_space<vmem>>
        %dma_wait3A_198 = tpu.memref_squeeze %dma_wait3A_197 : memref<1x128xi32, #tpu.memory_space<vmem>> -> memref<128xi32, #tpu.memory_space<vmem>>
        %dma_wait3A_199 = arith.constant 0 : i32
        %dma_wait3A_200 = arith.constant 0 : i32
        %dma_wait3A_201 = tpu.memref_slice %arg2[%dma_wait3A_199, %dma_wait3A_200] : memref<10000x64xf32, #tpu.memory_space<hbm>> -> memref<10000x64xf32, #tpu.memory_space<hbm>>
        tpu.wait_indirect_dma semaphore(%arg15 : memref<!tpu.dma_semaphore, #tpu.memory_space<semaphore_mem>>) src(%dma_wait3A_201 : memref<10000x64xf32, #tpu.memory_space<hbm>>) dst(%dma_wait3A_195 : memref<128x64xf32, #tpu.memory_space<vmem>>)
        %dma_wait3A_202 = arith.constant 5 : i32
        %dma_wait3A_203 = arith.constant 640 : i32
        %dma_wait3A_204 = arith.constant 0 : i32
        %dma_wait3A_205 = tpu.memref_slice %arg11[%dma_wait3A_203, %dma_wait3A_204] : memref<768x64xf32, #tpu.memory_space<vmem>> -> memref<128x64xf32, #tpu.memory_space<vmem>>
        %dma_wait3A_206 = arith.constant 0 : i32
        %dma_wait3A_207 = tpu.memref_slice %arg9[%dma_wait3A_202, %dma_wait3A_206] : memref<6x128xi32, #tpu.memory_space<vmem>> -> memref<1x128xi32, #tpu.memory_space<vmem>>
        %dma_wait3A_208 = tpu.memref_squeeze %dma_wait3A_207 : memref<1x128xi32, #tpu.memory_space<vmem>> -> memref<128xi32, #tpu.memory_space<vmem>>
        %dma_wait3A_209 = arith.constant 0 : i32
        %dma_wait3A_210 = arith.constant 0 : i32
        %dma_wait3A_211 = tpu.memref_slice %arg2[%dma_wait3A_209, %dma_wait3A_210] : memref<10000x64xf32, #tpu.memory_space<hbm>> -> memref<10000x64xf32, #tpu.memory_space<hbm>>
        tpu.wait_indirect_dma semaphore(%arg15 : memref<!tpu.dma_semaphore, #tpu.memory_space<semaphore_mem>>) src(%dma_wait3A_211 : memref<10000x64xf32, #tpu.memory_space<hbm>>) dst(%dma_wait3A_205 : memref<128x64xf32, #tpu.memory_space<vmem>>)
        %dma_start3A_212 = arith.constant 4 : i32
        %dma_start3A_213 = arith.constant 512 : i32
        %dma_start3A_214 = arith.constant 0 : i32
        %dma_start3A_215 = tpu.memref_slice %arg11[%dma_start3A_213, %dma_start3A_214] : memref<768x64xf32, #tpu.memory_space<vmem>> -> memref<128x64xf32, #tpu.memory_space<vmem>>
        %dma_start3A_216 = arith.constant 0 : i32
        %dma_start3A_217 = tpu.memref_slice %arg10[%dma_start3A_212, %dma_start3A_216] : memref<6x128xi32, #tpu.memory_space<vmem>> -> memref<1x128xi32, #tpu.memory_space<vmem>>
        %dma_start3A_218 = tpu.memref_squeeze %dma_start3A_217 : memref<1x128xi32, #tpu.memory_space<vmem>> -> memref<128xi32, #tpu.memory_space<vmem>>
        %dma_start3A_219 = arith.constant 0 : i32
        %dma_start3A_220 = arith.constant 0 : i32
        %dma_start3A_221 = tpu.memref_slice %arg12[%dma_start3A_219, %dma_start3A_220] : memref<10240x64xf32, #tpu.memory_space<vmem_shared>> -> memref<10240x64xf32, #tpu.memory_space<vmem_shared>>
        tpu.enqueue_indirect_dma source(%dma_start3A_215 : memref<128x64xf32, #tpu.memory_space<vmem>>) target(%dma_start3A_221 : memref<10240x64xf32, #tpu.memory_space<vmem_shared>>) offsets(%dma_start3A_218 : memref<128xi32, #tpu.memory_space<vmem>>) semaphore(%arg16 : memref<!tpu.dma_semaphore, #tpu.memory_space<semaphore_mem>>) {add = true}
        %dma_start3A_222 = arith.constant 5 : i32
        %dma_start3A_223 = arith.constant 640 : i32
        %dma_start3A_224 = arith.constant 0 : i32
        %dma_start3A_225 = tpu.memref_slice %arg11[%dma_start3A_223, %dma_start3A_224] : memref<768x64xf32, #tpu.memory_space<vmem>> -> memref<128x64xf32, #tpu.memory_space<vmem>>
        %dma_start3A_226 = arith.constant 0 : i32
        %dma_start3A_227 = tpu.memref_slice %arg10[%dma_start3A_222, %dma_start3A_226] : memref<6x128xi32, #tpu.memory_space<vmem>> -> memref<1x128xi32, #tpu.memory_space<vmem>>
        %dma_start3A_228 = tpu.memref_squeeze %dma_start3A_227 : memref<1x128xi32, #tpu.memory_space<vmem>> -> memref<128xi32, #tpu.memory_space<vmem>>
        %dma_start3A_229 = arith.constant 0 : i32
        %dma_start3A_230 = arith.constant 0 : i32
        %dma_start3A_231 = tpu.memref_slice %arg12[%dma_start3A_229, %dma_start3A_230] : memref<10240x64xf32, #tpu.memory_space<vmem_shared>> -> memref<10240x64xf32, #tpu.memory_space<vmem_shared>>
        tpu.enqueue_indirect_dma source(%dma_start3A_225 : memref<128x64xf32, #tpu.memory_space<vmem>>) target(%dma_start3A_231 : memref<10240x64xf32, #tpu.memory_space<vmem_shared>>) offsets(%dma_start3A_228 : memref<128xi32, #tpu.memory_space<vmem>>) semaphore(%arg16 : memref<!tpu.dma_semaphore, #tpu.memory_space<semaphore_mem>>) {add = true}
        %dma_wait3A_232 = arith.constant 0 : i32
        %dma_wait3A_233 = arith.constant 0 : i32
        %dma_wait3A_234 = arith.constant 0 : i32
        %dma_wait3A_235 = tpu.memref_slice %arg11[%dma_wait3A_233, %dma_wait3A_234] : memref<768x64xf32, #tpu.memory_space<vmem>> -> memref<128x64xf32, #tpu.memory_space<vmem>>
        %dma_wait3A_236 = arith.constant 0 : i32
        %dma_wait3A_237 = tpu.memref_slice %arg10[%dma_wait3A_232, %dma_wait3A_236] : memref<6x128xi32, #tpu.memory_space<vmem>> -> memref<1x128xi32, #tpu.memory_space<vmem>>
        %dma_wait3A_238 = tpu.memref_squeeze %dma_wait3A_237 : memref<1x128xi32, #tpu.memory_space<vmem>> -> memref<128xi32, #tpu.memory_space<vmem>>
        %dma_wait3A_239 = arith.constant 0 : i32
        %dma_wait3A_240 = arith.constant 0 : i32
        %dma_wait3A_241 = tpu.memref_slice %arg12[%dma_wait3A_239, %dma_wait3A_240] : memref<10240x64xf32, #tpu.memory_space<vmem_shared>> -> memref<10240x64xf32, #tpu.memory_space<vmem_shared>>
        tpu.wait_indirect_dma semaphore(%arg16 : memref<!tpu.dma_semaphore, #tpu.memory_space<semaphore_mem>>) src(%dma_wait3A_235 : memref<128x64xf32, #tpu.memory_space<vmem>>) dst(%dma_wait3A_241 : memref<10240x64xf32, #tpu.memory_space<vmem_shared>>)
        %dma_wait3A_242 = arith.constant 1 : i32
        %dma_wait3A_243 = arith.constant 128 : i32
        %dma_wait3A_244 = arith.constant 0 : i32
        %dma_wait3A_245 = tpu.memref_slice %arg11[%dma_wait3A_243, %dma_wait3A_244] : memref<768x64xf32, #tpu.memory_space<vmem>> -> memref<128x64xf32, #tpu.memory_space<vmem>>
        %dma_wait3A_246 = arith.constant 0 : i32
        %dma_wait3A_247 = tpu.memref_slice %arg10[%dma_wait3A_242, %dma_wait3A_246] : memref<6x128xi32, #tpu.memory_space<vmem>> -> memref<1x128xi32, #tpu.memory_space<vmem>>
        %dma_wait3A_248 = tpu.memref_squeeze %dma_wait3A_247 : memref<1x128xi32, #tpu.memory_space<vmem>> -> memref<128xi32, #tpu.memory_space<vmem>>
        %dma_wait3A_249 = arith.constant 0 : i32
        %dma_wait3A_250 = arith.constant 0 : i32
        %dma_wait3A_251 = tpu.memref_slice %arg12[%dma_wait3A_249, %dma_wait3A_250] : memref<10240x64xf32, #tpu.memory_space<vmem_shared>> -> memref<10240x64xf32, #tpu.memory_space<vmem_shared>>
        tpu.wait_indirect_dma semaphore(%arg16 : memref<!tpu.dma_semaphore, #tpu.memory_space<semaphore_mem>>) src(%dma_wait3A_245 : memref<128x64xf32, #tpu.memory_space<vmem>>) dst(%dma_wait3A_251 : memref<10240x64xf32, #tpu.memory_space<vmem_shared>>)
        %dma_wait3A_252 = arith.constant 2 : i32
        %dma_wait3A_253 = arith.constant 256 : i32
        %dma_wait3A_254 = arith.constant 0 : i32
        %dma_wait3A_255 = tpu.memref_slice %arg11[%dma_wait3A_253, %dma_wait3A_254] : memref<768x64xf32, #tpu.memory_space<vmem>> -> memref<128x64xf32, #tpu.memory_space<vmem>>
        %dma_wait3A_256 = arith.constant 0 : i32
        %dma_wait3A_257 = tpu.memref_slice %arg10[%dma_wait3A_252, %dma_wait3A_256] : memref<6x128xi32, #tpu.memory_space<vmem>> -> memref<1x128xi32, #tpu.memory_space<vmem>>
        %dma_wait3A_258 = tpu.memref_squeeze %dma_wait3A_257 : memref<1x128xi32, #tpu.memory_space<vmem>> -> memref<128xi32, #tpu.memory_space<vmem>>
        %dma_wait3A_259 = arith.constant 0 : i32
        %dma_wait3A_260 = arith.constant 0 : i32
        %dma_wait3A_261 = tpu.memref_slice %arg12[%dma_wait3A_259, %dma_wait3A_260] : memref<10240x64xf32, #tpu.memory_space<vmem_shared>> -> memref<10240x64xf32, #tpu.memory_space<vmem_shared>>
        tpu.wait_indirect_dma semaphore(%arg16 : memref<!tpu.dma_semaphore, #tpu.memory_space<semaphore_mem>>) src(%dma_wait3A_255 : memref<128x64xf32, #tpu.memory_space<vmem>>) dst(%dma_wait3A_261 : memref<10240x64xf32, #tpu.memory_space<vmem_shared>>)
        %dma_wait3A_262 = arith.constant 3 : i32
        %dma_wait3A_263 = arith.constant 384 : i32
        %dma_wait3A_264 = arith.constant 0 : i32
        %dma_wait3A_265 = tpu.memref_slice %arg11[%dma_wait3A_263, %dma_wait3A_264] : memref<768x64xf32, #tpu.memory_space<vmem>> -> memref<128x64xf32, #tpu.memory_space<vmem>>
        %dma_wait3A_266 = arith.constant 0 : i32
        %dma_wait3A_267 = tpu.memref_slice %arg10[%dma_wait3A_262, %dma_wait3A_266] : memref<6x128xi32, #tpu.memory_space<vmem>> -> memref<1x128xi32, #tpu.memory_space<vmem>>
        %dma_wait3A_268 = tpu.memref_squeeze %dma_wait3A_267 : memref<1x128xi32, #tpu.memory_space<vmem>> -> memref<128xi32, #tpu.memory_space<vmem>>
        %dma_wait3A_269 = arith.constant 0 : i32
        %dma_wait3A_270 = arith.constant 0 : i32
        %dma_wait3A_271 = tpu.memref_slice %arg12[%dma_wait3A_269, %dma_wait3A_270] : memref<10240x64xf32, #tpu.memory_space<vmem_shared>> -> memref<10240x64xf32, #tpu.memory_space<vmem_shared>>
        tpu.wait_indirect_dma semaphore(%arg16 : memref<!tpu.dma_semaphore, #tpu.memory_space<semaphore_mem>>) src(%dma_wait3A_265 : memref<128x64xf32, #tpu.memory_space<vmem>>) dst(%dma_wait3A_271 : memref<10240x64xf32, #tpu.memory_space<vmem_shared>>)
        %dma_wait3A_272 = arith.constant 4 : i32
        %dma_wait3A_273 = arith.constant 512 : i32
        %dma_wait3A_274 = arith.constant 0 : i32
        %dma_wait3A_275 = tpu.memref_slice %arg11[%dma_wait3A_273, %dma_wait3A_274] : memref<768x64xf32, #tpu.memory_space<vmem>> -> memref<128x64xf32, #tpu.memory_space<vmem>>
        %dma_wait3A_276 = arith.constant 0 : i32
        %dma_wait3A_277 = tpu.memref_slice %arg10[%dma_wait3A_272, %dma_wait3A_276] : memref<6x128xi32, #tpu.memory_space<vmem>> -> memref<1x128xi32, #tpu.memory_space<vmem>>
        %dma_wait3A_278 = tpu.memref_squeeze %dma_wait3A_277 : memref<1x128xi32, #tpu.memory_space<vmem>> -> memref<128xi32, #tpu.memory_space<vmem>>
        %dma_wait3A_279 = arith.constant 0 : i32
        %dma_wait3A_280 = arith.constant 0 : i32
        %dma_wait3A_281 = tpu.memref_slice %arg12[%dma_wait3A_279, %dma_wait3A_280] : memref<10240x64xf32, #tpu.memory_space<vmem_shared>> -> memref<10240x64xf32, #tpu.memory_space<vmem_shared>>
        tpu.wait_indirect_dma semaphore(%arg16 : memref<!tpu.dma_semaphore, #tpu.memory_space<semaphore_mem>>) src(%dma_wait3A_275 : memref<128x64xf32, #tpu.memory_space<vmem>>) dst(%dma_wait3A_281 : memref<10240x64xf32, #tpu.memory_space<vmem_shared>>)
        %dma_wait3A_282 = arith.constant 5 : i32
        %dma_wait3A_283 = arith.constant 640 : i32
        %dma_wait3A_284 = arith.constant 0 : i32
        %dma_wait3A_285 = tpu.memref_slice %arg11[%dma_wait3A_283, %dma_wait3A_284] : memref<768x64xf32, #tpu.memory_space<vmem>> -> memref<128x64xf32, #tpu.memory_space<vmem>>
        %dma_wait3A_286 = arith.constant 0 : i32
        %dma_wait3A_287 = tpu.memref_slice %arg10[%dma_wait3A_282, %dma_wait3A_286] : memref<6x128xi32, #tpu.memory_space<vmem>> -> memref<1x128xi32, #tpu.memory_space<vmem>>
        %dma_wait3A_288 = tpu.memref_squeeze %dma_wait3A_287 : memref<1x128xi32, #tpu.memory_space<vmem>> -> memref<128xi32, #tpu.memory_space<vmem>>
        %dma_wait3A_289 = arith.constant 0 : i32
        %dma_wait3A_290 = arith.constant 0 : i32
        %dma_wait3A_291 = tpu.memref_slice %arg12[%dma_wait3A_289, %dma_wait3A_290] : memref<10240x64xf32, #tpu.memory_space<vmem_shared>> -> memref<10240x64xf32, #tpu.memory_space<vmem_shared>>
        tpu.wait_indirect_dma semaphore(%arg16 : memref<!tpu.dma_semaphore, #tpu.memory_space<semaphore_mem>>) src(%dma_wait3A_285 : memref<128x64xf32, #tpu.memory_space<vmem>>) dst(%dma_wait3A_291 : memref<10240x64xf32, #tpu.memory_space<vmem_shared>>)
      }
      %scan3A_33 = arith.constant 26 : i32
      %lt3A = arith.constant 4 : i32
      %lt3A_34 = arith.cmpi slt, %arg1, %lt3A : i32
      %convert_element_type3A_35 = arith.extui %lt3A_34 : i1 to i32
      %cond3A_36 = arith.constant 0 : i32
      %cond3A_37 = arith.cmpi ne, %convert_element_type3A_35, %cond3A_36 : i32
      scf.if %cond3A_37 {
        %add3A_38 = arith.constant 156 : i32
        %add3A_39 = arith.addi %add3A, %add3A_38 : i32
        "tpu.region"() ({
          %run_scoped3A_58 = tpu.sem_alloc : memref<!tpu.dma_semaphore, #tpu.memory_space<semaphore_mem>>
          %dma_start3A_59 = arith.constant 0 : i32
          %dma_start3A_60 = arith.constant 0 : i32
          %dma_start3A_61 = tpu.memref_slice %arg9[%dma_start3A_59, %dma_start3A_60] : memref<6x128xi32, #tpu.memory_space<vmem>> -> memref<1x128xi32, #tpu.memory_space<vmem>>
          %dma_start3A_62 = arith.constant 0 : i32
          %dma_start3A_63 = tpu.memref_slice %arg4[%add3A_39, %dma_start3A_62] : memref<2500x128xi32, #tpu.memory_space<hbm>> -> memref<1x128xi32, #tpu.memory_space<hbm>>
          %dma_start3A_64 = arith.constant 0 : i32
          %dma_start3A_65 = arith.constant 0 : i32
          %dma_start3A_66 = tpu.memref_slice %arg9[%dma_start3A_64, %dma_start3A_65] : memref<6x128xi32, #tpu.memory_space<vmem>> -> memref<1x128xi32, #tpu.memory_space<vmem>>
          %dma_start3A_67 = arith.constant 0 : i32
          %dma_start3A_68 = tpu.memref_slice %arg4[%add3A_39, %dma_start3A_67] : memref<2500x128xi32, #tpu.memory_space<hbm>> -> memref<1x128xi32, #tpu.memory_space<hbm>>
          tpu.enqueue_dma source(%dma_start3A_68 : memref<1x128xi32, #tpu.memory_space<hbm>>) target(%dma_start3A_66 : memref<1x128xi32, #tpu.memory_space<vmem>>) target_semaphore(%run_scoped3A_58 : memref<!tpu.dma_semaphore, #tpu.memory_space<semaphore_mem>>)
          %dma_wait3A_69 = arith.constant 0 : i32
          %dma_wait3A_70 = arith.constant 0 : i32
          %dma_wait3A_71 = tpu.memref_slice %arg9[%dma_wait3A_69, %dma_wait3A_70] : memref<6x128xi32, #tpu.memory_space<vmem>> -> memref<1x128xi32, #tpu.memory_space<vmem>>
          %dma_wait3A_72 = arith.constant 0 : i32
          %dma_wait3A_73 = tpu.memref_slice %arg4[%add3A_39, %dma_wait3A_72] : memref<2500x128xi32, #tpu.memory_space<hbm>> -> memref<1x128xi32, #tpu.memory_space<hbm>>
          %dma_wait3A_74 = arith.constant 0 : i32
          %dma_wait3A_75 = arith.constant 0 : i32
          %dma_wait3A_76 = tpu.memref_slice %arg9[%dma_wait3A_74, %dma_wait3A_75] : memref<6x128xi32, #tpu.memory_space<vmem>> -> memref<1x128xi32, #tpu.memory_space<vmem>>
          %dma_wait3A_77 = arith.constant 0 : i32
          %dma_wait3A_78 = tpu.memref_slice %arg4[%add3A_39, %dma_wait3A_77] : memref<2500x128xi32, #tpu.memory_space<hbm>> -> memref<1x128xi32, #tpu.memory_space<hbm>>
          tpu.wait_dma2 semaphore(%run_scoped3A_58 : memref<!tpu.dma_semaphore, #tpu.memory_space<semaphore_mem>>) src(%dma_wait3A_78 : memref<1x128xi32, #tpu.memory_space<hbm>>) dst(%dma_wait3A_76 : memref<1x128xi32, #tpu.memory_space<vmem>>)
          tpu.yield
        }) : () -> ()
        "tpu.region"() ({
          %run_scoped3A_58 = tpu.sem_alloc : memref<!tpu.dma_semaphore, #tpu.memory_space<semaphore_mem>>
          %dma_start3A_59 = arith.constant 0 : i32
          %dma_start3A_60 = arith.constant 0 : i32
          %dma_start3A_61 = tpu.memref_slice %arg10[%dma_start3A_59, %dma_start3A_60] : memref<6x128xi32, #tpu.memory_space<vmem>> -> memref<1x128xi32, #tpu.memory_space<vmem>>
          %dma_start3A_62 = arith.constant 0 : i32
          %dma_start3A_63 = tpu.memref_slice %arg5[%add3A_39, %dma_start3A_62] : memref<2500x128xi32, #tpu.memory_space<hbm>> -> memref<1x128xi32, #tpu.memory_space<hbm>>
          %dma_start3A_64 = arith.constant 0 : i32
          %dma_start3A_65 = arith.constant 0 : i32
          %dma_start3A_66 = tpu.memref_slice %arg10[%dma_start3A_64, %dma_start3A_65] : memref<6x128xi32, #tpu.memory_space<vmem>> -> memref<1x128xi32, #tpu.memory_space<vmem>>
          %dma_start3A_67 = arith.constant 0 : i32
          %dma_start3A_68 = tpu.memref_slice %arg5[%add3A_39, %dma_start3A_67] : memref<2500x128xi32, #tpu.memory_space<hbm>> -> memref<1x128xi32, #tpu.memory_space<hbm>>
          tpu.enqueue_dma source(%dma_start3A_68 : memref<1x128xi32, #tpu.memory_space<hbm>>) target(%dma_start3A_66 : memref<1x128xi32, #tpu.memory_space<vmem>>) target_semaphore(%run_scoped3A_58 : memref<!tpu.dma_semaphore, #tpu.memory_space<semaphore_mem>>)
          %dma_wait3A_69 = arith.constant 0 : i32
          %dma_wait3A_70 = arith.constant 0 : i32
          %dma_wait3A_71 = tpu.memref_slice %arg10[%dma_wait3A_69, %dma_wait3A_70] : memref<6x128xi32, #tpu.memory_space<vmem>> -> memref<1x128xi32, #tpu.memory_space<vmem>>
          %dma_wait3A_72 = arith.constant 0 : i32
          %dma_wait3A_73 = tpu.memref_slice %arg5[%add3A_39, %dma_wait3A_72] : memref<2500x128xi32, #tpu.memory_space<hbm>> -> memref<1x128xi32, #tpu.memory_space<hbm>>
          %dma_wait3A_74 = arith.constant 0 : i32
          %dma_wait3A_75 = arith.constant 0 : i32
          %dma_wait3A_76 = tpu.memref_slice %arg10[%dma_wait3A_74, %dma_wait3A_75] : memref<6x128xi32, #tpu.memory_space<vmem>> -> memref<1x128xi32, #tpu.memory_space<vmem>>
          %dma_wait3A_77 = arith.constant 0 : i32
          %dma_wait3A_78 = tpu.memref_slice %arg5[%add3A_39, %dma_wait3A_77] : memref<2500x128xi32, #tpu.memory_space<hbm>> -> memref<1x128xi32, #tpu.memory_space<hbm>>
          tpu.wait_dma2 semaphore(%run_scoped3A_58 : memref<!tpu.dma_semaphore, #tpu.memory_space<semaphore_mem>>) src(%dma_wait3A_78 : memref<1x128xi32, #tpu.memory_space<hbm>>) dst(%dma_wait3A_76 : memref<1x128xi32, #tpu.memory_space<vmem>>)
          tpu.yield
        }) : () -> ()
        %dma_start3A = arith.constant 0 : i32
        %dma_start3A_40 = arith.constant 0 : i32
        %dma_start3A_41 = arith.constant 0 : i32
        %dma_start3A_42 = tpu.memref_slice %arg11[%dma_start3A_40, %dma_start3A_41] : memref<768x64xf32, #tpu.memory_space<vmem>> -> memref<128x64xf32, #tpu.memory_space<vmem>>
        %dma_start3A_43 = arith.constant 0 : i32
        %dma_start3A_44 = tpu.memref_slice %arg9[%dma_start3A, %dma_start3A_43] : memref<6x128xi32, #tpu.memory_space<vmem>> -> memref<1x128xi32, #tpu.memory_space<vmem>>
        %dma_start3A_45 = tpu.memref_squeeze %dma_start3A_44 : memref<1x128xi32, #tpu.memory_space<vmem>> -> memref<128xi32, #tpu.memory_space<vmem>>
        %dma_start3A_46 = arith.constant 0 : i32
        %dma_start3A_47 = arith.constant 0 : i32
        %dma_start3A_48 = tpu.memref_slice %arg2[%dma_start3A_46, %dma_start3A_47] : memref<10000x64xf32, #tpu.memory_space<hbm>> -> memref<10000x64xf32, #tpu.memory_space<hbm>>
        tpu.enqueue_indirect_dma source(%dma_start3A_48 : memref<10000x64xf32, #tpu.memory_space<hbm>>) target(%dma_start3A_42 : memref<128x64xf32, #tpu.memory_space<vmem>>) offsets(%dma_start3A_45 : memref<128xi32, #tpu.memory_space<vmem>>) semaphore(%arg13 : memref<!tpu.dma_semaphore, #tpu.memory_space<semaphore_mem>>)
        %dma_wait3A = arith.constant 0 : i32
        %dma_wait3A_49 = arith.constant 0 : i32
        %dma_wait3A_50 = arith.constant 0 : i32
        %dma_wait3A_51 = tpu.memref_slice %arg11[%dma_wait3A_49, %dma_wait3A_50] : memref<768x64xf32, #tpu.memory_space<vmem>> -> memref<128x64xf32, #tpu.memory_space<vmem>>
        %dma_wait3A_52 = arith.constant 0 : i32
        %dma_wait3A_53 = tpu.memref_slice %arg9[%dma_wait3A, %dma_wait3A_52] : memref<6x128xi32, #tpu.memory_space<vmem>> -> memref<1x128xi32, #tpu.memory_space<vmem>>
        %dma_wait3A_54 = tpu.memref_squeeze %dma_wait3A_53 : memref<1x128xi32, #tpu.memory_space<vmem>> -> memref<128xi32, #tpu.memory_space<vmem>>
        %dma_wait3A_55 = arith.constant 0 : i32
        %dma_wait3A_56 = arith.constant 0 : i32
        %dma_wait3A_57 = tpu.memref_slice %arg2[%dma_wait3A_55, %dma_wait3A_56] : memref<10000x64xf32, #tpu.memory_space<hbm>> -> memref<10000x64xf32, #tpu.memory_space<hbm>>
        tpu.wait_indirect_dma semaphore(%arg13 : memref<!tpu.dma_semaphore, #tpu.memory_space<semaphore_mem>>) src(%dma_wait3A_57 : memref<10000x64xf32, #tpu.memory_space<hbm>>) dst(%dma_wait3A_51 : memref<128x64xf32, #tpu.memory_space<vmem>>)
        %run_scoped3A = arith.constant 0 : i32
        "tpu.region"() ({
          %run_scoped3A_58 = tpu.sem_alloc : memref<!tpu.dma_semaphore, #tpu.memory_space<semaphore_mem>>
          %dma_start3A_59 = arith.constant 0 : i32
          %dma_start3A_60 = arith.constant 0 : i32
          %dma_start3A_61 = tpu.memref_slice %arg11[%dma_start3A_59, %dma_start3A_60] : memref<768x64xf32, #tpu.memory_space<vmem>> -> memref<128x64xf32, #tpu.memory_space<vmem>>
          %dma_start3A_62 = arith.constant 0 : i32
          %dma_start3A_63 = tpu.memref_slice %arg10[%run_scoped3A, %dma_start3A_62] : memref<6x128xi32, #tpu.memory_space<vmem>> -> memref<1x128xi32, #tpu.memory_space<vmem>>
          %dma_start3A_64 = tpu.memref_squeeze %dma_start3A_63 : memref<1x128xi32, #tpu.memory_space<vmem>> -> memref<128xi32, #tpu.memory_space<vmem>>
          %dma_start3A_65 = arith.constant 0 : i32
          %dma_start3A_66 = arith.constant 0 : i32
          %dma_start3A_67 = tpu.memref_slice %arg12[%dma_start3A_65, %dma_start3A_66] : memref<10240x64xf32, #tpu.memory_space<vmem_shared>> -> memref<10240x64xf32, #tpu.memory_space<vmem_shared>>
          tpu.enqueue_indirect_dma source(%dma_start3A_61 : memref<128x64xf32, #tpu.memory_space<vmem>>) target(%dma_start3A_67 : memref<10240x64xf32, #tpu.memory_space<vmem_shared>>) offsets(%dma_start3A_64 : memref<128xi32, #tpu.memory_space<vmem>>) semaphore(%run_scoped3A_58 : memref<!tpu.dma_semaphore, #tpu.memory_space<semaphore_mem>>) {add = true}
          %dma_wait3A_68 = arith.constant 0 : i32
          %dma_wait3A_69 = arith.constant 0 : i32
          %dma_wait3A_70 = tpu.memref_slice %arg11[%dma_wait3A_68, %dma_wait3A_69] : memref<768x64xf32, #tpu.memory_space<vmem>> -> memref<128x64xf32, #tpu.memory_space<vmem>>
          %dma_wait3A_71 = arith.constant 0 : i32
          %dma_wait3A_72 = tpu.memref_slice %arg10[%run_scoped3A, %dma_wait3A_71] : memref<6x128xi32, #tpu.memory_space<vmem>> -> memref<1x128xi32, #tpu.memory_space<vmem>>
          %dma_wait3A_73 = tpu.memref_squeeze %dma_wait3A_72 : memref<1x128xi32, #tpu.memory_space<vmem>> -> memref<128xi32, #tpu.memory_space<vmem>>
          %dma_wait3A_74 = arith.constant 0 : i32
          %dma_wait3A_75 = arith.constant 0 : i32
          %dma_wait3A_76 = tpu.memref_slice %arg12[%dma_wait3A_74, %dma_wait3A_75] : memref<10240x64xf32, #tpu.memory_space<vmem_shared>> -> memref<10240x64xf32, #tpu.memory_space<vmem_shared>>
          tpu.wait_indirect_dma semaphore(%run_scoped3A_58 : memref<!tpu.dma_semaphore, #tpu.memory_space<semaphore_mem>>) src(%dma_wait3A_70 : memref<128x64xf32, #tpu.memory_space<vmem>>) dst(%dma_wait3A_76 : memref<10240x64xf32, #tpu.memory_space<vmem_shared>>)
          tpu.yield
        }) : () -> ()
      } else {
      }
    } else {
    }
    %eq3A_9 = arith.constant 1 : i32
    %eq3A_10 = arith.cmpi eq, %arg0, %eq3A_9 : i32
    %convert_element_type3A_11 = arith.extui %eq3A_10 : i1 to i32
    %cond3A_12 = arith.constant 0 : i32
    %cond3A_13 = arith.cmpi ne, %convert_element_type3A_11, %cond3A_12 : i32
    scf.if %cond3A_13 {
      %scan3A = arith.constant 0 : i32
      %scan3A_30 = arith.constant 26 : i32
      %scan3A_31 = arith.addi %scan3A, %scan3A_30 : i32
      %scan3A_32 = arith.constant 1 : i32
      scf.for %scan3A_38 = %scan3A to %scan3A_31 step %scan3A_32  : i32 {
        %mul3A_39 = arith.constant 6 : i32
        %mul3A_40 = arith.muli %scan3A_38, %mul3A_39 : i32
        %add3A_41 = arith.addi %add3A, %mul3A_40 : i32
        %add3A_42 = arith.constant 0 : i32
        %add3A_43 = arith.addi %add3A_41, %add3A_42 : i32
        "tpu.region"() ({
          %run_scoped3A = tpu.sem_alloc : memref<!tpu.dma_semaphore, #tpu.memory_space<semaphore_mem>>
          %dma_start3A_292 = arith.constant 0 : i32
          %dma_start3A_293 = arith.constant 0 : i32
          %dma_start3A_294 = tpu.memref_slice %arg9[%dma_start3A_292, %dma_start3A_293] : memref<6x128xi32, #tpu.memory_space<vmem>> -> memref<2x128xi32, #tpu.memory_space<vmem>>
          %dma_start3A_295 = arith.constant 0 : i32
          %dma_start3A_296 = tpu.memref_slice %arg4[%add3A_43, %dma_start3A_295] : memref<2500x128xi32, #tpu.memory_space<hbm>> -> memref<2x128xi32, #tpu.memory_space<hbm>>
          %dma_start3A_297 = arith.constant 0 : i32
          %dma_start3A_298 = arith.constant 0 : i32
          %dma_start3A_299 = tpu.memref_slice %arg9[%dma_start3A_297, %dma_start3A_298] : memref<6x128xi32, #tpu.memory_space<vmem>> -> memref<2x128xi32, #tpu.memory_space<vmem>>
          %dma_start3A_300 = arith.constant 0 : i32
          %dma_start3A_301 = tpu.memref_slice %arg4[%add3A_43, %dma_start3A_300] : memref<2500x128xi32, #tpu.memory_space<hbm>> -> memref<2x128xi32, #tpu.memory_space<hbm>>
          tpu.enqueue_dma source(%dma_start3A_301 : memref<2x128xi32, #tpu.memory_space<hbm>>) target(%dma_start3A_299 : memref<2x128xi32, #tpu.memory_space<vmem>>) target_semaphore(%run_scoped3A : memref<!tpu.dma_semaphore, #tpu.memory_space<semaphore_mem>>)
          %dma_wait3A_302 = arith.constant 0 : i32
          %dma_wait3A_303 = arith.constant 0 : i32
          %dma_wait3A_304 = tpu.memref_slice %arg9[%dma_wait3A_302, %dma_wait3A_303] : memref<6x128xi32, #tpu.memory_space<vmem>> -> memref<2x128xi32, #tpu.memory_space<vmem>>
          %dma_wait3A_305 = arith.constant 0 : i32
          %dma_wait3A_306 = tpu.memref_slice %arg4[%add3A_43, %dma_wait3A_305] : memref<2500x128xi32, #tpu.memory_space<hbm>> -> memref<2x128xi32, #tpu.memory_space<hbm>>
          %dma_wait3A_307 = arith.constant 0 : i32
          %dma_wait3A_308 = arith.constant 0 : i32
          %dma_wait3A_309 = tpu.memref_slice %arg9[%dma_wait3A_307, %dma_wait3A_308] : memref<6x128xi32, #tpu.memory_space<vmem>> -> memref<2x128xi32, #tpu.memory_space<vmem>>
          %dma_wait3A_310 = arith.constant 0 : i32
          %dma_wait3A_311 = tpu.memref_slice %arg4[%add3A_43, %dma_wait3A_310] : memref<2500x128xi32, #tpu.memory_space<hbm>> -> memref<2x128xi32, #tpu.memory_space<hbm>>
          tpu.wait_dma2 semaphore(%run_scoped3A : memref<!tpu.dma_semaphore, #tpu.memory_space<semaphore_mem>>) src(%dma_wait3A_311 : memref<2x128xi32, #tpu.memory_space<hbm>>) dst(%dma_wait3A_309 : memref<2x128xi32, #tpu.memory_space<vmem>>)
          tpu.yield
        }) : () -> ()
        %add3A_44 = arith.constant 0 : i32
        %add3A_45 = arith.addi %add3A_41, %add3A_44 : i32
        "tpu.region"() ({
          %run_scoped3A = tpu.sem_alloc : memref<!tpu.dma_semaphore, #tpu.memory_space<semaphore_mem>>
          %dma_start3A_292 = arith.constant 0 : i32
          %dma_start3A_293 = arith.constant 0 : i32
          %dma_start3A_294 = tpu.memref_slice %arg10[%dma_start3A_292, %dma_start3A_293] : memref<6x128xi32, #tpu.memory_space<vmem>> -> memref<2x128xi32, #tpu.memory_space<vmem>>
          %dma_start3A_295 = arith.constant 0 : i32
          %dma_start3A_296 = tpu.memref_slice %arg5[%add3A_45, %dma_start3A_295] : memref<2500x128xi32, #tpu.memory_space<hbm>> -> memref<2x128xi32, #tpu.memory_space<hbm>>
          %dma_start3A_297 = arith.constant 0 : i32
          %dma_start3A_298 = arith.constant 0 : i32
          %dma_start3A_299 = tpu.memref_slice %arg10[%dma_start3A_297, %dma_start3A_298] : memref<6x128xi32, #tpu.memory_space<vmem>> -> memref<2x128xi32, #tpu.memory_space<vmem>>
          %dma_start3A_300 = arith.constant 0 : i32
          %dma_start3A_301 = tpu.memref_slice %arg5[%add3A_45, %dma_start3A_300] : memref<2500x128xi32, #tpu.memory_space<hbm>> -> memref<2x128xi32, #tpu.memory_space<hbm>>
          tpu.enqueue_dma source(%dma_start3A_301 : memref<2x128xi32, #tpu.memory_space<hbm>>) target(%dma_start3A_299 : memref<2x128xi32, #tpu.memory_space<vmem>>) target_semaphore(%run_scoped3A : memref<!tpu.dma_semaphore, #tpu.memory_space<semaphore_mem>>)
          %dma_wait3A_302 = arith.constant 0 : i32
          %dma_wait3A_303 = arith.constant 0 : i32
          %dma_wait3A_304 = tpu.memref_slice %arg10[%dma_wait3A_302, %dma_wait3A_303] : memref<6x128xi32, #tpu.memory_space<vmem>> -> memref<2x128xi32, #tpu.memory_space<vmem>>
          %dma_wait3A_305 = arith.constant 0 : i32
          %dma_wait3A_306 = tpu.memref_slice %arg5[%add3A_45, %dma_wait3A_305] : memref<2500x128xi32, #tpu.memory_space<hbm>> -> memref<2x128xi32, #tpu.memory_space<hbm>>
          %dma_wait3A_307 = arith.constant 0 : i32
          %dma_wait3A_308 = arith.constant 0 : i32
          %dma_wait3A_309 = tpu.memref_slice %arg10[%dma_wait3A_307, %dma_wait3A_308] : memref<6x128xi32, #tpu.memory_space<vmem>> -> memref<2x128xi32, #tpu.memory_space<vmem>>
          %dma_wait3A_310 = arith.constant 0 : i32
          %dma_wait3A_311 = tpu.memref_slice %arg5[%add3A_45, %dma_wait3A_310] : memref<2500x128xi32, #tpu.memory_space<hbm>> -> memref<2x128xi32, #tpu.memory_space<hbm>>
          tpu.wait_dma2 semaphore(%run_scoped3A : memref<!tpu.dma_semaphore, #tpu.memory_space<semaphore_mem>>) src(%dma_wait3A_311 : memref<2x128xi32, #tpu.memory_space<hbm>>) dst(%dma_wait3A_309 : memref<2x128xi32, #tpu.memory_space<vmem>>)
          tpu.yield
        }) : () -> ()
        %dma_start3A = arith.constant 0 : i32
        %dma_start3A_46 = arith.constant 0 : i32
        %dma_start3A_47 = arith.constant 0 : i32
        %dma_start3A_48 = tpu.memref_slice %arg11[%dma_start3A_46, %dma_start3A_47] : memref<768x64xf32, #tpu.memory_space<vmem>> -> memref<128x64xf32, #tpu.memory_space<vmem>>
        %dma_start3A_49 = arith.constant 0 : i32
        %dma_start3A_50 = tpu.memref_slice %arg9[%dma_start3A, %dma_start3A_49] : memref<6x128xi32, #tpu.memory_space<vmem>> -> memref<1x128xi32, #tpu.memory_space<vmem>>
        %dma_start3A_51 = tpu.memref_squeeze %dma_start3A_50 : memref<1x128xi32, #tpu.memory_space<vmem>> -> memref<128xi32, #tpu.memory_space<vmem>>
        %dma_start3A_52 = arith.constant 0 : i32
        %dma_start3A_53 = arith.constant 0 : i32
        %dma_start3A_54 = tpu.memref_slice %arg3[%dma_start3A_52, %dma_start3A_53] : memref<10000x64xf32, #tpu.memory_space<hbm>> -> memref<10000x64xf32, #tpu.memory_space<hbm>>
        tpu.enqueue_indirect_dma source(%dma_start3A_54 : memref<10000x64xf32, #tpu.memory_space<hbm>>) target(%dma_start3A_48 : memref<128x64xf32, #tpu.memory_space<vmem>>) offsets(%dma_start3A_51 : memref<128xi32, #tpu.memory_space<vmem>>) semaphore(%arg13 : memref<!tpu.dma_semaphore, #tpu.memory_space<semaphore_mem>>)
        %dma_start3A_55 = arith.constant 1 : i32
        %dma_start3A_56 = arith.constant 128 : i32
        %dma_start3A_57 = arith.constant 0 : i32
        %dma_start3A_58 = tpu.memref_slice %arg11[%dma_start3A_56, %dma_start3A_57] : memref<768x64xf32, #tpu.memory_space<vmem>> -> memref<128x64xf32, #tpu.memory_space<vmem>>
        %dma_start3A_59 = arith.constant 0 : i32
        %dma_start3A_60 = tpu.memref_slice %arg9[%dma_start3A_55, %dma_start3A_59] : memref<6x128xi32, #tpu.memory_space<vmem>> -> memref<1x128xi32, #tpu.memory_space<vmem>>
        %dma_start3A_61 = tpu.memref_squeeze %dma_start3A_60 : memref<1x128xi32, #tpu.memory_space<vmem>> -> memref<128xi32, #tpu.memory_space<vmem>>
        %dma_start3A_62 = arith.constant 0 : i32
        %dma_start3A_63 = arith.constant 0 : i32
        %dma_start3A_64 = tpu.memref_slice %arg3[%dma_start3A_62, %dma_start3A_63] : memref<10000x64xf32, #tpu.memory_space<hbm>> -> memref<10000x64xf32, #tpu.memory_space<hbm>>
        tpu.enqueue_indirect_dma source(%dma_start3A_64 : memref<10000x64xf32, #tpu.memory_space<hbm>>) target(%dma_start3A_58 : memref<128x64xf32, #tpu.memory_space<vmem>>) offsets(%dma_start3A_61 : memref<128xi32, #tpu.memory_space<vmem>>) semaphore(%arg13 : memref<!tpu.dma_semaphore, #tpu.memory_space<semaphore_mem>>)
        %add3A_65 = arith.constant 2 : i32
        %add3A_66 = arith.addi %add3A_41, %add3A_65 : i32
        "tpu.region"() ({
          %run_scoped3A = tpu.sem_alloc : memref<!tpu.dma_semaphore, #tpu.memory_space<semaphore_mem>>
          %dma_start3A_292 = arith.constant 2 : i32
          %dma_start3A_293 = arith.constant 0 : i32
          %dma_start3A_294 = tpu.memref_slice %arg9[%dma_start3A_292, %dma_start3A_293] : memref<6x128xi32, #tpu.memory_space<vmem>> -> memref<2x128xi32, #tpu.memory_space<vmem>>
          %dma_start3A_295 = arith.constant 0 : i32
          %dma_start3A_296 = tpu.memref_slice %arg4[%add3A_66, %dma_start3A_295] : memref<2500x128xi32, #tpu.memory_space<hbm>> -> memref<2x128xi32, #tpu.memory_space<hbm>>
          %dma_start3A_297 = arith.constant 2 : i32
          %dma_start3A_298 = arith.constant 0 : i32
          %dma_start3A_299 = tpu.memref_slice %arg9[%dma_start3A_297, %dma_start3A_298] : memref<6x128xi32, #tpu.memory_space<vmem>> -> memref<2x128xi32, #tpu.memory_space<vmem>>
          %dma_start3A_300 = arith.constant 0 : i32
          %dma_start3A_301 = tpu.memref_slice %arg4[%add3A_66, %dma_start3A_300] : memref<2500x128xi32, #tpu.memory_space<hbm>> -> memref<2x128xi32, #tpu.memory_space<hbm>>
          tpu.enqueue_dma source(%dma_start3A_301 : memref<2x128xi32, #tpu.memory_space<hbm>>) target(%dma_start3A_299 : memref<2x128xi32, #tpu.memory_space<vmem>>) target_semaphore(%run_scoped3A : memref<!tpu.dma_semaphore, #tpu.memory_space<semaphore_mem>>)
          %dma_wait3A_302 = arith.constant 2 : i32
          %dma_wait3A_303 = arith.constant 0 : i32
          %dma_wait3A_304 = tpu.memref_slice %arg9[%dma_wait3A_302, %dma_wait3A_303] : memref<6x128xi32, #tpu.memory_space<vmem>> -> memref<2x128xi32, #tpu.memory_space<vmem>>
          %dma_wait3A_305 = arith.constant 0 : i32
          %dma_wait3A_306 = tpu.memref_slice %arg4[%add3A_66, %dma_wait3A_305] : memref<2500x128xi32, #tpu.memory_space<hbm>> -> memref<2x128xi32, #tpu.memory_space<hbm>>
          %dma_wait3A_307 = arith.constant 2 : i32
          %dma_wait3A_308 = arith.constant 0 : i32
          %dma_wait3A_309 = tpu.memref_slice %arg9[%dma_wait3A_307, %dma_wait3A_308] : memref<6x128xi32, #tpu.memory_space<vmem>> -> memref<2x128xi32, #tpu.memory_space<vmem>>
          %dma_wait3A_310 = arith.constant 0 : i32
          %dma_wait3A_311 = tpu.memref_slice %arg4[%add3A_66, %dma_wait3A_310] : memref<2500x128xi32, #tpu.memory_space<hbm>> -> memref<2x128xi32, #tpu.memory_space<hbm>>
          tpu.wait_dma2 semaphore(%run_scoped3A : memref<!tpu.dma_semaphore, #tpu.memory_space<semaphore_mem>>) src(%dma_wait3A_311 : memref<2x128xi32, #tpu.memory_space<hbm>>) dst(%dma_wait3A_309 : memref<2x128xi32, #tpu.memory_space<vmem>>)
          tpu.yield
        }) : () -> ()
        %add3A_67 = arith.constant 2 : i32
        %add3A_68 = arith.addi %add3A_41, %add3A_67 : i32
        "tpu.region"() ({
          %run_scoped3A = tpu.sem_alloc : memref<!tpu.dma_semaphore, #tpu.memory_space<semaphore_mem>>
          %dma_start3A_292 = arith.constant 2 : i32
          %dma_start3A_293 = arith.constant 0 : i32
          %dma_start3A_294 = tpu.memref_slice %arg10[%dma_start3A_292, %dma_start3A_293] : memref<6x128xi32, #tpu.memory_space<vmem>> -> memref<2x128xi32, #tpu.memory_space<vmem>>
          %dma_start3A_295 = arith.constant 0 : i32
          %dma_start3A_296 = tpu.memref_slice %arg5[%add3A_68, %dma_start3A_295] : memref<2500x128xi32, #tpu.memory_space<hbm>> -> memref<2x128xi32, #tpu.memory_space<hbm>>
          %dma_start3A_297 = arith.constant 2 : i32
          %dma_start3A_298 = arith.constant 0 : i32
          %dma_start3A_299 = tpu.memref_slice %arg10[%dma_start3A_297, %dma_start3A_298] : memref<6x128xi32, #tpu.memory_space<vmem>> -> memref<2x128xi32, #tpu.memory_space<vmem>>
          %dma_start3A_300 = arith.constant 0 : i32
          %dma_start3A_301 = tpu.memref_slice %arg5[%add3A_68, %dma_start3A_300] : memref<2500x128xi32, #tpu.memory_space<hbm>> -> memref<2x128xi32, #tpu.memory_space<hbm>>
          tpu.enqueue_dma source(%dma_start3A_301 : memref<2x128xi32, #tpu.memory_space<hbm>>) target(%dma_start3A_299 : memref<2x128xi32, #tpu.memory_space<vmem>>) target_semaphore(%run_scoped3A : memref<!tpu.dma_semaphore, #tpu.memory_space<semaphore_mem>>)
          %dma_wait3A_302 = arith.constant 2 : i32
          %dma_wait3A_303 = arith.constant 0 : i32
          %dma_wait3A_304 = tpu.memref_slice %arg10[%dma_wait3A_302, %dma_wait3A_303] : memref<6x128xi32, #tpu.memory_space<vmem>> -> memref<2x128xi32, #tpu.memory_space<vmem>>
          %dma_wait3A_305 = arith.constant 0 : i32
          %dma_wait3A_306 = tpu.memref_slice %arg5[%add3A_68, %dma_wait3A_305] : memref<2500x128xi32, #tpu.memory_space<hbm>> -> memref<2x128xi32, #tpu.memory_space<hbm>>
          %dma_wait3A_307 = arith.constant 2 : i32
          %dma_wait3A_308 = arith.constant 0 : i32
          %dma_wait3A_309 = tpu.memref_slice %arg10[%dma_wait3A_307, %dma_wait3A_308] : memref<6x128xi32, #tpu.memory_space<vmem>> -> memref<2x128xi32, #tpu.memory_space<vmem>>
          %dma_wait3A_310 = arith.constant 0 : i32
          %dma_wait3A_311 = tpu.memref_slice %arg5[%add3A_68, %dma_wait3A_310] : memref<2500x128xi32, #tpu.memory_space<hbm>> -> memref<2x128xi32, #tpu.memory_space<hbm>>
          tpu.wait_dma2 semaphore(%run_scoped3A : memref<!tpu.dma_semaphore, #tpu.memory_space<semaphore_mem>>) src(%dma_wait3A_311 : memref<2x128xi32, #tpu.memory_space<hbm>>) dst(%dma_wait3A_309 : memref<2x128xi32, #tpu.memory_space<vmem>>)
          tpu.yield
        }) : () -> ()
        %dma_start3A_69 = arith.constant 2 : i32
        %dma_start3A_70 = arith.constant 256 : i32
        %dma_start3A_71 = arith.constant 0 : i32
        %dma_start3A_72 = tpu.memref_slice %arg11[%dma_start3A_70, %dma_start3A_71] : memref<768x64xf32, #tpu.memory_space<vmem>> -> memref<128x64xf32, #tpu.memory_space<vmem>>
        %dma_start3A_73 = arith.constant 0 : i32
        %dma_start3A_74 = tpu.memref_slice %arg9[%dma_start3A_69, %dma_start3A_73] : memref<6x128xi32, #tpu.memory_space<vmem>> -> memref<1x128xi32, #tpu.memory_space<vmem>>
        %dma_start3A_75 = tpu.memref_squeeze %dma_start3A_74 : memref<1x128xi32, #tpu.memory_space<vmem>> -> memref<128xi32, #tpu.memory_space<vmem>>
        %dma_start3A_76 = arith.constant 0 : i32
        %dma_start3A_77 = arith.constant 0 : i32
        %dma_start3A_78 = tpu.memref_slice %arg3[%dma_start3A_76, %dma_start3A_77] : memref<10000x64xf32, #tpu.memory_space<hbm>> -> memref<10000x64xf32, #tpu.memory_space<hbm>>
        tpu.enqueue_indirect_dma source(%dma_start3A_78 : memref<10000x64xf32, #tpu.memory_space<hbm>>) target(%dma_start3A_72 : memref<128x64xf32, #tpu.memory_space<vmem>>) offsets(%dma_start3A_75 : memref<128xi32, #tpu.memory_space<vmem>>) semaphore(%arg14 : memref<!tpu.dma_semaphore, #tpu.memory_space<semaphore_mem>>)
        %dma_start3A_79 = arith.constant 3 : i32
        %dma_start3A_80 = arith.constant 384 : i32
        %dma_start3A_81 = arith.constant 0 : i32
        %dma_start3A_82 = tpu.memref_slice %arg11[%dma_start3A_80, %dma_start3A_81] : memref<768x64xf32, #tpu.memory_space<vmem>> -> memref<128x64xf32, #tpu.memory_space<vmem>>
        %dma_start3A_83 = arith.constant 0 : i32
        %dma_start3A_84 = tpu.memref_slice %arg9[%dma_start3A_79, %dma_start3A_83] : memref<6x128xi32, #tpu.memory_space<vmem>> -> memref<1x128xi32, #tpu.memory_space<vmem>>
        %dma_start3A_85 = tpu.memref_squeeze %dma_start3A_84 : memref<1x128xi32, #tpu.memory_space<vmem>> -> memref<128xi32, #tpu.memory_space<vmem>>
        %dma_start3A_86 = arith.constant 0 : i32
        %dma_start3A_87 = arith.constant 0 : i32
        %dma_start3A_88 = tpu.memref_slice %arg3[%dma_start3A_86, %dma_start3A_87] : memref<10000x64xf32, #tpu.memory_space<hbm>> -> memref<10000x64xf32, #tpu.memory_space<hbm>>
        tpu.enqueue_indirect_dma source(%dma_start3A_88 : memref<10000x64xf32, #tpu.memory_space<hbm>>) target(%dma_start3A_82 : memref<128x64xf32, #tpu.memory_space<vmem>>) offsets(%dma_start3A_85 : memref<128xi32, #tpu.memory_space<vmem>>) semaphore(%arg14 : memref<!tpu.dma_semaphore, #tpu.memory_space<semaphore_mem>>)
        %add3A_89 = arith.constant 4 : i32
        %add3A_90 = arith.addi %add3A_41, %add3A_89 : i32
        "tpu.region"() ({
          %run_scoped3A = tpu.sem_alloc : memref<!tpu.dma_semaphore, #tpu.memory_space<semaphore_mem>>
          %dma_start3A_292 = arith.constant 4 : i32
          %dma_start3A_293 = arith.constant 0 : i32
          %dma_start3A_294 = tpu.memref_slice %arg9[%dma_start3A_292, %dma_start3A_293] : memref<6x128xi32, #tpu.memory_space<vmem>> -> memref<2x128xi32, #tpu.memory_space<vmem>>
          %dma_start3A_295 = arith.constant 0 : i32
          %dma_start3A_296 = tpu.memref_slice %arg4[%add3A_90, %dma_start3A_295] : memref<2500x128xi32, #tpu.memory_space<hbm>> -> memref<2x128xi32, #tpu.memory_space<hbm>>
          %dma_start3A_297 = arith.constant 4 : i32
          %dma_start3A_298 = arith.constant 0 : i32
          %dma_start3A_299 = tpu.memref_slice %arg9[%dma_start3A_297, %dma_start3A_298] : memref<6x128xi32, #tpu.memory_space<vmem>> -> memref<2x128xi32, #tpu.memory_space<vmem>>
          %dma_start3A_300 = arith.constant 0 : i32
          %dma_start3A_301 = tpu.memref_slice %arg4[%add3A_90, %dma_start3A_300] : memref<2500x128xi32, #tpu.memory_space<hbm>> -> memref<2x128xi32, #tpu.memory_space<hbm>>
          tpu.enqueue_dma source(%dma_start3A_301 : memref<2x128xi32, #tpu.memory_space<hbm>>) target(%dma_start3A_299 : memref<2x128xi32, #tpu.memory_space<vmem>>) target_semaphore(%run_scoped3A : memref<!tpu.dma_semaphore, #tpu.memory_space<semaphore_mem>>)
          %dma_wait3A_302 = arith.constant 4 : i32
          %dma_wait3A_303 = arith.constant 0 : i32
          %dma_wait3A_304 = tpu.memref_slice %arg9[%dma_wait3A_302, %dma_wait3A_303] : memref<6x128xi32, #tpu.memory_space<vmem>> -> memref<2x128xi32, #tpu.memory_space<vmem>>
          %dma_wait3A_305 = arith.constant 0 : i32
          %dma_wait3A_306 = tpu.memref_slice %arg4[%add3A_90, %dma_wait3A_305] : memref<2500x128xi32, #tpu.memory_space<hbm>> -> memref<2x128xi32, #tpu.memory_space<hbm>>
          %dma_wait3A_307 = arith.constant 4 : i32
          %dma_wait3A_308 = arith.constant 0 : i32
          %dma_wait3A_309 = tpu.memref_slice %arg9[%dma_wait3A_307, %dma_wait3A_308] : memref<6x128xi32, #tpu.memory_space<vmem>> -> memref<2x128xi32, #tpu.memory_space<vmem>>
          %dma_wait3A_310 = arith.constant 0 : i32
          %dma_wait3A_311 = tpu.memref_slice %arg4[%add3A_90, %dma_wait3A_310] : memref<2500x128xi32, #tpu.memory_space<hbm>> -> memref<2x128xi32, #tpu.memory_space<hbm>>
          tpu.wait_dma2 semaphore(%run_scoped3A : memref<!tpu.dma_semaphore, #tpu.memory_space<semaphore_mem>>) src(%dma_wait3A_311 : memref<2x128xi32, #tpu.memory_space<hbm>>) dst(%dma_wait3A_309 : memref<2x128xi32, #tpu.memory_space<vmem>>)
          tpu.yield
        }) : () -> ()
        %add3A_91 = arith.constant 4 : i32
        %add3A_92 = arith.addi %add3A_41, %add3A_91 : i32
        "tpu.region"() ({
          %run_scoped3A = tpu.sem_alloc : memref<!tpu.dma_semaphore, #tpu.memory_space<semaphore_mem>>
          %dma_start3A_292 = arith.constant 4 : i32
          %dma_start3A_293 = arith.constant 0 : i32
          %dma_start3A_294 = tpu.memref_slice %arg10[%dma_start3A_292, %dma_start3A_293] : memref<6x128xi32, #tpu.memory_space<vmem>> -> memref<2x128xi32, #tpu.memory_space<vmem>>
          %dma_start3A_295 = arith.constant 0 : i32
          %dma_start3A_296 = tpu.memref_slice %arg5[%add3A_92, %dma_start3A_295] : memref<2500x128xi32, #tpu.memory_space<hbm>> -> memref<2x128xi32, #tpu.memory_space<hbm>>
          %dma_start3A_297 = arith.constant 4 : i32
          %dma_start3A_298 = arith.constant 0 : i32
          %dma_start3A_299 = tpu.memref_slice %arg10[%dma_start3A_297, %dma_start3A_298] : memref<6x128xi32, #tpu.memory_space<vmem>> -> memref<2x128xi32, #tpu.memory_space<vmem>>
          %dma_start3A_300 = arith.constant 0 : i32
          %dma_start3A_301 = tpu.memref_slice %arg5[%add3A_92, %dma_start3A_300] : memref<2500x128xi32, #tpu.memory_space<hbm>> -> memref<2x128xi32, #tpu.memory_space<hbm>>
          tpu.enqueue_dma source(%dma_start3A_301 : memref<2x128xi32, #tpu.memory_space<hbm>>) target(%dma_start3A_299 : memref<2x128xi32, #tpu.memory_space<vmem>>) target_semaphore(%run_scoped3A : memref<!tpu.dma_semaphore, #tpu.memory_space<semaphore_mem>>)
          %dma_wait3A_302 = arith.constant 4 : i32
          %dma_wait3A_303 = arith.constant 0 : i32
          %dma_wait3A_304 = tpu.memref_slice %arg10[%dma_wait3A_302, %dma_wait3A_303] : memref<6x128xi32, #tpu.memory_space<vmem>> -> memref<2x128xi32, #tpu.memory_space<vmem>>
          %dma_wait3A_305 = arith.constant 0 : i32
          %dma_wait3A_306 = tpu.memref_slice %arg5[%add3A_92, %dma_wait3A_305] : memref<2500x128xi32, #tpu.memory_space<hbm>> -> memref<2x128xi32, #tpu.memory_space<hbm>>
          %dma_wait3A_307 = arith.constant 4 : i32
          %dma_wait3A_308 = arith.constant 0 : i32
          %dma_wait3A_309 = tpu.memref_slice %arg10[%dma_wait3A_307, %dma_wait3A_308] : memref<6x128xi32, #tpu.memory_space<vmem>> -> memref<2x128xi32, #tpu.memory_space<vmem>>
          %dma_wait3A_310 = arith.constant 0 : i32
          %dma_wait3A_311 = tpu.memref_slice %arg5[%add3A_92, %dma_wait3A_310] : memref<2500x128xi32, #tpu.memory_space<hbm>> -> memref<2x128xi32, #tpu.memory_space<hbm>>
          tpu.wait_dma2 semaphore(%run_scoped3A : memref<!tpu.dma_semaphore, #tpu.memory_space<semaphore_mem>>) src(%dma_wait3A_311 : memref<2x128xi32, #tpu.memory_space<hbm>>) dst(%dma_wait3A_309 : memref<2x128xi32, #tpu.memory_space<vmem>>)
          tpu.yield
        }) : () -> ()
        %dma_start3A_93 = arith.constant 4 : i32
        %dma_start3A_94 = arith.constant 512 : i32
        %dma_start3A_95 = arith.constant 0 : i32
        %dma_start3A_96 = tpu.memref_slice %arg11[%dma_start3A_94, %dma_start3A_95] : memref<768x64xf32, #tpu.memory_space<vmem>> -> memref<128x64xf32, #tpu.memory_space<vmem>>
        %dma_start3A_97 = arith.constant 0 : i32
        %dma_start3A_98 = tpu.memref_slice %arg9[%dma_start3A_93, %dma_start3A_97] : memref<6x128xi32, #tpu.memory_space<vmem>> -> memref<1x128xi32, #tpu.memory_space<vmem>>
        %dma_start3A_99 = tpu.memref_squeeze %dma_start3A_98 : memref<1x128xi32, #tpu.memory_space<vmem>> -> memref<128xi32, #tpu.memory_space<vmem>>
        %dma_start3A_100 = arith.constant 0 : i32
        %dma_start3A_101 = arith.constant 0 : i32
        %dma_start3A_102 = tpu.memref_slice %arg3[%dma_start3A_100, %dma_start3A_101] : memref<10000x64xf32, #tpu.memory_space<hbm>> -> memref<10000x64xf32, #tpu.memory_space<hbm>>
        tpu.enqueue_indirect_dma source(%dma_start3A_102 : memref<10000x64xf32, #tpu.memory_space<hbm>>) target(%dma_start3A_96 : memref<128x64xf32, #tpu.memory_space<vmem>>) offsets(%dma_start3A_99 : memref<128xi32, #tpu.memory_space<vmem>>) semaphore(%arg15 : memref<!tpu.dma_semaphore, #tpu.memory_space<semaphore_mem>>)
        %dma_start3A_103 = arith.constant 5 : i32
        %dma_start3A_104 = arith.constant 640 : i32
        %dma_start3A_105 = arith.constant 0 : i32
        %dma_start3A_106 = tpu.memref_slice %arg11[%dma_start3A_104, %dma_start3A_105] : memref<768x64xf32, #tpu.memory_space<vmem>> -> memref<128x64xf32, #tpu.memory_space<vmem>>
        %dma_start3A_107 = arith.constant 0 : i32
        %dma_start3A_108 = tpu.memref_slice %arg9[%dma_start3A_103, %dma_start3A_107] : memref<6x128xi32, #tpu.memory_space<vmem>> -> memref<1x128xi32, #tpu.memory_space<vmem>>
        %dma_start3A_109 = tpu.memref_squeeze %dma_start3A_108 : memref<1x128xi32, #tpu.memory_space<vmem>> -> memref<128xi32, #tpu.memory_space<vmem>>
        %dma_start3A_110 = arith.constant 0 : i32
        %dma_start3A_111 = arith.constant 0 : i32
        %dma_start3A_112 = tpu.memref_slice %arg3[%dma_start3A_110, %dma_start3A_111] : memref<10000x64xf32, #tpu.memory_space<hbm>> -> memref<10000x64xf32, #tpu.memory_space<hbm>>
        tpu.enqueue_indirect_dma source(%dma_start3A_112 : memref<10000x64xf32, #tpu.memory_space<hbm>>) target(%dma_start3A_106 : memref<128x64xf32, #tpu.memory_space<vmem>>) offsets(%dma_start3A_109 : memref<128xi32, #tpu.memory_space<vmem>>) semaphore(%arg15 : memref<!tpu.dma_semaphore, #tpu.memory_space<semaphore_mem>>)
        %dma_wait3A = arith.constant 0 : i32
        %dma_wait3A_113 = arith.constant 0 : i32
        %dma_wait3A_114 = arith.constant 0 : i32
        %dma_wait3A_115 = tpu.memref_slice %arg11[%dma_wait3A_113, %dma_wait3A_114] : memref<768x64xf32, #tpu.memory_space<vmem>> -> memref<128x64xf32, #tpu.memory_space<vmem>>
        %dma_wait3A_116 = arith.constant 0 : i32
        %dma_wait3A_117 = tpu.memref_slice %arg9[%dma_wait3A, %dma_wait3A_116] : memref<6x128xi32, #tpu.memory_space<vmem>> -> memref<1x128xi32, #tpu.memory_space<vmem>>
        %dma_wait3A_118 = tpu.memref_squeeze %dma_wait3A_117 : memref<1x128xi32, #tpu.memory_space<vmem>> -> memref<128xi32, #tpu.memory_space<vmem>>
        %dma_wait3A_119 = arith.constant 0 : i32
        %dma_wait3A_120 = arith.constant 0 : i32
        %dma_wait3A_121 = tpu.memref_slice %arg3[%dma_wait3A_119, %dma_wait3A_120] : memref<10000x64xf32, #tpu.memory_space<hbm>> -> memref<10000x64xf32, #tpu.memory_space<hbm>>
        tpu.wait_indirect_dma semaphore(%arg13 : memref<!tpu.dma_semaphore, #tpu.memory_space<semaphore_mem>>) src(%dma_wait3A_121 : memref<10000x64xf32, #tpu.memory_space<hbm>>) dst(%dma_wait3A_115 : memref<128x64xf32, #tpu.memory_space<vmem>>)
        %dma_wait3A_122 = arith.constant 1 : i32
        %dma_wait3A_123 = arith.constant 128 : i32
        %dma_wait3A_124 = arith.constant 0 : i32
        %dma_wait3A_125 = tpu.memref_slice %arg11[%dma_wait3A_123, %dma_wait3A_124] : memref<768x64xf32, #tpu.memory_space<vmem>> -> memref<128x64xf32, #tpu.memory_space<vmem>>
        %dma_wait3A_126 = arith.constant 0 : i32
        %dma_wait3A_127 = tpu.memref_slice %arg9[%dma_wait3A_122, %dma_wait3A_126] : memref<6x128xi32, #tpu.memory_space<vmem>> -> memref<1x128xi32, #tpu.memory_space<vmem>>
        %dma_wait3A_128 = tpu.memref_squeeze %dma_wait3A_127 : memref<1x128xi32, #tpu.memory_space<vmem>> -> memref<128xi32, #tpu.memory_space<vmem>>
        %dma_wait3A_129 = arith.constant 0 : i32
        %dma_wait3A_130 = arith.constant 0 : i32
        %dma_wait3A_131 = tpu.memref_slice %arg3[%dma_wait3A_129, %dma_wait3A_130] : memref<10000x64xf32, #tpu.memory_space<hbm>> -> memref<10000x64xf32, #tpu.memory_space<hbm>>
        tpu.wait_indirect_dma semaphore(%arg13 : memref<!tpu.dma_semaphore, #tpu.memory_space<semaphore_mem>>) src(%dma_wait3A_131 : memref<10000x64xf32, #tpu.memory_space<hbm>>) dst(%dma_wait3A_125 : memref<128x64xf32, #tpu.memory_space<vmem>>)
        %dma_start3A_132 = arith.constant 0 : i32
        %dma_start3A_133 = arith.constant 0 : i32
        %dma_start3A_134 = arith.constant 0 : i32
        %dma_start3A_135 = tpu.memref_slice %arg11[%dma_start3A_133, %dma_start3A_134] : memref<768x64xf32, #tpu.memory_space<vmem>> -> memref<128x64xf32, #tpu.memory_space<vmem>>
        %dma_start3A_136 = arith.constant 0 : i32
        %dma_start3A_137 = tpu.memref_slice %arg10[%dma_start3A_132, %dma_start3A_136] : memref<6x128xi32, #tpu.memory_space<vmem>> -> memref<1x128xi32, #tpu.memory_space<vmem>>
        %dma_start3A_138 = tpu.memref_squeeze %dma_start3A_137 : memref<1x128xi32, #tpu.memory_space<vmem>> -> memref<128xi32, #tpu.memory_space<vmem>>
        %dma_start3A_139 = arith.constant 0 : i32
        %dma_start3A_140 = arith.constant 0 : i32
        %dma_start3A_141 = tpu.memref_slice %arg12[%dma_start3A_139, %dma_start3A_140] : memref<10240x64xf32, #tpu.memory_space<vmem_shared>> -> memref<10240x64xf32, #tpu.memory_space<vmem_shared>>
        tpu.enqueue_indirect_dma source(%dma_start3A_135 : memref<128x64xf32, #tpu.memory_space<vmem>>) target(%dma_start3A_141 : memref<10240x64xf32, #tpu.memory_space<vmem_shared>>) offsets(%dma_start3A_138 : memref<128xi32, #tpu.memory_space<vmem>>) semaphore(%arg16 : memref<!tpu.dma_semaphore, #tpu.memory_space<semaphore_mem>>) {add = true}
        %dma_start3A_142 = arith.constant 1 : i32
        %dma_start3A_143 = arith.constant 128 : i32
        %dma_start3A_144 = arith.constant 0 : i32
        %dma_start3A_145 = tpu.memref_slice %arg11[%dma_start3A_143, %dma_start3A_144] : memref<768x64xf32, #tpu.memory_space<vmem>> -> memref<128x64xf32, #tpu.memory_space<vmem>>
        %dma_start3A_146 = arith.constant 0 : i32
        %dma_start3A_147 = tpu.memref_slice %arg10[%dma_start3A_142, %dma_start3A_146] : memref<6x128xi32, #tpu.memory_space<vmem>> -> memref<1x128xi32, #tpu.memory_space<vmem>>
        %dma_start3A_148 = tpu.memref_squeeze %dma_start3A_147 : memref<1x128xi32, #tpu.memory_space<vmem>> -> memref<128xi32, #tpu.memory_space<vmem>>
        %dma_start3A_149 = arith.constant 0 : i32
        %dma_start3A_150 = arith.constant 0 : i32
        %dma_start3A_151 = tpu.memref_slice %arg12[%dma_start3A_149, %dma_start3A_150] : memref<10240x64xf32, #tpu.memory_space<vmem_shared>> -> memref<10240x64xf32, #tpu.memory_space<vmem_shared>>
        tpu.enqueue_indirect_dma source(%dma_start3A_145 : memref<128x64xf32, #tpu.memory_space<vmem>>) target(%dma_start3A_151 : memref<10240x64xf32, #tpu.memory_space<vmem_shared>>) offsets(%dma_start3A_148 : memref<128xi32, #tpu.memory_space<vmem>>) semaphore(%arg16 : memref<!tpu.dma_semaphore, #tpu.memory_space<semaphore_mem>>) {add = true}
        %dma_wait3A_152 = arith.constant 2 : i32
        %dma_wait3A_153 = arith.constant 256 : i32
        %dma_wait3A_154 = arith.constant 0 : i32
        %dma_wait3A_155 = tpu.memref_slice %arg11[%dma_wait3A_153, %dma_wait3A_154] : memref<768x64xf32, #tpu.memory_space<vmem>> -> memref<128x64xf32, #tpu.memory_space<vmem>>
        %dma_wait3A_156 = arith.constant 0 : i32
        %dma_wait3A_157 = tpu.memref_slice %arg9[%dma_wait3A_152, %dma_wait3A_156] : memref<6x128xi32, #tpu.memory_space<vmem>> -> memref<1x128xi32, #tpu.memory_space<vmem>>
        %dma_wait3A_158 = tpu.memref_squeeze %dma_wait3A_157 : memref<1x128xi32, #tpu.memory_space<vmem>> -> memref<128xi32, #tpu.memory_space<vmem>>
        %dma_wait3A_159 = arith.constant 0 : i32
        %dma_wait3A_160 = arith.constant 0 : i32
        %dma_wait3A_161 = tpu.memref_slice %arg3[%dma_wait3A_159, %dma_wait3A_160] : memref<10000x64xf32, #tpu.memory_space<hbm>> -> memref<10000x64xf32, #tpu.memory_space<hbm>>
        tpu.wait_indirect_dma semaphore(%arg14 : memref<!tpu.dma_semaphore, #tpu.memory_space<semaphore_mem>>) src(%dma_wait3A_161 : memref<10000x64xf32, #tpu.memory_space<hbm>>) dst(%dma_wait3A_155 : memref<128x64xf32, #tpu.memory_space<vmem>>)
        %dma_wait3A_162 = arith.constant 3 : i32
        %dma_wait3A_163 = arith.constant 384 : i32
        %dma_wait3A_164 = arith.constant 0 : i32
        %dma_wait3A_165 = tpu.memref_slice %arg11[%dma_wait3A_163, %dma_wait3A_164] : memref<768x64xf32, #tpu.memory_space<vmem>> -> memref<128x64xf32, #tpu.memory_space<vmem>>
        %dma_wait3A_166 = arith.constant 0 : i32
        %dma_wait3A_167 = tpu.memref_slice %arg9[%dma_wait3A_162, %dma_wait3A_166] : memref<6x128xi32, #tpu.memory_space<vmem>> -> memref<1x128xi32, #tpu.memory_space<vmem>>
        %dma_wait3A_168 = tpu.memref_squeeze %dma_wait3A_167 : memref<1x128xi32, #tpu.memory_space<vmem>> -> memref<128xi32, #tpu.memory_space<vmem>>
        %dma_wait3A_169 = arith.constant 0 : i32
        %dma_wait3A_170 = arith.constant 0 : i32
        %dma_wait3A_171 = tpu.memref_slice %arg3[%dma_wait3A_169, %dma_wait3A_170] : memref<10000x64xf32, #tpu.memory_space<hbm>> -> memref<10000x64xf32, #tpu.memory_space<hbm>>
        tpu.wait_indirect_dma semaphore(%arg14 : memref<!tpu.dma_semaphore, #tpu.memory_space<semaphore_mem>>) src(%dma_wait3A_171 : memref<10000x64xf32, #tpu.memory_space<hbm>>) dst(%dma_wait3A_165 : memref<128x64xf32, #tpu.memory_space<vmem>>)
        %dma_start3A_172 = arith.constant 2 : i32
        %dma_start3A_173 = arith.constant 256 : i32
        %dma_start3A_174 = arith.constant 0 : i32
        %dma_start3A_175 = tpu.memref_slice %arg11[%dma_start3A_173, %dma_start3A_174] : memref<768x64xf32, #tpu.memory_space<vmem>> -> memref<128x64xf32, #tpu.memory_space<vmem>>
        %dma_start3A_176 = arith.constant 0 : i32
        %dma_start3A_177 = tpu.memref_slice %arg10[%dma_start3A_172, %dma_start3A_176] : memref<6x128xi32, #tpu.memory_space<vmem>> -> memref<1x128xi32, #tpu.memory_space<vmem>>
        %dma_start3A_178 = tpu.memref_squeeze %dma_start3A_177 : memref<1x128xi32, #tpu.memory_space<vmem>> -> memref<128xi32, #tpu.memory_space<vmem>>
        %dma_start3A_179 = arith.constant 0 : i32
        %dma_start3A_180 = arith.constant 0 : i32
        %dma_start3A_181 = tpu.memref_slice %arg12[%dma_start3A_179, %dma_start3A_180] : memref<10240x64xf32, #tpu.memory_space<vmem_shared>> -> memref<10240x64xf32, #tpu.memory_space<vmem_shared>>
        tpu.enqueue_indirect_dma source(%dma_start3A_175 : memref<128x64xf32, #tpu.memory_space<vmem>>) target(%dma_start3A_181 : memref<10240x64xf32, #tpu.memory_space<vmem_shared>>) offsets(%dma_start3A_178 : memref<128xi32, #tpu.memory_space<vmem>>) semaphore(%arg16 : memref<!tpu.dma_semaphore, #tpu.memory_space<semaphore_mem>>) {add = true}
        %dma_start3A_182 = arith.constant 3 : i32
        %dma_start3A_183 = arith.constant 384 : i32
        %dma_start3A_184 = arith.constant 0 : i32
        %dma_start3A_185 = tpu.memref_slice %arg11[%dma_start3A_183, %dma_start3A_184] : memref<768x64xf32, #tpu.memory_space<vmem>> -> memref<128x64xf32, #tpu.memory_space<vmem>>
        %dma_start3A_186 = arith.constant 0 : i32
        %dma_start3A_187 = tpu.memref_slice %arg10[%dma_start3A_182, %dma_start3A_186] : memref<6x128xi32, #tpu.memory_space<vmem>> -> memref<1x128xi32, #tpu.memory_space<vmem>>
        %dma_start3A_188 = tpu.memref_squeeze %dma_start3A_187 : memref<1x128xi32, #tpu.memory_space<vmem>> -> memref<128xi32, #tpu.memory_space<vmem>>
        %dma_start3A_189 = arith.constant 0 : i32
        %dma_start3A_190 = arith.constant 0 : i32
        %dma_start3A_191 = tpu.memref_slice %arg12[%dma_start3A_189, %dma_start3A_190] : memref<10240x64xf32, #tpu.memory_space<vmem_shared>> -> memref<10240x64xf32, #tpu.memory_space<vmem_shared>>
        tpu.enqueue_indirect_dma source(%dma_start3A_185 : memref<128x64xf32, #tpu.memory_space<vmem>>) target(%dma_start3A_191 : memref<10240x64xf32, #tpu.memory_space<vmem_shared>>) offsets(%dma_start3A_188 : memref<128xi32, #tpu.memory_space<vmem>>) semaphore(%arg16 : memref<!tpu.dma_semaphore, #tpu.memory_space<semaphore_mem>>) {add = true}
        %dma_wait3A_192 = arith.constant 4 : i32
        %dma_wait3A_193 = arith.constant 512 : i32
        %dma_wait3A_194 = arith.constant 0 : i32
        %dma_wait3A_195 = tpu.memref_slice %arg11[%dma_wait3A_193, %dma_wait3A_194] : memref<768x64xf32, #tpu.memory_space<vmem>> -> memref<128x64xf32, #tpu.memory_space<vmem>>
        %dma_wait3A_196 = arith.constant 0 : i32
        %dma_wait3A_197 = tpu.memref_slice %arg9[%dma_wait3A_192, %dma_wait3A_196] : memref<6x128xi32, #tpu.memory_space<vmem>> -> memref<1x128xi32, #tpu.memory_space<vmem>>
        %dma_wait3A_198 = tpu.memref_squeeze %dma_wait3A_197 : memref<1x128xi32, #tpu.memory_space<vmem>> -> memref<128xi32, #tpu.memory_space<vmem>>
        %dma_wait3A_199 = arith.constant 0 : i32
        %dma_wait3A_200 = arith.constant 0 : i32
        %dma_wait3A_201 = tpu.memref_slice %arg3[%dma_wait3A_199, %dma_wait3A_200] : memref<10000x64xf32, #tpu.memory_space<hbm>> -> memref<10000x64xf32, #tpu.memory_space<hbm>>
        tpu.wait_indirect_dma semaphore(%arg15 : memref<!tpu.dma_semaphore, #tpu.memory_space<semaphore_mem>>) src(%dma_wait3A_201 : memref<10000x64xf32, #tpu.memory_space<hbm>>) dst(%dma_wait3A_195 : memref<128x64xf32, #tpu.memory_space<vmem>>)
        %dma_wait3A_202 = arith.constant 5 : i32
        %dma_wait3A_203 = arith.constant 640 : i32
        %dma_wait3A_204 = arith.constant 0 : i32
        %dma_wait3A_205 = tpu.memref_slice %arg11[%dma_wait3A_203, %dma_wait3A_204] : memref<768x64xf32, #tpu.memory_space<vmem>> -> memref<128x64xf32, #tpu.memory_space<vmem>>
        %dma_wait3A_206 = arith.constant 0 : i32
        %dma_wait3A_207 = tpu.memref_slice %arg9[%dma_wait3A_202, %dma_wait3A_206] : memref<6x128xi32, #tpu.memory_space<vmem>> -> memref<1x128xi32, #tpu.memory_space<vmem>>
        %dma_wait3A_208 = tpu.memref_squeeze %dma_wait3A_207 : memref<1x128xi32, #tpu.memory_space<vmem>> -> memref<128xi32, #tpu.memory_space<vmem>>
        %dma_wait3A_209 = arith.constant 0 : i32
        %dma_wait3A_210 = arith.constant 0 : i32
        %dma_wait3A_211 = tpu.memref_slice %arg3[%dma_wait3A_209, %dma_wait3A_210] : memref<10000x64xf32, #tpu.memory_space<hbm>> -> memref<10000x64xf32, #tpu.memory_space<hbm>>
        tpu.wait_indirect_dma semaphore(%arg15 : memref<!tpu.dma_semaphore, #tpu.memory_space<semaphore_mem>>) src(%dma_wait3A_211 : memref<10000x64xf32, #tpu.memory_space<hbm>>) dst(%dma_wait3A_205 : memref<128x64xf32, #tpu.memory_space<vmem>>)
        %dma_start3A_212 = arith.constant 4 : i32
        %dma_start3A_213 = arith.constant 512 : i32
        %dma_start3A_214 = arith.constant 0 : i32
        %dma_start3A_215 = tpu.memref_slice %arg11[%dma_start3A_213, %dma_start3A_214] : memref<768x64xf32, #tpu.memory_space<vmem>> -> memref<128x64xf32, #tpu.memory_space<vmem>>
        %dma_start3A_216 = arith.constant 0 : i32
        %dma_start3A_217 = tpu.memref_slice %arg10[%dma_start3A_212, %dma_start3A_216] : memref<6x128xi32, #tpu.memory_space<vmem>> -> memref<1x128xi32, #tpu.memory_space<vmem>>
        %dma_start3A_218 = tpu.memref_squeeze %dma_start3A_217 : memref<1x128xi32, #tpu.memory_space<vmem>> -> memref<128xi32, #tpu.memory_space<vmem>>
        %dma_start3A_219 = arith.constant 0 : i32
        %dma_start3A_220 = arith.constant 0 : i32
        %dma_start3A_221 = tpu.memref_slice %arg12[%dma_start3A_219, %dma_start3A_220] : memref<10240x64xf32, #tpu.memory_space<vmem_shared>> -> memref<10240x64xf32, #tpu.memory_space<vmem_shared>>
        tpu.enqueue_indirect_dma source(%dma_start3A_215 : memref<128x64xf32, #tpu.memory_space<vmem>>) target(%dma_start3A_221 : memref<10240x64xf32, #tpu.memory_space<vmem_shared>>) offsets(%dma_start3A_218 : memref<128xi32, #tpu.memory_space<vmem>>) semaphore(%arg16 : memref<!tpu.dma_semaphore, #tpu.memory_space<semaphore_mem>>) {add = true}
        %dma_start3A_222 = arith.constant 5 : i32
        %dma_start3A_223 = arith.constant 640 : i32
        %dma_start3A_224 = arith.constant 0 : i32
        %dma_start3A_225 = tpu.memref_slice %arg11[%dma_start3A_223, %dma_start3A_224] : memref<768x64xf32, #tpu.memory_space<vmem>> -> memref<128x64xf32, #tpu.memory_space<vmem>>
        %dma_start3A_226 = arith.constant 0 : i32
        %dma_start3A_227 = tpu.memref_slice %arg10[%dma_start3A_222, %dma_start3A_226] : memref<6x128xi32, #tpu.memory_space<vmem>> -> memref<1x128xi32, #tpu.memory_space<vmem>>
        %dma_start3A_228 = tpu.memref_squeeze %dma_start3A_227 : memref<1x128xi32, #tpu.memory_space<vmem>> -> memref<128xi32, #tpu.memory_space<vmem>>
        %dma_start3A_229 = arith.constant 0 : i32
        %dma_start3A_230 = arith.constant 0 : i32
        %dma_start3A_231 = tpu.memref_slice %arg12[%dma_start3A_229, %dma_start3A_230] : memref<10240x64xf32, #tpu.memory_space<vmem_shared>> -> memref<10240x64xf32, #tpu.memory_space<vmem_shared>>
        tpu.enqueue_indirect_dma source(%dma_start3A_225 : memref<128x64xf32, #tpu.memory_space<vmem>>) target(%dma_start3A_231 : memref<10240x64xf32, #tpu.memory_space<vmem_shared>>) offsets(%dma_start3A_228 : memref<128xi32, #tpu.memory_space<vmem>>) semaphore(%arg16 : memref<!tpu.dma_semaphore, #tpu.memory_space<semaphore_mem>>) {add = true}
        %dma_wait3A_232 = arith.constant 0 : i32
        %dma_wait3A_233 = arith.constant 0 : i32
        %dma_wait3A_234 = arith.constant 0 : i32
        %dma_wait3A_235 = tpu.memref_slice %arg11[%dma_wait3A_233, %dma_wait3A_234] : memref<768x64xf32, #tpu.memory_space<vmem>> -> memref<128x64xf32, #tpu.memory_space<vmem>>
        %dma_wait3A_236 = arith.constant 0 : i32
        %dma_wait3A_237 = tpu.memref_slice %arg10[%dma_wait3A_232, %dma_wait3A_236] : memref<6x128xi32, #tpu.memory_space<vmem>> -> memref<1x128xi32, #tpu.memory_space<vmem>>
        %dma_wait3A_238 = tpu.memref_squeeze %dma_wait3A_237 : memref<1x128xi32, #tpu.memory_space<vmem>> -> memref<128xi32, #tpu.memory_space<vmem>>
        %dma_wait3A_239 = arith.constant 0 : i32
        %dma_wait3A_240 = arith.constant 0 : i32
        %dma_wait3A_241 = tpu.memref_slice %arg12[%dma_wait3A_239, %dma_wait3A_240] : memref<10240x64xf32, #tpu.memory_space<vmem_shared>> -> memref<10240x64xf32, #tpu.memory_space<vmem_shared>>
        tpu.wait_indirect_dma semaphore(%arg16 : memref<!tpu.dma_semaphore, #tpu.memory_space<semaphore_mem>>) src(%dma_wait3A_235 : memref<128x64xf32, #tpu.memory_space<vmem>>) dst(%dma_wait3A_241 : memref<10240x64xf32, #tpu.memory_space<vmem_shared>>)
        %dma_wait3A_242 = arith.constant 1 : i32
        %dma_wait3A_243 = arith.constant 128 : i32
        %dma_wait3A_244 = arith.constant 0 : i32
        %dma_wait3A_245 = tpu.memref_slice %arg11[%dma_wait3A_243, %dma_wait3A_244] : memref<768x64xf32, #tpu.memory_space<vmem>> -> memref<128x64xf32, #tpu.memory_space<vmem>>
        %dma_wait3A_246 = arith.constant 0 : i32
        %dma_wait3A_247 = tpu.memref_slice %arg10[%dma_wait3A_242, %dma_wait3A_246] : memref<6x128xi32, #tpu.memory_space<vmem>> -> memref<1x128xi32, #tpu.memory_space<vmem>>
        %dma_wait3A_248 = tpu.memref_squeeze %dma_wait3A_247 : memref<1x128xi32, #tpu.memory_space<vmem>> -> memref<128xi32, #tpu.memory_space<vmem>>
        %dma_wait3A_249 = arith.constant 0 : i32
        %dma_wait3A_250 = arith.constant 0 : i32
        %dma_wait3A_251 = tpu.memref_slice %arg12[%dma_wait3A_249, %dma_wait3A_250] : memref<10240x64xf32, #tpu.memory_space<vmem_shared>> -> memref<10240x64xf32, #tpu.memory_space<vmem_shared>>
        tpu.wait_indirect_dma semaphore(%arg16 : memref<!tpu.dma_semaphore, #tpu.memory_space<semaphore_mem>>) src(%dma_wait3A_245 : memref<128x64xf32, #tpu.memory_space<vmem>>) dst(%dma_wait3A_251 : memref<10240x64xf32, #tpu.memory_space<vmem_shared>>)
        %dma_wait3A_252 = arith.constant 2 : i32
        %dma_wait3A_253 = arith.constant 256 : i32
        %dma_wait3A_254 = arith.constant 0 : i32
        %dma_wait3A_255 = tpu.memref_slice %arg11[%dma_wait3A_253, %dma_wait3A_254] : memref<768x64xf32, #tpu.memory_space<vmem>> -> memref<128x64xf32, #tpu.memory_space<vmem>>
        %dma_wait3A_256 = arith.constant 0 : i32
        %dma_wait3A_257 = tpu.memref_slice %arg10[%dma_wait3A_252, %dma_wait3A_256] : memref<6x128xi32, #tpu.memory_space<vmem>> -> memref<1x128xi32, #tpu.memory_space<vmem>>
        %dma_wait3A_258 = tpu.memref_squeeze %dma_wait3A_257 : memref<1x128xi32, #tpu.memory_space<vmem>> -> memref<128xi32, #tpu.memory_space<vmem>>
        %dma_wait3A_259 = arith.constant 0 : i32
        %dma_wait3A_260 = arith.constant 0 : i32
        %dma_wait3A_261 = tpu.memref_slice %arg12[%dma_wait3A_259, %dma_wait3A_260] : memref<10240x64xf32, #tpu.memory_space<vmem_shared>> -> memref<10240x64xf32, #tpu.memory_space<vmem_shared>>
        tpu.wait_indirect_dma semaphore(%arg16 : memref<!tpu.dma_semaphore, #tpu.memory_space<semaphore_mem>>) src(%dma_wait3A_255 : memref<128x64xf32, #tpu.memory_space<vmem>>) dst(%dma_wait3A_261 : memref<10240x64xf32, #tpu.memory_space<vmem_shared>>)
        %dma_wait3A_262 = arith.constant 3 : i32
        %dma_wait3A_263 = arith.constant 384 : i32
        %dma_wait3A_264 = arith.constant 0 : i32
        %dma_wait3A_265 = tpu.memref_slice %arg11[%dma_wait3A_263, %dma_wait3A_264] : memref<768x64xf32, #tpu.memory_space<vmem>> -> memref<128x64xf32, #tpu.memory_space<vmem>>
        %dma_wait3A_266 = arith.constant 0 : i32
        %dma_wait3A_267 = tpu.memref_slice %arg10[%dma_wait3A_262, %dma_wait3A_266] : memref<6x128xi32, #tpu.memory_space<vmem>> -> memref<1x128xi32, #tpu.memory_space<vmem>>
        %dma_wait3A_268 = tpu.memref_squeeze %dma_wait3A_267 : memref<1x128xi32, #tpu.memory_space<vmem>> -> memref<128xi32, #tpu.memory_space<vmem>>
        %dma_wait3A_269 = arith.constant 0 : i32
        %dma_wait3A_270 = arith.constant 0 : i32
        %dma_wait3A_271 = tpu.memref_slice %arg12[%dma_wait3A_269, %dma_wait3A_270] : memref<10240x64xf32, #tpu.memory_space<vmem_shared>> -> memref<10240x64xf32, #tpu.memory_space<vmem_shared>>
        tpu.wait_indirect_dma semaphore(%arg16 : memref<!tpu.dma_semaphore, #tpu.memory_space<semaphore_mem>>) src(%dma_wait3A_265 : memref<128x64xf32, #tpu.memory_space<vmem>>) dst(%dma_wait3A_271 : memref<10240x64xf32, #tpu.memory_space<vmem_shared>>)
        %dma_wait3A_272 = arith.constant 4 : i32
        %dma_wait3A_273 = arith.constant 512 : i32
        %dma_wait3A_274 = arith.constant 0 : i32
        %dma_wait3A_275 = tpu.memref_slice %arg11[%dma_wait3A_273, %dma_wait3A_274] : memref<768x64xf32, #tpu.memory_space<vmem>> -> memref<128x64xf32, #tpu.memory_space<vmem>>
        %dma_wait3A_276 = arith.constant 0 : i32
        %dma_wait3A_277 = tpu.memref_slice %arg10[%dma_wait3A_272, %dma_wait3A_276] : memref<6x128xi32, #tpu.memory_space<vmem>> -> memref<1x128xi32, #tpu.memory_space<vmem>>
        %dma_wait3A_278 = tpu.memref_squeeze %dma_wait3A_277 : memref<1x128xi32, #tpu.memory_space<vmem>> -> memref<128xi32, #tpu.memory_space<vmem>>
        %dma_wait3A_279 = arith.constant 0 : i32
        %dma_wait3A_280 = arith.constant 0 : i32
        %dma_wait3A_281 = tpu.memref_slice %arg12[%dma_wait3A_279, %dma_wait3A_280] : memref<10240x64xf32, #tpu.memory_space<vmem_shared>> -> memref<10240x64xf32, #tpu.memory_space<vmem_shared>>
        tpu.wait_indirect_dma semaphore(%arg16 : memref<!tpu.dma_semaphore, #tpu.memory_space<semaphore_mem>>) src(%dma_wait3A_275 : memref<128x64xf32, #tpu.memory_space<vmem>>) dst(%dma_wait3A_281 : memref<10240x64xf32, #tpu.memory_space<vmem_shared>>)
        %dma_wait3A_282 = arith.constant 5 : i32
        %dma_wait3A_283 = arith.constant 640 : i32
        %dma_wait3A_284 = arith.constant 0 : i32
        %dma_wait3A_285 = tpu.memref_slice %arg11[%dma_wait3A_283, %dma_wait3A_284] : memref<768x64xf32, #tpu.memory_space<vmem>> -> memref<128x64xf32, #tpu.memory_space<vmem>>
        %dma_wait3A_286 = arith.constant 0 : i32
        %dma_wait3A_287 = tpu.memref_slice %arg10[%dma_wait3A_282, %dma_wait3A_286] : memref<6x128xi32, #tpu.memory_space<vmem>> -> memref<1x128xi32, #tpu.memory_space<vmem>>
        %dma_wait3A_288 = tpu.memref_squeeze %dma_wait3A_287 : memref<1x128xi32, #tpu.memory_space<vmem>> -> memref<128xi32, #tpu.memory_space<vmem>>
        %dma_wait3A_289 = arith.constant 0 : i32
        %dma_wait3A_290 = arith.constant 0 : i32
        %dma_wait3A_291 = tpu.memref_slice %arg12[%dma_wait3A_289, %dma_wait3A_290] : memref<10240x64xf32, #tpu.memory_space<vmem_shared>> -> memref<10240x64xf32, #tpu.memory_space<vmem_shared>>
        tpu.wait_indirect_dma semaphore(%arg16 : memref<!tpu.dma_semaphore, #tpu.memory_space<semaphore_mem>>) src(%dma_wait3A_285 : memref<128x64xf32, #tpu.memory_space<vmem>>) dst(%dma_wait3A_291 : memref<10240x64xf32, #tpu.memory_space<vmem_shared>>)
      }
      %scan3A_33 = arith.constant 26 : i32
      %lt3A = arith.constant 4 : i32
      %lt3A_34 = arith.cmpi slt, %arg1, %lt3A : i32
      %convert_element_type3A_35 = arith.extui %lt3A_34 : i1 to i32
      %cond3A_36 = arith.constant 0 : i32
      %cond3A_37 = arith.cmpi ne, %convert_element_type3A_35, %cond3A_36 : i32
      scf.if %cond3A_37 {
        %add3A_38 = arith.constant 156 : i32
        %add3A_39 = arith.addi %add3A, %add3A_38 : i32
        "tpu.region"() ({
          %run_scoped3A_58 = tpu.sem_alloc : memref<!tpu.dma_semaphore, #tpu.memory_space<semaphore_mem>>
          %dma_start3A_59 = arith.constant 0 : i32
          %dma_start3A_60 = arith.constant 0 : i32
          %dma_start3A_61 = tpu.memref_slice %arg9[%dma_start3A_59, %dma_start3A_60] : memref<6x128xi32, #tpu.memory_space<vmem>> -> memref<1x128xi32, #tpu.memory_space<vmem>>
          %dma_start3A_62 = arith.constant 0 : i32
          %dma_start3A_63 = tpu.memref_slice %arg4[%add3A_39, %dma_start3A_62] : memref<2500x128xi32, #tpu.memory_space<hbm>> -> memref<1x128xi32, #tpu.memory_space<hbm>>
          %dma_start3A_64 = arith.constant 0 : i32
          %dma_start3A_65 = arith.constant 0 : i32
          %dma_start3A_66 = tpu.memref_slice %arg9[%dma_start3A_64, %dma_start3A_65] : memref<6x128xi32, #tpu.memory_space<vmem>> -> memref<1x128xi32, #tpu.memory_space<vmem>>
          %dma_start3A_67 = arith.constant 0 : i32
          %dma_start3A_68 = tpu.memref_slice %arg4[%add3A_39, %dma_start3A_67] : memref<2500x128xi32, #tpu.memory_space<hbm>> -> memref<1x128xi32, #tpu.memory_space<hbm>>
          tpu.enqueue_dma source(%dma_start3A_68 : memref<1x128xi32, #tpu.memory_space<hbm>>) target(%dma_start3A_66 : memref<1x128xi32, #tpu.memory_space<vmem>>) target_semaphore(%run_scoped3A_58 : memref<!tpu.dma_semaphore, #tpu.memory_space<semaphore_mem>>)
          %dma_wait3A_69 = arith.constant 0 : i32
          %dma_wait3A_70 = arith.constant 0 : i32
          %dma_wait3A_71 = tpu.memref_slice %arg9[%dma_wait3A_69, %dma_wait3A_70] : memref<6x128xi32, #tpu.memory_space<vmem>> -> memref<1x128xi32, #tpu.memory_space<vmem>>
          %dma_wait3A_72 = arith.constant 0 : i32
          %dma_wait3A_73 = tpu.memref_slice %arg4[%add3A_39, %dma_wait3A_72] : memref<2500x128xi32, #tpu.memory_space<hbm>> -> memref<1x128xi32, #tpu.memory_space<hbm>>
          %dma_wait3A_74 = arith.constant 0 : i32
          %dma_wait3A_75 = arith.constant 0 : i32
          %dma_wait3A_76 = tpu.memref_slice %arg9[%dma_wait3A_74, %dma_wait3A_75] : memref<6x128xi32, #tpu.memory_space<vmem>> -> memref<1x128xi32, #tpu.memory_space<vmem>>
          %dma_wait3A_77 = arith.constant 0 : i32
          %dma_wait3A_78 = tpu.memref_slice %arg4[%add3A_39, %dma_wait3A_77] : memref<2500x128xi32, #tpu.memory_space<hbm>> -> memref<1x128xi32, #tpu.memory_space<hbm>>
          tpu.wait_dma2 semaphore(%run_scoped3A_58 : memref<!tpu.dma_semaphore, #tpu.memory_space<semaphore_mem>>) src(%dma_wait3A_78 : memref<1x128xi32, #tpu.memory_space<hbm>>) dst(%dma_wait3A_76 : memref<1x128xi32, #tpu.memory_space<vmem>>)
          tpu.yield
        }) : () -> ()
        "tpu.region"() ({
          %run_scoped3A_58 = tpu.sem_alloc : memref<!tpu.dma_semaphore, #tpu.memory_space<semaphore_mem>>
          %dma_start3A_59 = arith.constant 0 : i32
          %dma_start3A_60 = arith.constant 0 : i32
          %dma_start3A_61 = tpu.memref_slice %arg10[%dma_start3A_59, %dma_start3A_60] : memref<6x128xi32, #tpu.memory_space<vmem>> -> memref<1x128xi32, #tpu.memory_space<vmem>>
          %dma_start3A_62 = arith.constant 0 : i32
          %dma_start3A_63 = tpu.memref_slice %arg5[%add3A_39, %dma_start3A_62] : memref<2500x128xi32, #tpu.memory_space<hbm>> -> memref<1x128xi32, #tpu.memory_space<hbm>>
          %dma_start3A_64 = arith.constant 0 : i32
          %dma_start3A_65 = arith.constant 0 : i32
          %dma_start3A_66 = tpu.memref_slice %arg10[%dma_start3A_64, %dma_start3A_65] : memref<6x128xi32, #tpu.memory_space<vmem>> -> memref<1x128xi32, #tpu.memory_space<vmem>>
          %dma_start3A_67 = arith.constant 0 : i32
          %dma_start3A_68 = tpu.memref_slice %arg5[%add3A_39, %dma_start3A_67] : memref<2500x128xi32, #tpu.memory_space<hbm>> -> memref<1x128xi32, #tpu.memory_space<hbm>>
          tpu.enqueue_dma source(%dma_start3A_68 : memref<1x128xi32, #tpu.memory_space<hbm>>) target(%dma_start3A_66 : memref<1x128xi32, #tpu.memory_space<vmem>>) target_semaphore(%run_scoped3A_58 : memref<!tpu.dma_semaphore, #tpu.memory_space<semaphore_mem>>)
          %dma_wait3A_69 = arith.constant 0 : i32
          %dma_wait3A_70 = arith.constant 0 : i32
          %dma_wait3A_71 = tpu.memref_slice %arg10[%dma_wait3A_69, %dma_wait3A_70] : memref<6x128xi32, #tpu.memory_space<vmem>> -> memref<1x128xi32, #tpu.memory_space<vmem>>
          %dma_wait3A_72 = arith.constant 0 : i32
          %dma_wait3A_73 = tpu.memref_slice %arg5[%add3A_39, %dma_wait3A_72] : memref<2500x128xi32, #tpu.memory_space<hbm>> -> memref<1x128xi32, #tpu.memory_space<hbm>>
          %dma_wait3A_74 = arith.constant 0 : i32
          %dma_wait3A_75 = arith.constant 0 : i32
          %dma_wait3A_76 = tpu.memref_slice %arg10[%dma_wait3A_74, %dma_wait3A_75] : memref<6x128xi32, #tpu.memory_space<vmem>> -> memref<1x128xi32, #tpu.memory_space<vmem>>
          %dma_wait3A_77 = arith.constant 0 : i32
          %dma_wait3A_78 = tpu.memref_slice %arg5[%add3A_39, %dma_wait3A_77] : memref<2500x128xi32, #tpu.memory_space<hbm>> -> memref<1x128xi32, #tpu.memory_space<hbm>>
          tpu.wait_dma2 semaphore(%run_scoped3A_58 : memref<!tpu.dma_semaphore, #tpu.memory_space<semaphore_mem>>) src(%dma_wait3A_78 : memref<1x128xi32, #tpu.memory_space<hbm>>) dst(%dma_wait3A_76 : memref<1x128xi32, #tpu.memory_space<vmem>>)
          tpu.yield
        }) : () -> ()
        %dma_start3A = arith.constant 0 : i32
        %dma_start3A_40 = arith.constant 0 : i32
        %dma_start3A_41 = arith.constant 0 : i32
        %dma_start3A_42 = tpu.memref_slice %arg11[%dma_start3A_40, %dma_start3A_41] : memref<768x64xf32, #tpu.memory_space<vmem>> -> memref<128x64xf32, #tpu.memory_space<vmem>>
        %dma_start3A_43 = arith.constant 0 : i32
        %dma_start3A_44 = tpu.memref_slice %arg9[%dma_start3A, %dma_start3A_43] : memref<6x128xi32, #tpu.memory_space<vmem>> -> memref<1x128xi32, #tpu.memory_space<vmem>>
        %dma_start3A_45 = tpu.memref_squeeze %dma_start3A_44 : memref<1x128xi32, #tpu.memory_space<vmem>> -> memref<128xi32, #tpu.memory_space<vmem>>
        %dma_start3A_46 = arith.constant 0 : i32
        %dma_start3A_47 = arith.constant 0 : i32
        %dma_start3A_48 = tpu.memref_slice %arg3[%dma_start3A_46, %dma_start3A_47] : memref<10000x64xf32, #tpu.memory_space<hbm>> -> memref<10000x64xf32, #tpu.memory_space<hbm>>
        tpu.enqueue_indirect_dma source(%dma_start3A_48 : memref<10000x64xf32, #tpu.memory_space<hbm>>) target(%dma_start3A_42 : memref<128x64xf32, #tpu.memory_space<vmem>>) offsets(%dma_start3A_45 : memref<128xi32, #tpu.memory_space<vmem>>) semaphore(%arg13 : memref<!tpu.dma_semaphore, #tpu.memory_space<semaphore_mem>>)
        %dma_wait3A = arith.constant 0 : i32
        %dma_wait3A_49 = arith.constant 0 : i32
        %dma_wait3A_50 = arith.constant 0 : i32
        %dma_wait3A_51 = tpu.memref_slice %arg11[%dma_wait3A_49, %dma_wait3A_50] : memref<768x64xf32, #tpu.memory_space<vmem>> -> memref<128x64xf32, #tpu.memory_space<vmem>>
        %dma_wait3A_52 = arith.constant 0 : i32
        %dma_wait3A_53 = tpu.memref_slice %arg9[%dma_wait3A, %dma_wait3A_52] : memref<6x128xi32, #tpu.memory_space<vmem>> -> memref<1x128xi32, #tpu.memory_space<vmem>>
        %dma_wait3A_54 = tpu.memref_squeeze %dma_wait3A_53 : memref<1x128xi32, #tpu.memory_space<vmem>> -> memref<128xi32, #tpu.memory_space<vmem>>
        %dma_wait3A_55 = arith.constant 0 : i32
        %dma_wait3A_56 = arith.constant 0 : i32
        %dma_wait3A_57 = tpu.memref_slice %arg3[%dma_wait3A_55, %dma_wait3A_56] : memref<10000x64xf32, #tpu.memory_space<hbm>> -> memref<10000x64xf32, #tpu.memory_space<hbm>>
        tpu.wait_indirect_dma semaphore(%arg13 : memref<!tpu.dma_semaphore, #tpu.memory_space<semaphore_mem>>) src(%dma_wait3A_57 : memref<10000x64xf32, #tpu.memory_space<hbm>>) dst(%dma_wait3A_51 : memref<128x64xf32, #tpu.memory_space<vmem>>)
        %run_scoped3A = arith.constant 0 : i32
        "tpu.region"() ({
          %run_scoped3A_58 = tpu.sem_alloc : memref<!tpu.dma_semaphore, #tpu.memory_space<semaphore_mem>>
          %dma_start3A_59 = arith.constant 0 : i32
          %dma_start3A_60 = arith.constant 0 : i32
          %dma_start3A_61 = tpu.memref_slice %arg11[%dma_start3A_59, %dma_start3A_60] : memref<768x64xf32, #tpu.memory_space<vmem>> -> memref<128x64xf32, #tpu.memory_space<vmem>>
          %dma_start3A_62 = arith.constant 0 : i32
          %dma_start3A_63 = tpu.memref_slice %arg10[%run_scoped3A, %dma_start3A_62] : memref<6x128xi32, #tpu.memory_space<vmem>> -> memref<1x128xi32, #tpu.memory_space<vmem>>
          %dma_start3A_64 = tpu.memref_squeeze %dma_start3A_63 : memref<1x128xi32, #tpu.memory_space<vmem>> -> memref<128xi32, #tpu.memory_space<vmem>>
          %dma_start3A_65 = arith.constant 0 : i32
          %dma_start3A_66 = arith.constant 0 : i32
          %dma_start3A_67 = tpu.memref_slice %arg12[%dma_start3A_65, %dma_start3A_66] : memref<10240x64xf32, #tpu.memory_space<vmem_shared>> -> memref<10240x64xf32, #tpu.memory_space<vmem_shared>>
          tpu.enqueue_indirect_dma source(%dma_start3A_61 : memref<128x64xf32, #tpu.memory_space<vmem>>) target(%dma_start3A_67 : memref<10240x64xf32, #tpu.memory_space<vmem_shared>>) offsets(%dma_start3A_64 : memref<128xi32, #tpu.memory_space<vmem>>) semaphore(%run_scoped3A_58 : memref<!tpu.dma_semaphore, #tpu.memory_space<semaphore_mem>>) {add = true}
          %dma_wait3A_68 = arith.constant 0 : i32
          %dma_wait3A_69 = arith.constant 0 : i32
          %dma_wait3A_70 = tpu.memref_slice %arg11[%dma_wait3A_68, %dma_wait3A_69] : memref<768x64xf32, #tpu.memory_space<vmem>> -> memref<128x64xf32, #tpu.memory_space<vmem>>
          %dma_wait3A_71 = arith.constant 0 : i32
          %dma_wait3A_72 = tpu.memref_slice %arg10[%run_scoped3A, %dma_wait3A_71] : memref<6x128xi32, #tpu.memory_space<vmem>> -> memref<1x128xi32, #tpu.memory_space<vmem>>
          %dma_wait3A_73 = tpu.memref_squeeze %dma_wait3A_72 : memref<1x128xi32, #tpu.memory_space<vmem>> -> memref<128xi32, #tpu.memory_space<vmem>>
          %dma_wait3A_74 = arith.constant 0 : i32
          %dma_wait3A_75 = arith.constant 0 : i32
          %dma_wait3A_76 = tpu.memref_slice %arg12[%dma_wait3A_74, %dma_wait3A_75] : memref<10240x64xf32, #tpu.memory_space<vmem_shared>> -> memref<10240x64xf32, #tpu.memory_space<vmem_shared>>
          tpu.wait_indirect_dma semaphore(%run_scoped3A_58 : memref<!tpu.dma_semaphore, #tpu.memory_space<semaphore_mem>>) src(%dma_wait3A_70 : memref<128x64xf32, #tpu.memory_space<vmem>>) dst(%dma_wait3A_76 : memref<10240x64xf32, #tpu.memory_space<vmem_shared>>)
          tpu.yield
        }) : () -> ()
      } else {
      }
    } else {
    }
    %barrier3A_14 = arith.constant 0 : index
    tpu.barrier barrier_id(%barrier3A_14)
    %eq3A_15 = arith.constant 0 : i32
    %eq3A_16 = arith.cmpi eq, %arg0, %eq3A_15 : i32
    %eq3A_17 = arith.constant 0 : i32
    %eq3A_18 = arith.cmpi eq, %arg1, %eq3A_17 : i32
    %and3A = arith.andi %eq3A_16, %eq3A_18 : i1
    %convert_element_type3A_19 = arith.extui %and3A : i1 to i32
    %cond3A_20 = arith.constant 0 : i32
    %cond3A_21 = arith.cmpi ne, %convert_element_type3A_19, %cond3A_20 : i32
    scf.if %cond3A_21 {
      "tpu.region"() ({
        %run_scoped3A = tpu.sem_alloc : memref<!tpu.dma_semaphore, #tpu.memory_space<semaphore_mem>>
        tpu.enqueue_dma source(%arg12 : memref<10240x64xf32, #tpu.memory_space<vmem_shared>>) target(%arg7 : memref<10240x64xf32, #tpu.memory_space<hbm>>) target_semaphore(%run_scoped3A : memref<!tpu.dma_semaphore, #tpu.memory_space<semaphore_mem>>)
        tpu.wait_dma2 semaphore(%run_scoped3A : memref<!tpu.dma_semaphore, #tpu.memory_space<semaphore_mem>>) src(%arg12 : memref<10240x64xf32, #tpu.memory_space<vmem_shared>>) dst(%arg7 : memref<10240x64xf32, #tpu.memory_space<hbm>>)
        tpu.yield
      }) : () -> ()
    } else {
    }
    %eq3A_22 = arith.constant 1 : i32
    %eq3A_23 = arith.cmpi eq, %arg0, %eq3A_22 : i32
    %eq3A_24 = arith.constant 0 : i32
    %eq3A_25 = arith.cmpi eq, %arg1, %eq3A_24 : i32
    %and3A_26 = arith.andi %eq3A_23, %eq3A_25 : i1
    %convert_element_type3A_27 = arith.extui %and3A_26 : i1 to i32
    %cond3A_28 = arith.constant 0 : i32
    %cond3A_29 = arith.cmpi ne, %convert_element_type3A_27, %cond3A_28 : i32
    scf.if %cond3A_29 {
      "tpu.region"() ({
        %run_scoped3A = tpu.sem_alloc : memref<!tpu.dma_semaphore, #tpu.memory_space<semaphore_mem>>
        tpu.enqueue_dma source(%arg12 : memref<10240x64xf32, #tpu.memory_space<vmem_shared>>) target(%arg8 : memref<10240x64xf32, #tpu.memory_space<hbm>>) target_semaphore(%run_scoped3A : memref<!tpu.dma_semaphore, #tpu.memory_space<semaphore_mem>>)
        tpu.wait_dma2 semaphore(%run_scoped3A : memref<!tpu.dma_semaphore, #tpu.memory_space<semaphore_mem>>) src(%arg12 : memref<10240x64xf32, #tpu.memory_space<vmem_shared>>) dst(%arg8 : memref<10240x64xf32, #tpu.memory_space<hbm>>)
        tpu.yield
      }) : () -> ()
    } else {
    }
    return
  }
}

#map = affine_map<(d0, d1) -> (0, 0)>
module attributes {stable_mosaic.version = 14 : i64} {
  func.func @_spmm_body(%arg0: i32, %arg1: i32, %arg2: memref<10000x64xf32, #tpu.memory_space<hbm>>, %arg3: memref<10000x64xf32, #tpu.memory_space<hbm>>, %arg4: memref<2500x128xi32, #tpu.memory_space<hbm>>, %arg5: memref<2500x128xi32, #tpu.memory_space<hbm>>, %arg6: memref<10240x64xf32, #tpu.memory_space<hbm>>, %arg7: memref<10240x64xf32, #tpu.memory_space<hbm>>, %arg8: memref<10240x64xf32, #tpu.memory_space<hbm>>, %arg9: memref<6x128xi32, #tpu.memory_space<vmem>>, %arg10: memref<6x128xi32, #tpu.memory_space<vmem>>, %arg11: memref<768x64xf32, #tpu.memory_space<vmem>>, %arg12: memref<10240x64xf32, #tpu.memory_space<vmem_shared>>, %arg13: memref<!tpu.dma_semaphore, #tpu.memory_space<semaphore_mem>>, %arg14: memref<!tpu.dma_semaphore, #tpu.memory_space<semaphore_mem>>, %arg15: memref<!tpu.dma_semaphore, #tpu.memory_space<semaphore_mem>>, %arg16: memref<!tpu.dma_semaphore, #tpu.memory_space<semaphore_mem>>) attributes {dimension_semantics = [#tpu.dimension_semantics<core_parallel>, #tpu.dimension_semantics<subcore_parallel>], iteration_bounds = array<i64: 2, 16>, scalar_prefetch = 0 : i64, scratch_operands = 8 : i64, tpu.core_type = #tpu.core_type<sc_vector_subcore>, window_params = [{transform_indices = #map}, {transform_indices = #map}, {transform_indices = #map}, {transform_indices = #map}, {transform_indices = #map}, {transform_indices = #map}, {transform_indices = #map}]} {
    %eq3A = arith.constant 0 : i32
    %eq3A_0 = arith.cmpi eq, %arg1, %eq3A : i32
    %convert_element_type3A = arith.extui %eq3A_0 : i1 to i32
    %cond3A = arith.constant 0 : i32
    %cond3A_1 = arith.cmpi ne, %convert_element_type3A, %cond3A : i32
    scf.if %cond3A_1 {
      "tpu.region"() ({
        %run_scoped3A = tpu.sem_alloc : memref<!tpu.dma_semaphore, #tpu.memory_space<semaphore_mem>>
        tpu.enqueue_dma source(%arg6 : memref<10240x64xf32, #tpu.memory_space<hbm>>) target(%arg12 : memref<10240x64xf32, #tpu.memory_space<vmem_shared>>) target_semaphore(%run_scoped3A : memref<!tpu.dma_semaphore, #tpu.memory_space<semaphore_mem>>)
        tpu.wait_dma2 semaphore(%run_scoped3A : memref<!tpu.dma_semaphore, #tpu.memory_space<semaphore_mem>>) src(%arg6 : memref<10240x64xf32, #tpu.memory_space<hbm>>) dst(%arg12 : memref<10240x64xf32, #tpu.memory_space<vmem_shared>>)
        tpu.yield
      }) : () -> ()
    } else {
    }
    %barrier3A = arith.constant 0 : index
    tpu.barrier barrier_id(%barrier3A)
    %mul3A = arith.constant 156 : i32
    %mul3A_2 = arith.muli %arg1, %mul3A : i32
    %min3A = arith.constant 4 : i32
    %min3A_3 = arith.minsi %arg1, %min3A : i32
    %add3A = arith.addi %mul3A_2, %min3A_3 : i32
    %eq3A_4 = arith.constant 0 : i32
    %eq3A_5 = arith.cmpi eq, %arg0, %eq3A_4 : i32
    %convert_element_type3A_6 = arith.extui %eq3A_5 : i1 to i32
    %cond3A_7 = arith.constant 0 : i32
    %cond3A_8 = arith.cmpi ne, %convert_element_type3A_6, %cond3A_7 : i32
    scf.if %cond3A_8 {
      %scan3A = arith.constant 0 : i32
      %scan3A_30 = arith.constant 26 : i32
      %scan3A_31 = arith.addi %scan3A, %scan3A_30 : i32
      %scan3A_32 = arith.constant 1 : i32
      scf.for %scan3A_38 = %scan3A to %scan3A_31 step %scan3A_32  : i32 {
        %mul3A_39 = arith.constant 6 : i32
        %mul3A_40 = arith.muli %scan3A_38, %mul3A_39 : i32
        %add3A_41 = arith.addi %add3A, %mul3A_40 : i32
        %add3A_42 = arith.constant 0 : i32
        %add3A_43 = arith.addi %add3A_41, %add3A_42 : i32
        "tpu.region"() ({
          %run_scoped3A = tpu.sem_alloc : memref<!tpu.dma_semaphore, #tpu.memory_space<semaphore_mem>>
          %dma_start3A_292 = arith.constant 0 : i32
          %dma_start3A_293 = arith.constant 0 : i32
          %dma_start3A_294 = tpu.memref_slice %arg9[%dma_start3A_292, %dma_start3A_293] : memref<6x128xi32, #tpu.memory_space<vmem>> -> memref<2x128xi32, #tpu.memory_space<vmem>>
          %dma_start3A_295 = arith.constant 0 : i32
          %dma_start3A_296 = tpu.memref_slice %arg4[%add3A_43, %dma_start3A_295] : memref<2500x128xi32, #tpu.memory_space<hbm>> -> memref<2x128xi32, #tpu.memory_space<hbm>>
          %dma_start3A_297 = arith.constant 0 : i32
          %dma_start3A_298 = arith.constant 0 : i32
          %dma_start3A_299 = tpu.memref_slice %arg9[%dma_start3A_297, %dma_start3A_298] : memref<6x128xi32, #tpu.memory_space<vmem>> -> memref<2x128xi32, #tpu.memory_space<vmem>>
          %dma_start3A_300 = arith.constant 0 : i32
          %dma_start3A_301 = tpu.memref_slice %arg4[%add3A_43, %dma_start3A_300] : memref<2500x128xi32, #tpu.memory_space<hbm>> -> memref<2x128xi32, #tpu.memory_space<hbm>>
          tpu.enqueue_dma source(%dma_start3A_301 : memref<2x128xi32, #tpu.memory_space<hbm>>) target(%dma_start3A_299 : memref<2x128xi32, #tpu.memory_space<vmem>>) target_semaphore(%run_scoped3A : memref<!tpu.dma_semaphore, #tpu.memory_space<semaphore_mem>>)
          %dma_wait3A_302 = arith.constant 0 : i32
          %dma_wait3A_303 = arith.constant 0 : i32
          %dma_wait3A_304 = tpu.memref_slice %arg9[%dma_wait3A_302, %dma_wait3A_303] : memref<6x128xi32, #tpu.memory_space<vmem>> -> memref<2x128xi32, #tpu.memory_space<vmem>>
          %dma_wait3A_305 = arith.constant 0 : i32
          %dma_wait3A_306 = tpu.memref_slice %arg4[%add3A_43, %dma_wait3A_305] : memref<2500x128xi32, #tpu.memory_space<hbm>> -> memref<2x128xi32, #tpu.memory_space<hbm>>
          %dma_wait3A_307 = arith.constant 0 : i32
          %dma_wait3A_308 = arith.constant 0 : i32
          %dma_wait3A_309 = tpu.memref_slice %arg9[%dma_wait3A_307, %dma_wait3A_308] : memref<6x128xi32, #tpu.memory_space<vmem>> -> memref<2x128xi32, #tpu.memory_space<vmem>>
          %dma_wait3A_310 = arith.constant 0 : i32
          %dma_wait3A_311 = tpu.memref_slice %arg4[%add3A_43, %dma_wait3A_310] : memref<2500x128xi32, #tpu.memory_space<hbm>> -> memref<2x128xi32, #tpu.memory_space<hbm>>
          tpu.wait_dma2 semaphore(%run_scoped3A : memref<!tpu.dma_semaphore, #tpu.memory_space<semaphore_mem>>) src(%dma_wait3A_311 : memref<2x128xi32, #tpu.memory_space<hbm>>) dst(%dma_wait3A_309 : memref<2x128xi32, #tpu.memory_space<vmem>>)
          tpu.yield
        }) : () -> ()
        %add3A_44 = arith.constant 0 : i32
        %add3A_45 = arith.addi %add3A_41, %add3A_44 : i32
        "tpu.region"() ({
          %run_scoped3A = tpu.sem_alloc : memref<!tpu.dma_semaphore, #tpu.memory_space<semaphore_mem>>
          %dma_start3A_292 = arith.constant 0 : i32
          %dma_start3A_293 = arith.constant 0 : i32
          %dma_start3A_294 = tpu.memref_slice %arg10[%dma_start3A_292, %dma_start3A_293] : memref<6x128xi32, #tpu.memory_space<vmem>> -> memref<2x128xi32, #tpu.memory_space<vmem>>
          %dma_start3A_295 = arith.constant 0 : i32
          %dma_start3A_296 = tpu.memref_slice %arg5[%add3A_45, %dma_start3A_295] : memref<2500x128xi32, #tpu.memory_space<hbm>> -> memref<2x128xi32, #tpu.memory_space<hbm>>
          %dma_start3A_297 = arith.constant 0 : i32
          %dma_start3A_298 = arith.constant 0 : i32
          %dma_start3A_299 = tpu.memref_slice %arg10[%dma_start3A_297, %dma_start3A_298] : memref<6x128xi32, #tpu.memory_space<vmem>> -> memref<2x128xi32, #tpu.memory_space<vmem>>
          %dma_start3A_300 = arith.constant 0 : i32
          %dma_start3A_301 = tpu.memref_slice %arg5[%add3A_45, %dma_start3A_300] : memref<2500x128xi32, #tpu.memory_space<hbm>> -> memref<2x128xi32, #tpu.memory_space<hbm>>
          tpu.enqueue_dma source(%dma_start3A_301 : memref<2x128xi32, #tpu.memory_space<hbm>>) target(%dma_start3A_299 : memref<2x128xi32, #tpu.memory_space<vmem>>) target_semaphore(%run_scoped3A : memref<!tpu.dma_semaphore, #tpu.memory_space<semaphore_mem>>)
          %dma_wait3A_302 = arith.constant 0 : i32
          %dma_wait3A_303 = arith.constant 0 : i32
          %dma_wait3A_304 = tpu.memref_slice %arg10[%dma_wait3A_302, %dma_wait3A_303] : memref<6x128xi32, #tpu.memory_space<vmem>> -> memref<2x128xi32, #tpu.memory_space<vmem>>
          %dma_wait3A_305 = arith.constant 0 : i32
          %dma_wait3A_306 = tpu.memref_slice %arg5[%add3A_45, %dma_wait3A_305] : memref<2500x128xi32, #tpu.memory_space<hbm>> -> memref<2x128xi32, #tpu.memory_space<hbm>>
          %dma_wait3A_307 = arith.constant 0 : i32
          %dma_wait3A_308 = arith.constant 0 : i32
          %dma_wait3A_309 = tpu.memref_slice %arg10[%dma_wait3A_307, %dma_wait3A_308] : memref<6x128xi32, #tpu.memory_space<vmem>> -> memref<2x128xi32, #tpu.memory_space<vmem>>
          %dma_wait3A_310 = arith.constant 0 : i32
          %dma_wait3A_311 = tpu.memref_slice %arg5[%add3A_45, %dma_wait3A_310] : memref<2500x128xi32, #tpu.memory_space<hbm>> -> memref<2x128xi32, #tpu.memory_space<hbm>>
          tpu.wait_dma2 semaphore(%run_scoped3A : memref<!tpu.dma_semaphore, #tpu.memory_space<semaphore_mem>>) src(%dma_wait3A_311 : memref<2x128xi32, #tpu.memory_space<hbm>>) dst(%dma_wait3A_309 : memref<2x128xi32, #tpu.memory_space<vmem>>)
          tpu.yield
        }) : () -> ()
        %dma_start3A = arith.constant 0 : i32
        %dma_start3A_46 = arith.constant 0 : i32
        %dma_start3A_47 = arith.constant 0 : i32
        %dma_start3A_48 = tpu.memref_slice %arg11[%dma_start3A_46, %dma_start3A_47] : memref<768x64xf32, #tpu.memory_space<vmem>> -> memref<128x64xf32, #tpu.memory_space<vmem>>
        %dma_start3A_49 = arith.constant 0 : i32
        %dma_start3A_50 = tpu.memref_slice %arg9[%dma_start3A, %dma_start3A_49] : memref<6x128xi32, #tpu.memory_space<vmem>> -> memref<1x128xi32, #tpu.memory_space<vmem>>
        %dma_start3A_51 = tpu.memref_squeeze %dma_start3A_50 : memref<1x128xi32, #tpu.memory_space<vmem>> -> memref<128xi32, #tpu.memory_space<vmem>>
        %dma_start3A_52 = arith.constant 0 : i32
        %dma_start3A_53 = arith.constant 0 : i32
        %dma_start3A_54 = tpu.memref_slice %arg2[%dma_start3A_52, %dma_start3A_53] : memref<10000x64xf32, #tpu.memory_space<hbm>> -> memref<10000x64xf32, #tpu.memory_space<hbm>>
        tpu.enqueue_indirect_dma source(%dma_start3A_54 : memref<10000x64xf32, #tpu.memory_space<hbm>>) target(%dma_start3A_48 : memref<128x64xf32, #tpu.memory_space<vmem>>) offsets(%dma_start3A_51 : memref<128xi32, #tpu.memory_space<vmem>>) semaphore(%arg13 : memref<!tpu.dma_semaphore, #tpu.memory_space<semaphore_mem>>)
        %dma_start3A_55 = arith.constant 1 : i32
        %dma_start3A_56 = arith.constant 128 : i32
        %dma_start3A_57 = arith.constant 0 : i32
        %dma_start3A_58 = tpu.memref_slice %arg11[%dma_start3A_56, %dma_start3A_57] : memref<768x64xf32, #tpu.memory_space<vmem>> -> memref<128x64xf32, #tpu.memory_space<vmem>>
        %dma_start3A_59 = arith.constant 0 : i32
        %dma_start3A_60 = tpu.memref_slice %arg9[%dma_start3A_55, %dma_start3A_59] : memref<6x128xi32, #tpu.memory_space<vmem>> -> memref<1x128xi32, #tpu.memory_space<vmem>>
        %dma_start3A_61 = tpu.memref_squeeze %dma_start3A_60 : memref<1x128xi32, #tpu.memory_space<vmem>> -> memref<128xi32, #tpu.memory_space<vmem>>
        %dma_start3A_62 = arith.constant 0 : i32
        %dma_start3A_63 = arith.constant 0 : i32
        %dma_start3A_64 = tpu.memref_slice %arg2[%dma_start3A_62, %dma_start3A_63] : memref<10000x64xf32, #tpu.memory_space<hbm>> -> memref<10000x64xf32, #tpu.memory_space<hbm>>
        tpu.enqueue_indirect_dma source(%dma_start3A_64 : memref<10000x64xf32, #tpu.memory_space<hbm>>) target(%dma_start3A_58 : memref<128x64xf32, #tpu.memory_space<vmem>>) offsets(%dma_start3A_61 : memref<128xi32, #tpu.memory_space<vmem>>) semaphore(%arg13 : memref<!tpu.dma_semaphore, #tpu.memory_space<semaphore_mem>>)
        %add3A_65 = arith.constant 2 : i32
        %add3A_66 = arith.addi %add3A_41, %add3A_65 : i32
        "tpu.region"() ({
          %run_scoped3A = tpu.sem_alloc : memref<!tpu.dma_semaphore, #tpu.memory_space<semaphore_mem>>
          %dma_start3A_292 = arith.constant 2 : i32
          %dma_start3A_293 = arith.constant 0 : i32
          %dma_start3A_294 = tpu.memref_slice %arg9[%dma_start3A_292, %dma_start3A_293] : memref<6x128xi32, #tpu.memory_space<vmem>> -> memref<2x128xi32, #tpu.memory_space<vmem>>
          %dma_start3A_295 = arith.constant 0 : i32
          %dma_start3A_296 = tpu.memref_slice %arg4[%add3A_66, %dma_start3A_295] : memref<2500x128xi32, #tpu.memory_space<hbm>> -> memref<2x128xi32, #tpu.memory_space<hbm>>
          %dma_start3A_297 = arith.constant 2 : i32
          %dma_start3A_298 = arith.constant 0 : i32
          %dma_start3A_299 = tpu.memref_slice %arg9[%dma_start3A_297, %dma_start3A_298] : memref<6x128xi32, #tpu.memory_space<vmem>> -> memref<2x128xi32, #tpu.memory_space<vmem>>
          %dma_start3A_300 = arith.constant 0 : i32
          %dma_start3A_301 = tpu.memref_slice %arg4[%add3A_66, %dma_start3A_300] : memref<2500x128xi32, #tpu.memory_space<hbm>> -> memref<2x128xi32, #tpu.memory_space<hbm>>
          tpu.enqueue_dma source(%dma_start3A_301 : memref<2x128xi32, #tpu.memory_space<hbm>>) target(%dma_start3A_299 : memref<2x128xi32, #tpu.memory_space<vmem>>) target_semaphore(%run_scoped3A : memref<!tpu.dma_semaphore, #tpu.memory_space<semaphore_mem>>)
          %dma_wait3A_302 = arith.constant 2 : i32
          %dma_wait3A_303 = arith.constant 0 : i32
          %dma_wait3A_304 = tpu.memref_slice %arg9[%dma_wait3A_302, %dma_wait3A_303] : memref<6x128xi32, #tpu.memory_space<vmem>> -> memref<2x128xi32, #tpu.memory_space<vmem>>
          %dma_wait3A_305 = arith.constant 0 : i32
          %dma_wait3A_306 = tpu.memref_slice %arg4[%add3A_66, %dma_wait3A_305] : memref<2500x128xi32, #tpu.memory_space<hbm>> -> memref<2x128xi32, #tpu.memory_space<hbm>>
          %dma_wait3A_307 = arith.constant 2 : i32
          %dma_wait3A_308 = arith.constant 0 : i32
          %dma_wait3A_309 = tpu.memref_slice %arg9[%dma_wait3A_307, %dma_wait3A_308] : memref<6x128xi32, #tpu.memory_space<vmem>> -> memref<2x128xi32, #tpu.memory_space<vmem>>
          %dma_wait3A_310 = arith.constant 0 : i32
          %dma_wait3A_311 = tpu.memref_slice %arg4[%add3A_66, %dma_wait3A_310] : memref<2500x128xi32, #tpu.memory_space<hbm>> -> memref<2x128xi32, #tpu.memory_space<hbm>>
          tpu.wait_dma2 semaphore(%run_scoped3A : memref<!tpu.dma_semaphore, #tpu.memory_space<semaphore_mem>>) src(%dma_wait3A_311 : memref<2x128xi32, #tpu.memory_space<hbm>>) dst(%dma_wait3A_309 : memref<2x128xi32, #tpu.memory_space<vmem>>)
          tpu.yield
        }) : () -> ()
        %add3A_67 = arith.constant 2 : i32
        %add3A_68 = arith.addi %add3A_41, %add3A_67 : i32
        "tpu.region"() ({
          %run_scoped3A = tpu.sem_alloc : memref<!tpu.dma_semaphore, #tpu.memory_space<semaphore_mem>>
          %dma_start3A_292 = arith.constant 2 : i32
          %dma_start3A_293 = arith.constant 0 : i32
          %dma_start3A_294 = tpu.memref_slice %arg10[%dma_start3A_292, %dma_start3A_293] : memref<6x128xi32, #tpu.memory_space<vmem>> -> memref<2x128xi32, #tpu.memory_space<vmem>>
          %dma_start3A_295 = arith.constant 0 : i32
          %dma_start3A_296 = tpu.memref_slice %arg5[%add3A_68, %dma_start3A_295] : memref<2500x128xi32, #tpu.memory_space<hbm>> -> memref<2x128xi32, #tpu.memory_space<hbm>>
          %dma_start3A_297 = arith.constant 2 : i32
          %dma_start3A_298 = arith.constant 0 : i32
          %dma_start3A_299 = tpu.memref_slice %arg10[%dma_start3A_297, %dma_start3A_298] : memref<6x128xi32, #tpu.memory_space<vmem>> -> memref<2x128xi32, #tpu.memory_space<vmem>>
          %dma_start3A_300 = arith.constant 0 : i32
          %dma_start3A_301 = tpu.memref_slice %arg5[%add3A_68, %dma_start3A_300] : memref<2500x128xi32, #tpu.memory_space<hbm>> -> memref<2x128xi32, #tpu.memory_space<hbm>>
          tpu.enqueue_dma source(%dma_start3A_301 : memref<2x128xi32, #tpu.memory_space<hbm>>) target(%dma_start3A_299 : memref<2x128xi32, #tpu.memory_space<vmem>>) target_semaphore(%run_scoped3A : memref<!tpu.dma_semaphore, #tpu.memory_space<semaphore_mem>>)
          %dma_wait3A_302 = arith.constant 2 : i32
          %dma_wait3A_303 = arith.constant 0 : i32
          %dma_wait3A_304 = tpu.memref_slice %arg10[%dma_wait3A_302, %dma_wait3A_303] : memref<6x128xi32, #tpu.memory_space<vmem>> -> memref<2x128xi32, #tpu.memory_space<vmem>>
          %dma_wait3A_305 = arith.constant 0 : i32
          %dma_wait3A_306 = tpu.memref_slice %arg5[%add3A_68, %dma_wait3A_305] : memref<2500x128xi32, #tpu.memory_space<hbm>> -> memref<2x128xi32, #tpu.memory_space<hbm>>
          %dma_wait3A_307 = arith.constant 2 : i32
          %dma_wait3A_308 = arith.constant 0 : i32
          %dma_wait3A_309 = tpu.memref_slice %arg10[%dma_wait3A_307, %dma_wait3A_308] : memref<6x128xi32, #tpu.memory_space<vmem>> -> memref<2x128xi32, #tpu.memory_space<vmem>>
          %dma_wait3A_310 = arith.constant 0 : i32
          %dma_wait3A_311 = tpu.memref_slice %arg5[%add3A_68, %dma_wait3A_310] : memref<2500x128xi32, #tpu.memory_space<hbm>> -> memref<2x128xi32, #tpu.memory_space<hbm>>
          tpu.wait_dma2 semaphore(%run_scoped3A : memref<!tpu.dma_semaphore, #tpu.memory_space<semaphore_mem>>) src(%dma_wait3A_311 : memref<2x128xi32, #tpu.memory_space<hbm>>) dst(%dma_wait3A_309 : memref<2x128xi32, #tpu.memory_space<vmem>>)
          tpu.yield
        }) : () -> ()
        %dma_start3A_69 = arith.constant 2 : i32
        %dma_start3A_70 = arith.constant 256 : i32
        %dma_start3A_71 = arith.constant 0 : i32
        %dma_start3A_72 = tpu.memref_slice %arg11[%dma_start3A_70, %dma_start3A_71] : memref<768x64xf32, #tpu.memory_space<vmem>> -> memref<128x64xf32, #tpu.memory_space<vmem>>
        %dma_start3A_73 = arith.constant 0 : i32
        %dma_start3A_74 = tpu.memref_slice %arg9[%dma_start3A_69, %dma_start3A_73] : memref<6x128xi32, #tpu.memory_space<vmem>> -> memref<1x128xi32, #tpu.memory_space<vmem>>
        %dma_start3A_75 = tpu.memref_squeeze %dma_start3A_74 : memref<1x128xi32, #tpu.memory_space<vmem>> -> memref<128xi32, #tpu.memory_space<vmem>>
        %dma_start3A_76 = arith.constant 0 : i32
        %dma_start3A_77 = arith.constant 0 : i32
        %dma_start3A_78 = tpu.memref_slice %arg2[%dma_start3A_76, %dma_start3A_77] : memref<10000x64xf32, #tpu.memory_space<hbm>> -> memref<10000x64xf32, #tpu.memory_space<hbm>>
        tpu.enqueue_indirect_dma source(%dma_start3A_78 : memref<10000x64xf32, #tpu.memory_space<hbm>>) target(%dma_start3A_72 : memref<128x64xf32, #tpu.memory_space<vmem>>) offsets(%dma_start3A_75 : memref<128xi32, #tpu.memory_space<vmem>>) semaphore(%arg14 : memref<!tpu.dma_semaphore, #tpu.memory_space<semaphore_mem>>)
        %dma_start3A_79 = arith.constant 3 : i32
        %dma_start3A_80 = arith.constant 384 : i32
        %dma_start3A_81 = arith.constant 0 : i32
        %dma_start3A_82 = tpu.memref_slice %arg11[%dma_start3A_80, %dma_start3A_81] : memref<768x64xf32, #tpu.memory_space<vmem>> -> memref<128x64xf32, #tpu.memory_space<vmem>>
        %dma_start3A_83 = arith.constant 0 : i32
        %dma_start3A_84 = tpu.memref_slice %arg9[%dma_start3A_79, %dma_start3A_83] : memref<6x128xi32, #tpu.memory_space<vmem>> -> memref<1x128xi32, #tpu.memory_space<vmem>>
        %dma_start3A_85 = tpu.memref_squeeze %dma_start3A_84 : memref<1x128xi32, #tpu.memory_space<vmem>> -> memref<128xi32, #tpu.memory_space<vmem>>
        %dma_start3A_86 = arith.constant 0 : i32
        %dma_start3A_87 = arith.constant 0 : i32
        %dma_start3A_88 = tpu.memref_slice %arg2[%dma_start3A_86, %dma_start3A_87] : memref<10000x64xf32, #tpu.memory_space<hbm>> -> memref<10000x64xf32, #tpu.memory_space<hbm>>
        tpu.enqueue_indirect_dma source(%dma_start3A_88 : memref<10000x64xf32, #tpu.memory_space<hbm>>) target(%dma_start3A_82 : memref<128x64xf32, #tpu.memory_space<vmem>>) offsets(%dma_start3A_85 : memref<128xi32, #tpu.memory_space<vmem>>) semaphore(%arg14 : memref<!tpu.dma_semaphore, #tpu.memory_space<semaphore_mem>>)
        %add3A_89 = arith.constant 4 : i32
        %add3A_90 = arith.addi %add3A_41, %add3A_89 : i32
        "tpu.region"() ({
          %run_scoped3A = tpu.sem_alloc : memref<!tpu.dma_semaphore, #tpu.memory_space<semaphore_mem>>
          %dma_start3A_292 = arith.constant 4 : i32
          %dma_start3A_293 = arith.constant 0 : i32
          %dma_start3A_294 = tpu.memref_slice %arg9[%dma_start3A_292, %dma_start3A_293] : memref<6x128xi32, #tpu.memory_space<vmem>> -> memref<2x128xi32, #tpu.memory_space<vmem>>
          %dma_start3A_295 = arith.constant 0 : i32
          %dma_start3A_296 = tpu.memref_slice %arg4[%add3A_90, %dma_start3A_295] : memref<2500x128xi32, #tpu.memory_space<hbm>> -> memref<2x128xi32, #tpu.memory_space<hbm>>
          %dma_start3A_297 = arith.constant 4 : i32
          %dma_start3A_298 = arith.constant 0 : i32
          %dma_start3A_299 = tpu.memref_slice %arg9[%dma_start3A_297, %dma_start3A_298] : memref<6x128xi32, #tpu.memory_space<vmem>> -> memref<2x128xi32, #tpu.memory_space<vmem>>
          %dma_start3A_300 = arith.constant 0 : i32
          %dma_start3A_301 = tpu.memref_slice %arg4[%add3A_90, %dma_start3A_300] : memref<2500x128xi32, #tpu.memory_space<hbm>> -> memref<2x128xi32, #tpu.memory_space<hbm>>
          tpu.enqueue_dma source(%dma_start3A_301 : memref<2x128xi32, #tpu.memory_space<hbm>>) target(%dma_start3A_299 : memref<2x128xi32, #tpu.memory_space<vmem>>) target_semaphore(%run_scoped3A : memref<!tpu.dma_semaphore, #tpu.memory_space<semaphore_mem>>)
          %dma_wait3A_302 = arith.constant 4 : i32
          %dma_wait3A_303 = arith.constant 0 : i32
          %dma_wait3A_304 = tpu.memref_slice %arg9[%dma_wait3A_302, %dma_wait3A_303] : memref<6x128xi32, #tpu.memory_space<vmem>> -> memref<2x128xi32, #tpu.memory_space<vmem>>
          %dma_wait3A_305 = arith.constant 0 : i32
          %dma_wait3A_306 = tpu.memref_slice %arg4[%add3A_90, %dma_wait3A_305] : memref<2500x128xi32, #tpu.memory_space<hbm>> -> memref<2x128xi32, #tpu.memory_space<hbm>>
          %dma_wait3A_307 = arith.constant 4 : i32
          %dma_wait3A_308 = arith.constant 0 : i32
          %dma_wait3A_309 = tpu.memref_slice %arg9[%dma_wait3A_307, %dma_wait3A_308] : memref<6x128xi32, #tpu.memory_space<vmem>> -> memref<2x128xi32, #tpu.memory_space<vmem>>
          %dma_wait3A_310 = arith.constant 0 : i32
          %dma_wait3A_311 = tpu.memref_slice %arg4[%add3A_90, %dma_wait3A_310] : memref<2500x128xi32, #tpu.memory_space<hbm>> -> memref<2x128xi32, #tpu.memory_space<hbm>>
          tpu.wait_dma2 semaphore(%run_scoped3A : memref<!tpu.dma_semaphore, #tpu.memory_space<semaphore_mem>>) src(%dma_wait3A_311 : memref<2x128xi32, #tpu.memory_space<hbm>>) dst(%dma_wait3A_309 : memref<2x128xi32, #tpu.memory_space<vmem>>)
          tpu.yield
        }) : () -> ()
        %add3A_91 = arith.constant 4 : i32
        %add3A_92 = arith.addi %add3A_41, %add3A_91 : i32
        "tpu.region"() ({
          %run_scoped3A = tpu.sem_alloc : memref<!tpu.dma_semaphore, #tpu.memory_space<semaphore_mem>>
          %dma_start3A_292 = arith.constant 4 : i32
          %dma_start3A_293 = arith.constant 0 : i32
          %dma_start3A_294 = tpu.memref_slice %arg10[%dma_start3A_292, %dma_start3A_293] : memref<6x128xi32, #tpu.memory_space<vmem>> -> memref<2x128xi32, #tpu.memory_space<vmem>>
          %dma_start3A_295 = arith.constant 0 : i32
          %dma_start3A_296 = tpu.memref_slice %arg5[%add3A_92, %dma_start3A_295] : memref<2500x128xi32, #tpu.memory_space<hbm>> -> memref<2x128xi32, #tpu.memory_space<hbm>>
          %dma_start3A_297 = arith.constant 4 : i32
          %dma_start3A_298 = arith.constant 0 : i32
          %dma_start3A_299 = tpu.memref_slice %arg10[%dma_start3A_297, %dma_start3A_298] : memref<6x128xi32, #tpu.memory_space<vmem>> -> memref<2x128xi32, #tpu.memory_space<vmem>>
          %dma_start3A_300 = arith.constant 0 : i32
          %dma_start3A_301 = tpu.memref_slice %arg5[%add3A_92, %dma_start3A_300] : memref<2500x128xi32, #tpu.memory_space<hbm>> -> memref<2x128xi32, #tpu.memory_space<hbm>>
          tpu.enqueue_dma source(%dma_start3A_301 : memref<2x128xi32, #tpu.memory_space<hbm>>) target(%dma_start3A_299 : memref<2x128xi32, #tpu.memory_space<vmem>>) target_semaphore(%run_scoped3A : memref<!tpu.dma_semaphore, #tpu.memory_space<semaphore_mem>>)
          %dma_wait3A_302 = arith.constant 4 : i32
          %dma_wait3A_303 = arith.constant 0 : i32
          %dma_wait3A_304 = tpu.memref_slice %arg10[%dma_wait3A_302, %dma_wait3A_303] : memref<6x128xi32, #tpu.memory_space<vmem>> -> memref<2x128xi32, #tpu.memory_space<vmem>>
          %dma_wait3A_305 = arith.constant 0 : i32
          %dma_wait3A_306 = tpu.memref_slice %arg5[%add3A_92, %dma_wait3A_305] : memref<2500x128xi32, #tpu.memory_space<hbm>> -> memref<2x128xi32, #tpu.memory_space<hbm>>
          %dma_wait3A_307 = arith.constant 4 : i32
          %dma_wait3A_308 = arith.constant 0 : i32
          %dma_wait3A_309 = tpu.memref_slice %arg10[%dma_wait3A_307, %dma_wait3A_308] : memref<6x128xi32, #tpu.memory_space<vmem>> -> memref<2x128xi32, #tpu.memory_space<vmem>>
          %dma_wait3A_310 = arith.constant 0 : i32
          %dma_wait3A_311 = tpu.memref_slice %arg5[%add3A_92, %dma_wait3A_310] : memref<2500x128xi32, #tpu.memory_space<hbm>> -> memref<2x128xi32, #tpu.memory_space<hbm>>
          tpu.wait_dma2 semaphore(%run_scoped3A : memref<!tpu.dma_semaphore, #tpu.memory_space<semaphore_mem>>) src(%dma_wait3A_311 : memref<2x128xi32, #tpu.memory_space<hbm>>) dst(%dma_wait3A_309 : memref<2x128xi32, #tpu.memory_space<vmem>>)
          tpu.yield
        }) : () -> ()
        %dma_start3A_93 = arith.constant 4 : i32
        %dma_start3A_94 = arith.constant 512 : i32
        %dma_start3A_95 = arith.constant 0 : i32
        %dma_start3A_96 = tpu.memref_slice %arg11[%dma_start3A_94, %dma_start3A_95] : memref<768x64xf32, #tpu.memory_space<vmem>> -> memref<128x64xf32, #tpu.memory_space<vmem>>
        %dma_start3A_97 = arith.constant 0 : i32
        %dma_start3A_98 = tpu.memref_slice %arg9[%dma_start3A_93, %dma_start3A_97] : memref<6x128xi32, #tpu.memory_space<vmem>> -> memref<1x128xi32, #tpu.memory_space<vmem>>
        %dma_start3A_99 = tpu.memref_squeeze %dma_start3A_98 : memref<1x128xi32, #tpu.memory_space<vmem>> -> memref<128xi32, #tpu.memory_space<vmem>>
        %dma_start3A_100 = arith.constant 0 : i32
        %dma_start3A_101 = arith.constant 0 : i32
        %dma_start3A_102 = tpu.memref_slice %arg2[%dma_start3A_100, %dma_start3A_101] : memref<10000x64xf32, #tpu.memory_space<hbm>> -> memref<10000x64xf32, #tpu.memory_space<hbm>>
        tpu.enqueue_indirect_dma source(%dma_start3A_102 : memref<10000x64xf32, #tpu.memory_space<hbm>>) target(%dma_start3A_96 : memref<128x64xf32, #tpu.memory_space<vmem>>) offsets(%dma_start3A_99 : memref<128xi32, #tpu.memory_space<vmem>>) semaphore(%arg15 : memref<!tpu.dma_semaphore, #tpu.memory_space<semaphore_mem>>)
        %dma_start3A_103 = arith.constant 5 : i32
        %dma_start3A_104 = arith.constant 640 : i32
        %dma_start3A_105 = arith.constant 0 : i32
        %dma_start3A_106 = tpu.memref_slice %arg11[%dma_start3A_104, %dma_start3A_105] : memref<768x64xf32, #tpu.memory_space<vmem>> -> memref<128x64xf32, #tpu.memory_space<vmem>>
        %dma_start3A_107 = arith.constant 0 : i32
        %dma_start3A_108 = tpu.memref_slice %arg9[%dma_start3A_103, %dma_start3A_107] : memref<6x128xi32, #tpu.memory_space<vmem>> -> memref<1x128xi32, #tpu.memory_space<vmem>>
        %dma_start3A_109 = tpu.memref_squeeze %dma_start3A_108 : memref<1x128xi32, #tpu.memory_space<vmem>> -> memref<128xi32, #tpu.memory_space<vmem>>
        %dma_start3A_110 = arith.constant 0 : i32
        %dma_start3A_111 = arith.constant 0 : i32
        %dma_start3A_112 = tpu.memref_slice %arg2[%dma_start3A_110, %dma_start3A_111] : memref<10000x64xf32, #tpu.memory_space<hbm>> -> memref<10000x64xf32, #tpu.memory_space<hbm>>
        tpu.enqueue_indirect_dma source(%dma_start3A_112 : memref<10000x64xf32, #tpu.memory_space<hbm>>) target(%dma_start3A_106 : memref<128x64xf32, #tpu.memory_space<vmem>>) offsets(%dma_start3A_109 : memref<128xi32, #tpu.memory_space<vmem>>) semaphore(%arg15 : memref<!tpu.dma_semaphore, #tpu.memory_space<semaphore_mem>>)
        %dma_wait3A = arith.constant 0 : i32
        %dma_wait3A_113 = arith.constant 0 : i32
        %dma_wait3A_114 = arith.constant 0 : i32
        %dma_wait3A_115 = tpu.memref_slice %arg11[%dma_wait3A_113, %dma_wait3A_114] : memref<768x64xf32, #tpu.memory_space<vmem>> -> memref<128x64xf32, #tpu.memory_space<vmem>>
        %dma_wait3A_116 = arith.constant 0 : i32
        %dma_wait3A_117 = tpu.memref_slice %arg9[%dma_wait3A, %dma_wait3A_116] : memref<6x128xi32, #tpu.memory_space<vmem>> -> memref<1x128xi32, #tpu.memory_space<vmem>>
        %dma_wait3A_118 = tpu.memref_squeeze %dma_wait3A_117 : memref<1x128xi32, #tpu.memory_space<vmem>> -> memref<128xi32, #tpu.memory_space<vmem>>
        %dma_wait3A_119 = arith.constant 0 : i32
        %dma_wait3A_120 = arith.constant 0 : i32
        %dma_wait3A_121 = tpu.memref_slice %arg2[%dma_wait3A_119, %dma_wait3A_120] : memref<10000x64xf32, #tpu.memory_space<hbm>> -> memref<10000x64xf32, #tpu.memory_space<hbm>>
        tpu.wait_indirect_dma semaphore(%arg13 : memref<!tpu.dma_semaphore, #tpu.memory_space<semaphore_mem>>) src(%dma_wait3A_121 : memref<10000x64xf32, #tpu.memory_space<hbm>>) dst(%dma_wait3A_115 : memref<128x64xf32, #tpu.memory_space<vmem>>)
        %dma_wait3A_122 = arith.constant 1 : i32
        %dma_wait3A_123 = arith.constant 128 : i32
        %dma_wait3A_124 = arith.constant 0 : i32
        %dma_wait3A_125 = tpu.memref_slice %arg11[%dma_wait3A_123, %dma_wait3A_124] : memref<768x64xf32, #tpu.memory_space<vmem>> -> memref<128x64xf32, #tpu.memory_space<vmem>>
        %dma_wait3A_126 = arith.constant 0 : i32
        %dma_wait3A_127 = tpu.memref_slice %arg9[%dma_wait3A_122, %dma_wait3A_126] : memref<6x128xi32, #tpu.memory_space<vmem>> -> memref<1x128xi32, #tpu.memory_space<vmem>>
        %dma_wait3A_128 = tpu.memref_squeeze %dma_wait3A_127 : memref<1x128xi32, #tpu.memory_space<vmem>> -> memref<128xi32, #tpu.memory_space<vmem>>
        %dma_wait3A_129 = arith.constant 0 : i32
        %dma_wait3A_130 = arith.constant 0 : i32
        %dma_wait3A_131 = tpu.memref_slice %arg2[%dma_wait3A_129, %dma_wait3A_130] : memref<10000x64xf32, #tpu.memory_space<hbm>> -> memref<10000x64xf32, #tpu.memory_space<hbm>>
        tpu.wait_indirect_dma semaphore(%arg13 : memref<!tpu.dma_semaphore, #tpu.memory_space<semaphore_mem>>) src(%dma_wait3A_131 : memref<10000x64xf32, #tpu.memory_space<hbm>>) dst(%dma_wait3A_125 : memref<128x64xf32, #tpu.memory_space<vmem>>)
        %dma_start3A_132 = arith.constant 0 : i32
        %dma_start3A_133 = arith.constant 0 : i32
        %dma_start3A_134 = arith.constant 0 : i32
        %dma_start3A_135 = tpu.memref_slice %arg11[%dma_start3A_133, %dma_start3A_134] : memref<768x64xf32, #tpu.memory_space<vmem>> -> memref<128x64xf32, #tpu.memory_space<vmem>>
        %dma_start3A_136 = arith.constant 0 : i32
        %dma_start3A_137 = tpu.memref_slice %arg10[%dma_start3A_132, %dma_start3A_136] : memref<6x128xi32, #tpu.memory_space<vmem>> -> memref<1x128xi32, #tpu.memory_space<vmem>>
        %dma_start3A_138 = tpu.memref_squeeze %dma_start3A_137 : memref<1x128xi32, #tpu.memory_space<vmem>> -> memref<128xi32, #tpu.memory_space<vmem>>
        %dma_start3A_139 = arith.constant 0 : i32
        %dma_start3A_140 = arith.constant 0 : i32
        %dma_start3A_141 = tpu.memref_slice %arg12[%dma_start3A_139, %dma_start3A_140] : memref<10240x64xf32, #tpu.memory_space<vmem_shared>> -> memref<10240x64xf32, #tpu.memory_space<vmem_shared>>
        tpu.enqueue_indirect_dma source(%dma_start3A_135 : memref<128x64xf32, #tpu.memory_space<vmem>>) target(%dma_start3A_141 : memref<10240x64xf32, #tpu.memory_space<vmem_shared>>) offsets(%dma_start3A_138 : memref<128xi32, #tpu.memory_space<vmem>>) semaphore(%arg16 : memref<!tpu.dma_semaphore, #tpu.memory_space<semaphore_mem>>) {add = true}
        %dma_start3A_142 = arith.constant 1 : i32
        %dma_start3A_143 = arith.constant 128 : i32
        %dma_start3A_144 = arith.constant 0 : i32
        %dma_start3A_145 = tpu.memref_slice %arg11[%dma_start3A_143, %dma_start3A_144] : memref<768x64xf32, #tpu.memory_space<vmem>> -> memref<128x64xf32, #tpu.memory_space<vmem>>
        %dma_start3A_146 = arith.constant 0 : i32
        %dma_start3A_147 = tpu.memref_slice %arg10[%dma_start3A_142, %dma_start3A_146] : memref<6x128xi32, #tpu.memory_space<vmem>> -> memref<1x128xi32, #tpu.memory_space<vmem>>
        %dma_start3A_148 = tpu.memref_squeeze %dma_start3A_147 : memref<1x128xi32, #tpu.memory_space<vmem>> -> memref<128xi32, #tpu.memory_space<vmem>>
        %dma_start3A_149 = arith.constant 0 : i32
        %dma_start3A_150 = arith.constant 0 : i32
        %dma_start3A_151 = tpu.memref_slice %arg12[%dma_start3A_149, %dma_start3A_150] : memref<10240x64xf32, #tpu.memory_space<vmem_shared>> -> memref<10240x64xf32, #tpu.memory_space<vmem_shared>>
        tpu.enqueue_indirect_dma source(%dma_start3A_145 : memref<128x64xf32, #tpu.memory_space<vmem>>) target(%dma_start3A_151 : memref<10240x64xf32, #tpu.memory_space<vmem_shared>>) offsets(%dma_start3A_148 : memref<128xi32, #tpu.memory_space<vmem>>) semaphore(%arg16 : memref<!tpu.dma_semaphore, #tpu.memory_space<semaphore_mem>>) {add = true}
        %dma_wait3A_152 = arith.constant 2 : i32
        %dma_wait3A_153 = arith.constant 256 : i32
        %dma_wait3A_154 = arith.constant 0 : i32
        %dma_wait3A_155 = tpu.memref_slice %arg11[%dma_wait3A_153, %dma_wait3A_154] : memref<768x64xf32, #tpu.memory_space<vmem>> -> memref<128x64xf32, #tpu.memory_space<vmem>>
        %dma_wait3A_156 = arith.constant 0 : i32
        %dma_wait3A_157 = tpu.memref_slice %arg9[%dma_wait3A_152, %dma_wait3A_156] : memref<6x128xi32, #tpu.memory_space<vmem>> -> memref<1x128xi32, #tpu.memory_space<vmem>>
        %dma_wait3A_158 = tpu.memref_squeeze %dma_wait3A_157 : memref<1x128xi32, #tpu.memory_space<vmem>> -> memref<128xi32, #tpu.memory_space<vmem>>
        %dma_wait3A_159 = arith.constant 0 : i32
        %dma_wait3A_160 = arith.constant 0 : i32
        %dma_wait3A_161 = tpu.memref_slice %arg2[%dma_wait3A_159, %dma_wait3A_160] : memref<10000x64xf32, #tpu.memory_space<hbm>> -> memref<10000x64xf32, #tpu.memory_space<hbm>>
        tpu.wait_indirect_dma semaphore(%arg14 : memref<!tpu.dma_semaphore, #tpu.memory_space<semaphore_mem>>) src(%dma_wait3A_161 : memref<10000x64xf32, #tpu.memory_space<hbm>>) dst(%dma_wait3A_155 : memref<128x64xf32, #tpu.memory_space<vmem>>)
        %dma_wait3A_162 = arith.constant 3 : i32
        %dma_wait3A_163 = arith.constant 384 : i32
        %dma_wait3A_164 = arith.constant 0 : i32
        %dma_wait3A_165 = tpu.memref_slice %arg11[%dma_wait3A_163, %dma_wait3A_164] : memref<768x64xf32, #tpu.memory_space<vmem>> -> memref<128x64xf32, #tpu.memory_space<vmem>>
        %dma_wait3A_166 = arith.constant 0 : i32
        %dma_wait3A_167 = tpu.memref_slice %arg9[%dma_wait3A_162, %dma_wait3A_166] : memref<6x128xi32, #tpu.memory_space<vmem>> -> memref<1x128xi32, #tpu.memory_space<vmem>>
        %dma_wait3A_168 = tpu.memref_squeeze %dma_wait3A_167 : memref<1x128xi32, #tpu.memory_space<vmem>> -> memref<128xi32, #tpu.memory_space<vmem>>
        %dma_wait3A_169 = arith.constant 0 : i32
        %dma_wait3A_170 = arith.constant 0 : i32
        %dma_wait3A_171 = tpu.memref_slice %arg2[%dma_wait3A_169, %dma_wait3A_170] : memref<10000x64xf32, #tpu.memory_space<hbm>> -> memref<10000x64xf32, #tpu.memory_space<hbm>>
        tpu.wait_indirect_dma semaphore(%arg14 : memref<!tpu.dma_semaphore, #tpu.memory_space<semaphore_mem>>) src(%dma_wait3A_171 : memref<10000x64xf32, #tpu.memory_space<hbm>>) dst(%dma_wait3A_165 : memref<128x64xf32, #tpu.memory_space<vmem>>)
        %dma_start3A_172 = arith.constant 2 : i32
        %dma_start3A_173 = arith.constant 256 : i32
        %dma_start3A_174 = arith.constant 0 : i32
        %dma_start3A_175 = tpu.memref_slice %arg11[%dma_start3A_173, %dma_start3A_174] : memref<768x64xf32, #tpu.memory_space<vmem>> -> memref<128x64xf32, #tpu.memory_space<vmem>>
        %dma_start3A_176 = arith.constant 0 : i32
        %dma_start3A_177 = tpu.memref_slice %arg10[%dma_start3A_172, %dma_start3A_176] : memref<6x128xi32, #tpu.memory_space<vmem>> -> memref<1x128xi32, #tpu.memory_space<vmem>>
        %dma_start3A_178 = tpu.memref_squeeze %dma_start3A_177 : memref<1x128xi32, #tpu.memory_space<vmem>> -> memref<128xi32, #tpu.memory_space<vmem>>
        %dma_start3A_179 = arith.constant 0 : i32
        %dma_start3A_180 = arith.constant 0 : i32
        %dma_start3A_181 = tpu.memref_slice %arg12[%dma_start3A_179, %dma_start3A_180] : memref<10240x64xf32, #tpu.memory_space<vmem_shared>> -> memref<10240x64xf32, #tpu.memory_space<vmem_shared>>
        tpu.enqueue_indirect_dma source(%dma_start3A_175 : memref<128x64xf32, #tpu.memory_space<vmem>>) target(%dma_start3A_181 : memref<10240x64xf32, #tpu.memory_space<vmem_shared>>) offsets(%dma_start3A_178 : memref<128xi32, #tpu.memory_space<vmem>>) semaphore(%arg16 : memref<!tpu.dma_semaphore, #tpu.memory_space<semaphore_mem>>) {add = true}
        %dma_start3A_182 = arith.constant 3 : i32
        %dma_start3A_183 = arith.constant 384 : i32
        %dma_start3A_184 = arith.constant 0 : i32
        %dma_start3A_185 = tpu.memref_slice %arg11[%dma_start3A_183, %dma_start3A_184] : memref<768x64xf32, #tpu.memory_space<vmem>> -> memref<128x64xf32, #tpu.memory_space<vmem>>
        %dma_start3A_186 = arith.constant 0 : i32
        %dma_start3A_187 = tpu.memref_slice %arg10[%dma_start3A_182, %dma_start3A_186] : memref<6x128xi32, #tpu.memory_space<vmem>> -> memref<1x128xi32, #tpu.memory_space<vmem>>
        %dma_start3A_188 = tpu.memref_squeeze %dma_start3A_187 : memref<1x128xi32, #tpu.memory_space<vmem>> -> memref<128xi32, #tpu.memory_space<vmem>>
        %dma_start3A_189 = arith.constant 0 : i32
        %dma_start3A_190 = arith.constant 0 : i32
        %dma_start3A_191 = tpu.memref_slice %arg12[%dma_start3A_189, %dma_start3A_190] : memref<10240x64xf32, #tpu.memory_space<vmem_shared>> -> memref<10240x64xf32, #tpu.memory_space<vmem_shared>>
        tpu.enqueue_indirect_dma source(%dma_start3A_185 : memref<128x64xf32, #tpu.memory_space<vmem>>) target(%dma_start3A_191 : memref<10240x64xf32, #tpu.memory_space<vmem_shared>>) offsets(%dma_start3A_188 : memref<128xi32, #tpu.memory_space<vmem>>) semaphore(%arg16 : memref<!tpu.dma_semaphore, #tpu.memory_space<semaphore_mem>>) {add = true}
        %dma_wait3A_192 = arith.constant 4 : i32
        %dma_wait3A_193 = arith.constant 512 : i32
        %dma_wait3A_194 = arith.constant 0 : i32
        %dma_wait3A_195 = tpu.memref_slice %arg11[%dma_wait3A_193, %dma_wait3A_194] : memref<768x64xf32, #tpu.memory_space<vmem>> -> memref<128x64xf32, #tpu.memory_space<vmem>>
        %dma_wait3A_196 = arith.constant 0 : i32
        %dma_wait3A_197 = tpu.memref_slice %arg9[%dma_wait3A_192, %dma_wait3A_196] : memref<6x128xi32, #tpu.memory_space<vmem>> -> memref<1x128xi32, #tpu.memory_space<vmem>>
        %dma_wait3A_198 = tpu.memref_squeeze %dma_wait3A_197 : memref<1x128xi32, #tpu.memory_space<vmem>> -> memref<128xi32, #tpu.memory_space<vmem>>
        %dma_wait3A_199 = arith.constant 0 : i32
        %dma_wait3A_200 = arith.constant 0 : i32
        %dma_wait3A_201 = tpu.memref_slice %arg2[%dma_wait3A_199, %dma_wait3A_200] : memref<10000x64xf32, #tpu.memory_space<hbm>> -> memref<10000x64xf32, #tpu.memory_space<hbm>>
        tpu.wait_indirect_dma semaphore(%arg15 : memref<!tpu.dma_semaphore, #tpu.memory_space<semaphore_mem>>) src(%dma_wait3A_201 : memref<10000x64xf32, #tpu.memory_space<hbm>>) dst(%dma_wait3A_195 : memref<128x64xf32, #tpu.memory_space<vmem>>)
        %dma_wait3A_202 = arith.constant 5 : i32
        %dma_wait3A_203 = arith.constant 640 : i32
        %dma_wait3A_204 = arith.constant 0 : i32
        %dma_wait3A_205 = tpu.memref_slice %arg11[%dma_wait3A_203, %dma_wait3A_204] : memref<768x64xf32, #tpu.memory_space<vmem>> -> memref<128x64xf32, #tpu.memory_space<vmem>>
        %dma_wait3A_206 = arith.constant 0 : i32
        %dma_wait3A_207 = tpu.memref_slice %arg9[%dma_wait3A_202, %dma_wait3A_206] : memref<6x128xi32, #tpu.memory_space<vmem>> -> memref<1x128xi32, #tpu.memory_space<vmem>>
        %dma_wait3A_208 = tpu.memref_squeeze %dma_wait3A_207 : memref<1x128xi32, #tpu.memory_space<vmem>> -> memref<128xi32, #tpu.memory_space<vmem>>
        %dma_wait3A_209 = arith.constant 0 : i32
        %dma_wait3A_210 = arith.constant 0 : i32
        %dma_wait3A_211 = tpu.memref_slice %arg2[%dma_wait3A_209, %dma_wait3A_210] : memref<10000x64xf32, #tpu.memory_space<hbm>> -> memref<10000x64xf32, #tpu.memory_space<hbm>>
        tpu.wait_indirect_dma semaphore(%arg15 : memref<!tpu.dma_semaphore, #tpu.memory_space<semaphore_mem>>) src(%dma_wait3A_211 : memref<10000x64xf32, #tpu.memory_space<hbm>>) dst(%dma_wait3A_205 : memref<128x64xf32, #tpu.memory_space<vmem>>)
        %dma_start3A_212 = arith.constant 4 : i32
        %dma_start3A_213 = arith.constant 512 : i32
        %dma_start3A_214 = arith.constant 0 : i32
        %dma_start3A_215 = tpu.memref_slice %arg11[%dma_start3A_213, %dma_start3A_214] : memref<768x64xf32, #tpu.memory_space<vmem>> -> memref<128x64xf32, #tpu.memory_space<vmem>>
        %dma_start3A_216 = arith.constant 0 : i32
        %dma_start3A_217 = tpu.memref_slice %arg10[%dma_start3A_212, %dma_start3A_216] : memref<6x128xi32, #tpu.memory_space<vmem>> -> memref<1x128xi32, #tpu.memory_space<vmem>>
        %dma_start3A_218 = tpu.memref_squeeze %dma_start3A_217 : memref<1x128xi32, #tpu.memory_space<vmem>> -> memref<128xi32, #tpu.memory_space<vmem>>
        %dma_start3A_219 = arith.constant 0 : i32
        %dma_start3A_220 = arith.constant 0 : i32
        %dma_start3A_221 = tpu.memref_slice %arg12[%dma_start3A_219, %dma_start3A_220] : memref<10240x64xf32, #tpu.memory_space<vmem_shared>> -> memref<10240x64xf32, #tpu.memory_space<vmem_shared>>
        tpu.enqueue_indirect_dma source(%dma_start3A_215 : memref<128x64xf32, #tpu.memory_space<vmem>>) target(%dma_start3A_221 : memref<10240x64xf32, #tpu.memory_space<vmem_shared>>) offsets(%dma_start3A_218 : memref<128xi32, #tpu.memory_space<vmem>>) semaphore(%arg16 : memref<!tpu.dma_semaphore, #tpu.memory_space<semaphore_mem>>) {add = true}
        %dma_start3A_222 = arith.constant 5 : i32
        %dma_start3A_223 = arith.constant 640 : i32
        %dma_start3A_224 = arith.constant 0 : i32
        %dma_start3A_225 = tpu.memref_slice %arg11[%dma_start3A_223, %dma_start3A_224] : memref<768x64xf32, #tpu.memory_space<vmem>> -> memref<128x64xf32, #tpu.memory_space<vmem>>
        %dma_start3A_226 = arith.constant 0 : i32
        %dma_start3A_227 = tpu.memref_slice %arg10[%dma_start3A_222, %dma_start3A_226] : memref<6x128xi32, #tpu.memory_space<vmem>> -> memref<1x128xi32, #tpu.memory_space<vmem>>
        %dma_start3A_228 = tpu.memref_squeeze %dma_start3A_227 : memref<1x128xi32, #tpu.memory_space<vmem>> -> memref<128xi32, #tpu.memory_space<vmem>>
        %dma_start3A_229 = arith.constant 0 : i32
        %dma_start3A_230 = arith.constant 0 : i32
        %dma_start3A_231 = tpu.memref_slice %arg12[%dma_start3A_229, %dma_start3A_230] : memref<10240x64xf32, #tpu.memory_space<vmem_shared>> -> memref<10240x64xf32, #tpu.memory_space<vmem_shared>>
        tpu.enqueue_indirect_dma source(%dma_start3A_225 : memref<128x64xf32, #tpu.memory_space<vmem>>) target(%dma_start3A_231 : memref<10240x64xf32, #tpu.memory_space<vmem_shared>>) offsets(%dma_start3A_228 : memref<128xi32, #tpu.memory_space<vmem>>) semaphore(%arg16 : memref<!tpu.dma_semaphore, #tpu.memory_space<semaphore_mem>>) {add = true}
        %dma_wait3A_232 = arith.constant 0 : i32
        %dma_wait3A_233 = arith.constant 0 : i32
        %dma_wait3A_234 = arith.constant 0 : i32
        %dma_wait3A_235 = tpu.memref_slice %arg11[%dma_wait3A_233, %dma_wait3A_234] : memref<768x64xf32, #tpu.memory_space<vmem>> -> memref<128x64xf32, #tpu.memory_space<vmem>>
        %dma_wait3A_236 = arith.constant 0 : i32
        %dma_wait3A_237 = tpu.memref_slice %arg10[%dma_wait3A_232, %dma_wait3A_236] : memref<6x128xi32, #tpu.memory_space<vmem>> -> memref<1x128xi32, #tpu.memory_space<vmem>>
        %dma_wait3A_238 = tpu.memref_squeeze %dma_wait3A_237 : memref<1x128xi32, #tpu.memory_space<vmem>> -> memref<128xi32, #tpu.memory_space<vmem>>
        %dma_wait3A_239 = arith.constant 0 : i32
        %dma_wait3A_240 = arith.constant 0 : i32
        %dma_wait3A_241 = tpu.memref_slice %arg12[%dma_wait3A_239, %dma_wait3A_240] : memref<10240x64xf32, #tpu.memory_space<vmem_shared>> -> memref<10240x64xf32, #tpu.memory_space<vmem_shared>>
        tpu.wait_indirect_dma semaphore(%arg16 : memref<!tpu.dma_semaphore, #tpu.memory_space<semaphore_mem>>) src(%dma_wait3A_235 : memref<128x64xf32, #tpu.memory_space<vmem>>) dst(%dma_wait3A_241 : memref<10240x64xf32, #tpu.memory_space<vmem_shared>>)
        %dma_wait3A_242 = arith.constant 1 : i32
        %dma_wait3A_243 = arith.constant 128 : i32
        %dma_wait3A_244 = arith.constant 0 : i32
        %dma_wait3A_245 = tpu.memref_slice %arg11[%dma_wait3A_243, %dma_wait3A_244] : memref<768x64xf32, #tpu.memory_space<vmem>> -> memref<128x64xf32, #tpu.memory_space<vmem>>
        %dma_wait3A_246 = arith.constant 0 : i32
        %dma_wait3A_247 = tpu.memref_slice %arg10[%dma_wait3A_242, %dma_wait3A_246] : memref<6x128xi32, #tpu.memory_space<vmem>> -> memref<1x128xi32, #tpu.memory_space<vmem>>
        %dma_wait3A_248 = tpu.memref_squeeze %dma_wait3A_247 : memref<1x128xi32, #tpu.memory_space<vmem>> -> memref<128xi32, #tpu.memory_space<vmem>>
        %dma_wait3A_249 = arith.constant 0 : i32
        %dma_wait3A_250 = arith.constant 0 : i32
        %dma_wait3A_251 = tpu.memref_slice %arg12[%dma_wait3A_249, %dma_wait3A_250] : memref<10240x64xf32, #tpu.memory_space<vmem_shared>> -> memref<10240x64xf32, #tpu.memory_space<vmem_shared>>
        tpu.wait_indirect_dma semaphore(%arg16 : memref<!tpu.dma_semaphore, #tpu.memory_space<semaphore_mem>>) src(%dma_wait3A_245 : memref<128x64xf32, #tpu.memory_space<vmem>>) dst(%dma_wait3A_251 : memref<10240x64xf32, #tpu.memory_space<vmem_shared>>)
        %dma_wait3A_252 = arith.constant 2 : i32
        %dma_wait3A_253 = arith.constant 256 : i32
        %dma_wait3A_254 = arith.constant 0 : i32
        %dma_wait3A_255 = tpu.memref_slice %arg11[%dma_wait3A_253, %dma_wait3A_254] : memref<768x64xf32, #tpu.memory_space<vmem>> -> memref<128x64xf32, #tpu.memory_space<vmem>>
        %dma_wait3A_256 = arith.constant 0 : i32
        %dma_wait3A_257 = tpu.memref_slice %arg10[%dma_wait3A_252, %dma_wait3A_256] : memref<6x128xi32, #tpu.memory_space<vmem>> -> memref<1x128xi32, #tpu.memory_space<vmem>>
        %dma_wait3A_258 = tpu.memref_squeeze %dma_wait3A_257 : memref<1x128xi32, #tpu.memory_space<vmem>> -> memref<128xi32, #tpu.memory_space<vmem>>
        %dma_wait3A_259 = arith.constant 0 : i32
        %dma_wait3A_260 = arith.constant 0 : i32
        %dma_wait3A_261 = tpu.memref_slice %arg12[%dma_wait3A_259, %dma_wait3A_260] : memref<10240x64xf32, #tpu.memory_space<vmem_shared>> -> memref<10240x64xf32, #tpu.memory_space<vmem_shared>>
        tpu.wait_indirect_dma semaphore(%arg16 : memref<!tpu.dma_semaphore, #tpu.memory_space<semaphore_mem>>) src(%dma_wait3A_255 : memref<128x64xf32, #tpu.memory_space<vmem>>) dst(%dma_wait3A_261 : memref<10240x64xf32, #tpu.memory_space<vmem_shared>>)
        %dma_wait3A_262 = arith.constant 3 : i32
        %dma_wait3A_263 = arith.constant 384 : i32
        %dma_wait3A_264 = arith.constant 0 : i32
        %dma_wait3A_265 = tpu.memref_slice %arg11[%dma_wait3A_263, %dma_wait3A_264] : memref<768x64xf32, #tpu.memory_space<vmem>> -> memref<128x64xf32, #tpu.memory_space<vmem>>
        %dma_wait3A_266 = arith.constant 0 : i32
        %dma_wait3A_267 = tpu.memref_slice %arg10[%dma_wait3A_262, %dma_wait3A_266] : memref<6x128xi32, #tpu.memory_space<vmem>> -> memref<1x128xi32, #tpu.memory_space<vmem>>
        %dma_wait3A_268 = tpu.memref_squeeze %dma_wait3A_267 : memref<1x128xi32, #tpu.memory_space<vmem>> -> memref<128xi32, #tpu.memory_space<vmem>>
        %dma_wait3A_269 = arith.constant 0 : i32
        %dma_wait3A_270 = arith.constant 0 : i32
        %dma_wait3A_271 = tpu.memref_slice %arg12[%dma_wait3A_269, %dma_wait3A_270] : memref<10240x64xf32, #tpu.memory_space<vmem_shared>> -> memref<10240x64xf32, #tpu.memory_space<vmem_shared>>
        tpu.wait_indirect_dma semaphore(%arg16 : memref<!tpu.dma_semaphore, #tpu.memory_space<semaphore_mem>>) src(%dma_wait3A_265 : memref<128x64xf32, #tpu.memory_space<vmem>>) dst(%dma_wait3A_271 : memref<10240x64xf32, #tpu.memory_space<vmem_shared>>)
        %dma_wait3A_272 = arith.constant 4 : i32
        %dma_wait3A_273 = arith.constant 512 : i32
        %dma_wait3A_274 = arith.constant 0 : i32
        %dma_wait3A_275 = tpu.memref_slice %arg11[%dma_wait3A_273, %dma_wait3A_274] : memref<768x64xf32, #tpu.memory_space<vmem>> -> memref<128x64xf32, #tpu.memory_space<vmem>>
        %dma_wait3A_276 = arith.constant 0 : i32
        %dma_wait3A_277 = tpu.memref_slice %arg10[%dma_wait3A_272, %dma_wait3A_276] : memref<6x128xi32, #tpu.memory_space<vmem>> -> memref<1x128xi32, #tpu.memory_space<vmem>>
        %dma_wait3A_278 = tpu.memref_squeeze %dma_wait3A_277 : memref<1x128xi32, #tpu.memory_space<vmem>> -> memref<128xi32, #tpu.memory_space<vmem>>
        %dma_wait3A_279 = arith.constant 0 : i32
        %dma_wait3A_280 = arith.constant 0 : i32
        %dma_wait3A_281 = tpu.memref_slice %arg12[%dma_wait3A_279, %dma_wait3A_280] : memref<10240x64xf32, #tpu.memory_space<vmem_shared>> -> memref<10240x64xf32, #tpu.memory_space<vmem_shared>>
        tpu.wait_indirect_dma semaphore(%arg16 : memref<!tpu.dma_semaphore, #tpu.memory_space<semaphore_mem>>) src(%dma_wait3A_275 : memref<128x64xf32, #tpu.memory_space<vmem>>) dst(%dma_wait3A_281 : memref<10240x64xf32, #tpu.memory_space<vmem_shared>>)
        %dma_wait3A_282 = arith.constant 5 : i32
        %dma_wait3A_283 = arith.constant 640 : i32
        %dma_wait3A_284 = arith.constant 0 : i32
        %dma_wait3A_285 = tpu.memref_slice %arg11[%dma_wait3A_283, %dma_wait3A_284] : memref<768x64xf32, #tpu.memory_space<vmem>> -> memref<128x64xf32, #tpu.memory_space<vmem>>
        %dma_wait3A_286 = arith.constant 0 : i32
        %dma_wait3A_287 = tpu.memref_slice %arg10[%dma_wait3A_282, %dma_wait3A_286] : memref<6x128xi32, #tpu.memory_space<vmem>> -> memref<1x128xi32, #tpu.memory_space<vmem>>
        %dma_wait3A_288 = tpu.memref_squeeze %dma_wait3A_287 : memref<1x128xi32, #tpu.memory_space<vmem>> -> memref<128xi32, #tpu.memory_space<vmem>>
        %dma_wait3A_289 = arith.constant 0 : i32
        %dma_wait3A_290 = arith.constant 0 : i32
        %dma_wait3A_291 = tpu.memref_slice %arg12[%dma_wait3A_289, %dma_wait3A_290] : memref<10240x64xf32, #tpu.memory_space<vmem_shared>> -> memref<10240x64xf32, #tpu.memory_space<vmem_shared>>
        tpu.wait_indirect_dma semaphore(%arg16 : memref<!tpu.dma_semaphore, #tpu.memory_space<semaphore_mem>>) src(%dma_wait3A_285 : memref<128x64xf32, #tpu.memory_space<vmem>>) dst(%dma_wait3A_291 : memref<10240x64xf32, #tpu.memory_space<vmem_shared>>)
      }
      %scan3A_33 = arith.constant 26 : i32
      %lt3A = arith.constant 4 : i32
      %lt3A_34 = arith.cmpi slt, %arg1, %lt3A : i32
      %convert_element_type3A_35 = arith.extui %lt3A_34 : i1 to i32
      %cond3A_36 = arith.constant 0 : i32
      %cond3A_37 = arith.cmpi ne, %convert_element_type3A_35, %cond3A_36 : i32
      scf.if %cond3A_37 {
        %add3A_38 = arith.constant 156 : i32
        %add3A_39 = arith.addi %add3A, %add3A_38 : i32
        "tpu.region"() ({
          %run_scoped3A_58 = tpu.sem_alloc : memref<!tpu.dma_semaphore, #tpu.memory_space<semaphore_mem>>
          %dma_start3A_59 = arith.constant 0 : i32
          %dma_start3A_60 = arith.constant 0 : i32
          %dma_start3A_61 = tpu.memref_slice %arg9[%dma_start3A_59, %dma_start3A_60] : memref<6x128xi32, #tpu.memory_space<vmem>> -> memref<1x128xi32, #tpu.memory_space<vmem>>
          %dma_start3A_62 = arith.constant 0 : i32
          %dma_start3A_63 = tpu.memref_slice %arg4[%add3A_39, %dma_start3A_62] : memref<2500x128xi32, #tpu.memory_space<hbm>> -> memref<1x128xi32, #tpu.memory_space<hbm>>
          %dma_start3A_64 = arith.constant 0 : i32
          %dma_start3A_65 = arith.constant 0 : i32
          %dma_start3A_66 = tpu.memref_slice %arg9[%dma_start3A_64, %dma_start3A_65] : memref<6x128xi32, #tpu.memory_space<vmem>> -> memref<1x128xi32, #tpu.memory_space<vmem>>
          %dma_start3A_67 = arith.constant 0 : i32
          %dma_start3A_68 = tpu.memref_slice %arg4[%add3A_39, %dma_start3A_67] : memref<2500x128xi32, #tpu.memory_space<hbm>> -> memref<1x128xi32, #tpu.memory_space<hbm>>
          tpu.enqueue_dma source(%dma_start3A_68 : memref<1x128xi32, #tpu.memory_space<hbm>>) target(%dma_start3A_66 : memref<1x128xi32, #tpu.memory_space<vmem>>) target_semaphore(%run_scoped3A_58 : memref<!tpu.dma_semaphore, #tpu.memory_space<semaphore_mem>>)
          %dma_wait3A_69 = arith.constant 0 : i32
          %dma_wait3A_70 = arith.constant 0 : i32
          %dma_wait3A_71 = tpu.memref_slice %arg9[%dma_wait3A_69, %dma_wait3A_70] : memref<6x128xi32, #tpu.memory_space<vmem>> -> memref<1x128xi32, #tpu.memory_space<vmem>>
          %dma_wait3A_72 = arith.constant 0 : i32
          %dma_wait3A_73 = tpu.memref_slice %arg4[%add3A_39, %dma_wait3A_72] : memref<2500x128xi32, #tpu.memory_space<hbm>> -> memref<1x128xi32, #tpu.memory_space<hbm>>
          %dma_wait3A_74 = arith.constant 0 : i32
          %dma_wait3A_75 = arith.constant 0 : i32
          %dma_wait3A_76 = tpu.memref_slice %arg9[%dma_wait3A_74, %dma_wait3A_75] : memref<6x128xi32, #tpu.memory_space<vmem>> -> memref<1x128xi32, #tpu.memory_space<vmem>>
          %dma_wait3A_77 = arith.constant 0 : i32
          %dma_wait3A_78 = tpu.memref_slice %arg4[%add3A_39, %dma_wait3A_77] : memref<2500x128xi32, #tpu.memory_space<hbm>> -> memref<1x128xi32, #tpu.memory_space<hbm>>
          tpu.wait_dma2 semaphore(%run_scoped3A_58 : memref<!tpu.dma_semaphore, #tpu.memory_space<semaphore_mem>>) src(%dma_wait3A_78 : memref<1x128xi32, #tpu.memory_space<hbm>>) dst(%dma_wait3A_76 : memref<1x128xi32, #tpu.memory_space<vmem>>)
          tpu.yield
        }) : () -> ()
        "tpu.region"() ({
          %run_scoped3A_58 = tpu.sem_alloc : memref<!tpu.dma_semaphore, #tpu.memory_space<semaphore_mem>>
          %dma_start3A_59 = arith.constant 0 : i32
          %dma_start3A_60 = arith.constant 0 : i32
          %dma_start3A_61 = tpu.memref_slice %arg10[%dma_start3A_59, %dma_start3A_60] : memref<6x128xi32, #tpu.memory_space<vmem>> -> memref<1x128xi32, #tpu.memory_space<vmem>>
          %dma_start3A_62 = arith.constant 0 : i32
          %dma_start3A_63 = tpu.memref_slice %arg5[%add3A_39, %dma_start3A_62] : memref<2500x128xi32, #tpu.memory_space<hbm>> -> memref<1x128xi32, #tpu.memory_space<hbm>>
          %dma_start3A_64 = arith.constant 0 : i32
          %dma_start3A_65 = arith.constant 0 : i32
          %dma_start3A_66 = tpu.memref_slice %arg10[%dma_start3A_64, %dma_start3A_65] : memref<6x128xi32, #tpu.memory_space<vmem>> -> memref<1x128xi32, #tpu.memory_space<vmem>>
          %dma_start3A_67 = arith.constant 0 : i32
          %dma_start3A_68 = tpu.memref_slice %arg5[%add3A_39, %dma_start3A_67] : memref<2500x128xi32, #tpu.memory_space<hbm>> -> memref<1x128xi32, #tpu.memory_space<hbm>>
          tpu.enqueue_dma source(%dma_start3A_68 : memref<1x128xi32, #tpu.memory_space<hbm>>) target(%dma_start3A_66 : memref<1x128xi32, #tpu.memory_space<vmem>>) target_semaphore(%run_scoped3A_58 : memref<!tpu.dma_semaphore, #tpu.memory_space<semaphore_mem>>)
          %dma_wait3A_69 = arith.constant 0 : i32
          %dma_wait3A_70 = arith.constant 0 : i32
          %dma_wait3A_71 = tpu.memref_slice %arg10[%dma_wait3A_69, %dma_wait3A_70] : memref<6x128xi32, #tpu.memory_space<vmem>> -> memref<1x128xi32, #tpu.memory_space<vmem>>
          %dma_wait3A_72 = arith.constant 0 : i32
          %dma_wait3A_73 = tpu.memref_slice %arg5[%add3A_39, %dma_wait3A_72] : memref<2500x128xi32, #tpu.memory_space<hbm>> -> memref<1x128xi32, #tpu.memory_space<hbm>>
          %dma_wait3A_74 = arith.constant 0 : i32
          %dma_wait3A_75 = arith.constant 0 : i32
          %dma_wait3A_76 = tpu.memref_slice %arg10[%dma_wait3A_74, %dma_wait3A_75] : memref<6x128xi32, #tpu.memory_space<vmem>> -> memref<1x128xi32, #tpu.memory_space<vmem>>
          %dma_wait3A_77 = arith.constant 0 : i32
          %dma_wait3A_78 = tpu.memref_slice %arg5[%add3A_39, %dma_wait3A_77] : memref<2500x128xi32, #tpu.memory_space<hbm>> -> memref<1x128xi32, #tpu.memory_space<hbm>>
          tpu.wait_dma2 semaphore(%run_scoped3A_58 : memref<!tpu.dma_semaphore, #tpu.memory_space<semaphore_mem>>) src(%dma_wait3A_78 : memref<1x128xi32, #tpu.memory_space<hbm>>) dst(%dma_wait3A_76 : memref<1x128xi32, #tpu.memory_space<vmem>>)
          tpu.yield
        }) : () -> ()
        %dma_start3A = arith.constant 0 : i32
        %dma_start3A_40 = arith.constant 0 : i32
        %dma_start3A_41 = arith.constant 0 : i32
        %dma_start3A_42 = tpu.memref_slice %arg11[%dma_start3A_40, %dma_start3A_41] : memref<768x64xf32, #tpu.memory_space<vmem>> -> memref<128x64xf32, #tpu.memory_space<vmem>>
        %dma_start3A_43 = arith.constant 0 : i32
        %dma_start3A_44 = tpu.memref_slice %arg9[%dma_start3A, %dma_start3A_43] : memref<6x128xi32, #tpu.memory_space<vmem>> -> memref<1x128xi32, #tpu.memory_space<vmem>>
        %dma_start3A_45 = tpu.memref_squeeze %dma_start3A_44 : memref<1x128xi32, #tpu.memory_space<vmem>> -> memref<128xi32, #tpu.memory_space<vmem>>
        %dma_start3A_46 = arith.constant 0 : i32
        %dma_start3A_47 = arith.constant 0 : i32
        %dma_start3A_48 = tpu.memref_slice %arg2[%dma_start3A_46, %dma_start3A_47] : memref<10000x64xf32, #tpu.memory_space<hbm>> -> memref<10000x64xf32, #tpu.memory_space<hbm>>
        tpu.enqueue_indirect_dma source(%dma_start3A_48 : memref<10000x64xf32, #tpu.memory_space<hbm>>) target(%dma_start3A_42 : memref<128x64xf32, #tpu.memory_space<vmem>>) offsets(%dma_start3A_45 : memref<128xi32, #tpu.memory_space<vmem>>) semaphore(%arg13 : memref<!tpu.dma_semaphore, #tpu.memory_space<semaphore_mem>>)
        %dma_wait3A = arith.constant 0 : i32
        %dma_wait3A_49 = arith.constant 0 : i32
        %dma_wait3A_50 = arith.constant 0 : i32
        %dma_wait3A_51 = tpu.memref_slice %arg11[%dma_wait3A_49, %dma_wait3A_50] : memref<768x64xf32, #tpu.memory_space<vmem>> -> memref<128x64xf32, #tpu.memory_space<vmem>>
        %dma_wait3A_52 = arith.constant 0 : i32
        %dma_wait3A_53 = tpu.memref_slice %arg9[%dma_wait3A, %dma_wait3A_52] : memref<6x128xi32, #tpu.memory_space<vmem>> -> memref<1x128xi32, #tpu.memory_space<vmem>>
        %dma_wait3A_54 = tpu.memref_squeeze %dma_wait3A_53 : memref<1x128xi32, #tpu.memory_space<vmem>> -> memref<128xi32, #tpu.memory_space<vmem>>
        %dma_wait3A_55 = arith.constant 0 : i32
        %dma_wait3A_56 = arith.constant 0 : i32
        %dma_wait3A_57 = tpu.memref_slice %arg2[%dma_wait3A_55, %dma_wait3A_56] : memref<10000x64xf32, #tpu.memory_space<hbm>> -> memref<10000x64xf32, #tpu.memory_space<hbm>>
        tpu.wait_indirect_dma semaphore(%arg13 : memref<!tpu.dma_semaphore, #tpu.memory_space<semaphore_mem>>) src(%dma_wait3A_57 : memref<10000x64xf32, #tpu.memory_space<hbm>>) dst(%dma_wait3A_51 : memref<128x64xf32, #tpu.memory_space<vmem>>)
        %run_scoped3A = arith.constant 0 : i32
        "tpu.region"() ({
          %run_scoped3A_58 = tpu.sem_alloc : memref<!tpu.dma_semaphore, #tpu.memory_space<semaphore_mem>>
          %dma_start3A_59 = arith.constant 0 : i32
          %dma_start3A_60 = arith.constant 0 : i32
          %dma_start3A_61 = tpu.memref_slice %arg11[%dma_start3A_59, %dma_start3A_60] : memref<768x64xf32, #tpu.memory_space<vmem>> -> memref<128x64xf32, #tpu.memory_space<vmem>>
          %dma_start3A_62 = arith.constant 0 : i32
          %dma_start3A_63 = tpu.memref_slice %arg10[%run_scoped3A, %dma_start3A_62] : memref<6x128xi32, #tpu.memory_space<vmem>> -> memref<1x128xi32, #tpu.memory_space<vmem>>
          %dma_start3A_64 = tpu.memref_squeeze %dma_start3A_63 : memref<1x128xi32, #tpu.memory_space<vmem>> -> memref<128xi32, #tpu.memory_space<vmem>>
          %dma_start3A_65 = arith.constant 0 : i32
          %dma_start3A_66 = arith.constant 0 : i32
          %dma_start3A_67 = tpu.memref_slice %arg12[%dma_start3A_65, %dma_start3A_66] : memref<10240x64xf32, #tpu.memory_space<vmem_shared>> -> memref<10240x64xf32, #tpu.memory_space<vmem_shared>>
          tpu.enqueue_indirect_dma source(%dma_start3A_61 : memref<128x64xf32, #tpu.memory_space<vmem>>) target(%dma_start3A_67 : memref<10240x64xf32, #tpu.memory_space<vmem_shared>>) offsets(%dma_start3A_64 : memref<128xi32, #tpu.memory_space<vmem>>) semaphore(%run_scoped3A_58 : memref<!tpu.dma_semaphore, #tpu.memory_space<semaphore_mem>>) {add = true}
          %dma_wait3A_68 = arith.constant 0 : i32
          %dma_wait3A_69 = arith.constant 0 : i32
          %dma_wait3A_70 = tpu.memref_slice %arg11[%dma_wait3A_68, %dma_wait3A_69] : memref<768x64xf32, #tpu.memory_space<vmem>> -> memref<128x64xf32, #tpu.memory_space<vmem>>
          %dma_wait3A_71 = arith.constant 0 : i32
          %dma_wait3A_72 = tpu.memref_slice %arg10[%run_scoped3A, %dma_wait3A_71] : memref<6x128xi32, #tpu.memory_space<vmem>> -> memref<1x128xi32, #tpu.memory_space<vmem>>
          %dma_wait3A_73 = tpu.memref_squeeze %dma_wait3A_72 : memref<1x128xi32, #tpu.memory_space<vmem>> -> memref<128xi32, #tpu.memory_space<vmem>>
          %dma_wait3A_74 = arith.constant 0 : i32
          %dma_wait3A_75 = arith.constant 0 : i32
          %dma_wait3A_76 = tpu.memref_slice %arg12[%dma_wait3A_74, %dma_wait3A_75] : memref<10240x64xf32, #tpu.memory_space<vmem_shared>> -> memref<10240x64xf32, #tpu.memory_space<vmem_shared>>
          tpu.wait_indirect_dma semaphore(%run_scoped3A_58 : memref<!tpu.dma_semaphore, #tpu.memory_space<semaphore_mem>>) src(%dma_wait3A_70 : memref<128x64xf32, #tpu.memory_space<vmem>>) dst(%dma_wait3A_76 : memref<10240x64xf32, #tpu.memory_space<vmem_shared>>)
          tpu.yield
        }) : () -> ()
      } else {
      }
    } else {
    }
    %eq3A_9 = arith.constant 1 : i32
    %eq3A_10 = arith.cmpi eq, %arg0, %eq3A_9 : i32
    %convert_element_type3A_11 = arith.extui %eq3A_10 : i1 to i32
    %cond3A_12 = arith.constant 0 : i32
    %cond3A_13 = arith.cmpi ne, %convert_element_type3A_11, %cond3A_12 : i32
    scf.if %cond3A_13 {
      %scan3A = arith.constant 0 : i32
      %scan3A_30 = arith.constant 26 : i32
      %scan3A_31 = arith.addi %scan3A, %scan3A_30 : i32
      %scan3A_32 = arith.constant 1 : i32
      scf.for %scan3A_38 = %scan3A to %scan3A_31 step %scan3A_32  : i32 {
        %mul3A_39 = arith.constant 6 : i32
        %mul3A_40 = arith.muli %scan3A_38, %mul3A_39 : i32
        %add3A_41 = arith.addi %add3A, %mul3A_40 : i32
        %add3A_42 = arith.constant 0 : i32
        %add3A_43 = arith.addi %add3A_41, %add3A_42 : i32
        "tpu.region"() ({
          %run_scoped3A = tpu.sem_alloc : memref<!tpu.dma_semaphore, #tpu.memory_space<semaphore_mem>>
          %dma_start3A_292 = arith.constant 0 : i32
          %dma_start3A_293 = arith.constant 0 : i32
          %dma_start3A_294 = tpu.memref_slice %arg9[%dma_start3A_292, %dma_start3A_293] : memref<6x128xi32, #tpu.memory_space<vmem>> -> memref<2x128xi32, #tpu.memory_space<vmem>>
          %dma_start3A_295 = arith.constant 0 : i32
          %dma_start3A_296 = tpu.memref_slice %arg4[%add3A_43, %dma_start3A_295] : memref<2500x128xi32, #tpu.memory_space<hbm>> -> memref<2x128xi32, #tpu.memory_space<hbm>>
          %dma_start3A_297 = arith.constant 0 : i32
          %dma_start3A_298 = arith.constant 0 : i32
          %dma_start3A_299 = tpu.memref_slice %arg9[%dma_start3A_297, %dma_start3A_298] : memref<6x128xi32, #tpu.memory_space<vmem>> -> memref<2x128xi32, #tpu.memory_space<vmem>>
          %dma_start3A_300 = arith.constant 0 : i32
          %dma_start3A_301 = tpu.memref_slice %arg4[%add3A_43, %dma_start3A_300] : memref<2500x128xi32, #tpu.memory_space<hbm>> -> memref<2x128xi32, #tpu.memory_space<hbm>>
          tpu.enqueue_dma source(%dma_start3A_301 : memref<2x128xi32, #tpu.memory_space<hbm>>) target(%dma_start3A_299 : memref<2x128xi32, #tpu.memory_space<vmem>>) target_semaphore(%run_scoped3A : memref<!tpu.dma_semaphore, #tpu.memory_space<semaphore_mem>>)
          %dma_wait3A_302 = arith.constant 0 : i32
          %dma_wait3A_303 = arith.constant 0 : i32
          %dma_wait3A_304 = tpu.memref_slice %arg9[%dma_wait3A_302, %dma_wait3A_303] : memref<6x128xi32, #tpu.memory_space<vmem>> -> memref<2x128xi32, #tpu.memory_space<vmem>>
          %dma_wait3A_305 = arith.constant 0 : i32
          %dma_wait3A_306 = tpu.memref_slice %arg4[%add3A_43, %dma_wait3A_305] : memref<2500x128xi32, #tpu.memory_space<hbm>> -> memref<2x128xi32, #tpu.memory_space<hbm>>
          %dma_wait3A_307 = arith.constant 0 : i32
          %dma_wait3A_308 = arith.constant 0 : i32
          %dma_wait3A_309 = tpu.memref_slice %arg9[%dma_wait3A_307, %dma_wait3A_308] : memref<6x128xi32, #tpu.memory_space<vmem>> -> memref<2x128xi32, #tpu.memory_space<vmem>>
          %dma_wait3A_310 = arith.constant 0 : i32
          %dma_wait3A_311 = tpu.memref_slice %arg4[%add3A_43, %dma_wait3A_310] : memref<2500x128xi32, #tpu.memory_space<hbm>> -> memref<2x128xi32, #tpu.memory_space<hbm>>
          tpu.wait_dma2 semaphore(%run_scoped3A : memref<!tpu.dma_semaphore, #tpu.memory_space<semaphore_mem>>) src(%dma_wait3A_311 : memref<2x128xi32, #tpu.memory_space<hbm>>) dst(%dma_wait3A_309 : memref<2x128xi32, #tpu.memory_space<vmem>>)
          tpu.yield
        }) : () -> ()
        %add3A_44 = arith.constant 0 : i32
        %add3A_45 = arith.addi %add3A_41, %add3A_44 : i32
        "tpu.region"() ({
          %run_scoped3A = tpu.sem_alloc : memref<!tpu.dma_semaphore, #tpu.memory_space<semaphore_mem>>
          %dma_start3A_292 = arith.constant 0 : i32
          %dma_start3A_293 = arith.constant 0 : i32
          %dma_start3A_294 = tpu.memref_slice %arg10[%dma_start3A_292, %dma_start3A_293] : memref<6x128xi32, #tpu.memory_space<vmem>> -> memref<2x128xi32, #tpu.memory_space<vmem>>
          %dma_start3A_295 = arith.constant 0 : i32
          %dma_start3A_296 = tpu.memref_slice %arg5[%add3A_45, %dma_start3A_295] : memref<2500x128xi32, #tpu.memory_space<hbm>> -> memref<2x128xi32, #tpu.memory_space<hbm>>
          %dma_start3A_297 = arith.constant 0 : i32
          %dma_start3A_298 = arith.constant 0 : i32
          %dma_start3A_299 = tpu.memref_slice %arg10[%dma_start3A_297, %dma_start3A_298] : memref<6x128xi32, #tpu.memory_space<vmem>> -> memref<2x128xi32, #tpu.memory_space<vmem>>
          %dma_start3A_300 = arith.constant 0 : i32
          %dma_start3A_301 = tpu.memref_slice %arg5[%add3A_45, %dma_start3A_300] : memref<2500x128xi32, #tpu.memory_space<hbm>> -> memref<2x128xi32, #tpu.memory_space<hbm>>
          tpu.enqueue_dma source(%dma_start3A_301 : memref<2x128xi32, #tpu.memory_space<hbm>>) target(%dma_start3A_299 : memref<2x128xi32, #tpu.memory_space<vmem>>) target_semaphore(%run_scoped3A : memref<!tpu.dma_semaphore, #tpu.memory_space<semaphore_mem>>)
          %dma_wait3A_302 = arith.constant 0 : i32
          %dma_wait3A_303 = arith.constant 0 : i32
          %dma_wait3A_304 = tpu.memref_slice %arg10[%dma_wait3A_302, %dma_wait3A_303] : memref<6x128xi32, #tpu.memory_space<vmem>> -> memref<2x128xi32, #tpu.memory_space<vmem>>
          %dma_wait3A_305 = arith.constant 0 : i32
          %dma_wait3A_306 = tpu.memref_slice %arg5[%add3A_45, %dma_wait3A_305] : memref<2500x128xi32, #tpu.memory_space<hbm>> -> memref<2x128xi32, #tpu.memory_space<hbm>>
          %dma_wait3A_307 = arith.constant 0 : i32
          %dma_wait3A_308 = arith.constant 0 : i32
          %dma_wait3A_309 = tpu.memref_slice %arg10[%dma_wait3A_307, %dma_wait3A_308] : memref<6x128xi32, #tpu.memory_space<vmem>> -> memref<2x128xi32, #tpu.memory_space<vmem>>
          %dma_wait3A_310 = arith.constant 0 : i32
          %dma_wait3A_311 = tpu.memref_slice %arg5[%add3A_45, %dma_wait3A_310] : memref<2500x128xi32, #tpu.memory_space<hbm>> -> memref<2x128xi32, #tpu.memory_space<hbm>>
          tpu.wait_dma2 semaphore(%run_scoped3A : memref<!tpu.dma_semaphore, #tpu.memory_space<semaphore_mem>>) src(%dma_wait3A_311 : memref<2x128xi32, #tpu.memory_space<hbm>>) dst(%dma_wait3A_309 : memref<2x128xi32, #tpu.memory_space<vmem>>)
          tpu.yield
        }) : () -> ()
        %dma_start3A = arith.constant 0 : i32
        %dma_start3A_46 = arith.constant 0 : i32
        %dma_start3A_47 = arith.constant 0 : i32
        %dma_start3A_48 = tpu.memref_slice %arg11[%dma_start3A_46, %dma_start3A_47] : memref<768x64xf32, #tpu.memory_space<vmem>> -> memref<128x64xf32, #tpu.memory_space<vmem>>
        %dma_start3A_49 = arith.constant 0 : i32
        %dma_start3A_50 = tpu.memref_slice %arg9[%dma_start3A, %dma_start3A_49] : memref<6x128xi32, #tpu.memory_space<vmem>> -> memref<1x128xi32, #tpu.memory_space<vmem>>
        %dma_start3A_51 = tpu.memref_squeeze %dma_start3A_50 : memref<1x128xi32, #tpu.memory_space<vmem>> -> memref<128xi32, #tpu.memory_space<vmem>>
        %dma_start3A_52 = arith.constant 0 : i32
        %dma_start3A_53 = arith.constant 0 : i32
        %dma_start3A_54 = tpu.memref_slice %arg3[%dma_start3A_52, %dma_start3A_53] : memref<10000x64xf32, #tpu.memory_space<hbm>> -> memref<10000x64xf32, #tpu.memory_space<hbm>>
        tpu.enqueue_indirect_dma source(%dma_start3A_54 : memref<10000x64xf32, #tpu.memory_space<hbm>>) target(%dma_start3A_48 : memref<128x64xf32, #tpu.memory_space<vmem>>) offsets(%dma_start3A_51 : memref<128xi32, #tpu.memory_space<vmem>>) semaphore(%arg13 : memref<!tpu.dma_semaphore, #tpu.memory_space<semaphore_mem>>)
        %dma_start3A_55 = arith.constant 1 : i32
        %dma_start3A_56 = arith.constant 128 : i32
        %dma_start3A_57 = arith.constant 0 : i32
        %dma_start3A_58 = tpu.memref_slice %arg11[%dma_start3A_56, %dma_start3A_57] : memref<768x64xf32, #tpu.memory_space<vmem>> -> memref<128x64xf32, #tpu.memory_space<vmem>>
        %dma_start3A_59 = arith.constant 0 : i32
        %dma_start3A_60 = tpu.memref_slice %arg9[%dma_start3A_55, %dma_start3A_59] : memref<6x128xi32, #tpu.memory_space<vmem>> -> memref<1x128xi32, #tpu.memory_space<vmem>>
        %dma_start3A_61 = tpu.memref_squeeze %dma_start3A_60 : memref<1x128xi32, #tpu.memory_space<vmem>> -> memref<128xi32, #tpu.memory_space<vmem>>
        %dma_start3A_62 = arith.constant 0 : i32
        %dma_start3A_63 = arith.constant 0 : i32
        %dma_start3A_64 = tpu.memref_slice %arg3[%dma_start3A_62, %dma_start3A_63] : memref<10000x64xf32, #tpu.memory_space<hbm>> -> memref<10000x64xf32, #tpu.memory_space<hbm>>
        tpu.enqueue_indirect_dma source(%dma_start3A_64 : memref<10000x64xf32, #tpu.memory_space<hbm>>) target(%dma_start3A_58 : memref<128x64xf32, #tpu.memory_space<vmem>>) offsets(%dma_start3A_61 : memref<128xi32, #tpu.memory_space<vmem>>) semaphore(%arg13 : memref<!tpu.dma_semaphore, #tpu.memory_space<semaphore_mem>>)
        %add3A_65 = arith.constant 2 : i32
        %add3A_66 = arith.addi %add3A_41, %add3A_65 : i32
        "tpu.region"() ({
          %run_scoped3A = tpu.sem_alloc : memref<!tpu.dma_semaphore, #tpu.memory_space<semaphore_mem>>
          %dma_start3A_292 = arith.constant 2 : i32
          %dma_start3A_293 = arith.constant 0 : i32
          %dma_start3A_294 = tpu.memref_slice %arg9[%dma_start3A_292, %dma_start3A_293] : memref<6x128xi32, #tpu.memory_space<vmem>> -> memref<2x128xi32, #tpu.memory_space<vmem>>
          %dma_start3A_295 = arith.constant 0 : i32
          %dma_start3A_296 = tpu.memref_slice %arg4[%add3A_66, %dma_start3A_295] : memref<2500x128xi32, #tpu.memory_space<hbm>> -> memref<2x128xi32, #tpu.memory_space<hbm>>
          %dma_start3A_297 = arith.constant 2 : i32
          %dma_start3A_298 = arith.constant 0 : i32
          %dma_start3A_299 = tpu.memref_slice %arg9[%dma_start3A_297, %dma_start3A_298] : memref<6x128xi32, #tpu.memory_space<vmem>> -> memref<2x128xi32, #tpu.memory_space<vmem>>
          %dma_start3A_300 = arith.constant 0 : i32
          %dma_start3A_301 = tpu.memref_slice %arg4[%add3A_66, %dma_start3A_300] : memref<2500x128xi32, #tpu.memory_space<hbm>> -> memref<2x128xi32, #tpu.memory_space<hbm>>
          tpu.enqueue_dma source(%dma_start3A_301 : memref<2x128xi32, #tpu.memory_space<hbm>>) target(%dma_start3A_299 : memref<2x128xi32, #tpu.memory_space<vmem>>) target_semaphore(%run_scoped3A : memref<!tpu.dma_semaphore, #tpu.memory_space<semaphore_mem>>)
          %dma_wait3A_302 = arith.constant 2 : i32
          %dma_wait3A_303 = arith.constant 0 : i32
          %dma_wait3A_304 = tpu.memref_slice %arg9[%dma_wait3A_302, %dma_wait3A_303] : memref<6x128xi32, #tpu.memory_space<vmem>> -> memref<2x128xi32, #tpu.memory_space<vmem>>
          %dma_wait3A_305 = arith.constant 0 : i32
          %dma_wait3A_306 = tpu.memref_slice %arg4[%add3A_66, %dma_wait3A_305] : memref<2500x128xi32, #tpu.memory_space<hbm>> -> memref<2x128xi32, #tpu.memory_space<hbm>>
          %dma_wait3A_307 = arith.constant 2 : i32
          %dma_wait3A_308 = arith.constant 0 : i32
          %dma_wait3A_309 = tpu.memref_slice %arg9[%dma_wait3A_307, %dma_wait3A_308] : memref<6x128xi32, #tpu.memory_space<vmem>> -> memref<2x128xi32, #tpu.memory_space<vmem>>
          %dma_wait3A_310 = arith.constant 0 : i32
          %dma_wait3A_311 = tpu.memref_slice %arg4[%add3A_66, %dma_wait3A_310] : memref<2500x128xi32, #tpu.memory_space<hbm>> -> memref<2x128xi32, #tpu.memory_space<hbm>>
          tpu.wait_dma2 semaphore(%run_scoped3A : memref<!tpu.dma_semaphore, #tpu.memory_space<semaphore_mem>>) src(%dma_wait3A_311 : memref<2x128xi32, #tpu.memory_space<hbm>>) dst(%dma_wait3A_309 : memref<2x128xi32, #tpu.memory_space<vmem>>)
          tpu.yield
        }) : () -> ()
        %add3A_67 = arith.constant 2 : i32
        %add3A_68 = arith.addi %add3A_41, %add3A_67 : i32
        "tpu.region"() ({
          %run_scoped3A = tpu.sem_alloc : memref<!tpu.dma_semaphore, #tpu.memory_space<semaphore_mem>>
          %dma_start3A_292 = arith.constant 2 : i32
          %dma_start3A_293 = arith.constant 0 : i32
          %dma_start3A_294 = tpu.memref_slice %arg10[%dma_start3A_292, %dma_start3A_293] : memref<6x128xi32, #tpu.memory_space<vmem>> -> memref<2x128xi32, #tpu.memory_space<vmem>>
          %dma_start3A_295 = arith.constant 0 : i32
          %dma_start3A_296 = tpu.memref_slice %arg5[%add3A_68, %dma_start3A_295] : memref<2500x128xi32, #tpu.memory_space<hbm>> -> memref<2x128xi32, #tpu.memory_space<hbm>>
          %dma_start3A_297 = arith.constant 2 : i32
          %dma_start3A_298 = arith.constant 0 : i32
          %dma_start3A_299 = tpu.memref_slice %arg10[%dma_start3A_297, %dma_start3A_298] : memref<6x128xi32, #tpu.memory_space<vmem>> -> memref<2x128xi32, #tpu.memory_space<vmem>>
          %dma_start3A_300 = arith.constant 0 : i32
          %dma_start3A_301 = tpu.memref_slice %arg5[%add3A_68, %dma_start3A_300] : memref<2500x128xi32, #tpu.memory_space<hbm>> -> memref<2x128xi32, #tpu.memory_space<hbm>>
          tpu.enqueue_dma source(%dma_start3A_301 : memref<2x128xi32, #tpu.memory_space<hbm>>) target(%dma_start3A_299 : memref<2x128xi32, #tpu.memory_space<vmem>>) target_semaphore(%run_scoped3A : memref<!tpu.dma_semaphore, #tpu.memory_space<semaphore_mem>>)
          %dma_wait3A_302 = arith.constant 2 : i32
          %dma_wait3A_303 = arith.constant 0 : i32
          %dma_wait3A_304 = tpu.memref_slice %arg10[%dma_wait3A_302, %dma_wait3A_303] : memref<6x128xi32, #tpu.memory_space<vmem>> -> memref<2x128xi32, #tpu.memory_space<vmem>>
          %dma_wait3A_305 = arith.constant 0 : i32
          %dma_wait3A_306 = tpu.memref_slice %arg5[%add3A_68, %dma_wait3A_305] : memref<2500x128xi32, #tpu.memory_space<hbm>> -> memref<2x128xi32, #tpu.memory_space<hbm>>
          %dma_wait3A_307 = arith.constant 2 : i32
          %dma_wait3A_308 = arith.constant 0 : i32
          %dma_wait3A_309 = tpu.memref_slice %arg10[%dma_wait3A_307, %dma_wait3A_308] : memref<6x128xi32, #tpu.memory_space<vmem>> -> memref<2x128xi32, #tpu.memory_space<vmem>>
          %dma_wait3A_310 = arith.constant 0 : i32
          %dma_wait3A_311 = tpu.memref_slice %arg5[%add3A_68, %dma_wait3A_310] : memref<2500x128xi32, #tpu.memory_space<hbm>> -> memref<2x128xi32, #tpu.memory_space<hbm>>
          tpu.wait_dma2 semaphore(%run_scoped3A : memref<!tpu.dma_semaphore, #tpu.memory_space<semaphore_mem>>) src(%dma_wait3A_311 : memref<2x128xi32, #tpu.memory_space<hbm>>) dst(%dma_wait3A_309 : memref<2x128xi32, #tpu.memory_space<vmem>>)
          tpu.yield
        }) : () -> ()
        %dma_start3A_69 = arith.constant 2 : i32
        %dma_start3A_70 = arith.constant 256 : i32
        %dma_start3A_71 = arith.constant 0 : i32
        %dma_start3A_72 = tpu.memref_slice %arg11[%dma_start3A_70, %dma_start3A_71] : memref<768x64xf32, #tpu.memory_space<vmem>> -> memref<128x64xf32, #tpu.memory_space<vmem>>
        %dma_start3A_73 = arith.constant 0 : i32
        %dma_start3A_74 = tpu.memref_slice %arg9[%dma_start3A_69, %dma_start3A_73] : memref<6x128xi32, #tpu.memory_space<vmem>> -> memref<1x128xi32, #tpu.memory_space<vmem>>
        %dma_start3A_75 = tpu.memref_squeeze %dma_start3A_74 : memref<1x128xi32, #tpu.memory_space<vmem>> -> memref<128xi32, #tpu.memory_space<vmem>>
        %dma_start3A_76 = arith.constant 0 : i32
        %dma_start3A_77 = arith.constant 0 : i32
        %dma_start3A_78 = tpu.memref_slice %arg3[%dma_start3A_76, %dma_start3A_77] : memref<10000x64xf32, #tpu.memory_space<hbm>> -> memref<10000x64xf32, #tpu.memory_space<hbm>>
        tpu.enqueue_indirect_dma source(%dma_start3A_78 : memref<10000x64xf32, #tpu.memory_space<hbm>>) target(%dma_start3A_72 : memref<128x64xf32, #tpu.memory_space<vmem>>) offsets(%dma_start3A_75 : memref<128xi32, #tpu.memory_space<vmem>>) semaphore(%arg14 : memref<!tpu.dma_semaphore, #tpu.memory_space<semaphore_mem>>)
        %dma_start3A_79 = arith.constant 3 : i32
        %dma_start3A_80 = arith.constant 384 : i32
        %dma_start3A_81 = arith.constant 0 : i32
        %dma_start3A_82 = tpu.memref_slice %arg11[%dma_start3A_80, %dma_start3A_81] : memref<768x64xf32, #tpu.memory_space<vmem>> -> memref<128x64xf32, #tpu.memory_space<vmem>>
        %dma_start3A_83 = arith.constant 0 : i32
        %dma_start3A_84 = tpu.memref_slice %arg9[%dma_start3A_79, %dma_start3A_83] : memref<6x128xi32, #tpu.memory_space<vmem>> -> memref<1x128xi32, #tpu.memory_space<vmem>>
        %dma_start3A_85 = tpu.memref_squeeze %dma_start3A_84 : memref<1x128xi32, #tpu.memory_space<vmem>> -> memref<128xi32, #tpu.memory_space<vmem>>
        %dma_start3A_86 = arith.constant 0 : i32
        %dma_start3A_87 = arith.constant 0 : i32
        %dma_start3A_88 = tpu.memref_slice %arg3[%dma_start3A_86, %dma_start3A_87] : memref<10000x64xf32, #tpu.memory_space<hbm>> -> memref<10000x64xf32, #tpu.memory_space<hbm>>
        tpu.enqueue_indirect_dma source(%dma_start3A_88 : memref<10000x64xf32, #tpu.memory_space<hbm>>) target(%dma_start3A_82 : memref<128x64xf32, #tpu.memory_space<vmem>>) offsets(%dma_start3A_85 : memref<128xi32, #tpu.memory_space<vmem>>) semaphore(%arg14 : memref<!tpu.dma_semaphore, #tpu.memory_space<semaphore_mem>>)
        %add3A_89 = arith.constant 4 : i32
        %add3A_90 = arith.addi %add3A_41, %add3A_89 : i32
        "tpu.region"() ({
          %run_scoped3A = tpu.sem_alloc : memref<!tpu.dma_semaphore, #tpu.memory_space<semaphore_mem>>
          %dma_start3A_292 = arith.constant 4 : i32
          %dma_start3A_293 = arith.constant 0 : i32
          %dma_start3A_294 = tpu.memref_slice %arg9[%dma_start3A_292, %dma_start3A_293] : memref<6x128xi32, #tpu.memory_space<vmem>> -> memref<2x128xi32, #tpu.memory_space<vmem>>
          %dma_start3A_295 = arith.constant 0 : i32
          %dma_start3A_296 = tpu.memref_slice %arg4[%add3A_90, %dma_start3A_295] : memref<2500x128xi32, #tpu.memory_space<hbm>> -> memref<2x128xi32, #tpu.memory_space<hbm>>
          %dma_start3A_297 = arith.constant 4 : i32
          %dma_start3A_298 = arith.constant 0 : i32
          %dma_start3A_299 = tpu.memref_slice %arg9[%dma_start3A_297, %dma_start3A_298] : memref<6x128xi32, #tpu.memory_space<vmem>> -> memref<2x128xi32, #tpu.memory_space<vmem>>
          %dma_start3A_300 = arith.constant 0 : i32
          %dma_start3A_301 = tpu.memref_slice %arg4[%add3A_90, %dma_start3A_300] : memref<2500x128xi32, #tpu.memory_space<hbm>> -> memref<2x128xi32, #tpu.memory_space<hbm>>
          tpu.enqueue_dma source(%dma_start3A_301 : memref<2x128xi32, #tpu.memory_space<hbm>>) target(%dma_start3A_299 : memref<2x128xi32, #tpu.memory_space<vmem>>) target_semaphore(%run_scoped3A : memref<!tpu.dma_semaphore, #tpu.memory_space<semaphore_mem>>)
          %dma_wait3A_302 = arith.constant 4 : i32
          %dma_wait3A_303 = arith.constant 0 : i32
          %dma_wait3A_304 = tpu.memref_slice %arg9[%dma_wait3A_302, %dma_wait3A_303] : memref<6x128xi32, #tpu.memory_space<vmem>> -> memref<2x128xi32, #tpu.memory_space<vmem>>
          %dma_wait3A_305 = arith.constant 0 : i32
          %dma_wait3A_306 = tpu.memref_slice %arg4[%add3A_90, %dma_wait3A_305] : memref<2500x128xi32, #tpu.memory_space<hbm>> -> memref<2x128xi32, #tpu.memory_space<hbm>>
          %dma_wait3A_307 = arith.constant 4 : i32
          %dma_wait3A_308 = arith.constant 0 : i32
          %dma_wait3A_309 = tpu.memref_slice %arg9[%dma_wait3A_307, %dma_wait3A_308] : memref<6x128xi32, #tpu.memory_space<vmem>> -> memref<2x128xi32, #tpu.memory_space<vmem>>
          %dma_wait3A_310 = arith.constant 0 : i32
          %dma_wait3A_311 = tpu.memref_slice %arg4[%add3A_90, %dma_wait3A_310] : memref<2500x128xi32, #tpu.memory_space<hbm>> -> memref<2x128xi32, #tpu.memory_space<hbm>>
          tpu.wait_dma2 semaphore(%run_scoped3A : memref<!tpu.dma_semaphore, #tpu.memory_space<semaphore_mem>>) src(%dma_wait3A_311 : memref<2x128xi32, #tpu.memory_space<hbm>>) dst(%dma_wait3A_309 : memref<2x128xi32, #tpu.memory_space<vmem>>)
          tpu.yield
        }) : () -> ()
        %add3A_91 = arith.constant 4 : i32
        %add3A_92 = arith.addi %add3A_41, %add3A_91 : i32
        "tpu.region"() ({
          %run_scoped3A = tpu.sem_alloc : memref<!tpu.dma_semaphore, #tpu.memory_space<semaphore_mem>>
          %dma_start3A_292 = arith.constant 4 : i32
          %dma_start3A_293 = arith.constant 0 : i32
          %dma_start3A_294 = tpu.memref_slice %arg10[%dma_start3A_292, %dma_start3A_293] : memref<6x128xi32, #tpu.memory_space<vmem>> -> memref<2x128xi32, #tpu.memory_space<vmem>>
          %dma_start3A_295 = arith.constant 0 : i32
          %dma_start3A_296 = tpu.memref_slice %arg5[%add3A_92, %dma_start3A_295] : memref<2500x128xi32, #tpu.memory_space<hbm>> -> memref<2x128xi32, #tpu.memory_space<hbm>>
          %dma_start3A_297 = arith.constant 4 : i32
          %dma_start3A_298 = arith.constant 0 : i32
          %dma_start3A_299 = tpu.memref_slice %arg10[%dma_start3A_297, %dma_start3A_298] : memref<6x128xi32, #tpu.memory_space<vmem>> -> memref<2x128xi32, #tpu.memory_space<vmem>>
          %dma_start3A_300 = arith.constant 0 : i32
          %dma_start3A_301 = tpu.memref_slice %arg5[%add3A_92, %dma_start3A_300] : memref<2500x128xi32, #tpu.memory_space<hbm>> -> memref<2x128xi32, #tpu.memory_space<hbm>>
          tpu.enqueue_dma source(%dma_start3A_301 : memref<2x128xi32, #tpu.memory_space<hbm>>) target(%dma_start3A_299 : memref<2x128xi32, #tpu.memory_space<vmem>>) target_semaphore(%run_scoped3A : memref<!tpu.dma_semaphore, #tpu.memory_space<semaphore_mem>>)
          %dma_wait3A_302 = arith.constant 4 : i32
          %dma_wait3A_303 = arith.constant 0 : i32
          %dma_wait3A_304 = tpu.memref_slice %arg10[%dma_wait3A_302, %dma_wait3A_303] : memref<6x128xi32, #tpu.memory_space<vmem>> -> memref<2x128xi32, #tpu.memory_space<vmem>>
          %dma_wait3A_305 = arith.constant 0 : i32
          %dma_wait3A_306 = tpu.memref_slice %arg5[%add3A_92, %dma_wait3A_305] : memref<2500x128xi32, #tpu.memory_space<hbm>> -> memref<2x128xi32, #tpu.memory_space<hbm>>
          %dma_wait3A_307 = arith.constant 4 : i32
          %dma_wait3A_308 = arith.constant 0 : i32
          %dma_wait3A_309 = tpu.memref_slice %arg10[%dma_wait3A_307, %dma_wait3A_308] : memref<6x128xi32, #tpu.memory_space<vmem>> -> memref<2x128xi32, #tpu.memory_space<vmem>>
          %dma_wait3A_310 = arith.constant 0 : i32
          %dma_wait3A_311 = tpu.memref_slice %arg5[%add3A_92, %dma_wait3A_310] : memref<2500x128xi32, #tpu.memory_space<hbm>> -> memref<2x128xi32, #tpu.memory_space<hbm>>
          tpu.wait_dma2 semaphore(%run_scoped3A : memref<!tpu.dma_semaphore, #tpu.memory_space<semaphore_mem>>) src(%dma_wait3A_311 : memref<2x128xi32, #tpu.memory_space<hbm>>) dst(%dma_wait3A_309 : memref<2x128xi32, #tpu.memory_space<vmem>>)
          tpu.yield
        }) : () -> ()
        %dma_start3A_93 = arith.constant 4 : i32
        %dma_start3A_94 = arith.constant 512 : i32
        %dma_start3A_95 = arith.constant 0 : i32
        %dma_start3A_96 = tpu.memref_slice %arg11[%dma_start3A_94, %dma_start3A_95] : memref<768x64xf32, #tpu.memory_space<vmem>> -> memref<128x64xf32, #tpu.memory_space<vmem>>
        %dma_start3A_97 = arith.constant 0 : i32
        %dma_start3A_98 = tpu.memref_slice %arg9[%dma_start3A_93, %dma_start3A_97] : memref<6x128xi32, #tpu.memory_space<vmem>> -> memref<1x128xi32, #tpu.memory_space<vmem>>
        %dma_start3A_99 = tpu.memref_squeeze %dma_start3A_98 : memref<1x128xi32, #tpu.memory_space<vmem>> -> memref<128xi32, #tpu.memory_space<vmem>>
        %dma_start3A_100 = arith.constant 0 : i32
        %dma_start3A_101 = arith.constant 0 : i32
        %dma_start3A_102 = tpu.memref_slice %arg3[%dma_start3A_100, %dma_start3A_101] : memref<10000x64xf32, #tpu.memory_space<hbm>> -> memref<10000x64xf32, #tpu.memory_space<hbm>>
        tpu.enqueue_indirect_dma source(%dma_start3A_102 : memref<10000x64xf32, #tpu.memory_space<hbm>>) target(%dma_start3A_96 : memref<128x64xf32, #tpu.memory_space<vmem>>) offsets(%dma_start3A_99 : memref<128xi32, #tpu.memory_space<vmem>>) semaphore(%arg15 : memref<!tpu.dma_semaphore, #tpu.memory_space<semaphore_mem>>)
        %dma_start3A_103 = arith.constant 5 : i32
        %dma_start3A_104 = arith.constant 640 : i32
        %dma_start3A_105 = arith.constant 0 : i32
        %dma_start3A_106 = tpu.memref_slice %arg11[%dma_start3A_104, %dma_start3A_105] : memref<768x64xf32, #tpu.memory_space<vmem>> -> memref<128x64xf32, #tpu.memory_space<vmem>>
        %dma_start3A_107 = arith.constant 0 : i32
        %dma_start3A_108 = tpu.memref_slice %arg9[%dma_start3A_103, %dma_start3A_107] : memref<6x128xi32, #tpu.memory_space<vmem>> -> memref<1x128xi32, #tpu.memory_space<vmem>>
        %dma_start3A_109 = tpu.memref_squeeze %dma_start3A_108 : memref<1x128xi32, #tpu.memory_space<vmem>> -> memref<128xi32, #tpu.memory_space<vmem>>
        %dma_start3A_110 = arith.constant 0 : i32
        %dma_start3A_111 = arith.constant 0 : i32
        %dma_start3A_112 = tpu.memref_slice %arg3[%dma_start3A_110, %dma_start3A_111] : memref<10000x64xf32, #tpu.memory_space<hbm>> -> memref<10000x64xf32, #tpu.memory_space<hbm>>
        tpu.enqueue_indirect_dma source(%dma_start3A_112 : memref<10000x64xf32, #tpu.memory_space<hbm>>) target(%dma_start3A_106 : memref<128x64xf32, #tpu.memory_space<vmem>>) offsets(%dma_start3A_109 : memref<128xi32, #tpu.memory_space<vmem>>) semaphore(%arg15 : memref<!tpu.dma_semaphore, #tpu.memory_space<semaphore_mem>>)
        %dma_wait3A = arith.constant 0 : i32
        %dma_wait3A_113 = arith.constant 0 : i32
        %dma_wait3A_114 = arith.constant 0 : i32
        %dma_wait3A_115 = tpu.memref_slice %arg11[%dma_wait3A_113, %dma_wait3A_114] : memref<768x64xf32, #tpu.memory_space<vmem>> -> memref<128x64xf32, #tpu.memory_space<vmem>>
        %dma_wait3A_116 = arith.constant 0 : i32
        %dma_wait3A_117 = tpu.memref_slice %arg9[%dma_wait3A, %dma_wait3A_116] : memref<6x128xi32, #tpu.memory_space<vmem>> -> memref<1x128xi32, #tpu.memory_space<vmem>>
        %dma_wait3A_118 = tpu.memref_squeeze %dma_wait3A_117 : memref<1x128xi32, #tpu.memory_space<vmem>> -> memref<128xi32, #tpu.memory_space<vmem>>
        %dma_wait3A_119 = arith.constant 0 : i32
        %dma_wait3A_120 = arith.constant 0 : i32
        %dma_wait3A_121 = tpu.memref_slice %arg3[%dma_wait3A_119, %dma_wait3A_120] : memref<10000x64xf32, #tpu.memory_space<hbm>> -> memref<10000x64xf32, #tpu.memory_space<hbm>>
        tpu.wait_indirect_dma semaphore(%arg13 : memref<!tpu.dma_semaphore, #tpu.memory_space<semaphore_mem>>) src(%dma_wait3A_121 : memref<10000x64xf32, #tpu.memory_space<hbm>>) dst(%dma_wait3A_115 : memref<128x64xf32, #tpu.memory_space<vmem>>)
        %dma_wait3A_122 = arith.constant 1 : i32
        %dma_wait3A_123 = arith.constant 128 : i32
        %dma_wait3A_124 = arith.constant 0 : i32
        %dma_wait3A_125 = tpu.memref_slice %arg11[%dma_wait3A_123, %dma_wait3A_124] : memref<768x64xf32, #tpu.memory_space<vmem>> -> memref<128x64xf32, #tpu.memory_space<vmem>>
        %dma_wait3A_126 = arith.constant 0 : i32
        %dma_wait3A_127 = tpu.memref_slice %arg9[%dma_wait3A_122, %dma_wait3A_126] : memref<6x128xi32, #tpu.memory_space<vmem>> -> memref<1x128xi32, #tpu.memory_space<vmem>>
        %dma_wait3A_128 = tpu.memref_squeeze %dma_wait3A_127 : memref<1x128xi32, #tpu.memory_space<vmem>> -> memref<128xi32, #tpu.memory_space<vmem>>
        %dma_wait3A_129 = arith.constant 0 : i32
        %dma_wait3A_130 = arith.constant 0 : i32
        %dma_wait3A_131 = tpu.memref_slice %arg3[%dma_wait3A_129, %dma_wait3A_130] : memref<10000x64xf32, #tpu.memory_space<hbm>> -> memref<10000x64xf32, #tpu.memory_space<hbm>>
        tpu.wait_indirect_dma semaphore(%arg13 : memref<!tpu.dma_semaphore, #tpu.memory_space<semaphore_mem>>) src(%dma_wait3A_131 : memref<10000x64xf32, #tpu.memory_space<hbm>>) dst(%dma_wait3A_125 : memref<128x64xf32, #tpu.memory_space<vmem>>)
        %dma_start3A_132 = arith.constant 0 : i32
        %dma_start3A_133 = arith.constant 0 : i32
        %dma_start3A_134 = arith.constant 0 : i32
        %dma_start3A_135 = tpu.memref_slice %arg11[%dma_start3A_133, %dma_start3A_134] : memref<768x64xf32, #tpu.memory_space<vmem>> -> memref<128x64xf32, #tpu.memory_space<vmem>>
        %dma_start3A_136 = arith.constant 0 : i32
        %dma_start3A_137 = tpu.memref_slice %arg10[%dma_start3A_132, %dma_start3A_136] : memref<6x128xi32, #tpu.memory_space<vmem>> -> memref<1x128xi32, #tpu.memory_space<vmem>>
        %dma_start3A_138 = tpu.memref_squeeze %dma_start3A_137 : memref<1x128xi32, #tpu.memory_space<vmem>> -> memref<128xi32, #tpu.memory_space<vmem>>
        %dma_start3A_139 = arith.constant 0 : i32
        %dma_start3A_140 = arith.constant 0 : i32
        %dma_start3A_141 = tpu.memref_slice %arg12[%dma_start3A_139, %dma_start3A_140] : memref<10240x64xf32, #tpu.memory_space<vmem_shared>> -> memref<10240x64xf32, #tpu.memory_space<vmem_shared>>
        tpu.enqueue_indirect_dma source(%dma_start3A_135 : memref<128x64xf32, #tpu.memory_space<vmem>>) target(%dma_start3A_141 : memref<10240x64xf32, #tpu.memory_space<vmem_shared>>) offsets(%dma_start3A_138 : memref<128xi32, #tpu.memory_space<vmem>>) semaphore(%arg16 : memref<!tpu.dma_semaphore, #tpu.memory_space<semaphore_mem>>) {add = true}
        %dma_start3A_142 = arith.constant 1 : i32
        %dma_start3A_143 = arith.constant 128 : i32
        %dma_start3A_144 = arith.constant 0 : i32
        %dma_start3A_145 = tpu.memref_slice %arg11[%dma_start3A_143, %dma_start3A_144] : memref<768x64xf32, #tpu.memory_space<vmem>> -> memref<128x64xf32, #tpu.memory_space<vmem>>
        %dma_start3A_146 = arith.constant 0 : i32
        %dma_start3A_147 = tpu.memref_slice %arg10[%dma_start3A_142, %dma_start3A_146] : memref<6x128xi32, #tpu.memory_space<vmem>> -> memref<1x128xi32, #tpu.memory_space<vmem>>
        %dma_start3A_148 = tpu.memref_squeeze %dma_start3A_147 : memref<1x128xi32, #tpu.memory_space<vmem>> -> memref<128xi32, #tpu.memory_space<vmem>>
        %dma_start3A_149 = arith.constant 0 : i32
        %dma_start3A_150 = arith.constant 0 : i32
        %dma_start3A_151 = tpu.memref_slice %arg12[%dma_start3A_149, %dma_start3A_150] : memref<10240x64xf32, #tpu.memory_space<vmem_shared>> -> memref<10240x64xf32, #tpu.memory_space<vmem_shared>>
        tpu.enqueue_indirect_dma source(%dma_start3A_145 : memref<128x64xf32, #tpu.memory_space<vmem>>) target(%dma_start3A_151 : memref<10240x64xf32, #tpu.memory_space<vmem_shared>>) offsets(%dma_start3A_148 : memref<128xi32, #tpu.memory_space<vmem>>) semaphore(%arg16 : memref<!tpu.dma_semaphore, #tpu.memory_space<semaphore_mem>>) {add = true}
        %dma_wait3A_152 = arith.constant 2 : i32
        %dma_wait3A_153 = arith.constant 256 : i32
        %dma_wait3A_154 = arith.constant 0 : i32
        %dma_wait3A_155 = tpu.memref_slice %arg11[%dma_wait3A_153, %dma_wait3A_154] : memref<768x64xf32, #tpu.memory_space<vmem>> -> memref<128x64xf32, #tpu.memory_space<vmem>>
        %dma_wait3A_156 = arith.constant 0 : i32
        %dma_wait3A_157 = tpu.memref_slice %arg9[%dma_wait3A_152, %dma_wait3A_156] : memref<6x128xi32, #tpu.memory_space<vmem>> -> memref<1x128xi32, #tpu.memory_space<vmem>>
        %dma_wait3A_158 = tpu.memref_squeeze %dma_wait3A_157 : memref<1x128xi32, #tpu.memory_space<vmem>> -> memref<128xi32, #tpu.memory_space<vmem>>
        %dma_wait3A_159 = arith.constant 0 : i32
        %dma_wait3A_160 = arith.constant 0 : i32
        %dma_wait3A_161 = tpu.memref_slice %arg3[%dma_wait3A_159, %dma_wait3A_160] : memref<10000x64xf32, #tpu.memory_space<hbm>> -> memref<10000x64xf32, #tpu.memory_space<hbm>>
        tpu.wait_indirect_dma semaphore(%arg14 : memref<!tpu.dma_semaphore, #tpu.memory_space<semaphore_mem>>) src(%dma_wait3A_161 : memref<10000x64xf32, #tpu.memory_space<hbm>>) dst(%dma_wait3A_155 : memref<128x64xf32, #tpu.memory_space<vmem>>)
        %dma_wait3A_162 = arith.constant 3 : i32
        %dma_wait3A_163 = arith.constant 384 : i32
        %dma_wait3A_164 = arith.constant 0 : i32
        %dma_wait3A_165 = tpu.memref_slice %arg11[%dma_wait3A_163, %dma_wait3A_164] : memref<768x64xf32, #tpu.memory_space<vmem>> -> memref<128x64xf32, #tpu.memory_space<vmem>>
        %dma_wait3A_166 = arith.constant 0 : i32
        %dma_wait3A_167 = tpu.memref_slice %arg9[%dma_wait3A_162, %dma_wait3A_166] : memref<6x128xi32, #tpu.memory_space<vmem>> -> memref<1x128xi32, #tpu.memory_space<vmem>>
        %dma_wait3A_168 = tpu.memref_squeeze %dma_wait3A_167 : memref<1x128xi32, #tpu.memory_space<vmem>> -> memref<128xi32, #tpu.memory_space<vmem>>
        %dma_wait3A_169 = arith.constant 0 : i32
        %dma_wait3A_170 = arith.constant 0 : i32
        %dma_wait3A_171 = tpu.memref_slice %arg3[%dma_wait3A_169, %dma_wait3A_170] : memref<10000x64xf32, #tpu.memory_space<hbm>> -> memref<10000x64xf32, #tpu.memory_space<hbm>>
        tpu.wait_indirect_dma semaphore(%arg14 : memref<!tpu.dma_semaphore, #tpu.memory_space<semaphore_mem>>) src(%dma_wait3A_171 : memref<10000x64xf32, #tpu.memory_space<hbm>>) dst(%dma_wait3A_165 : memref<128x64xf32, #tpu.memory_space<vmem>>)
        %dma_start3A_172 = arith.constant 2 : i32
        %dma_start3A_173 = arith.constant 256 : i32
        %dma_start3A_174 = arith.constant 0 : i32
        %dma_start3A_175 = tpu.memref_slice %arg11[%dma_start3A_173, %dma_start3A_174] : memref<768x64xf32, #tpu.memory_space<vmem>> -> memref<128x64xf32, #tpu.memory_space<vmem>>
        %dma_start3A_176 = arith.constant 0 : i32
        %dma_start3A_177 = tpu.memref_slice %arg10[%dma_start3A_172, %dma_start3A_176] : memref<6x128xi32, #tpu.memory_space<vmem>> -> memref<1x128xi32, #tpu.memory_space<vmem>>
        %dma_start3A_178 = tpu.memref_squeeze %dma_start3A_177 : memref<1x128xi32, #tpu.memory_space<vmem>> -> memref<128xi32, #tpu.memory_space<vmem>>
        %dma_start3A_179 = arith.constant 0 : i32
        %dma_start3A_180 = arith.constant 0 : i32
        %dma_start3A_181 = tpu.memref_slice %arg12[%dma_start3A_179, %dma_start3A_180] : memref<10240x64xf32, #tpu.memory_space<vmem_shared>> -> memref<10240x64xf32, #tpu.memory_space<vmem_shared>>
        tpu.enqueue_indirect_dma source(%dma_start3A_175 : memref<128x64xf32, #tpu.memory_space<vmem>>) target(%dma_start3A_181 : memref<10240x64xf32, #tpu.memory_space<vmem_shared>>) offsets(%dma_start3A_178 : memref<128xi32, #tpu.memory_space<vmem>>) semaphore(%arg16 : memref<!tpu.dma_semaphore, #tpu.memory_space<semaphore_mem>>) {add = true}
        %dma_start3A_182 = arith.constant 3 : i32
        %dma_start3A_183 = arith.constant 384 : i32
        %dma_start3A_184 = arith.constant 0 : i32
        %dma_start3A_185 = tpu.memref_slice %arg11[%dma_start3A_183, %dma_start3A_184] : memref<768x64xf32, #tpu.memory_space<vmem>> -> memref<128x64xf32, #tpu.memory_space<vmem>>
        %dma_start3A_186 = arith.constant 0 : i32
        %dma_start3A_187 = tpu.memref_slice %arg10[%dma_start3A_182, %dma_start3A_186] : memref<6x128xi32, #tpu.memory_space<vmem>> -> memref<1x128xi32, #tpu.memory_space<vmem>>
        %dma_start3A_188 = tpu.memref_squeeze %dma_start3A_187 : memref<1x128xi32, #tpu.memory_space<vmem>> -> memref<128xi32, #tpu.memory_space<vmem>>
        %dma_start3A_189 = arith.constant 0 : i32
        %dma_start3A_190 = arith.constant 0 : i32
        %dma_start3A_191 = tpu.memref_slice %arg12[%dma_start3A_189, %dma_start3A_190] : memref<10240x64xf32, #tpu.memory_space<vmem_shared>> -> memref<10240x64xf32, #tpu.memory_space<vmem_shared>>
        tpu.enqueue_indirect_dma source(%dma_start3A_185 : memref<128x64xf32, #tpu.memory_space<vmem>>) target(%dma_start3A_191 : memref<10240x64xf32, #tpu.memory_space<vmem_shared>>) offsets(%dma_start3A_188 : memref<128xi32, #tpu.memory_space<vmem>>) semaphore(%arg16 : memref<!tpu.dma_semaphore, #tpu.memory_space<semaphore_mem>>) {add = true}
        %dma_wait3A_192 = arith.constant 4 : i32
        %dma_wait3A_193 = arith.constant 512 : i32
        %dma_wait3A_194 = arith.constant 0 : i32
        %dma_wait3A_195 = tpu.memref_slice %arg11[%dma_wait3A_193, %dma_wait3A_194] : memref<768x64xf32, #tpu.memory_space<vmem>> -> memref<128x64xf32, #tpu.memory_space<vmem>>
        %dma_wait3A_196 = arith.constant 0 : i32
        %dma_wait3A_197 = tpu.memref_slice %arg9[%dma_wait3A_192, %dma_wait3A_196] : memref<6x128xi32, #tpu.memory_space<vmem>> -> memref<1x128xi32, #tpu.memory_space<vmem>>
        %dma_wait3A_198 = tpu.memref_squeeze %dma_wait3A_197 : memref<1x128xi32, #tpu.memory_space<vmem>> -> memref<128xi32, #tpu.memory_space<vmem>>
        %dma_wait3A_199 = arith.constant 0 : i32
        %dma_wait3A_200 = arith.constant 0 : i32
        %dma_wait3A_201 = tpu.memref_slice %arg3[%dma_wait3A_199, %dma_wait3A_200] : memref<10000x64xf32, #tpu.memory_space<hbm>> -> memref<10000x64xf32, #tpu.memory_space<hbm>>
        tpu.wait_indirect_dma semaphore(%arg15 : memref<!tpu.dma_semaphore, #tpu.memory_space<semaphore_mem>>) src(%dma_wait3A_201 : memref<10000x64xf32, #tpu.memory_space<hbm>>) dst(%dma_wait3A_195 : memref<128x64xf32, #tpu.memory_space<vmem>>)
        %dma_wait3A_202 = arith.constant 5 : i32
        %dma_wait3A_203 = arith.constant 640 : i32
        %dma_wait3A_204 = arith.constant 0 : i32
        %dma_wait3A_205 = tpu.memref_slice %arg11[%dma_wait3A_203, %dma_wait3A_204] : memref<768x64xf32, #tpu.memory_space<vmem>> -> memref<128x64xf32, #tpu.memory_space<vmem>>
        %dma_wait3A_206 = arith.constant 0 : i32
        %dma_wait3A_207 = tpu.memref_slice %arg9[%dma_wait3A_202, %dma_wait3A_206] : memref<6x128xi32, #tpu.memory_space<vmem>> -> memref<1x128xi32, #tpu.memory_space<vmem>>
        %dma_wait3A_208 = tpu.memref_squeeze %dma_wait3A_207 : memref<1x128xi32, #tpu.memory_space<vmem>> -> memref<128xi32, #tpu.memory_space<vmem>>
        %dma_wait3A_209 = arith.constant 0 : i32
        %dma_wait3A_210 = arith.constant 0 : i32
        %dma_wait3A_211 = tpu.memref_slice %arg3[%dma_wait3A_209, %dma_wait3A_210] : memref<10000x64xf32, #tpu.memory_space<hbm>> -> memref<10000x64xf32, #tpu.memory_space<hbm>>
        tpu.wait_indirect_dma semaphore(%arg15 : memref<!tpu.dma_semaphore, #tpu.memory_space<semaphore_mem>>) src(%dma_wait3A_211 : memref<10000x64xf32, #tpu.memory_space<hbm>>) dst(%dma_wait3A_205 : memref<128x64xf32, #tpu.memory_space<vmem>>)
        %dma_start3A_212 = arith.constant 4 : i32
        %dma_start3A_213 = arith.constant 512 : i32
        %dma_start3A_214 = arith.constant 0 : i32
        %dma_start3A_215 = tpu.memref_slice %arg11[%dma_start3A_213, %dma_start3A_214] : memref<768x64xf32, #tpu.memory_space<vmem>> -> memref<128x64xf32, #tpu.memory_space<vmem>>
        %dma_start3A_216 = arith.constant 0 : i32
        %dma_start3A_217 = tpu.memref_slice %arg10[%dma_start3A_212, %dma_start3A_216] : memref<6x128xi32, #tpu.memory_space<vmem>> -> memref<1x128xi32, #tpu.memory_space<vmem>>
        %dma_start3A_218 = tpu.memref_squeeze %dma_start3A_217 : memref<1x128xi32, #tpu.memory_space<vmem>> -> memref<128xi32, #tpu.memory_space<vmem>>
        %dma_start3A_219 = arith.constant 0 : i32
        %dma_start3A_220 = arith.constant 0 : i32
        %dma_start3A_221 = tpu.memref_slice %arg12[%dma_start3A_219, %dma_start3A_220] : memref<10240x64xf32, #tpu.memory_space<vmem_shared>> -> memref<10240x64xf32, #tpu.memory_space<vmem_shared>>
        tpu.enqueue_indirect_dma source(%dma_start3A_215 : memref<128x64xf32, #tpu.memory_space<vmem>>) target(%dma_start3A_221 : memref<10240x64xf32, #tpu.memory_space<vmem_shared>>) offsets(%dma_start3A_218 : memref<128xi32, #tpu.memory_space<vmem>>) semaphore(%arg16 : memref<!tpu.dma_semaphore, #tpu.memory_space<semaphore_mem>>) {add = true}
        %dma_start3A_222 = arith.constant 5 : i32
        %dma_start3A_223 = arith.constant 640 : i32
        %dma_start3A_224 = arith.constant 0 : i32
        %dma_start3A_225 = tpu.memref_slice %arg11[%dma_start3A_223, %dma_start3A_224] : memref<768x64xf32, #tpu.memory_space<vmem>> -> memref<128x64xf32, #tpu.memory_space<vmem>>
        %dma_start3A_226 = arith.constant 0 : i32
        %dma_start3A_227 = tpu.memref_slice %arg10[%dma_start3A_222, %dma_start3A_226] : memref<6x128xi32, #tpu.memory_space<vmem>> -> memref<1x128xi32, #tpu.memory_space<vmem>>
        %dma_start3A_228 = tpu.memref_squeeze %dma_start3A_227 : memref<1x128xi32, #tpu.memory_space<vmem>> -> memref<128xi32, #tpu.memory_space<vmem>>
        %dma_start3A_229 = arith.constant 0 : i32
        %dma_start3A_230 = arith.constant 0 : i32
        %dma_start3A_231 = tpu.memref_slice %arg12[%dma_start3A_229, %dma_start3A_230] : memref<10240x64xf32, #tpu.memory_space<vmem_shared>> -> memref<10240x64xf32, #tpu.memory_space<vmem_shared>>
        tpu.enqueue_indirect_dma source(%dma_start3A_225 : memref<128x64xf32, #tpu.memory_space<vmem>>) target(%dma_start3A_231 : memref<10240x64xf32, #tpu.memory_space<vmem_shared>>) offsets(%dma_start3A_228 : memref<128xi32, #tpu.memory_space<vmem>>) semaphore(%arg16 : memref<!tpu.dma_semaphore, #tpu.memory_space<semaphore_mem>>) {add = true}
        %dma_wait3A_232 = arith.constant 0 : i32
        %dma_wait3A_233 = arith.constant 0 : i32
        %dma_wait3A_234 = arith.constant 0 : i32
        %dma_wait3A_235 = tpu.memref_slice %arg11[%dma_wait3A_233, %dma_wait3A_234] : memref<768x64xf32, #tpu.memory_space<vmem>> -> memref<128x64xf32, #tpu.memory_space<vmem>>
        %dma_wait3A_236 = arith.constant 0 : i32
        %dma_wait3A_237 = tpu.memref_slice %arg10[%dma_wait3A_232, %dma_wait3A_236] : memref<6x128xi32, #tpu.memory_space<vmem>> -> memref<1x128xi32, #tpu.memory_space<vmem>>
        %dma_wait3A_238 = tpu.memref_squeeze %dma_wait3A_237 : memref<1x128xi32, #tpu.memory_space<vmem>> -> memref<128xi32, #tpu.memory_space<vmem>>
        %dma_wait3A_239 = arith.constant 0 : i32
        %dma_wait3A_240 = arith.constant 0 : i32
        %dma_wait3A_241 = tpu.memref_slice %arg12[%dma_wait3A_239, %dma_wait3A_240] : memref<10240x64xf32, #tpu.memory_space<vmem_shared>> -> memref<10240x64xf32, #tpu.memory_space<vmem_shared>>
        tpu.wait_indirect_dma semaphore(%arg16 : memref<!tpu.dma_semaphore, #tpu.memory_space<semaphore_mem>>) src(%dma_wait3A_235 : memref<128x64xf32, #tpu.memory_space<vmem>>) dst(%dma_wait3A_241 : memref<10240x64xf32, #tpu.memory_space<vmem_shared>>)
        %dma_wait3A_242 = arith.constant 1 : i32
        %dma_wait3A_243 = arith.constant 128 : i32
        %dma_wait3A_244 = arith.constant 0 : i32
        %dma_wait3A_245 = tpu.memref_slice %arg11[%dma_wait3A_243, %dma_wait3A_244] : memref<768x64xf32, #tpu.memory_space<vmem>> -> memref<128x64xf32, #tpu.memory_space<vmem>>
        %dma_wait3A_246 = arith.constant 0 : i32
        %dma_wait3A_247 = tpu.memref_slice %arg10[%dma_wait3A_242, %dma_wait3A_246] : memref<6x128xi32, #tpu.memory_space<vmem>> -> memref<1x128xi32, #tpu.memory_space<vmem>>
        %dma_wait3A_248 = tpu.memref_squeeze %dma_wait3A_247 : memref<1x128xi32, #tpu.memory_space<vmem>> -> memref<128xi32, #tpu.memory_space<vmem>>
        %dma_wait3A_249 = arith.constant 0 : i32
        %dma_wait3A_250 = arith.constant 0 : i32
        %dma_wait3A_251 = tpu.memref_slice %arg12[%dma_wait3A_249, %dma_wait3A_250] : memref<10240x64xf32, #tpu.memory_space<vmem_shared>> -> memref<10240x64xf32, #tpu.memory_space<vmem_shared>>
        tpu.wait_indirect_dma semaphore(%arg16 : memref<!tpu.dma_semaphore, #tpu.memory_space<semaphore_mem>>) src(%dma_wait3A_245 : memref<128x64xf32, #tpu.memory_space<vmem>>) dst(%dma_wait3A_251 : memref<10240x64xf32, #tpu.memory_space<vmem_shared>>)
        %dma_wait3A_252 = arith.constant 2 : i32
        %dma_wait3A_253 = arith.constant 256 : i32
        %dma_wait3A_254 = arith.constant 0 : i32
        %dma_wait3A_255 = tpu.memref_slice %arg11[%dma_wait3A_253, %dma_wait3A_254] : memref<768x64xf32, #tpu.memory_space<vmem>> -> memref<128x64xf32, #tpu.memory_space<vmem>>
        %dma_wait3A_256 = arith.constant 0 : i32
        %dma_wait3A_257 = tpu.memref_slice %arg10[%dma_wait3A_252, %dma_wait3A_256] : memref<6x128xi32, #tpu.memory_space<vmem>> -> memref<1x128xi32, #tpu.memory_space<vmem>>
        %dma_wait3A_258 = tpu.memref_squeeze %dma_wait3A_257 : memref<1x128xi32, #tpu.memory_space<vmem>> -> memref<128xi32, #tpu.memory_space<vmem>>
        %dma_wait3A_259 = arith.constant 0 : i32
        %dma_wait3A_260 = arith.constant 0 : i32
        %dma_wait3A_261 = tpu.memref_slice %arg12[%dma_wait3A_259, %dma_wait3A_260] : memref<10240x64xf32, #tpu.memory_space<vmem_shared>> -> memref<10240x64xf32, #tpu.memory_space<vmem_shared>>
        tpu.wait_indirect_dma semaphore(%arg16 : memref<!tpu.dma_semaphore, #tpu.memory_space<semaphore_mem>>) src(%dma_wait3A_255 : memref<128x64xf32, #tpu.memory_space<vmem>>) dst(%dma_wait3A_261 : memref<10240x64xf32, #tpu.memory_space<vmem_shared>>)
        %dma_wait3A_262 = arith.constant 3 : i32
        %dma_wait3A_263 = arith.constant 384 : i32
        %dma_wait3A_264 = arith.constant 0 : i32
        %dma_wait3A_265 = tpu.memref_slice %arg11[%dma_wait3A_263, %dma_wait3A_264] : memref<768x64xf32, #tpu.memory_space<vmem>> -> memref<128x64xf32, #tpu.memory_space<vmem>>
        %dma_wait3A_266 = arith.constant 0 : i32
        %dma_wait3A_267 = tpu.memref_slice %arg10[%dma_wait3A_262, %dma_wait3A_266] : memref<6x128xi32, #tpu.memory_space<vmem>> -> memref<1x128xi32, #tpu.memory_space<vmem>>
        %dma_wait3A_268 = tpu.memref_squeeze %dma_wait3A_267 : memref<1x128xi32, #tpu.memory_space<vmem>> -> memref<128xi32, #tpu.memory_space<vmem>>
        %dma_wait3A_269 = arith.constant 0 : i32
        %dma_wait3A_270 = arith.constant 0 : i32
        %dma_wait3A_271 = tpu.memref_slice %arg12[%dma_wait3A_269, %dma_wait3A_270] : memref<10240x64xf32, #tpu.memory_space<vmem_shared>> -> memref<10240x64xf32, #tpu.memory_space<vmem_shared>>
        tpu.wait_indirect_dma semaphore(%arg16 : memref<!tpu.dma_semaphore, #tpu.memory_space<semaphore_mem>>) src(%dma_wait3A_265 : memref<128x64xf32, #tpu.memory_space<vmem>>) dst(%dma_wait3A_271 : memref<10240x64xf32, #tpu.memory_space<vmem_shared>>)
        %dma_wait3A_272 = arith.constant 4 : i32
        %dma_wait3A_273 = arith.constant 512 : i32
        %dma_wait3A_274 = arith.constant 0 : i32
        %dma_wait3A_275 = tpu.memref_slice %arg11[%dma_wait3A_273, %dma_wait3A_274] : memref<768x64xf32, #tpu.memory_space<vmem>> -> memref<128x64xf32, #tpu.memory_space<vmem>>
        %dma_wait3A_276 = arith.constant 0 : i32
        %dma_wait3A_277 = tpu.memref_slice %arg10[%dma_wait3A_272, %dma_wait3A_276] : memref<6x128xi32, #tpu.memory_space<vmem>> -> memref<1x128xi32, #tpu.memory_space<vmem>>
        %dma_wait3A_278 = tpu.memref_squeeze %dma_wait3A_277 : memref<1x128xi32, #tpu.memory_space<vmem>> -> memref<128xi32, #tpu.memory_space<vmem>>
        %dma_wait3A_279 = arith.constant 0 : i32
        %dma_wait3A_280 = arith.constant 0 : i32
        %dma_wait3A_281 = tpu.memref_slice %arg12[%dma_wait3A_279, %dma_wait3A_280] : memref<10240x64xf32, #tpu.memory_space<vmem_shared>> -> memref<10240x64xf32, #tpu.memory_space<vmem_shared>>
        tpu.wait_indirect_dma semaphore(%arg16 : memref<!tpu.dma_semaphore, #tpu.memory_space<semaphore_mem>>) src(%dma_wait3A_275 : memref<128x64xf32, #tpu.memory_space<vmem>>) dst(%dma_wait3A_281 : memref<10240x64xf32, #tpu.memory_space<vmem_shared>>)
        %dma_wait3A_282 = arith.constant 5 : i32
        %dma_wait3A_283 = arith.constant 640 : i32
        %dma_wait3A_284 = arith.constant 0 : i32
        %dma_wait3A_285 = tpu.memref_slice %arg11[%dma_wait3A_283, %dma_wait3A_284] : memref<768x64xf32, #tpu.memory_space<vmem>> -> memref<128x64xf32, #tpu.memory_space<vmem>>
        %dma_wait3A_286 = arith.constant 0 : i32
        %dma_wait3A_287 = tpu.memref_slice %arg10[%dma_wait3A_282, %dma_wait3A_286] : memref<6x128xi32, #tpu.memory_space<vmem>> -> memref<1x128xi32, #tpu.memory_space<vmem>>
        %dma_wait3A_288 = tpu.memref_squeeze %dma_wait3A_287 : memref<1x128xi32, #tpu.memory_space<vmem>> -> memref<128xi32, #tpu.memory_space<vmem>>
        %dma_wait3A_289 = arith.constant 0 : i32
        %dma_wait3A_290 = arith.constant 0 : i32
        %dma_wait3A_291 = tpu.memref_slice %arg12[%dma_wait3A_289, %dma_wait3A_290] : memref<10240x64xf32, #tpu.memory_space<vmem_shared>> -> memref<10240x64xf32, #tpu.memory_space<vmem_shared>>
        tpu.wait_indirect_dma semaphore(%arg16 : memref<!tpu.dma_semaphore, #tpu.memory_space<semaphore_mem>>) src(%dma_wait3A_285 : memref<128x64xf32, #tpu.memory_space<vmem>>) dst(%dma_wait3A_291 : memref<10240x64xf32, #tpu.memory_space<vmem_shared>>)
      }
      %scan3A_33 = arith.constant 26 : i32
      %lt3A = arith.constant 4 : i32
      %lt3A_34 = arith.cmpi slt, %arg1, %lt3A : i32
      %convert_element_type3A_35 = arith.extui %lt3A_34 : i1 to i32
      %cond3A_36 = arith.constant 0 : i32
      %cond3A_37 = arith.cmpi ne, %convert_element_type3A_35, %cond3A_36 : i32
      scf.if %cond3A_37 {
        %add3A_38 = arith.constant 156 : i32
        %add3A_39 = arith.addi %add3A, %add3A_38 : i32
        "tpu.region"() ({
          %run_scoped3A_58 = tpu.sem_alloc : memref<!tpu.dma_semaphore, #tpu.memory_space<semaphore_mem>>
          %dma_start3A_59 = arith.constant 0 : i32
          %dma_start3A_60 = arith.constant 0 : i32
          %dma_start3A_61 = tpu.memref_slice %arg9[%dma_start3A_59, %dma_start3A_60] : memref<6x128xi32, #tpu.memory_space<vmem>> -> memref<1x128xi32, #tpu.memory_space<vmem>>
          %dma_start3A_62 = arith.constant 0 : i32
          %dma_start3A_63 = tpu.memref_slice %arg4[%add3A_39, %dma_start3A_62] : memref<2500x128xi32, #tpu.memory_space<hbm>> -> memref<1x128xi32, #tpu.memory_space<hbm>>
          %dma_start3A_64 = arith.constant 0 : i32
          %dma_start3A_65 = arith.constant 0 : i32
          %dma_start3A_66 = tpu.memref_slice %arg9[%dma_start3A_64, %dma_start3A_65] : memref<6x128xi32, #tpu.memory_space<vmem>> -> memref<1x128xi32, #tpu.memory_space<vmem>>
          %dma_start3A_67 = arith.constant 0 : i32
          %dma_start3A_68 = tpu.memref_slice %arg4[%add3A_39, %dma_start3A_67] : memref<2500x128xi32, #tpu.memory_space<hbm>> -> memref<1x128xi32, #tpu.memory_space<hbm>>
          tpu.enqueue_dma source(%dma_start3A_68 : memref<1x128xi32, #tpu.memory_space<hbm>>) target(%dma_start3A_66 : memref<1x128xi32, #tpu.memory_space<vmem>>) target_semaphore(%run_scoped3A_58 : memref<!tpu.dma_semaphore, #tpu.memory_space<semaphore_mem>>)
          %dma_wait3A_69 = arith.constant 0 : i32
          %dma_wait3A_70 = arith.constant 0 : i32
          %dma_wait3A_71 = tpu.memref_slice %arg9[%dma_wait3A_69, %dma_wait3A_70] : memref<6x128xi32, #tpu.memory_space<vmem>> -> memref<1x128xi32, #tpu.memory_space<vmem>>
          %dma_wait3A_72 = arith.constant 0 : i32
          %dma_wait3A_73 = tpu.memref_slice %arg4[%add3A_39, %dma_wait3A_72] : memref<2500x128xi32, #tpu.memory_space<hbm>> -> memref<1x128xi32, #tpu.memory_space<hbm>>
          %dma_wait3A_74 = arith.constant 0 : i32
          %dma_wait3A_75 = arith.constant 0 : i32
          %dma_wait3A_76 = tpu.memref_slice %arg9[%dma_wait3A_74, %dma_wait3A_75] : memref<6x128xi32, #tpu.memory_space<vmem>> -> memref<1x128xi32, #tpu.memory_space<vmem>>
          %dma_wait3A_77 = arith.constant 0 : i32
          %dma_wait3A_78 = tpu.memref_slice %arg4[%add3A_39, %dma_wait3A_77] : memref<2500x128xi32, #tpu.memory_space<hbm>> -> memref<1x128xi32, #tpu.memory_space<hbm>>
          tpu.wait_dma2 semaphore(%run_scoped3A_58 : memref<!tpu.dma_semaphore, #tpu.memory_space<semaphore_mem>>) src(%dma_wait3A_78 : memref<1x128xi32, #tpu.memory_space<hbm>>) dst(%dma_wait3A_76 : memref<1x128xi32, #tpu.memory_space<vmem>>)
          tpu.yield
        }) : () -> ()
        "tpu.region"() ({
          %run_scoped3A_58 = tpu.sem_alloc : memref<!tpu.dma_semaphore, #tpu.memory_space<semaphore_mem>>
          %dma_start3A_59 = arith.constant 0 : i32
          %dma_start3A_60 = arith.constant 0 : i32
          %dma_start3A_61 = tpu.memref_slice %arg10[%dma_start3A_59, %dma_start3A_60] : memref<6x128xi32, #tpu.memory_space<vmem>> -> memref<1x128xi32, #tpu.memory_space<vmem>>
          %dma_start3A_62 = arith.constant 0 : i32
          %dma_start3A_63 = tpu.memref_slice %arg5[%add3A_39, %dma_start3A_62] : memref<2500x128xi32, #tpu.memory_space<hbm>> -> memref<1x128xi32, #tpu.memory_space<hbm>>
          %dma_start3A_64 = arith.constant 0 : i32
          %dma_start3A_65 = arith.constant 0 : i32
          %dma_start3A_66 = tpu.memref_slice %arg10[%dma_start3A_64, %dma_start3A_65] : memref<6x128xi32, #tpu.memory_space<vmem>> -> memref<1x128xi32, #tpu.memory_space<vmem>>
          %dma_start3A_67 = arith.constant 0 : i32
          %dma_start3A_68 = tpu.memref_slice %arg5[%add3A_39, %dma_start3A_67] : memref<2500x128xi32, #tpu.memory_space<hbm>> -> memref<1x128xi32, #tpu.memory_space<hbm>>
          tpu.enqueue_dma source(%dma_start3A_68 : memref<1x128xi32, #tpu.memory_space<hbm>>) target(%dma_start3A_66 : memref<1x128xi32, #tpu.memory_space<vmem>>) target_semaphore(%run_scoped3A_58 : memref<!tpu.dma_semaphore, #tpu.memory_space<semaphore_mem>>)
          %dma_wait3A_69 = arith.constant 0 : i32
          %dma_wait3A_70 = arith.constant 0 : i32
          %dma_wait3A_71 = tpu.memref_slice %arg10[%dma_wait3A_69, %dma_wait3A_70] : memref<6x128xi32, #tpu.memory_space<vmem>> -> memref<1x128xi32, #tpu.memory_space<vmem>>
          %dma_wait3A_72 = arith.constant 0 : i32
          %dma_wait3A_73 = tpu.memref_slice %arg5[%add3A_39, %dma_wait3A_72] : memref<2500x128xi32, #tpu.memory_space<hbm>> -> memref<1x128xi32, #tpu.memory_space<hbm>>
          %dma_wait3A_74 = arith.constant 0 : i32
          %dma_wait3A_75 = arith.constant 0 : i32
          %dma_wait3A_76 = tpu.memref_slice %arg10[%dma_wait3A_74, %dma_wait3A_75] : memref<6x128xi32, #tpu.memory_space<vmem>> -> memref<1x128xi32, #tpu.memory_space<vmem>>
          %dma_wait3A_77 = arith.constant 0 : i32
          %dma_wait3A_78 = tpu.memref_slice %arg5[%add3A_39, %dma_wait3A_77] : memref<2500x128xi32, #tpu.memory_space<hbm>> -> memref<1x128xi32, #tpu.memory_space<hbm>>
          tpu.wait_dma2 semaphore(%run_scoped3A_58 : memref<!tpu.dma_semaphore, #tpu.memory_space<semaphore_mem>>) src(%dma_wait3A_78 : memref<1x128xi32, #tpu.memory_space<hbm>>) dst(%dma_wait3A_76 : memref<1x128xi32, #tpu.memory_space<vmem>>)
          tpu.yield
        }) : () -> ()
        %dma_start3A = arith.constant 0 : i32
        %dma_start3A_40 = arith.constant 0 : i32
        %dma_start3A_41 = arith.constant 0 : i32
        %dma_start3A_42 = tpu.memref_slice %arg11[%dma_start3A_40, %dma_start3A_41] : memref<768x64xf32, #tpu.memory_space<vmem>> -> memref<128x64xf32, #tpu.memory_space<vmem>>
        %dma_start3A_43 = arith.constant 0 : i32
        %dma_start3A_44 = tpu.memref_slice %arg9[%dma_start3A, %dma_start3A_43] : memref<6x128xi32, #tpu.memory_space<vmem>> -> memref<1x128xi32, #tpu.memory_space<vmem>>
        %dma_start3A_45 = tpu.memref_squeeze %dma_start3A_44 : memref<1x128xi32, #tpu.memory_space<vmem>> -> memref<128xi32, #tpu.memory_space<vmem>>
        %dma_start3A_46 = arith.constant 0 : i32
        %dma_start3A_47 = arith.constant 0 : i32
        %dma_start3A_48 = tpu.memref_slice %arg3[%dma_start3A_46, %dma_start3A_47] : memref<10000x64xf32, #tpu.memory_space<hbm>> -> memref<10000x64xf32, #tpu.memory_space<hbm>>
        tpu.enqueue_indirect_dma source(%dma_start3A_48 : memref<10000x64xf32, #tpu.memory_space<hbm>>) target(%dma_start3A_42 : memref<128x64xf32, #tpu.memory_space<vmem>>) offsets(%dma_start3A_45 : memref<128xi32, #tpu.memory_space<vmem>>) semaphore(%arg13 : memref<!tpu.dma_semaphore, #tpu.memory_space<semaphore_mem>>)
        %dma_wait3A = arith.constant 0 : i32
        %dma_wait3A_49 = arith.constant 0 : i32
        %dma_wait3A_50 = arith.constant 0 : i32
        %dma_wait3A_51 = tpu.memref_slice %arg11[%dma_wait3A_49, %dma_wait3A_50] : memref<768x64xf32, #tpu.memory_space<vmem>> -> memref<128x64xf32, #tpu.memory_space<vmem>>
        %dma_wait3A_52 = arith.constant 0 : i32
        %dma_wait3A_53 = tpu.memref_slice %arg9[%dma_wait3A, %dma_wait3A_52] : memref<6x128xi32, #tpu.memory_space<vmem>> -> memref<1x128xi32, #tpu.memory_space<vmem>>
        %dma_wait3A_54 = tpu.memref_squeeze %dma_wait3A_53 : memref<1x128xi32, #tpu.memory_space<vmem>> -> memref<128xi32, #tpu.memory_space<vmem>>
        %dma_wait3A_55 = arith.constant 0 : i32
        %dma_wait3A_56 = arith.constant 0 : i32
        %dma_wait3A_57 = tpu.memref_slice %arg3[%dma_wait3A_55, %dma_wait3A_56] : memref<10000x64xf32, #tpu.memory_space<hbm>> -> memref<10000x64xf32, #tpu.memory_space<hbm>>
        tpu.wait_indirect_dma semaphore(%arg13 : memref<!tpu.dma_semaphore, #tpu.memory_space<semaphore_mem>>) src(%dma_wait3A_57 : memref<10000x64xf32, #tpu.memory_space<hbm>>) dst(%dma_wait3A_51 : memref<128x64xf32, #tpu.memory_space<vmem>>)
        %run_scoped3A = arith.constant 0 : i32
        "tpu.region"() ({
          %run_scoped3A_58 = tpu.sem_alloc : memref<!tpu.dma_semaphore, #tpu.memory_space<semaphore_mem>>
          %dma_start3A_59 = arith.constant 0 : i32
          %dma_start3A_60 = arith.constant 0 : i32
          %dma_start3A_61 = tpu.memref_slice %arg11[%dma_start3A_59, %dma_start3A_60] : memref<768x64xf32, #tpu.memory_space<vmem>> -> memref<128x64xf32, #tpu.memory_space<vmem>>
          %dma_start3A_62 = arith.constant 0 : i32
          %dma_start3A_63 = tpu.memref_slice %arg10[%run_scoped3A, %dma_start3A_62] : memref<6x128xi32, #tpu.memory_space<vmem>> -> memref<1x128xi32, #tpu.memory_space<vmem>>
          %dma_start3A_64 = tpu.memref_squeeze %dma_start3A_63 : memref<1x128xi32, #tpu.memory_space<vmem>> -> memref<128xi32, #tpu.memory_space<vmem>>
          %dma_start3A_65 = arith.constant 0 : i32
          %dma_start3A_66 = arith.constant 0 : i32
          %dma_start3A_67 = tpu.memref_slice %arg12[%dma_start3A_65, %dma_start3A_66] : memref<10240x64xf32, #tpu.memory_space<vmem_shared>> -> memref<10240x64xf32, #tpu.memory_space<vmem_shared>>
          tpu.enqueue_indirect_dma source(%dma_start3A_61 : memref<128x64xf32, #tpu.memory_space<vmem>>) target(%dma_start3A_67 : memref<10240x64xf32, #tpu.memory_space<vmem_shared>>) offsets(%dma_start3A_64 : memref<128xi32, #tpu.memory_space<vmem>>) semaphore(%run_scoped3A_58 : memref<!tpu.dma_semaphore, #tpu.memory_space<semaphore_mem>>) {add = true}
          %dma_wait3A_68 = arith.constant 0 : i32
          %dma_wait3A_69 = arith.constant 0 : i32
          %dma_wait3A_70 = tpu.memref_slice %arg11[%dma_wait3A_68, %dma_wait3A_69] : memref<768x64xf32, #tpu.memory_space<vmem>> -> memref<128x64xf32, #tpu.memory_space<vmem>>
          %dma_wait3A_71 = arith.constant 0 : i32
          %dma_wait3A_72 = tpu.memref_slice %arg10[%run_scoped3A, %dma_wait3A_71] : memref<6x128xi32, #tpu.memory_space<vmem>> -> memref<1x128xi32, #tpu.memory_space<vmem>>
          %dma_wait3A_73 = tpu.memref_squeeze %dma_wait3A_72 : memref<1x128xi32, #tpu.memory_space<vmem>> -> memref<128xi32, #tpu.memory_space<vmem>>
          %dma_wait3A_74 = arith.constant 0 : i32
          %dma_wait3A_75 = arith.constant 0 : i32
          %dma_wait3A_76 = tpu.memref_slice %arg12[%dma_wait3A_74, %dma_wait3A_75] : memref<10240x64xf32, #tpu.memory_space<vmem_shared>> -> memref<10240x64xf32, #tpu.memory_space<vmem_shared>>
          tpu.wait_indirect_dma semaphore(%run_scoped3A_58 : memref<!tpu.dma_semaphore, #tpu.memory_space<semaphore_mem>>) src(%dma_wait3A_70 : memref<128x64xf32, #tpu.memory_space<vmem>>) dst(%dma_wait3A_76 : memref<10240x64xf32, #tpu.memory_space<vmem_shared>>)
          tpu.yield
        }) : () -> ()
      } else {
      }
    } else {
    }
    %barrier3A_14 = arith.constant 0 : index
    tpu.barrier barrier_id(%barrier3A_14)
    %eq3A_15 = arith.constant 0 : i32
    %eq3A_16 = arith.cmpi eq, %arg0, %eq3A_15 : i32
    %eq3A_17 = arith.constant 0 : i32
    %eq3A_18 = arith.cmpi eq, %arg1, %eq3A_17 : i32
    %and3A = arith.andi %eq3A_16, %eq3A_18 : i1
    %convert_element_type3A_19 = arith.extui %and3A : i1 to i32
    %cond3A_20 = arith.constant 0 : i32
    %cond3A_21 = arith.cmpi ne, %convert_element_type3A_19, %cond3A_20 : i32
    scf.if %cond3A_21 {
      "tpu.region"() ({
        %run_scoped3A = tpu.sem_alloc : memref<!tpu.dma_semaphore, #tpu.memory_space<semaphore_mem>>
        tpu.enqueue_dma source(%arg12 : memref<10240x64xf32, #tpu.memory_space<vmem_shared>>) target(%arg7 : memref<10240x64xf32, #tpu.memory_space<hbm>>) target_semaphore(%run_scoped3A : memref<!tpu.dma_semaphore, #tpu.memory_space<semaphore_mem>>)
        tpu.wait_dma2 semaphore(%run_scoped3A : memref<!tpu.dma_semaphore, #tpu.memory_space<semaphore_mem>>) src(%arg12 : memref<10240x64xf32, #tpu.memory_space<vmem_shared>>) dst(%arg7 : memref<10240x64xf32, #tpu.memory_space<hbm>>)
        tpu.yield
      }) : () -> ()
    } else {
    }
    %eq3A_22 = arith.constant 1 : i32
    %eq3A_23 = arith.cmpi eq, %arg0, %eq3A_22 : i32
    %eq3A_24 = arith.constant 0 : i32
    %eq3A_25 = arith.cmpi eq, %arg1, %eq3A_24 : i32
    %and3A_26 = arith.andi %eq3A_23, %eq3A_25 : i1
    %convert_element_type3A_27 = arith.extui %and3A_26 : i1 to i32
    %cond3A_28 = arith.constant 0 : i32
    %cond3A_29 = arith.cmpi ne, %convert_element_type3A_27, %cond3A_28 : i32
    scf.if %cond3A_29 {
      "tpu.region"() ({
        %run_scoped3A = tpu.sem_alloc : memref<!tpu.dma_semaphore, #tpu.memory_space<semaphore_mem>>
        tpu.enqueue_dma source(%arg12 : memref<10240x64xf32, #tpu.memory_space<vmem_shared>>) target(%arg8 : memref<10240x64xf32, #tpu.memory_space<hbm>>) target_semaphore(%run_scoped3A : memref<!tpu.dma_semaphore, #tpu.memory_space<semaphore_mem>>)
        tpu.wait_dma2 semaphore(%run_scoped3A : memref<!tpu.dma_semaphore, #tpu.memory_space<semaphore_mem>>) src(%arg12 : memref<10240x64xf32, #tpu.memory_space<vmem_shared>>) dst(%arg8 : memref<10240x64xf32, #tpu.memory_space<hbm>>)
        tpu.yield
      }) : () -> ()
    } else {
    }
    return
  }
}

#map = affine_map<(d0, d1) -> (0, 0)>
module attributes {stable_mosaic.version = 14 : i64} {
  func.func @_deg_body(%arg0: i32, %arg1: i32, %arg2: memref<2500x128xi32, #tpu.memory_space<hbm>>, %arg3: memref<2500x128xi32, #tpu.memory_space<hbm>>, %arg4: memref<10240x16xf32, #tpu.memory_space<hbm>>, %arg5: memref<10240x16xf32, #tpu.memory_space<hbm>>, %arg6: memref<10240x16xf32, #tpu.memory_space<hbm>>, %arg7: memref<6x128xi32, #tpu.memory_space<vmem>>, %arg8: memref<128x16xf32, #tpu.memory_space<vmem>>, %arg9: memref<10240x16xf32, #tpu.memory_space<vmem_shared>>, %arg10: memref<!tpu.dma_semaphore, #tpu.memory_space<semaphore_mem>>) attributes {dimension_semantics = [#tpu.dimension_semantics<core_parallel>, #tpu.dimension_semantics<subcore_parallel>], iteration_bounds = array<i64: 2, 16>, scalar_prefetch = 0 : i64, scratch_operands = 4 : i64, tpu.core_type = #tpu.core_type<sc_vector_subcore>, window_params = [{transform_indices = #map}, {transform_indices = #map}, {transform_indices = #map}, {transform_indices = #map}, {transform_indices = #map}]} {
    %broadcast_in_dim3A = arith.constant 1.000000e+00 : f32
    %broadcast_in_dim3A_0 = vector.broadcast %broadcast_in_dim3A : f32 to vector<16xf32>
    %scan3A = arith.constant 0 : i32
    %scan3A_1 = arith.constant 128 : i32
    %scan3A_2 = arith.addi %scan3A, %scan3A_1 : i32
    %scan3A_3 = arith.constant 1 : i32
    scf.for %scan3A_35 = %scan3A to %scan3A_2 step %scan3A_3  : i32 {
      %swap3A = arith.index_cast %scan3A_35 : i32 to index
      %swap3A_36 = arith.constant 0 : index
      %swap3A_37 = tpu.vector_load %arg8[%swap3A, %swap3A_36] {strides = array<i32>} : memref<128x16xf32, #tpu.memory_space<vmem>>, vector<1x16xf32>,
      %swap3A_38 = vector.shape_cast %swap3A_37 : vector<1x16xf32> to vector<16xf32>
      %swap3A_39 = vector.shape_cast %broadcast_in_dim3A_0 : vector<16xf32> to vector<1x16xf32>
      tpu.vector_store %arg8[%swap3A, %swap3A_36], %swap3A_39 {strides = array<i32>} : memref<128x16xf32, #tpu.memory_space<vmem>>, vector<1x16xf32>,
    }
    %scan3A_4 = arith.constant 128 : i32
    %eq3A = arith.constant 0 : i32
    %eq3A_5 = arith.cmpi eq, %arg1, %eq3A : i32
    %convert_element_type3A = arith.extui %eq3A_5 : i1 to i32
    %cond3A = arith.constant 0 : i32
    %cond3A_6 = arith.cmpi ne, %convert_element_type3A, %cond3A : i32
    scf.if %cond3A_6 {
      "tpu.region"() ({
        %run_scoped3A = tpu.sem_alloc : memref<!tpu.dma_semaphore, #tpu.memory_space<semaphore_mem>>
        tpu.enqueue_dma source(%arg4 : memref<10240x16xf32, #tpu.memory_space<hbm>>) target(%arg9 : memref<10240x16xf32, #tpu.memory_space<vmem_shared>>) target_semaphore(%run_scoped3A : memref<!tpu.dma_semaphore, #tpu.memory_space<semaphore_mem>>)
        tpu.wait_dma2 semaphore(%run_scoped3A : memref<!tpu.dma_semaphore, #tpu.memory_space<semaphore_mem>>) src(%arg4 : memref<10240x16xf32, #tpu.memory_space<hbm>>) dst(%arg9 : memref<10240x16xf32, #tpu.memory_space<vmem_shared>>)
        tpu.yield
      }) : () -> ()
    } else {
    }
    %barrier3A = arith.constant 0 : index
    tpu.barrier barrier_id(%barrier3A)
    %mul3A = arith.constant 156 : i32
    %mul3A_7 = arith.muli %arg1, %mul3A : i32
    %min3A = arith.constant 4 : i32
    %min3A_8 = arith.minsi %arg1, %min3A : i32
    %add3A = arith.addi %mul3A_7, %min3A_8 : i32
    %eq3A_9 = arith.constant 0 : i32
    %eq3A_10 = arith.cmpi eq, %arg0, %eq3A_9 : i32
    %convert_element_type3A_11 = arith.extui %eq3A_10 : i1 to i32
    %cond3A_12 = arith.constant 0 : i32
    %cond3A_13 = arith.cmpi ne, %convert_element_type3A_11, %cond3A_12 : i32
    scf.if %cond3A_13 {
      %scan3A_35 = arith.constant 0 : i32
      %scan3A_36 = arith.constant 26 : i32
      %scan3A_37 = arith.addi %scan3A_35, %scan3A_36 : i32
      %scan3A_38 = arith.constant 1 : i32
      scf.for %scan3A_44 = %scan3A_35 to %scan3A_37 step %scan3A_38  : i32 {
        %mul3A_45 = arith.constant 6 : i32
        %mul3A_46 = arith.muli %scan3A_44, %mul3A_45 : i32
        %add3A_47 = arith.addi %add3A, %mul3A_46 : i32
        %add3A_48 = arith.constant 0 : i32
        %add3A_49 = arith.addi %add3A_47, %add3A_48 : i32
        "tpu.region"() ({
          %run_scoped3A = tpu.sem_alloc : memref<!tpu.dma_semaphore, #tpu.memory_space<semaphore_mem>>
          %dma_start3A_136 = arith.constant 0 : i32
          %dma_start3A_137 = arith.constant 0 : i32
          %dma_start3A_138 = tpu.memref_slice %arg7[%dma_start3A_136, %dma_start3A_137] : memref<6x128xi32, #tpu.memory_space<vmem>> -> memref<2x128xi32, #tpu.memory_space<vmem>>
          %dma_start3A_139 = arith.constant 0 : i32
          %dma_start3A_140 = tpu.memref_slice %arg3[%add3A_49, %dma_start3A_139] : memref<2500x128xi32, #tpu.memory_space<hbm>> -> memref<2x128xi32, #tpu.memory_space<hbm>>
          %dma_start3A_141 = arith.constant 0 : i32
          %dma_start3A_142 = arith.constant 0 : i32
          %dma_start3A_143 = tpu.memref_slice %arg7[%dma_start3A_141, %dma_start3A_142] : memref<6x128xi32, #tpu.memory_space<vmem>> -> memref<2x128xi32, #tpu.memory_space<vmem>>
          %dma_start3A_144 = arith.constant 0 : i32
          %dma_start3A_145 = tpu.memref_slice %arg3[%add3A_49, %dma_start3A_144] : memref<2500x128xi32, #tpu.memory_space<hbm>> -> memref<2x128xi32, #tpu.memory_space<hbm>>
          tpu.enqueue_dma source(%dma_start3A_145 : memref<2x128xi32, #tpu.memory_space<hbm>>) target(%dma_start3A_143 : memref<2x128xi32, #tpu.memory_space<vmem>>) target_semaphore(%run_scoped3A : memref<!tpu.dma_semaphore, #tpu.memory_space<semaphore_mem>>)
          %dma_wait3A_146 = arith.constant 0 : i32
          %dma_wait3A_147 = arith.constant 0 : i32
          %dma_wait3A_148 = tpu.memref_slice %arg7[%dma_wait3A_146, %dma_wait3A_147] : memref<6x128xi32, #tpu.memory_space<vmem>> -> memref<2x128xi32, #tpu.memory_space<vmem>>
          %dma_wait3A_149 = arith.constant 0 : i32
          %dma_wait3A_150 = tpu.memref_slice %arg3[%add3A_49, %dma_wait3A_149] : memref<2500x128xi32, #tpu.memory_space<hbm>> -> memref<2x128xi32, #tpu.memory_space<hbm>>
          %dma_wait3A_151 = arith.constant 0 : i32
          %dma_wait3A_152 = arith.constant 0 : i32
          %dma_wait3A_153 = tpu.memref_slice %arg7[%dma_wait3A_151, %dma_wait3A_152] : memref<6x128xi32, #tpu.memory_space<vmem>> -> memref<2x128xi32, #tpu.memory_space<vmem>>
          %dma_wait3A_154 = arith.constant 0 : i32
          %dma_wait3A_155 = tpu.memref_slice %arg3[%add3A_49, %dma_wait3A_154] : memref<2500x128xi32, #tpu.memory_space<hbm>> -> memref<2x128xi32, #tpu.memory_space<hbm>>
          tpu.wait_dma2 semaphore(%run_scoped3A : memref<!tpu.dma_semaphore, #tpu.memory_space<semaphore_mem>>) src(%dma_wait3A_155 : memref<2x128xi32, #tpu.memory_space<hbm>>) dst(%dma_wait3A_153 : memref<2x128xi32, #tpu.memory_space<vmem>>)
          tpu.yield
        }) : () -> ()
        %dma_start3A = arith.constant 0 : i32
        %dma_start3A_50 = arith.constant 0 : i32
        %dma_start3A_51 = tpu.memref_slice %arg7[%dma_start3A, %dma_start3A_50] : memref<6x128xi32, #tpu.memory_space<vmem>> -> memref<1x128xi32, #tpu.memory_space<vmem>>
        %dma_start3A_52 = tpu.memref_squeeze %dma_start3A_51 : memref<1x128xi32, #tpu.memory_space<vmem>> -> memref<128xi32, #tpu.memory_space<vmem>>
        %dma_start3A_53 = arith.constant 0 : i32
        %dma_start3A_54 = arith.constant 0 : i32
        %dma_start3A_55 = tpu.memref_slice %arg9[%dma_start3A_53, %dma_start3A_54] : memref<10240x16xf32, #tpu.memory_space<vmem_shared>> -> memref<10240x16xf32, #tpu.memory_space<vmem_shared>>
        tpu.enqueue_indirect_dma source(%arg8 : memref<128x16xf32, #tpu.memory_space<vmem>>) target(%dma_start3A_55 : memref<10240x16xf32, #tpu.memory_space<vmem_shared>>) offsets(%dma_start3A_52 : memref<128xi32, #tpu.memory_space<vmem>>) semaphore(%arg10 : memref<!tpu.dma_semaphore, #tpu.memory_space<semaphore_mem>>) {add = true}
        %dma_start3A_56 = arith.constant 1 : i32
        %dma_start3A_57 = arith.constant 0 : i32
        %dma_start3A_58 = tpu.memref_slice %arg7[%dma_start3A_56, %dma_start3A_57] : memref<6x128xi32, #tpu.memory_space<vmem>> -> memref<1x128xi32, #tpu.memory_space<vmem>>
        %dma_start3A_59 = tpu.memref_squeeze %dma_start3A_58 : memref<1x128xi32, #tpu.memory_space<vmem>> -> memref<128xi32, #tpu.memory_space<vmem>>
        %dma_start3A_60 = arith.constant 0 : i32
        %dma_start3A_61 = arith.constant 0 : i32
        %dma_start3A_62 = tpu.memref_slice %arg9[%dma_start3A_60, %dma_start3A_61] : memref<10240x16xf32, #tpu.memory_space<vmem_shared>> -> memref<10240x16xf32, #tpu.memory_space<vmem_shared>>
        tpu.enqueue_indirect_dma source(%arg8 : memref<128x16xf32, #tpu.memory_space<vmem>>) target(%dma_start3A_62 : memref<10240x16xf32, #tpu.memory_space<vmem_shared>>) offsets(%dma_start3A_59 : memref<128xi32, #tpu.memory_space<vmem>>) semaphore(%arg10 : memref<!tpu.dma_semaphore, #tpu.memory_space<semaphore_mem>>) {add = true}
        %add3A_63 = arith.constant 2 : i32
        %add3A_64 = arith.addi %add3A_47, %add3A_63 : i32
        "tpu.region"() ({
          %run_scoped3A = tpu.sem_alloc : memref<!tpu.dma_semaphore, #tpu.memory_space<semaphore_mem>>
          %dma_start3A_136 = arith.constant 2 : i32
          %dma_start3A_137 = arith.constant 0 : i32
          %dma_start3A_138 = tpu.memref_slice %arg7[%dma_start3A_136, %dma_start3A_137] : memref<6x128xi32, #tpu.memory_space<vmem>> -> memref<2x128xi32, #tpu.memory_space<vmem>>
          %dma_start3A_139 = arith.constant 0 : i32
          %dma_start3A_140 = tpu.memref_slice %arg3[%add3A_64, %dma_start3A_139] : memref<2500x128xi32, #tpu.memory_space<hbm>> -> memref<2x128xi32, #tpu.memory_space<hbm>>
          %dma_start3A_141 = arith.constant 2 : i32
          %dma_start3A_142 = arith.constant 0 : i32
          %dma_start3A_143 = tpu.memref_slice %arg7[%dma_start3A_141, %dma_start3A_142] : memref<6x128xi32, #tpu.memory_space<vmem>> -> memref<2x128xi32, #tpu.memory_space<vmem>>
          %dma_start3A_144 = arith.constant 0 : i32
          %dma_start3A_145 = tpu.memref_slice %arg3[%add3A_64, %dma_start3A_144] : memref<2500x128xi32, #tpu.memory_space<hbm>> -> memref<2x128xi32, #tpu.memory_space<hbm>>
          tpu.enqueue_dma source(%dma_start3A_145 : memref<2x128xi32, #tpu.memory_space<hbm>>) target(%dma_start3A_143 : memref<2x128xi32, #tpu.memory_space<vmem>>) target_semaphore(%run_scoped3A : memref<!tpu.dma_semaphore, #tpu.memory_space<semaphore_mem>>)
          %dma_wait3A_146 = arith.constant 2 : i32
          %dma_wait3A_147 = arith.constant 0 : i32
          %dma_wait3A_148 = tpu.memref_slice %arg7[%dma_wait3A_146, %dma_wait3A_147] : memref<6x128xi32, #tpu.memory_space<vmem>> -> memref<2x128xi32, #tpu.memory_space<vmem>>
          %dma_wait3A_149 = arith.constant 0 : i32
          %dma_wait3A_150 = tpu.memref_slice %arg3[%add3A_64, %dma_wait3A_149] : memref<2500x128xi32, #tpu.memory_space<hbm>> -> memref<2x128xi32, #tpu.memory_space<hbm>>
          %dma_wait3A_151 = arith.constant 2 : i32
          %dma_wait3A_152 = arith.constant 0 : i32
          %dma_wait3A_153 = tpu.memref_slice %arg7[%dma_wait3A_151, %dma_wait3A_152] : memref<6x128xi32, #tpu.memory_space<vmem>> -> memref<2x128xi32, #tpu.memory_space<vmem>>
          %dma_wait3A_154 = arith.constant 0 : i32
          %dma_wait3A_155 = tpu.memref_slice %arg3[%add3A_64, %dma_wait3A_154] : memref<2500x128xi32, #tpu.memory_space<hbm>> -> memref<2x128xi32, #tpu.memory_space<hbm>>
          tpu.wait_dma2 semaphore(%run_scoped3A : memref<!tpu.dma_semaphore, #tpu.memory_space<semaphore_mem>>) src(%dma_wait3A_155 : memref<2x128xi32, #tpu.memory_space<hbm>>) dst(%dma_wait3A_153 : memref<2x128xi32, #tpu.memory_space<vmem>>)
          tpu.yield
        }) : () -> ()
        %dma_start3A_65 = arith.constant 2 : i32
        %dma_start3A_66 = arith.constant 0 : i32
        %dma_start3A_67 = tpu.memref_slice %arg7[%dma_start3A_65, %dma_start3A_66] : memref<6x128xi32, #tpu.memory_space<vmem>> -> memref<1x128xi32, #tpu.memory_space<vmem>>
        %dma_start3A_68 = tpu.memref_squeeze %dma_start3A_67 : memref<1x128xi32, #tpu.memory_space<vmem>> -> memref<128xi32, #tpu.memory_space<vmem>>
        %dma_start3A_69 = arith.constant 0 : i32
        %dma_start3A_70 = arith.constant 0 : i32
        %dma_start3A_71 = tpu.memref_slice %arg9[%dma_start3A_69, %dma_start3A_70] : memref<10240x16xf32, #tpu.memory_space<vmem_shared>> -> memref<10240x16xf32, #tpu.memory_space<vmem_shared>>
        tpu.enqueue_indirect_dma source(%arg8 : memref<128x16xf32, #tpu.memory_space<vmem>>) target(%dma_start3A_71 : memref<10240x16xf32, #tpu.memory_space<vmem_shared>>) offsets(%dma_start3A_68 : memref<128xi32, #tpu.memory_space<vmem>>) semaphore(%arg10 : memref<!tpu.dma_semaphore, #tpu.memory_space<semaphore_mem>>) {add = true}
        %dma_start3A_72 = arith.constant 3 : i32
        %dma_start3A_73 = arith.constant 0 : i32
        %dma_start3A_74 = tpu.memref_slice %arg7[%dma_start3A_72, %dma_start3A_73] : memref<6x128xi32, #tpu.memory_space<vmem>> -> memref<1x128xi32, #tpu.memory_space<vmem>>
        %dma_start3A_75 = tpu.memref_squeeze %dma_start3A_74 : memref<1x128xi32, #tpu.memory_space<vmem>> -> memref<128xi32, #tpu.memory_space<vmem>>
        %dma_start3A_76 = arith.constant 0 : i32
        %dma_start3A_77 = arith.constant 0 : i32
        %dma_start3A_78 = tpu.memref_slice %arg9[%dma_start3A_76, %dma_start3A_77] : memref<10240x16xf32, #tpu.memory_space<vmem_shared>> -> memref<10240x16xf32, #tpu.memory_space<vmem_shared>>
        tpu.enqueue_indirect_dma source(%arg8 : memref<128x16xf32, #tpu.memory_space<vmem>>) target(%dma_start3A_78 : memref<10240x16xf32, #tpu.memory_space<vmem_shared>>) offsets(%dma_start3A_75 : memref<128xi32, #tpu.memory_space<vmem>>) semaphore(%arg10 : memref<!tpu.dma_semaphore, #tpu.memory_space<semaphore_mem>>) {add = true}
        %add3A_79 = arith.constant 4 : i32
        %add3A_80 = arith.addi %add3A_47, %add3A_79 : i32
        "tpu.region"() ({
          %run_scoped3A = tpu.sem_alloc : memref<!tpu.dma_semaphore, #tpu.memory_space<semaphore_mem>>
          %dma_start3A_136 = arith.constant 4 : i32
          %dma_start3A_137 = arith.constant 0 : i32
          %dma_start3A_138 = tpu.memref_slice %arg7[%dma_start3A_136, %dma_start3A_137] : memref<6x128xi32, #tpu.memory_space<vmem>> -> memref<2x128xi32, #tpu.memory_space<vmem>>
          %dma_start3A_139 = arith.constant 0 : i32
          %dma_start3A_140 = tpu.memref_slice %arg3[%add3A_80, %dma_start3A_139] : memref<2500x128xi32, #tpu.memory_space<hbm>> -> memref<2x128xi32, #tpu.memory_space<hbm>>
          %dma_start3A_141 = arith.constant 4 : i32
          %dma_start3A_142 = arith.constant 0 : i32
          %dma_start3A_143 = tpu.memref_slice %arg7[%dma_start3A_141, %dma_start3A_142] : memref<6x128xi32, #tpu.memory_space<vmem>> -> memref<2x128xi32, #tpu.memory_space<vmem>>
          %dma_start3A_144 = arith.constant 0 : i32
          %dma_start3A_145 = tpu.memref_slice %arg3[%add3A_80, %dma_start3A_144] : memref<2500x128xi32, #tpu.memory_space<hbm>> -> memref<2x128xi32, #tpu.memory_space<hbm>>
          tpu.enqueue_dma source(%dma_start3A_145 : memref<2x128xi32, #tpu.memory_space<hbm>>) target(%dma_start3A_143 : memref<2x128xi32, #tpu.memory_space<vmem>>) target_semaphore(%run_scoped3A : memref<!tpu.dma_semaphore, #tpu.memory_space<semaphore_mem>>)
          %dma_wait3A_146 = arith.constant 4 : i32
          %dma_wait3A_147 = arith.constant 0 : i32
          %dma_wait3A_148 = tpu.memref_slice %arg7[%dma_wait3A_146, %dma_wait3A_147] : memref<6x128xi32, #tpu.memory_space<vmem>> -> memref<2x128xi32, #tpu.memory_space<vmem>>
          %dma_wait3A_149 = arith.constant 0 : i32
          %dma_wait3A_150 = tpu.memref_slice %arg3[%add3A_80, %dma_wait3A_149] : memref<2500x128xi32, #tpu.memory_space<hbm>> -> memref<2x128xi32, #tpu.memory_space<hbm>>
          %dma_wait3A_151 = arith.constant 4 : i32
          %dma_wait3A_152 = arith.constant 0 : i32
          %dma_wait3A_153 = tpu.memref_slice %arg7[%dma_wait3A_151, %dma_wait3A_152] : memref<6x128xi32, #tpu.memory_space<vmem>> -> memref<2x128xi32, #tpu.memory_space<vmem>>
          %dma_wait3A_154 = arith.constant 0 : i32
          %dma_wait3A_155 = tpu.memref_slice %arg3[%add3A_80, %dma_wait3A_154] : memref<2500x128xi32, #tpu.memory_space<hbm>> -> memref<2x128xi32, #tpu.memory_space<hbm>>
          tpu.wait_dma2 semaphore(%run_scoped3A : memref<!tpu.dma_semaphore, #tpu.memory_space<semaphore_mem>>) src(%dma_wait3A_155 : memref<2x128xi32, #tpu.memory_space<hbm>>) dst(%dma_wait3A_153 : memref<2x128xi32, #tpu.memory_space<vmem>>)
          tpu.yield
        }) : () -> ()
        %dma_start3A_81 = arith.constant 4 : i32
        %dma_start3A_82 = arith.constant 0 : i32
        %dma_start3A_83 = tpu.memref_slice %arg7[%dma_start3A_81, %dma_start3A_82] : memref<6x128xi32, #tpu.memory_space<vmem>> -> memref<1x128xi32, #tpu.memory_space<vmem>>
        %dma_start3A_84 = tpu.memref_squeeze %dma_start3A_83 : memref<1x128xi32, #tpu.memory_space<vmem>> -> memref<128xi32, #tpu.memory_space<vmem>>
        %dma_start3A_85 = arith.constant 0 : i32
        %dma_start3A_86 = arith.constant 0 : i32
        %dma_start3A_87 = tpu.memref_slice %arg9[%dma_start3A_85, %dma_start3A_86] : memref<10240x16xf32, #tpu.memory_space<vmem_shared>> -> memref<10240x16xf32, #tpu.memory_space<vmem_shared>>
        tpu.enqueue_indirect_dma source(%arg8 : memref<128x16xf32, #tpu.memory_space<vmem>>) target(%dma_start3A_87 : memref<10240x16xf32, #tpu.memory_space<vmem_shared>>) offsets(%dma_start3A_84 : memref<128xi32, #tpu.memory_space<vmem>>) semaphore(%arg10 : memref<!tpu.dma_semaphore, #tpu.memory_space<semaphore_mem>>) {add = true}
        %dma_start3A_88 = arith.constant 5 : i32
        %dma_start3A_89 = arith.constant 0 : i32
        %dma_start3A_90 = tpu.memref_slice %arg7[%dma_start3A_88, %dma_start3A_89] : memref<6x128xi32, #tpu.memory_space<vmem>> -> memref<1x128xi32, #tpu.memory_space<vmem>>
        %dma_start3A_91 = tpu.memref_squeeze %dma_start3A_90 : memref<1x128xi32, #tpu.memory_space<vmem>> -> memref<128xi32, #tpu.memory_space<vmem>>
        %dma_start3A_92 = arith.constant 0 : i32
        %dma_start3A_93 = arith.constant 0 : i32
        %dma_start3A_94 = tpu.memref_slice %arg9[%dma_start3A_92, %dma_start3A_93] : memref<10240x16xf32, #tpu.memory_space<vmem_shared>> -> memref<10240x16xf32, #tpu.memory_space<vmem_shared>>
        tpu.enqueue_indirect_dma source(%arg8 : memref<128x16xf32, #tpu.memory_space<vmem>>) target(%dma_start3A_94 : memref<10240x16xf32, #tpu.memory_space<vmem_shared>>) offsets(%dma_start3A_91 : memref<128xi32, #tpu.memory_space<vmem>>) semaphore(%arg10 : memref<!tpu.dma_semaphore, #tpu.memory_space<semaphore_mem>>) {add = true}
        %dma_wait3A = arith.constant 0 : i32
        %dma_wait3A_95 = arith.constant 0 : i32
        %dma_wait3A_96 = tpu.memref_slice %arg7[%dma_wait3A, %dma_wait3A_95] : memref<6x128xi32, #tpu.memory_space<vmem>> -> memref<1x128xi32, #tpu.memory_space<vmem>>
        %dma_wait3A_97 = tpu.memref_squeeze %dma_wait3A_96 : memref<1x128xi32, #tpu.memory_space<vmem>> -> memref<128xi32, #tpu.memory_space<vmem>>
        %dma_wait3A_98 = arith.constant 0 : i32
        %dma_wait3A_99 = arith.constant 0 : i32
        %dma_wait3A_100 = tpu.memref_slice %arg9[%dma_wait3A_98, %dma_wait3A_99] : memref<10240x16xf32, #tpu.memory_space<vmem_shared>> -> memref<10240x16xf32, #tpu.memory_space<vmem_shared>>
        tpu.wait_indirect_dma semaphore(%arg10 : memref<!tpu.dma_semaphore, #tpu.memory_space<semaphore_mem>>) src(%arg8 : memref<128x16xf32, #tpu.memory_space<vmem>>) dst(%dma_wait3A_100 : memref<10240x16xf32, #tpu.memory_space<vmem_shared>>)
        %dma_wait3A_101 = arith.constant 1 : i32
        %dma_wait3A_102 = arith.constant 0 : i32
        %dma_wait3A_103 = tpu.memref_slice %arg7[%dma_wait3A_101, %dma_wait3A_102] : memref<6x128xi32, #tpu.memory_space<vmem>> -> memref<1x128xi32, #tpu.memory_space<vmem>>
        %dma_wait3A_104 = tpu.memref_squeeze %dma_wait3A_103 : memref<1x128xi32, #tpu.memory_space<vmem>> -> memref<128xi32, #tpu.memory_space<vmem>>
        %dma_wait3A_105 = arith.constant 0 : i32
        %dma_wait3A_106 = arith.constant 0 : i32
        %dma_wait3A_107 = tpu.memref_slice %arg9[%dma_wait3A_105, %dma_wait3A_106] : memref<10240x16xf32, #tpu.memory_space<vmem_shared>> -> memref<10240x16xf32, #tpu.memory_space<vmem_shared>>
        tpu.wait_indirect_dma semaphore(%arg10 : memref<!tpu.dma_semaphore, #tpu.memory_space<semaphore_mem>>) src(%arg8 : memref<128x16xf32, #tpu.memory_space<vmem>>) dst(%dma_wait3A_107 : memref<10240x16xf32, #tpu.memory_space<vmem_shared>>)
        %dma_wait3A_108 = arith.constant 2 : i32
        %dma_wait3A_109 = arith.constant 0 : i32
        %dma_wait3A_110 = tpu.memref_slice %arg7[%dma_wait3A_108, %dma_wait3A_109] : memref<6x128xi32, #tpu.memory_space<vmem>> -> memref<1x128xi32, #tpu.memory_space<vmem>>
        %dma_wait3A_111 = tpu.memref_squeeze %dma_wait3A_110 : memref<1x128xi32, #tpu.memory_space<vmem>> -> memref<128xi32, #tpu.memory_space<vmem>>
        %dma_wait3A_112 = arith.constant 0 : i32
        %dma_wait3A_113 = arith.constant 0 : i32
        %dma_wait3A_114 = tpu.memref_slice %arg9[%dma_wait3A_112, %dma_wait3A_113] : memref<10240x16xf32, #tpu.memory_space<vmem_shared>> -> memref<10240x16xf32, #tpu.memory_space<vmem_shared>>
        tpu.wait_indirect_dma semaphore(%arg10 : memref<!tpu.dma_semaphore, #tpu.memory_space<semaphore_mem>>) src(%arg8 : memref<128x16xf32, #tpu.memory_space<vmem>>) dst(%dma_wait3A_114 : memref<10240x16xf32, #tpu.memory_space<vmem_shared>>)
        %dma_wait3A_115 = arith.constant 3 : i32
        %dma_wait3A_116 = arith.constant 0 : i32
        %dma_wait3A_117 = tpu.memref_slice %arg7[%dma_wait3A_115, %dma_wait3A_116] : memref<6x128xi32, #tpu.memory_space<vmem>> -> memref<1x128xi32, #tpu.memory_space<vmem>>
        %dma_wait3A_118 = tpu.memref_squeeze %dma_wait3A_117 : memref<1x128xi32, #tpu.memory_space<vmem>> -> memref<128xi32, #tpu.memory_space<vmem>>
        %dma_wait3A_119 = arith.constant 0 : i32
        %dma_wait3A_120 = arith.constant 0 : i32
        %dma_wait3A_121 = tpu.memref_slice %arg9[%dma_wait3A_119, %dma_wait3A_120] : memref<10240x16xf32, #tpu.memory_space<vmem_shared>> -> memref<10240x16xf32, #tpu.memory_space<vmem_shared>>
        tpu.wait_indirect_dma semaphore(%arg10 : memref<!tpu.dma_semaphore, #tpu.memory_space<semaphore_mem>>) src(%arg8 : memref<128x16xf32, #tpu.memory_space<vmem>>) dst(%dma_wait3A_121 : memref<10240x16xf32, #tpu.memory_space<vmem_shared>>)
        %dma_wait3A_122 = arith.constant 4 : i32
        %dma_wait3A_123 = arith.constant 0 : i32
        %dma_wait3A_124 = tpu.memref_slice %arg7[%dma_wait3A_122, %dma_wait3A_123] : memref<6x128xi32, #tpu.memory_space<vmem>> -> memref<1x128xi32, #tpu.memory_space<vmem>>
        %dma_wait3A_125 = tpu.memref_squeeze %dma_wait3A_124 : memref<1x128xi32, #tpu.memory_space<vmem>> -> memref<128xi32, #tpu.memory_space<vmem>>
        %dma_wait3A_126 = arith.constant 0 : i32
        %dma_wait3A_127 = arith.constant 0 : i32
        %dma_wait3A_128 = tpu.memref_slice %arg9[%dma_wait3A_126, %dma_wait3A_127] : memref<10240x16xf32, #tpu.memory_space<vmem_shared>> -> memref<10240x16xf32, #tpu.memory_space<vmem_shared>>
        tpu.wait_indirect_dma semaphore(%arg10 : memref<!tpu.dma_semaphore, #tpu.memory_space<semaphore_mem>>) src(%arg8 : memref<128x16xf32, #tpu.memory_space<vmem>>) dst(%dma_wait3A_128 : memref<10240x16xf32, #tpu.memory_space<vmem_shared>>)
        %dma_wait3A_129 = arith.constant 5 : i32
        %dma_wait3A_130 = arith.constant 0 : i32
        %dma_wait3A_131 = tpu.memref_slice %arg7[%dma_wait3A_129, %dma_wait3A_130] : memref<6x128xi32, #tpu.memory_space<vmem>> -> memref<1x128xi32, #tpu.memory_space<vmem>>
        %dma_wait3A_132 = tpu.memref_squeeze %dma_wait3A_131 : memref<1x128xi32, #tpu.memory_space<vmem>> -> memref<128xi32, #tpu.memory_space<vmem>>
        %dma_wait3A_133 = arith.constant 0 : i32
        %dma_wait3A_134 = arith.constant 0 : i32
        %dma_wait3A_135 = tpu.memref_slice %arg9[%dma_wait3A_133, %dma_wait3A_134] : memref<10240x16xf32, #tpu.memory_space<vmem_shared>> -> memref<10240x16xf32, #tpu.memory_space<vmem_shared>>
        tpu.wait_indirect_dma semaphore(%arg10 : memref<!tpu.dma_semaphore, #tpu.memory_space<semaphore_mem>>) src(%arg8 : memref<128x16xf32, #tpu.memory_space<vmem>>) dst(%dma_wait3A_135 : memref<10240x16xf32, #tpu.memory_space<vmem_shared>>)
      }
      %scan3A_39 = arith.constant 26 : i32
      %lt3A = arith.constant 4 : i32
      %lt3A_40 = arith.cmpi slt, %arg1, %lt3A : i32
      %convert_element_type3A_41 = arith.extui %lt3A_40 : i1 to i32
      %cond3A_42 = arith.constant 0 : i32
      %cond3A_43 = arith.cmpi ne, %convert_element_type3A_41, %cond3A_42 : i32
      scf.if %cond3A_43 {
        %add3A_44 = arith.constant 156 : i32
        %add3A_45 = arith.addi %add3A, %add3A_44 : i32
        "tpu.region"() ({
          %run_scoped3A_46 = tpu.sem_alloc : memref<!tpu.dma_semaphore, #tpu.memory_space<semaphore_mem>>
          %dma_start3A = arith.constant 0 : i32
          %dma_start3A_47 = arith.constant 0 : i32
          %dma_start3A_48 = tpu.memref_slice %arg7[%dma_start3A, %dma_start3A_47] : memref<6x128xi32, #tpu.memory_space<vmem>> -> memref<1x128xi32, #tpu.memory_space<vmem>>
          %dma_start3A_49 = arith.constant 0 : i32
          %dma_start3A_50 = tpu.memref_slice %arg3[%add3A_45, %dma_start3A_49] : memref<2500x128xi32, #tpu.memory_space<hbm>> -> memref<1x128xi32, #tpu.memory_space<hbm>>
          %dma_start3A_51 = arith.constant 0 : i32
          %dma_start3A_52 = arith.constant 0 : i32
          %dma_start3A_53 = tpu.memref_slice %arg7[%dma_start3A_51, %dma_start3A_52] : memref<6x128xi32, #tpu.memory_space<vmem>> -> memref<1x128xi32, #tpu.memory_space<vmem>>
          %dma_start3A_54 = arith.constant 0 : i32
          %dma_start3A_55 = tpu.memref_slice %arg3[%add3A_45, %dma_start3A_54] : memref<2500x128xi32, #tpu.memory_space<hbm>> -> memref<1x128xi32, #tpu.memory_space<hbm>>
          tpu.enqueue_dma source(%dma_start3A_55 : memref<1x128xi32, #tpu.memory_space<hbm>>) target(%dma_start3A_53 : memref<1x128xi32, #tpu.memory_space<vmem>>) target_semaphore(%run_scoped3A_46 : memref<!tpu.dma_semaphore, #tpu.memory_space<semaphore_mem>>)
          %dma_wait3A = arith.constant 0 : i32
          %dma_wait3A_56 = arith.constant 0 : i32
          %dma_wait3A_57 = tpu.memref_slice %arg7[%dma_wait3A, %dma_wait3A_56] : memref<6x128xi32, #tpu.memory_space<vmem>> -> memref<1x128xi32, #tpu.memory_space<vmem>>
          %dma_wait3A_58 = arith.constant 0 : i32
          %dma_wait3A_59 = tpu.memref_slice %arg3[%add3A_45, %dma_wait3A_58] : memref<2500x128xi32, #tpu.memory_space<hbm>> -> memref<1x128xi32, #tpu.memory_space<hbm>>
          %dma_wait3A_60 = arith.constant 0 : i32
          %dma_wait3A_61 = arith.constant 0 : i32
          %dma_wait3A_62 = tpu.memref_slice %arg7[%dma_wait3A_60, %dma_wait3A_61] : memref<6x128xi32, #tpu.memory_space<vmem>> -> memref<1x128xi32, #tpu.memory_space<vmem>>
          %dma_wait3A_63 = arith.constant 0 : i32
          %dma_wait3A_64 = tpu.memref_slice %arg3[%add3A_45, %dma_wait3A_63] : memref<2500x128xi32, #tpu.memory_space<hbm>> -> memref<1x128xi32, #tpu.memory_space<hbm>>
          tpu.wait_dma2 semaphore(%run_scoped3A_46 : memref<!tpu.dma_semaphore, #tpu.memory_space<semaphore_mem>>) src(%dma_wait3A_64 : memref<1x128xi32, #tpu.memory_space<hbm>>) dst(%dma_wait3A_62 : memref<1x128xi32, #tpu.memory_space<vmem>>)
          tpu.yield
        }) : () -> ()
        %run_scoped3A = arith.constant 0 : i32
        "tpu.region"() ({
          %run_scoped3A_46 = tpu.sem_alloc : memref<!tpu.dma_semaphore, #tpu.memory_space<semaphore_mem>>
          %dma_start3A = arith.constant 0 : i32
          %dma_start3A_47 = tpu.memref_slice %arg7[%run_scoped3A, %dma_start3A] : memref<6x128xi32, #tpu.memory_space<vmem>> -> memref<1x128xi32, #tpu.memory_space<vmem>>
          %dma_start3A_48 = tpu.memref_squeeze %dma_start3A_47 : memref<1x128xi32, #tpu.memory_space<vmem>> -> memref<128xi32, #tpu.memory_space<vmem>>
          %dma_start3A_49 = arith.constant 0 : i32
          %dma_start3A_50 = arith.constant 0 : i32
          %dma_start3A_51 = tpu.memref_slice %arg9[%dma_start3A_49, %dma_start3A_50] : memref<10240x16xf32, #tpu.memory_space<vmem_shared>> -> memref<10240x16xf32, #tpu.memory_space<vmem_shared>>
          tpu.enqueue_indirect_dma source(%arg8 : memref<128x16xf32, #tpu.memory_space<vmem>>) target(%dma_start3A_51 : memref<10240x16xf32, #tpu.memory_space<vmem_shared>>) offsets(%dma_start3A_48 : memref<128xi32, #tpu.memory_space<vmem>>) semaphore(%run_scoped3A_46 : memref<!tpu.dma_semaphore, #tpu.memory_space<semaphore_mem>>) {add = true}
          %dma_wait3A = arith.constant 0 : i32
          %dma_wait3A_52 = tpu.memref_slice %arg7[%run_scoped3A, %dma_wait3A] : memref<6x128xi32, #tpu.memory_space<vmem>> -> memref<1x128xi32, #tpu.memory_space<vmem>>
          %dma_wait3A_53 = tpu.memref_squeeze %dma_wait3A_52 : memref<1x128xi32, #tpu.memory_space<vmem>> -> memref<128xi32, #tpu.memory_space<vmem>>
          %dma_wait3A_54 = arith.constant 0 : i32
          %dma_wait3A_55 = arith.constant 0 : i32
          %dma_wait3A_56 = tpu.memref_slice %arg9[%dma_wait3A_54, %dma_wait3A_55] : memref<10240x16xf32, #tpu.memory_space<vmem_shared>> -> memref<10240x16xf32, #tpu.memory_space<vmem_shared>>
          tpu.wait_indirect_dma semaphore(%run_scoped3A_46 : memref<!tpu.dma_semaphore, #tpu.memory_space<semaphore_mem>>) src(%arg8 : memref<128x16xf32, #tpu.memory_space<vmem>>) dst(%dma_wait3A_56 : memref<10240x16xf32, #tpu.memory_space<vmem_shared>>)
          tpu.yield
        }) : () -> ()
      } else {
      }
    } else {
    }
    %eq3A_14 = arith.constant 1 : i32
    %eq3A_15 = arith.cmpi eq, %arg0, %eq3A_14 : i32
    %convert_element_type3A_16 = arith.extui %eq3A_15 : i1 to i32
    %cond3A_17 = arith.constant 0 : i32
    %cond3A_18 = arith.cmpi ne, %convert_element_type3A_16, %cond3A_17 : i32
    scf.if %cond3A_18 {
      %scan3A_35 = arith.constant 0 : i32
      %scan3A_36 = arith.constant 26 : i32
      %scan3A_37 = arith.addi %scan3A_35, %scan3A_36 : i32
      %scan3A_38 = arith.constant 1 : i32
      scf.for %scan3A_44 = %scan3A_35 to %scan3A_37 step %scan3A_38  : i32 {
        %mul3A_45 = arith.constant 6 : i32
        %mul3A_46 = arith.muli %scan3A_44, %mul3A_45 : i32
        %add3A_47 = arith.addi %add3A, %mul3A_46 : i32
        %add3A_48 = arith.constant 0 : i32
        %add3A_49 = arith.addi %add3A_47, %add3A_48 : i32
        "tpu.region"() ({
          %run_scoped3A = tpu.sem_alloc : memref<!tpu.dma_semaphore, #tpu.memory_space<semaphore_mem>>
          %dma_start3A_136 = arith.constant 0 : i32
          %dma_start3A_137 = arith.constant 0 : i32
          %dma_start3A_138 = tpu.memref_slice %arg7[%dma_start3A_136, %dma_start3A_137] : memref<6x128xi32, #tpu.memory_space<vmem>> -> memref<2x128xi32, #tpu.memory_space<vmem>>
          %dma_start3A_139 = arith.constant 0 : i32
          %dma_start3A_140 = tpu.memref_slice %arg2[%add3A_49, %dma_start3A_139] : memref<2500x128xi32, #tpu.memory_space<hbm>> -> memref<2x128xi32, #tpu.memory_space<hbm>>
          %dma_start3A_141 = arith.constant 0 : i32
          %dma_start3A_142 = arith.constant 0 : i32
          %dma_start3A_143 = tpu.memref_slice %arg7[%dma_start3A_141, %dma_start3A_142] : memref<6x128xi32, #tpu.memory_space<vmem>> -> memref<2x128xi32, #tpu.memory_space<vmem>>
          %dma_start3A_144 = arith.constant 0 : i32
          %dma_start3A_145 = tpu.memref_slice %arg2[%add3A_49, %dma_start3A_144] : memref<2500x128xi32, #tpu.memory_space<hbm>> -> memref<2x128xi32, #tpu.memory_space<hbm>>
          tpu.enqueue_dma source(%dma_start3A_145 : memref<2x128xi32, #tpu.memory_space<hbm>>) target(%dma_start3A_143 : memref<2x128xi32, #tpu.memory_space<vmem>>) target_semaphore(%run_scoped3A : memref<!tpu.dma_semaphore, #tpu.memory_space<semaphore_mem>>)
          %dma_wait3A_146 = arith.constant 0 : i32
          %dma_wait3A_147 = arith.constant 0 : i32
          %dma_wait3A_148 = tpu.memref_slice %arg7[%dma_wait3A_146, %dma_wait3A_147] : memref<6x128xi32, #tpu.memory_space<vmem>> -> memref<2x128xi32, #tpu.memory_space<vmem>>
          %dma_wait3A_149 = arith.constant 0 : i32
          %dma_wait3A_150 = tpu.memref_slice %arg2[%add3A_49, %dma_wait3A_149] : memref<2500x128xi32, #tpu.memory_space<hbm>> -> memref<2x128xi32, #tpu.memory_space<hbm>>
          %dma_wait3A_151 = arith.constant 0 : i32
          %dma_wait3A_152 = arith.constant 0 : i32
          %dma_wait3A_153 = tpu.memref_slice %arg7[%dma_wait3A_151, %dma_wait3A_152] : memref<6x128xi32, #tpu.memory_space<vmem>> -> memref<2x128xi32, #tpu.memory_space<vmem>>
          %dma_wait3A_154 = arith.constant 0 : i32
          %dma_wait3A_155 = tpu.memref_slice %arg2[%add3A_49, %dma_wait3A_154] : memref<2500x128xi32, #tpu.memory_space<hbm>> -> memref<2x128xi32, #tpu.memory_space<hbm>>
          tpu.wait_dma2 semaphore(%run_scoped3A : memref<!tpu.dma_semaphore, #tpu.memory_space<semaphore_mem>>) src(%dma_wait3A_155 : memref<2x128xi32, #tpu.memory_space<hbm>>) dst(%dma_wait3A_153 : memref<2x128xi32, #tpu.memory_space<vmem>>)
          tpu.yield
        }) : () -> ()
        %dma_start3A = arith.constant 0 : i32
        %dma_start3A_50 = arith.constant 0 : i32
        %dma_start3A_51 = tpu.memref_slice %arg7[%dma_start3A, %dma_start3A_50] : memref<6x128xi32, #tpu.memory_space<vmem>> -> memref<1x128xi32, #tpu.memory_space<vmem>>
        %dma_start3A_52 = tpu.memref_squeeze %dma_start3A_51 : memref<1x128xi32, #tpu.memory_space<vmem>> -> memref<128xi32, #tpu.memory_space<vmem>>
        %dma_start3A_53 = arith.constant 0 : i32
        %dma_start3A_54 = arith.constant 0 : i32
        %dma_start3A_55 = tpu.memref_slice %arg9[%dma_start3A_53, %dma_start3A_54] : memref<10240x16xf32, #tpu.memory_space<vmem_shared>> -> memref<10240x16xf32, #tpu.memory_space<vmem_shared>>
        tpu.enqueue_indirect_dma source(%arg8 : memref<128x16xf32, #tpu.memory_space<vmem>>) target(%dma_start3A_55 : memref<10240x16xf32, #tpu.memory_space<vmem_shared>>) offsets(%dma_start3A_52 : memref<128xi32, #tpu.memory_space<vmem>>) semaphore(%arg10 : memref<!tpu.dma_semaphore, #tpu.memory_space<semaphore_mem>>) {add = true}
        %dma_start3A_56 = arith.constant 1 : i32
        %dma_start3A_57 = arith.constant 0 : i32
        %dma_start3A_58 = tpu.memref_slice %arg7[%dma_start3A_56, %dma_start3A_57] : memref<6x128xi32, #tpu.memory_space<vmem>> -> memref<1x128xi32, #tpu.memory_space<vmem>>
        %dma_start3A_59 = tpu.memref_squeeze %dma_start3A_58 : memref<1x128xi32, #tpu.memory_space<vmem>> -> memref<128xi32, #tpu.memory_space<vmem>>
        %dma_start3A_60 = arith.constant 0 : i32
        %dma_start3A_61 = arith.constant 0 : i32
        %dma_start3A_62 = tpu.memref_slice %arg9[%dma_start3A_60, %dma_start3A_61] : memref<10240x16xf32, #tpu.memory_space<vmem_shared>> -> memref<10240x16xf32, #tpu.memory_space<vmem_shared>>
        tpu.enqueue_indirect_dma source(%arg8 : memref<128x16xf32, #tpu.memory_space<vmem>>) target(%dma_start3A_62 : memref<10240x16xf32, #tpu.memory_space<vmem_shared>>) offsets(%dma_start3A_59 : memref<128xi32, #tpu.memory_space<vmem>>) semaphore(%arg10 : memref<!tpu.dma_semaphore, #tpu.memory_space<semaphore_mem>>) {add = true}
        %add3A_63 = arith.constant 2 : i32
        %add3A_64 = arith.addi %add3A_47, %add3A_63 : i32
        "tpu.region"() ({
          %run_scoped3A = tpu.sem_alloc : memref<!tpu.dma_semaphore, #tpu.memory_space<semaphore_mem>>
          %dma_start3A_136 = arith.constant 2 : i32
          %dma_start3A_137 = arith.constant 0 : i32
          %dma_start3A_138 = tpu.memref_slice %arg7[%dma_start3A_136, %dma_start3A_137] : memref<6x128xi32, #tpu.memory_space<vmem>> -> memref<2x128xi32, #tpu.memory_space<vmem>>
          %dma_start3A_139 = arith.constant 0 : i32
          %dma_start3A_140 = tpu.memref_slice %arg2[%add3A_64, %dma_start3A_139] : memref<2500x128xi32, #tpu.memory_space<hbm>> -> memref<2x128xi32, #tpu.memory_space<hbm>>
          %dma_start3A_141 = arith.constant 2 : i32
          %dma_start3A_142 = arith.constant 0 : i32
          %dma_start3A_143 = tpu.memref_slice %arg7[%dma_start3A_141, %dma_start3A_142] : memref<6x128xi32, #tpu.memory_space<vmem>> -> memref<2x128xi32, #tpu.memory_space<vmem>>
          %dma_start3A_144 = arith.constant 0 : i32
          %dma_start3A_145 = tpu.memref_slice %arg2[%add3A_64, %dma_start3A_144] : memref<2500x128xi32, #tpu.memory_space<hbm>> -> memref<2x128xi32, #tpu.memory_space<hbm>>
          tpu.enqueue_dma source(%dma_start3A_145 : memref<2x128xi32, #tpu.memory_space<hbm>>) target(%dma_start3A_143 : memref<2x128xi32, #tpu.memory_space<vmem>>) target_semaphore(%run_scoped3A : memref<!tpu.dma_semaphore, #tpu.memory_space<semaphore_mem>>)
          %dma_wait3A_146 = arith.constant 2 : i32
          %dma_wait3A_147 = arith.constant 0 : i32
          %dma_wait3A_148 = tpu.memref_slice %arg7[%dma_wait3A_146, %dma_wait3A_147] : memref<6x128xi32, #tpu.memory_space<vmem>> -> memref<2x128xi32, #tpu.memory_space<vmem>>
          %dma_wait3A_149 = arith.constant 0 : i32
          %dma_wait3A_150 = tpu.memref_slice %arg2[%add3A_64, %dma_wait3A_149] : memref<2500x128xi32, #tpu.memory_space<hbm>> -> memref<2x128xi32, #tpu.memory_space<hbm>>
          %dma_wait3A_151 = arith.constant 2 : i32
          %dma_wait3A_152 = arith.constant 0 : i32
          %dma_wait3A_153 = tpu.memref_slice %arg7[%dma_wait3A_151, %dma_wait3A_152] : memref<6x128xi32, #tpu.memory_space<vmem>> -> memref<2x128xi32, #tpu.memory_space<vmem>>
          %dma_wait3A_154 = arith.constant 0 : i32
          %dma_wait3A_155 = tpu.memref_slice %arg2[%add3A_64, %dma_wait3A_154] : memref<2500x128xi32, #tpu.memory_space<hbm>> -> memref<2x128xi32, #tpu.memory_space<hbm>>
          tpu.wait_dma2 semaphore(%run_scoped3A : memref<!tpu.dma_semaphore, #tpu.memory_space<semaphore_mem>>) src(%dma_wait3A_155 : memref<2x128xi32, #tpu.memory_space<hbm>>) dst(%dma_wait3A_153 : memref<2x128xi32, #tpu.memory_space<vmem>>)
          tpu.yield
        }) : () -> ()
        %dma_start3A_65 = arith.constant 2 : i32
        %dma_start3A_66 = arith.constant 0 : i32
        %dma_start3A_67 = tpu.memref_slice %arg7[%dma_start3A_65, %dma_start3A_66] : memref<6x128xi32, #tpu.memory_space<vmem>> -> memref<1x128xi32, #tpu.memory_space<vmem>>
        %dma_start3A_68 = tpu.memref_squeeze %dma_start3A_67 : memref<1x128xi32, #tpu.memory_space<vmem>> -> memref<128xi32, #tpu.memory_space<vmem>>
        %dma_start3A_69 = arith.constant 0 : i32
        %dma_start3A_70 = arith.constant 0 : i32
        %dma_start3A_71 = tpu.memref_slice %arg9[%dma_start3A_69, %dma_start3A_70] : memref<10240x16xf32, #tpu.memory_space<vmem_shared>> -> memref<10240x16xf32, #tpu.memory_space<vmem_shared>>
        tpu.enqueue_indirect_dma source(%arg8 : memref<128x16xf32, #tpu.memory_space<vmem>>) target(%dma_start3A_71 : memref<10240x16xf32, #tpu.memory_space<vmem_shared>>) offsets(%dma_start3A_68 : memref<128xi32, #tpu.memory_space<vmem>>) semaphore(%arg10 : memref<!tpu.dma_semaphore, #tpu.memory_space<semaphore_mem>>) {add = true}
        %dma_start3A_72 = arith.constant 3 : i32
        %dma_start3A_73 = arith.constant 0 : i32
        %dma_start3A_74 = tpu.memref_slice %arg7[%dma_start3A_72, %dma_start3A_73] : memref<6x128xi32, #tpu.memory_space<vmem>> -> memref<1x128xi32, #tpu.memory_space<vmem>>
        %dma_start3A_75 = tpu.memref_squeeze %dma_start3A_74 : memref<1x128xi32, #tpu.memory_space<vmem>> -> memref<128xi32, #tpu.memory_space<vmem>>
        %dma_start3A_76 = arith.constant 0 : i32
        %dma_start3A_77 = arith.constant 0 : i32
        %dma_start3A_78 = tpu.memref_slice %arg9[%dma_start3A_76, %dma_start3A_77] : memref<10240x16xf32, #tpu.memory_space<vmem_shared>> -> memref<10240x16xf32, #tpu.memory_space<vmem_shared>>
        tpu.enqueue_indirect_dma source(%arg8 : memref<128x16xf32, #tpu.memory_space<vmem>>) target(%dma_start3A_78 : memref<10240x16xf32, #tpu.memory_space<vmem_shared>>) offsets(%dma_start3A_75 : memref<128xi32, #tpu.memory_space<vmem>>) semaphore(%arg10 : memref<!tpu.dma_semaphore, #tpu.memory_space<semaphore_mem>>) {add = true}
        %add3A_79 = arith.constant 4 : i32
        %add3A_80 = arith.addi %add3A_47, %add3A_79 : i32
        "tpu.region"() ({
          %run_scoped3A = tpu.sem_alloc : memref<!tpu.dma_semaphore, #tpu.memory_space<semaphore_mem>>
          %dma_start3A_136 = arith.constant 4 : i32
          %dma_start3A_137 = arith.constant 0 : i32
          %dma_start3A_138 = tpu.memref_slice %arg7[%dma_start3A_136, %dma_start3A_137] : memref<6x128xi32, #tpu.memory_space<vmem>> -> memref<2x128xi32, #tpu.memory_space<vmem>>
          %dma_start3A_139 = arith.constant 0 : i32
          %dma_start3A_140 = tpu.memref_slice %arg2[%add3A_80, %dma_start3A_139] : memref<2500x128xi32, #tpu.memory_space<hbm>> -> memref<2x128xi32, #tpu.memory_space<hbm>>
          %dma_start3A_141 = arith.constant 4 : i32
          %dma_start3A_142 = arith.constant 0 : i32
          %dma_start3A_143 = tpu.memref_slice %arg7[%dma_start3A_141, %dma_start3A_142] : memref<6x128xi32, #tpu.memory_space<vmem>> -> memref<2x128xi32, #tpu.memory_space<vmem>>
          %dma_start3A_144 = arith.constant 0 : i32
          %dma_start3A_145 = tpu.memref_slice %arg2[%add3A_80, %dma_start3A_144] : memref<2500x128xi32, #tpu.memory_space<hbm>> -> memref<2x128xi32, #tpu.memory_space<hbm>>
          tpu.enqueue_dma source(%dma_start3A_145 : memref<2x128xi32, #tpu.memory_space<hbm>>) target(%dma_start3A_143 : memref<2x128xi32, #tpu.memory_space<vmem>>) target_semaphore(%run_scoped3A : memref<!tpu.dma_semaphore, #tpu.memory_space<semaphore_mem>>)
          %dma_wait3A_146 = arith.constant 4 : i32
          %dma_wait3A_147 = arith.constant 0 : i32
          %dma_wait3A_148 = tpu.memref_slice %arg7[%dma_wait3A_146, %dma_wait3A_147] : memref<6x128xi32, #tpu.memory_space<vmem>> -> memref<2x128xi32, #tpu.memory_space<vmem>>
          %dma_wait3A_149 = arith.constant 0 : i32
          %dma_wait3A_150 = tpu.memref_slice %arg2[%add3A_80, %dma_wait3A_149] : memref<2500x128xi32, #tpu.memory_space<hbm>> -> memref<2x128xi32, #tpu.memory_space<hbm>>
          %dma_wait3A_151 = arith.constant 4 : i32
          %dma_wait3A_152 = arith.constant 0 : i32
          %dma_wait3A_153 = tpu.memref_slice %arg7[%dma_wait3A_151, %dma_wait3A_152] : memref<6x128xi32, #tpu.memory_space<vmem>> -> memref<2x128xi32, #tpu.memory_space<vmem>>
          %dma_wait3A_154 = arith.constant 0 : i32
          %dma_wait3A_155 = tpu.memref_slice %arg2[%add3A_80, %dma_wait3A_154] : memref<2500x128xi32, #tpu.memory_space<hbm>> -> memref<2x128xi32, #tpu.memory_space<hbm>>
          tpu.wait_dma2 semaphore(%run_scoped3A : memref<!tpu.dma_semaphore, #tpu.memory_space<semaphore_mem>>) src(%dma_wait3A_155 : memref<2x128xi32, #tpu.memory_space<hbm>>) dst(%dma_wait3A_153 : memref<2x128xi32, #tpu.memory_space<vmem>>)
          tpu.yield
        }) : () -> ()
        %dma_start3A_81 = arith.constant 4 : i32
        %dma_start3A_82 = arith.constant 0 : i32
        %dma_start3A_83 = tpu.memref_slice %arg7[%dma_start3A_81, %dma_start3A_82] : memref<6x128xi32, #tpu.memory_space<vmem>> -> memref<1x128xi32, #tpu.memory_space<vmem>>
        %dma_start3A_84 = tpu.memref_squeeze %dma_start3A_83 : memref<1x128xi32, #tpu.memory_space<vmem>> -> memref<128xi32, #tpu.memory_space<vmem>>
        %dma_start3A_85 = arith.constant 0 : i32
        %dma_start3A_86 = arith.constant 0 : i32
        %dma_start3A_87 = tpu.memref_slice %arg9[%dma_start3A_85, %dma_start3A_86] : memref<10240x16xf32, #tpu.memory_space<vmem_shared>> -> memref<10240x16xf32, #tpu.memory_space<vmem_shared>>
        tpu.enqueue_indirect_dma source(%arg8 : memref<128x16xf32, #tpu.memory_space<vmem>>) target(%dma_start3A_87 : memref<10240x16xf32, #tpu.memory_space<vmem_shared>>) offsets(%dma_start3A_84 : memref<128xi32, #tpu.memory_space<vmem>>) semaphore(%arg10 : memref<!tpu.dma_semaphore, #tpu.memory_space<semaphore_mem>>) {add = true}
        %dma_start3A_88 = arith.constant 5 : i32
        %dma_start3A_89 = arith.constant 0 : i32
        %dma_start3A_90 = tpu.memref_slice %arg7[%dma_start3A_88, %dma_start3A_89] : memref<6x128xi32, #tpu.memory_space<vmem>> -> memref<1x128xi32, #tpu.memory_space<vmem>>
        %dma_start3A_91 = tpu.memref_squeeze %dma_start3A_90 : memref<1x128xi32, #tpu.memory_space<vmem>> -> memref<128xi32, #tpu.memory_space<vmem>>
        %dma_start3A_92 = arith.constant 0 : i32
        %dma_start3A_93 = arith.constant 0 : i32
        %dma_start3A_94 = tpu.memref_slice %arg9[%dma_start3A_92, %dma_start3A_93] : memref<10240x16xf32, #tpu.memory_space<vmem_shared>> -> memref<10240x16xf32, #tpu.memory_space<vmem_shared>>
        tpu.enqueue_indirect_dma source(%arg8 : memref<128x16xf32, #tpu.memory_space<vmem>>) target(%dma_start3A_94 : memref<10240x16xf32, #tpu.memory_space<vmem_shared>>) offsets(%dma_start3A_91 : memref<128xi32, #tpu.memory_space<vmem>>) semaphore(%arg10 : memref<!tpu.dma_semaphore, #tpu.memory_space<semaphore_mem>>) {add = true}
        %dma_wait3A = arith.constant 0 : i32
        %dma_wait3A_95 = arith.constant 0 : i32
        %dma_wait3A_96 = tpu.memref_slice %arg7[%dma_wait3A, %dma_wait3A_95] : memref<6x128xi32, #tpu.memory_space<vmem>> -> memref<1x128xi32, #tpu.memory_space<vmem>>
        %dma_wait3A_97 = tpu.memref_squeeze %dma_wait3A_96 : memref<1x128xi32, #tpu.memory_space<vmem>> -> memref<128xi32, #tpu.memory_space<vmem>>
        %dma_wait3A_98 = arith.constant 0 : i32
        %dma_wait3A_99 = arith.constant 0 : i32
        %dma_wait3A_100 = tpu.memref_slice %arg9[%dma_wait3A_98, %dma_wait3A_99] : memref<10240x16xf32, #tpu.memory_space<vmem_shared>> -> memref<10240x16xf32, #tpu.memory_space<vmem_shared>>
        tpu.wait_indirect_dma semaphore(%arg10 : memref<!tpu.dma_semaphore, #tpu.memory_space<semaphore_mem>>) src(%arg8 : memref<128x16xf32, #tpu.memory_space<vmem>>) dst(%dma_wait3A_100 : memref<10240x16xf32, #tpu.memory_space<vmem_shared>>)
        %dma_wait3A_101 = arith.constant 1 : i32
        %dma_wait3A_102 = arith.constant 0 : i32
        %dma_wait3A_103 = tpu.memref_slice %arg7[%dma_wait3A_101, %dma_wait3A_102] : memref<6x128xi32, #tpu.memory_space<vmem>> -> memref<1x128xi32, #tpu.memory_space<vmem>>
        %dma_wait3A_104 = tpu.memref_squeeze %dma_wait3A_103 : memref<1x128xi32, #tpu.memory_space<vmem>> -> memref<128xi32, #tpu.memory_space<vmem>>
        %dma_wait3A_105 = arith.constant 0 : i32
        %dma_wait3A_106 = arith.constant 0 : i32
        %dma_wait3A_107 = tpu.memref_slice %arg9[%dma_wait3A_105, %dma_wait3A_106] : memref<10240x16xf32, #tpu.memory_space<vmem_shared>> -> memref<10240x16xf32, #tpu.memory_space<vmem_shared>>
        tpu.wait_indirect_dma semaphore(%arg10 : memref<!tpu.dma_semaphore, #tpu.memory_space<semaphore_mem>>) src(%arg8 : memref<128x16xf32, #tpu.memory_space<vmem>>) dst(%dma_wait3A_107 : memref<10240x16xf32, #tpu.memory_space<vmem_shared>>)
        %dma_wait3A_108 = arith.constant 2 : i32
        %dma_wait3A_109 = arith.constant 0 : i32
        %dma_wait3A_110 = tpu.memref_slice %arg7[%dma_wait3A_108, %dma_wait3A_109] : memref<6x128xi32, #tpu.memory_space<vmem>> -> memref<1x128xi32, #tpu.memory_space<vmem>>
        %dma_wait3A_111 = tpu.memref_squeeze %dma_wait3A_110 : memref<1x128xi32, #tpu.memory_space<vmem>> -> memref<128xi32, #tpu.memory_space<vmem>>
        %dma_wait3A_112 = arith.constant 0 : i32
        %dma_wait3A_113 = arith.constant 0 : i32
        %dma_wait3A_114 = tpu.memref_slice %arg9[%dma_wait3A_112, %dma_wait3A_113] : memref<10240x16xf32, #tpu.memory_space<vmem_shared>> -> memref<10240x16xf32, #tpu.memory_space<vmem_shared>>
        tpu.wait_indirect_dma semaphore(%arg10 : memref<!tpu.dma_semaphore, #tpu.memory_space<semaphore_mem>>) src(%arg8 : memref<128x16xf32, #tpu.memory_space<vmem>>) dst(%dma_wait3A_114 : memref<10240x16xf32, #tpu.memory_space<vmem_shared>>)
        %dma_wait3A_115 = arith.constant 3 : i32
        %dma_wait3A_116 = arith.constant 0 : i32
        %dma_wait3A_117 = tpu.memref_slice %arg7[%dma_wait3A_115, %dma_wait3A_116] : memref<6x128xi32, #tpu.memory_space<vmem>> -> memref<1x128xi32, #tpu.memory_space<vmem>>
        %dma_wait3A_118 = tpu.memref_squeeze %dma_wait3A_117 : memref<1x128xi32, #tpu.memory_space<vmem>> -> memref<128xi32, #tpu.memory_space<vmem>>
        %dma_wait3A_119 = arith.constant 0 : i32
        %dma_wait3A_120 = arith.constant 0 : i32
        %dma_wait3A_121 = tpu.memref_slice %arg9[%dma_wait3A_119, %dma_wait3A_120] : memref<10240x16xf32, #tpu.memory_space<vmem_shared>> -> memref<10240x16xf32, #tpu.memory_space<vmem_shared>>
        tpu.wait_indirect_dma semaphore(%arg10 : memref<!tpu.dma_semaphore, #tpu.memory_space<semaphore_mem>>) src(%arg8 : memref<128x16xf32, #tpu.memory_space<vmem>>) dst(%dma_wait3A_121 : memref<10240x16xf32, #tpu.memory_space<vmem_shared>>)
        %dma_wait3A_122 = arith.constant 4 : i32
        %dma_wait3A_123 = arith.constant 0 : i32
        %dma_wait3A_124 = tpu.memref_slice %arg7[%dma_wait3A_122, %dma_wait3A_123] : memref<6x128xi32, #tpu.memory_space<vmem>> -> memref<1x128xi32, #tpu.memory_space<vmem>>
        %dma_wait3A_125 = tpu.memref_squeeze %dma_wait3A_124 : memref<1x128xi32, #tpu.memory_space<vmem>> -> memref<128xi32, #tpu.memory_space<vmem>>
        %dma_wait3A_126 = arith.constant 0 : i32
        %dma_wait3A_127 = arith.constant 0 : i32
        %dma_wait3A_128 = tpu.memref_slice %arg9[%dma_wait3A_126, %dma_wait3A_127] : memref<10240x16xf32, #tpu.memory_space<vmem_shared>> -> memref<10240x16xf32, #tpu.memory_space<vmem_shared>>
        tpu.wait_indirect_dma semaphore(%arg10 : memref<!tpu.dma_semaphore, #tpu.memory_space<semaphore_mem>>) src(%arg8 : memref<128x16xf32, #tpu.memory_space<vmem>>) dst(%dma_wait3A_128 : memref<10240x16xf32, #tpu.memory_space<vmem_shared>>)
        %dma_wait3A_129 = arith.constant 5 : i32
        %dma_wait3A_130 = arith.constant 0 : i32
        %dma_wait3A_131 = tpu.memref_slice %arg7[%dma_wait3A_129, %dma_wait3A_130] : memref<6x128xi32, #tpu.memory_space<vmem>> -> memref<1x128xi32, #tpu.memory_space<vmem>>
        %dma_wait3A_132 = tpu.memref_squeeze %dma_wait3A_131 : memref<1x128xi32, #tpu.memory_space<vmem>> -> memref<128xi32, #tpu.memory_space<vmem>>
        %dma_wait3A_133 = arith.constant 0 : i32
        %dma_wait3A_134 = arith.constant 0 : i32
        %dma_wait3A_135 = tpu.memref_slice %arg9[%dma_wait3A_133, %dma_wait3A_134] : memref<10240x16xf32, #tpu.memory_space<vmem_shared>> -> memref<10240x16xf32, #tpu.memory_space<vmem_shared>>
        tpu.wait_indirect_dma semaphore(%arg10 : memref<!tpu.dma_semaphore, #tpu.memory_space<semaphore_mem>>) src(%arg8 : memref<128x16xf32, #tpu.memory_space<vmem>>) dst(%dma_wait3A_135 : memref<10240x16xf32, #tpu.memory_space<vmem_shared>>)
      }
      %scan3A_39 = arith.constant 26 : i32
      %lt3A = arith.constant 4 : i32
      %lt3A_40 = arith.cmpi slt, %arg1, %lt3A : i32
      %convert_element_type3A_41 = arith.extui %lt3A_40 : i1 to i32
      %cond3A_42 = arith.constant 0 : i32
      %cond3A_43 = arith.cmpi ne, %convert_element_type3A_41, %cond3A_42 : i32
      scf.if %cond3A_43 {
        %add3A_44 = arith.constant 156 : i32
        %add3A_45 = arith.addi %add3A, %add3A_44 : i32
        "tpu.region"() ({
          %run_scoped3A_46 = tpu.sem_alloc : memref<!tpu.dma_semaphore, #tpu.memory_space<semaphore_mem>>
          %dma_start3A = arith.constant 0 : i32
          %dma_start3A_47 = arith.constant 0 : i32
          %dma_start3A_48 = tpu.memref_slice %arg7[%dma_start3A, %dma_start3A_47] : memref<6x128xi32, #tpu.memory_space<vmem>> -> memref<1x128xi32, #tpu.memory_space<vmem>>
          %dma_start3A_49 = arith.constant 0 : i32
          %dma_start3A_50 = tpu.memref_slice %arg2[%add3A_45, %dma_start3A_49] : memref<2500x128xi32, #tpu.memory_space<hbm>> -> memref<1x128xi32, #tpu.memory_space<hbm>>
          %dma_start3A_51 = arith.constant 0 : i32
          %dma_start3A_52 = arith.constant 0 : i32
          %dma_start3A_53 = tpu.memref_slice %arg7[%dma_start3A_51, %dma_start3A_52] : memref<6x128xi32, #tpu.memory_space<vmem>> -> memref<1x128xi32, #tpu.memory_space<vmem>>
          %dma_start3A_54 = arith.constant 0 : i32
          %dma_start3A_55 = tpu.memref_slice %arg2[%add3A_45, %dma_start3A_54] : memref<2500x128xi32, #tpu.memory_space<hbm>> -> memref<1x128xi32, #tpu.memory_space<hbm>>
          tpu.enqueue_dma source(%dma_start3A_55 : memref<1x128xi32, #tpu.memory_space<hbm>>) target(%dma_start3A_53 : memref<1x128xi32, #tpu.memory_space<vmem>>) target_semaphore(%run_scoped3A_46 : memref<!tpu.dma_semaphore, #tpu.memory_space<semaphore_mem>>)
          %dma_wait3A = arith.constant 0 : i32
          %dma_wait3A_56 = arith.constant 0 : i32
          %dma_wait3A_57 = tpu.memref_slice %arg7[%dma_wait3A, %dma_wait3A_56] : memref<6x128xi32, #tpu.memory_space<vmem>> -> memref<1x128xi32, #tpu.memory_space<vmem>>
          %dma_wait3A_58 = arith.constant 0 : i32
          %dma_wait3A_59 = tpu.memref_slice %arg2[%add3A_45, %dma_wait3A_58] : memref<2500x128xi32, #tpu.memory_space<hbm>> -> memref<1x128xi32, #tpu.memory_space<hbm>>
          %dma_wait3A_60 = arith.constant 0 : i32
          %dma_wait3A_61 = arith.constant 0 : i32
          %dma_wait3A_62 = tpu.memref_slice %arg7[%dma_wait3A_60, %dma_wait3A_61] : memref<6x128xi32, #tpu.memory_space<vmem>> -> memref<1x128xi32, #tpu.memory_space<vmem>>
          %dma_wait3A_63 = arith.constant 0 : i32
          %dma_wait3A_64 = tpu.memref_slice %arg2[%add3A_45, %dma_wait3A_63] : memref<2500x128xi32, #tpu.memory_space<hbm>> -> memref<1x128xi32, #tpu.memory_space<hbm>>
          tpu.wait_dma2 semaphore(%run_scoped3A_46 : memref<!tpu.dma_semaphore, #tpu.memory_space<semaphore_mem>>) src(%dma_wait3A_64 : memref<1x128xi32, #tpu.memory_space<hbm>>) dst(%dma_wait3A_62 : memref<1x128xi32, #tpu.memory_space<vmem>>)
          tpu.yield
        }) : () -> ()
        %run_scoped3A = arith.constant 0 : i32
        "tpu.region"() ({
          %run_scoped3A_46 = tpu.sem_alloc : memref<!tpu.dma_semaphore, #tpu.memory_space<semaphore_mem>>
          %dma_start3A = arith.constant 0 : i32
          %dma_start3A_47 = tpu.memref_slice %arg7[%run_scoped3A, %dma_start3A] : memref<6x128xi32, #tpu.memory_space<vmem>> -> memref<1x128xi32, #tpu.memory_space<vmem>>
          %dma_start3A_48 = tpu.memref_squeeze %dma_start3A_47 : memref<1x128xi32, #tpu.memory_space<vmem>> -> memref<128xi32, #tpu.memory_space<vmem>>
          %dma_start3A_49 = arith.constant 0 : i32
          %dma_start3A_50 = arith.constant 0 : i32
          %dma_start3A_51 = tpu.memref_slice %arg9[%dma_start3A_49, %dma_start3A_50] : memref<10240x16xf32, #tpu.memory_space<vmem_shared>> -> memref<10240x16xf32, #tpu.memory_space<vmem_shared>>
          tpu.enqueue_indirect_dma source(%arg8 : memref<128x16xf32, #tpu.memory_space<vmem>>) target(%dma_start3A_51 : memref<10240x16xf32, #tpu.memory_space<vmem_shared>>) offsets(%dma_start3A_48 : memref<128xi32, #tpu.memory_space<vmem>>) semaphore(%run_scoped3A_46 : memref<!tpu.dma_semaphore, #tpu.memory_space<semaphore_mem>>) {add = true}
          %dma_wait3A = arith.constant 0 : i32
          %dma_wait3A_52 = tpu.memref_slice %arg7[%run_scoped3A, %dma_wait3A] : memref<6x128xi32, #tpu.memory_space<vmem>> -> memref<1x128xi32, #tpu.memory_space<vmem>>
          %dma_wait3A_53 = tpu.memref_squeeze %dma_wait3A_52 : memref<1x128xi32, #tpu.memory_space<vmem>> -> memref<128xi32, #tpu.memory_space<vmem>>
          %dma_wait3A_54 = arith.constant 0 : i32
          %dma_wait3A_55 = arith.constant 0 : i32
          %dma_wait3A_56 = tpu.memref_slice %arg9[%dma_wait3A_54, %dma_wait3A_55] : memref<10240x16xf32, #tpu.memory_space<vmem_shared>> -> memref<10240x16xf32, #tpu.memory_space<vmem_shared>>
          tpu.wait_indirect_dma semaphore(%run_scoped3A_46 : memref<!tpu.dma_semaphore, #tpu.memory_space<semaphore_mem>>) src(%arg8 : memref<128x16xf32, #tpu.memory_space<vmem>>) dst(%dma_wait3A_56 : memref<10240x16xf32, #tpu.memory_space<vmem_shared>>)
          tpu.yield
        }) : () -> ()
      } else {
      }
    } else {
    }
    %barrier3A_19 = arith.constant 0 : index
    tpu.barrier barrier_id(%barrier3A_19)
    %eq3A_20 = arith.constant 0 : i32
    %eq3A_21 = arith.cmpi eq, %arg0, %eq3A_20 : i32
    %eq3A_22 = arith.constant 0 : i32
    %eq3A_23 = arith.cmpi eq, %arg1, %eq3A_22 : i32
    %and3A = arith.andi %eq3A_21, %eq3A_23 : i1
    %convert_element_type3A_24 = arith.extui %and3A : i1 to i32
    %cond3A_25 = arith.constant 0 : i32
    %cond3A_26 = arith.cmpi ne, %convert_element_type3A_24, %cond3A_25 : i32
    scf.if %cond3A_26 {
      "tpu.region"() ({
        %run_scoped3A = tpu.sem_alloc : memref<!tpu.dma_semaphore, #tpu.memory_space<semaphore_mem>>
        tpu.enqueue_dma source(%arg9 : memref<10240x16xf32, #tpu.memory_space<vmem_shared>>) target(%arg5 : memref<10240x16xf32, #tpu.memory_space<hbm>>) target_semaphore(%run_scoped3A : memref<!tpu.dma_semaphore, #tpu.memory_space<semaphore_mem>>)
        tpu.wait_dma2 semaphore(%run_scoped3A : memref<!tpu.dma_semaphore, #tpu.memory_space<semaphore_mem>>) src(%arg9 : memref<10240x16xf32, #tpu.memory_space<vmem_shared>>) dst(%arg5 : memref<10240x16xf32, #tpu.memory_space<hbm>>)
        tpu.yield
      }) : () -> ()
    } else {
    }
    %eq3A_27 = arith.constant 1 : i32
    %eq3A_28 = arith.cmpi eq, %arg0, %eq3A_27 : i32
    %eq3A_29 = arith.constant 0 : i32
    %eq3A_30 = arith.cmpi eq, %arg1, %eq3A_29 : i32
    %and3A_31 = arith.andi %eq3A_28, %eq3A_30 : i1
    %convert_element_type3A_32 = arith.extui %and3A_31 : i1 to i32
    %cond3A_33 = arith.constant 0 : i32
    %cond3A_34 = arith.cmpi ne, %convert_element_type3A_32, %cond3A_33 : i32
    scf.if %cond3A_34 {
      "tpu.region"() ({
        %run_scoped3A = tpu.sem_alloc : memref<!tpu.dma_semaphore, #tpu.memory_space<semaphore_mem>>
        tpu.enqueue_dma source(%arg9 : memref<10240x16xf32, #tpu.memory_space<vmem_shared>>) target(%arg6 : memref<10240x16xf32, #tpu.memory_space<hbm>>) target_semaphore(%run_scoped3A : memref<!tpu.dma_semaphore, #tpu.memory_space<semaphore_mem>>)
        tpu.wait_dma2 semaphore(%run_scoped3A : memref<!tpu.dma_semaphore, #tpu.memory_space<semaphore_mem>>) src(%arg9 : memref<10240x16xf32, #tpu.memory_space<vmem_shared>>) dst(%arg6 : memref<10240x16xf32, #tpu.memory_space<hbm>>)
        tpu.yield
      }) : () -> ()
    } else {
    }
    return
  }
}

module attributes {stable_mosaic.version = 14 : i64} {
  func.func @_prep_body(%arg0: i32, %arg1: memref<1000x16xf32, #tpu.memory_space<vmem>>, %arg2: memref<1000x16xf32, #tpu.memory_space<vmem>>, %arg3: memref<1000x128xf32, #tpu.memory_space<vmem>>, %arg4: memref<1000x64xf32, #tpu.memory_space<vmem>>, %arg5: memref<1000x64xf32, #tpu.memory_space<vmem>>, %arg6: memref<1000x2xf32, #tpu.memory_space<vmem>>) attributes {dimension_semantics = [#tpu.dimension_semantics<arbitrary>], iteration_bounds = array<i64: 10>, scalar_prefetch = 0 : i64, scratch_operands = 0 : i64, tpu.core_type = #tpu.core_type<tc>, window_params = [{transform_indices = @transform_0, window_bounds = array<i64: 1000, 16>}, {transform_indices = @transform_1, window_bounds = array<i64: 1000, 16>}, {transform_indices = @transform_2, window_bounds = array<i64: 1000, 128>}, {transform_indices = @transform_3, window_bounds = array<i64: 1000, 64>}, {transform_indices = @transform_4, window_bounds = array<i64: 1000, 64>}, {transform_indices = @transform_5, window_bounds = array<i64: 1000, 2>}]} {
    %get3A = arith.constant 0 : index
    %get3A_0 = arith.constant 0 : index
    %get3A_1 = vector.load %arg1[%get3A, %get3A_0] : memref<1000x16xf32, #tpu.memory_space<vmem>>, vector<1000x1xf32>
    %get3A_2 = vector.shape_cast %get3A_1 : vector<1000x1xf32> to vector<1000xf32>
    %get3A_3 = arith.constant 0 : index
    %get3A_4 = arith.constant 0 : index
    %get3A_5 = vector.load %arg2[%get3A_3, %get3A_4] : memref<1000x16xf32, #tpu.memory_space<vmem>>, vector<1000x1xf32>
    %get3A_6 = vector.shape_cast %get3A_5 : vector<1000x1xf32> to vector<1000xf32>
    %sqrt3A = math.sqrt %get3A_2 : vector<1000xf32>
    %add3A = arith.constant 9.99999993E-9 : f32
    %add3A_7 = vector.broadcast %add3A : f32 to vector<1000xf32>
    %add3A_8 = arith.addf %sqrt3A, %add3A_7 : vector<1000xf32>
    %div3A = arith.constant 1.000000e+00 : f32
    %div3A_9 = vector.broadcast %div3A : f32 to vector<1000xf32>
    %div3A_10 = arith.divf %div3A_9, %add3A_8 : vector<1000xf32>
    %sqrt3A_11 = math.sqrt %get3A_6 : vector<1000xf32>
    %add3A_12 = arith.constant 9.99999993E-9 : f32
    %add3A_13 = vector.broadcast %add3A_12 : f32 to vector<1000xf32>
    %add3A_14 = arith.addf %sqrt3A_11, %add3A_13 : vector<1000xf32>
    %div3A_15 = arith.constant 1.000000e+00 : f32
    %div3A_16 = vector.broadcast %div3A_15 : f32 to vector<1000xf32>
    %div3A_17 = arith.divf %div3A_16, %add3A_14 : vector<1000xf32>
    %swap3A = arith.constant 0 : index
    %swap3A_18 = arith.constant 0 : index
    %swap3A_19 = vector.load %arg6[%swap3A, %swap3A_18] : memref<1000x2xf32, #tpu.memory_space<vmem>>, vector<1000x1xf32>
    %swap3A_20 = vector.shape_cast %swap3A_19 : vector<1000x1xf32> to vector<1000xf32>
    %swap3A_21 = vector.shape_cast %div3A_10 : vector<1000xf32> to vector<1000x1xf32>
    tpu.vector_store %arg6[%swap3A, %swap3A_18], %swap3A_21 {strides = array<i32>} : memref<1000x2xf32, #tpu.memory_space<vmem>>, vector<1000x1xf32>,
    %swap3A_22 = arith.constant 0 : index
    %swap3A_23 = arith.constant 1 : index
    %swap3A_24 = vector.load %arg6[%swap3A_22, %swap3A_23] : memref<1000x2xf32, #tpu.memory_space<vmem>>, vector<1000x1xf32>
    %swap3A_25 = vector.shape_cast %swap3A_24 : vector<1000x1xf32> to vector<1000xf32>
    %swap3A_26 = vector.shape_cast %div3A_17 : vector<1000xf32> to vector<1000x1xf32>
    tpu.vector_store %arg6[%swap3A_22, %swap3A_23], %swap3A_26 {strides = array<i32>} : memref<1000x2xf32, #tpu.memory_space<vmem>>, vector<1000x1xf32>,
    %get3A_27 = arith.constant 0 : index
    %get3A_28 = arith.constant 0 : index
    %get3A_29 = vector.load %arg3[%get3A_27, %get3A_28] : memref<1000x128xf32, #tpu.memory_space<vmem>>, vector<1000x128xf32>
    %slice3A = vector.extract_strided_slice %get3A_29 {offsets = [0, 0], sizes = [1000, 64], strides = [1, 1]} : vector<1000x128xf32> to vector<1000x64xf32>
    %broadcast_in_dim3A = vector.shape_cast %div3A_17 : vector<1000xf32> to vector<1000x1xf32>
    %mul3A = vector.broadcast %broadcast_in_dim3A : vector<1000x1xf32> to vector<1000x64xf32>
    %mul3A_30 = arith.mulf %slice3A, %mul3A : vector<1000x64xf32>
    %swap3A_31 = arith.constant 0 : index
    %swap3A_32 = arith.constant 0 : index
    %swap3A_33 = vector.load %arg4[%swap3A_31, %swap3A_32] : memref<1000x64xf32, #tpu.memory_space<vmem>>, vector<1000x64xf32>
    tpu.vector_store %arg4[%swap3A_31, %swap3A_32], %mul3A_30 {strides = array<i32>} : memref<1000x64xf32, #tpu.memory_space<vmem>>, vector<1000x64xf32>,
    %slice3A_34 = vector.extract_strided_slice %get3A_29 {offsets = [0, 64], sizes = [1000, 64], strides = [1, 1]} : vector<1000x128xf32> to vector<1000x64xf32>
    %broadcast_in_dim3A_35 = vector.shape_cast %div3A_17 : vector<1000xf32> to vector<1000x1xf32>
    %mul3A_36 = vector.broadcast %broadcast_in_dim3A_35 : vector<1000x1xf32> to vector<1000x64xf32>
    %mul3A_37 = arith.mulf %slice3A_34, %mul3A_36 : vector<1000x64xf32>
    %swap3A_38 = arith.constant 0 : index
    %swap3A_39 = arith.constant 0 : index
    %swap3A_40 = vector.load %arg5[%swap3A_38, %swap3A_39] : memref<1000x64xf32, #tpu.memory_space<vmem>>, vector<1000x64xf32>
    tpu.vector_store %arg5[%swap3A_38, %swap3A_39], %mul3A_37 {strides = array<i32>} : memref<1000x64xf32, #tpu.memory_space<vmem>>, vector<1000x64xf32>,
    return
  }
  func.func @transform_0(%arg0: i32) -> (i32, i32) {
    %c0_i32 = arith.constant 0 : i32
    %c0_i32_0 = arith.constant 0 : i32
    return %arg0, %c0_i32 : i32, i32
  }
  func.func @transform_1(%arg0: i32) -> (i32, i32) {
    %c0_i32 = arith.constant 0 : i32
    %c0_i32_0 = arith.constant 0 : i32
    return %arg0, %c0_i32 : i32, i32
  }
  func.func @transform_2(%arg0: i32) -> (i32, i32) {
    %c0_i32 = arith.constant 0 : i32
    %c0_i32_0 = arith.constant 0 : i32
    return %arg0, %c0_i32 : i32, i32
  }
  func.func @transform_3(%arg0: i32) -> (i32, i32) {
    %c0_i32 = arith.constant 0 : i32
    %c0_i32_0 = arith.constant 0 : i32
    return %arg0, %c0_i32 : i32, i32
  }
  func.func @transform_4(%arg0: i32) -> (i32, i32) {
    %c0_i32 = arith.constant 0 : i32
    %c0_i32_0 = arith.constant 0 : i32
    return %arg0, %c0_i32 : i32, i32
  }
  func.func @transform_5(%arg0: i32) -> (i32, i32) {
    %c0_i32 = arith.constant 0 : i32
    %c0_i32_0 = arith.constant 0 : i32
    return %arg0, %c0_i32 : i32, i32
  }
}

module attributes {stable_mosaic.version = 14 : i64} {
  func.func @_mid_body(%arg0: i32, %arg1: memref<1000x64xf32, #tpu.memory_space<vmem>>, %arg2: memref<1000x64xf32, #tpu.memory_space<vmem>>, %arg3: memref<1000x2xf32, #tpu.memory_space<vmem>>, %arg4: memref<1000x128xf32, #tpu.memory_space<vmem>>, %arg5: memref<1000x64xf32, #tpu.memory_space<vmem>>, %arg6: memref<1000x64xf32, #tpu.memory_space<vmem>>, %arg7: memref<1000x128xf32, #tpu.memory_space<vmem>>) attributes {dimension_semantics = [#tpu.dimension_semantics<arbitrary>], iteration_bounds = array<i64: 10>, scalar_prefetch = 0 : i64, scratch_operands = 0 : i64, tpu.core_type = #tpu.core_type<tc>, window_params = [{transform_indices = @transform_0, window_bounds = array<i64: 1000, 64>}, {transform_indices = @transform_1, window_bounds = array<i64: 1000, 64>}, {transform_indices = @transform_2, window_bounds = array<i64: 1000, 2>}, {transform_indices = @transform_3, window_bounds = array<i64: 1000, 128>}, {transform_indices = @transform_4, window_bounds = array<i64: 1000, 64>}, {transform_indices = @transform_5, window_bounds = array<i64: 1000, 64>}, {transform_indices = @transform_6, window_bounds = array<i64: 1000, 128>}]} {
    %get3A = arith.constant 0 : index
    %get3A_0 = arith.constant 0 : index
    %get3A_1 = vector.load %arg1[%get3A, %get3A_0] : memref<1000x64xf32, #tpu.memory_space<vmem>>, vector<1000x64xf32>
    %get3A_2 = arith.constant 0 : index
    %get3A_3 = arith.constant 0 : index
    %get3A_4 = vector.load %arg2[%get3A_2, %get3A_3] : memref<1000x64xf32, #tpu.memory_space<vmem>>, vector<1000x64xf32>
    %get3A_5 = arith.constant 0 : index
    %get3A_6 = arith.constant 0 : index
    %get3A_7 = vector.load %arg3[%get3A_5, %get3A_6] : memref<1000x2xf32, #tpu.memory_space<vmem>>, vector<1000x1xf32>
    %get3A_8 = vector.shape_cast %get3A_7 : vector<1000x1xf32> to vector<1000xf32>
    %get3A_9 = arith.constant 0 : index
    %get3A_10 = arith.constant 1 : index
    %get3A_11 = vector.load %arg3[%get3A_9, %get3A_10] : memref<1000x2xf32, #tpu.memory_space<vmem>>, vector<1000x1xf32>
    %get3A_12 = vector.shape_cast %get3A_11 : vector<1000x1xf32> to vector<1000xf32>
    %mul3A = arith.constant 5.000000e-01 : f32
    %mul3A_13 = vector.broadcast %mul3A : f32 to vector<1000xf32>
    %mul3A_14 = arith.mulf %get3A_8, %mul3A_13 : vector<1000xf32>
    %broadcast_in_dim3A = vector.shape_cast %mul3A_14 : vector<1000xf32> to vector<1000x1xf32>
    %mul3A_15 = vector.broadcast %broadcast_in_dim3A : vector<1000x1xf32> to vector<1000x64xf32>
    %mul3A_16 = arith.mulf %get3A_1, %mul3A_15 : vector<1000x64xf32>
    %mul3A_17 = arith.constant 5.000000e-01 : f32
    %mul3A_18 = vector.broadcast %mul3A_17 : f32 to vector<1000xf32>
    %mul3A_19 = arith.mulf %get3A_8, %mul3A_18 : vector<1000xf32>
    %broadcast_in_dim3A_20 = vector.shape_cast %mul3A_19 : vector<1000xf32> to vector<1000x1xf32>
    %mul3A_21 = vector.broadcast %broadcast_in_dim3A_20 : vector<1000x1xf32> to vector<1000x64xf32>
    %mul3A_22 = arith.mulf %get3A_4, %mul3A_21 : vector<1000x64xf32>
    %mul3A_23 = arith.mulf %mul3A_16, %mul3A_16 : vector<1000x64xf32>
    %reduce_sum3A = arith.constant dense<0.000000e+00> : vector<1000xf32>
    %reduce_sum3A_24 = vector.multi_reduction <add>, %mul3A_23, %reduce_sum3A [1] : vector<1000x64xf32> to vector<1000xf32>
    %broadcast_in_dim3A_25 = vector.shape_cast %reduce_sum3A_24 : vector<1000xf32> to vector<1000x1xf32>
    %mul3A_26 = arith.mulf %mul3A_22, %mul3A_22 : vector<1000x64xf32>
    %reduce_sum3A_27 = arith.constant dense<0.000000e+00> : vector<1000xf32>
    %reduce_sum3A_28 = vector.multi_reduction <add>, %mul3A_26, %reduce_sum3A_27 [1] : vector<1000x64xf32> to vector<1000xf32>
    %broadcast_in_dim3A_29 = vector.shape_cast %reduce_sum3A_28 : vector<1000xf32> to vector<1000x1xf32>
    %add3A = arith.addf %broadcast_in_dim3A_25, %broadcast_in_dim3A_29 : vector<1000x1xf32>
    %sqrt3A = math.sqrt %add3A : vector<1000x1xf32>
    %max3A = arith.constant 9.99999996E-13 : f32
    %max3A_30 = vector.broadcast %max3A : f32 to vector<1000x1xf32>
    %max3A_31 = arith.maximumf %sqrt3A, %max3A_30 : vector<1000x1xf32>
    %div3A = arith.constant 1.000000e+00 : f32
    %div3A_32 = vector.broadcast %div3A : f32 to vector<1000x1xf32>
    %div3A_33 = arith.divf %div3A_32, %max3A_31 : vector<1000x1xf32>
    %get3A_34 = arith.constant 0 : index
    %get3A_35 = arith.constant 0 : index
    %get3A_36 = vector.load %arg4[%get3A_34, %get3A_35] : memref<1000x128xf32, #tpu.memory_space<vmem>>, vector<1000x128xf32>
    %mul3A_37 = vector.broadcast %div3A_33 : vector<1000x1xf32> to vector<1000x64xf32>
    %mul3A_38 = arith.mulf %mul3A_16, %mul3A_37 : vector<1000x64xf32>
    %mul3A_39 = vector.broadcast %div3A_33 : vector<1000x1xf32> to vector<1000x64xf32>
    %mul3A_40 = arith.mulf %mul3A_22, %mul3A_39 : vector<1000x64xf32>
    %concatenate3A = tpu.concatenate %mul3A_38, %mul3A_40 in 1 : vector<1000x64xf32>, vector<1000x64xf32> -> vector<1000x128xf32>
    %add3A_41 = arith.addf %get3A_36, %concatenate3A : vector<1000x128xf32>
    %swap3A = arith.constant 0 : index
    %swap3A_42 = arith.constant 0 : index
    %swap3A_43 = vector.load %arg7[%swap3A, %swap3A_42] : memref<1000x128xf32, #tpu.memory_space<vmem>>, vector<1000x128xf32>
    tpu.vector_store %arg7[%swap3A, %swap3A_42], %add3A_41 {strides = array<i32>} : memref<1000x128xf32, #tpu.memory_space<vmem>>, vector<1000x128xf32>,
    %broadcast_in_dim3A_44 = vector.shape_cast %get3A_12 : vector<1000xf32> to vector<1000x1xf32>
    %mul3A_45 = vector.broadcast %broadcast_in_dim3A_44 : vector<1000x1xf32> to vector<1000x64xf32>
    %mul3A_46 = arith.mulf %mul3A_16, %mul3A_45 : vector<1000x64xf32>
    %swap3A_47 = arith.constant 0 : index
    %swap3A_48 = arith.constant 0 : index
    %swap3A_49 = vector.load %arg5[%swap3A_47, %swap3A_48] : memref<1000x64xf32, #tpu.memory_space<vmem>>, vector<1000x64xf32>
    tpu.vector_store %arg5[%swap3A_47, %swap3A_48], %mul3A_46 {strides = array<i32>} : memref<1000x64xf32, #tpu.memory_space<vmem>>, vector<1000x64xf32>,
    %broadcast_in_dim3A_50 = vector.shape_cast %get3A_12 : vector<1000xf32> to vector<1000x1xf32>
    %mul3A_51 = vector.broadcast %broadcast_in_dim3A_50 : vector<1000x1xf32> to vector<1000x64xf32>
    %mul3A_52 = arith.mulf %mul3A_22, %mul3A_51 : vector<1000x64xf32>
    %swap3A_53 = arith.constant 0 : index
    %swap3A_54 = arith.constant 0 : index
    %swap3A_55 = vector.load %arg6[%swap3A_53, %swap3A_54] : memref<1000x64xf32, #tpu.memory_space<vmem>>, vector<1000x64xf32>
    tpu.vector_store %arg6[%swap3A_53, %swap3A_54], %mul3A_52 {strides = array<i32>} : memref<1000x64xf32, #tpu.memory_space<vmem>>, vector<1000x64xf32>,
    return
  }
  func.func @transform_0(%arg0: i32) -> (i32, i32) {
    %c0_i32 = arith.constant 0 : i32
    %c0_i32_0 = arith.constant 0 : i32
    return %arg0, %c0_i32 : i32, i32
  }
  func.func @transform_1(%arg0: i32) -> (i32, i32) {
    %c0_i32 = arith.constant 0 : i32
    %c0_i32_0 = arith.constant 0 : i32
    return %arg0, %c0_i32 : i32, i32
  }
  func.func @transform_2(%arg0: i32) -> (i32, i32) {
    %c0_i32 = arith.constant 0 : i32
    %c0_i32_0 = arith.constant 0 : i32
    return %arg0, %c0_i32 : i32, i32
  }
  func.func @transform_3(%arg0: i32) -> (i32, i32) {
    %c0_i32 = arith.constant 0 : i32
    %c0_i32_0 = arith.constant 0 : i32
    return %arg0, %c0_i32 : i32, i32
  }
  func.func @transform_4(%arg0: i32) -> (i32, i32) {
    %c0_i32 = arith.constant 0 : i32
    %c0_i32_0 = arith.constant 0 : i32
    return %arg0, %c0_i32 : i32, i32
  }
  func.func @transform_5(%arg0: i32) -> (i32, i32) {
    %c0_i32 = arith.constant 0 : i32
    %c0_i32_0 = arith.constant 0 : i32
    return %arg0, %c0_i32 : i32, i32
  }
  func.func @transform_6(%arg0: i32) -> (i32, i32) {
    %c0_i32 = arith.constant 0 : i32
    %c0_i32_0 = arith.constant 0 : i32
    return %arg0, %c0_i32 : i32, i32
  }
}

module attributes {stable_mosaic.version = 14 : i64} {
  func.func @_fin_body(%arg0: i32, %arg1: memref<1000x64xf32, #tpu.memory_space<vmem>>, %arg2: memref<1000x64xf32, #tpu.memory_space<vmem>>, %arg3: memref<1000x2xf32, #tpu.memory_space<vmem>>, %arg4: memref<1000x128xf32, #tpu.memory_space<vmem>>, %arg5: memref<1000x128xf32, #tpu.memory_space<vmem>>) attributes {dimension_semantics = [#tpu.dimension_semantics<arbitrary>], iteration_bounds = array<i64: 10>, scalar_prefetch = 0 : i64, scratch_operands = 0 : i64, tpu.core_type = #tpu.core_type<tc>, window_params = [{transform_indices = @transform_0, window_bounds = array<i64: 1000, 64>}, {transform_indices = @transform_1, window_bounds = array<i64: 1000, 64>}, {transform_indices = @transform_2, window_bounds = array<i64: 1000, 2>}, {transform_indices = @transform_3, window_bounds = array<i64: 1000, 128>}, {transform_indices = @transform_4, window_bounds = array<i64: 1000, 128>}]} {
    %get3A = arith.constant 0 : index
    %get3A_0 = arith.constant 0 : index
    %get3A_1 = vector.load %arg3[%get3A, %get3A_0] : memref<1000x2xf32, #tpu.memory_space<vmem>>, vector<1000x1xf32>
    %get3A_2 = vector.shape_cast %get3A_1 : vector<1000x1xf32> to vector<1000xf32>
    %get3A_3 = arith.constant 0 : index
    %get3A_4 = arith.constant 0 : index
    %get3A_5 = vector.load %arg1[%get3A_3, %get3A_4] : memref<1000x64xf32, #tpu.memory_space<vmem>>, vector<1000x64xf32>
    %broadcast_in_dim3A = vector.shape_cast %get3A_2 : vector<1000xf32> to vector<1000x1xf32>
    %mul3A = vector.broadcast %broadcast_in_dim3A : vector<1000x1xf32> to vector<1000x64xf32>
    %mul3A_6 = arith.mulf %get3A_5, %mul3A : vector<1000x64xf32>
    %get3A_7 = arith.constant 0 : index
    %get3A_8 = arith.constant 0 : index
    %get3A_9 = vector.load %arg2[%get3A_7, %get3A_8] : memref<1000x64xf32, #tpu.memory_space<vmem>>, vector<1000x64xf32>
    %broadcast_in_dim3A_10 = vector.shape_cast %get3A_2 : vector<1000xf32> to vector<1000x1xf32>
    %mul3A_11 = vector.broadcast %broadcast_in_dim3A_10 : vector<1000x1xf32> to vector<1000x64xf32>
    %mul3A_12 = arith.mulf %get3A_9, %mul3A_11 : vector<1000x64xf32>
    %mul3A_13 = arith.mulf %mul3A_6, %mul3A_6 : vector<1000x64xf32>
    %reduce_sum3A = arith.constant dense<0.000000e+00> : vector<1000xf32>
    %reduce_sum3A_14 = vector.multi_reduction <add>, %mul3A_13, %reduce_sum3A [1] : vector<1000x64xf32> to vector<1000xf32>
    %broadcast_in_dim3A_15 = vector.shape_cast %reduce_sum3A_14 : vector<1000xf32> to vector<1000x1xf32>
    %mul3A_16 = arith.mulf %mul3A_12, %mul3A_12 : vector<1000x64xf32>
    %reduce_sum3A_17 = arith.constant dense<0.000000e+00> : vector<1000xf32>
    %reduce_sum3A_18 = vector.multi_reduction <add>, %mul3A_16, %reduce_sum3A_17 [1] : vector<1000x64xf32> to vector<1000xf32>
    %broadcast_in_dim3A_19 = vector.shape_cast %reduce_sum3A_18 : vector<1000xf32> to vector<1000x1xf32>
    %add3A = arith.addf %broadcast_in_dim3A_15, %broadcast_in_dim3A_19 : vector<1000x1xf32>
    %sqrt3A = math.sqrt %add3A : vector<1000x1xf32>
    %max3A = arith.constant 9.99999996E-13 : f32
    %max3A_20 = vector.broadcast %max3A : f32 to vector<1000x1xf32>
    %max3A_21 = arith.maximumf %sqrt3A, %max3A_20 : vector<1000x1xf32>
    %div3A = arith.constant 1.000000e+00 : f32
    %div3A_22 = vector.broadcast %div3A : f32 to vector<1000x1xf32>
    %div3A_23 = arith.divf %div3A_22, %max3A_21 : vector<1000x1xf32>
    %get3A_24 = arith.constant 0 : index
    %get3A_25 = arith.constant 0 : index
    %get3A_26 = vector.load %arg4[%get3A_24, %get3A_25] : memref<1000x128xf32, #tpu.memory_space<vmem>>, vector<1000x128xf32>
    %mul3A_27 = vector.broadcast %div3A_23 : vector<1000x1xf32> to vector<1000x64xf32>
    %mul3A_28 = arith.mulf %mul3A_6, %mul3A_27 : vector<1000x64xf32>
    %mul3A_29 = vector.broadcast %div3A_23 : vector<1000x1xf32> to vector<1000x64xf32>
    %mul3A_30 = arith.mulf %mul3A_12, %mul3A_29 : vector<1000x64xf32>
    %concatenate3A = tpu.concatenate %mul3A_28, %mul3A_30 in 1 : vector<1000x64xf32>, vector<1000x64xf32> -> vector<1000x128xf32>
    %add3A_31 = arith.addf %get3A_26, %concatenate3A : vector<1000x128xf32>
    %swap3A = arith.constant 0 : index
    %swap3A_32 = arith.constant 0 : index
    %swap3A_33 = vector.load %arg5[%swap3A, %swap3A_32] : memref<1000x128xf32, #tpu.memory_space<vmem>>, vector<1000x128xf32>
    tpu.vector_store %arg5[%swap3A, %swap3A_32], %add3A_31 {strides = array<i32>} : memref<1000x128xf32, #tpu.memory_space<vmem>>, vector<1000x128xf32>,
    return
  }
  func.func @transform_0(%arg0: i32) -> (i32, i32) {
    %c0_i32 = arith.constant 0 : i32
    %c0_i32_0 = arith.constant 0 : i32
    return %arg0, %c0_i32 : i32, i32
  }
  func.func @transform_1(%arg0: i32) -> (i32, i32) {
    %c0_i32 = arith.constant 0 : i32
    %c0_i32_0 = arith.constant 0 : i32
    return %arg0, %c0_i32 : i32, i32
  }
  func.func @transform_2(%arg0: i32) -> (i32, i32) {
    %c0_i32 = arith.constant 0 : i32
    %c0_i32_0 = arith.constant 0 : i32
    return %arg0, %c0_i32 : i32, i32
  }
  func.func @transform_3(%arg0: i32) -> (i32, i32) {
    %c0_i32 = arith.constant 0 : i32
    %c0_i32_0 = arith.constant 0 : i32
    return %arg0, %c0_i32 : i32, i32
  }
  func.func @transform_4(%arg0: i32) -> (i32, i32) {
    %c0_i32 = arith.constant 0 : i32
    %c0_i32_0 = arith.constant 0 : i32
    return %arg0, %c0_i32 : i32, i32
  }
}

</mosaic_0001>

<sc_bundles>
// kernel: kernel.11.cloned.1.call-start
scs
__scs_entry_jumppad:
0x0: {  	(pc) =	sbr.rel $0x88, $3  }
0x1: {  	(tag) =	ssettag $0x0;
	lr =	simm.s32 $0x1  }
0x2: {  	[smem:$0x3F9F] =	sst lr;
	_ =	strace $0xD0000000  }
0x3: {  	_ = 	snop  }
0x4: {  	_ = 	snop  }
0x5: {  	_ = 	snop  }
0x6: {  	_ = 	snop  }
0x7: {  	_ = 	snop  }
__scs_overlays_trampoline_lowered:
0x8: {  	[smem:$0x3FAE] =	sst s0  }
0x9: {  	[smem:$0x3FAF] =	sst s1  }
0xa: {  	[smem:$0x3FB0] =	sst s2  }
0xb: {  	[smem:$0x3FB1] =	sst s3  }
0xc: {  	[smem:$0x3FB2] =	sst s4  }
0xd: {  	[smem:$0x3FB3] =	sst s5  }
0xe: {  	[smem:$0x3FB4] =	sst s6  }
0xf: {  	[smem:$0x3FB5] =	sst s7  }
0x10: {  	[smem:$0x3FB6] =	sst s8  }
0x11: {  	[smem:$0x3FB7] =	sst s9;
	s0 =	simm.s32 @!p0 $0x0  }
0x12: {  	s1 =	sld [smem:$0x3F9D];
	s0 =	simm.s32 @p0 $0x1  }
0x13: {  	[smem:$0x3FB8] =	sst s0;
	s0 =	simm.s32 @!p1 $0x0  }
0x14: {  	s2 =	sld [smem:$0x3F9C];
	s0 =	simm.s32 @p1 $0x1  }
0x15: {  	[smem:$0x3FB9] =	sst s0;
	s0 =	simm.s32 @!p2 $0x0  }
0x16: {  	s3 =	sld [smem:$0x3FDB];
	s0 =	simm.s32 @p2 $0x1  }
0x17: {  	s4 =	simm.s32 $0x1BF5;
	[smem:$0x3FBB] =	sst s0  }
0x18: {  	s0 =	sld [smem:$0x3F9E];
	_ =	swait.ge [sflag:s4], $0x0  }
0x19: {  	s7 =	sld [smem:$0x3F9F]  }
0x1a: {  	s8 =	sadd.s32 $0xFFFFE003, lr  }
0x1b: {  	s9 =	sadd.s32 $0xFFFFFEF7, lr;
	s5 =	simm.s32 $0xFFFFFFFF;
	p2 =	slt.u32 s8, $0xFFFFF086  }
0x1c: {  	p1 =	slt.u32 s9, $0xF7A;
	s5 =	simm.s32 @!p2 $0x0  }
0x1d: {  	s5 =	simm.s32 @p1 $0x1;
	p0 =	seq.s32 s7, s2  }
0x1e: {  	s7 =	smul.u32 @!p0 $0xF7A, s2;
	p2 =	seq.s32 @!p0 s5, $0x0  }
0x1f: {  	s9 =	smul.u32 $0xF7A, s1;
	s8 =	simm.s32 @!p0 $0x1BF5;
	p2 =	por !p2, p0  }
0x20: {  	[sflag:s8] =	ssyncset.s32 @!p0 $0xFFFFF086;
	s6 =	sadd.s32 @!p0 s3, s7;
	s7 =	simm.s32 @!p0 $0x108  }
0x21: {  	s3 =	sadd.s32 s3, s9;
	s6 =	sadd.s32 @!p0 $0x88, s6;
	s7 =	simm.s32 @p2 $0x1082  }
0x22: {  	[simem:s7], [sflag:s8] =	dma.local @!p0 [hbm:s6], $0xF7A  }
0x23: {  	s9 =	sor.u32 $0xD0000000, s2;
	s6 =	simm.s32 $0x108;
	_ =	swait.ge @!p0 [sflag:s8], $0x0  }
0x24: {  	s3 =	sadd.s32 $0x88, s3;
	s6 =	simm.s32 @!p1 $0x1082;
	[sflag:s4] =	ssyncset.s32 $0xFFFFF086  }
0x25: {  	[simem:s6], [sflag:s4] =	dma.local [hbm:s3], $0xF7A  }
0x26: {  	[smem:$0x3F9F] =	sst s1;
	(tag) =	ssettag s2;
	_ =	strace s9  }
0x27: {  	s1 =	sld [smem:$0x3FAF]  }
0x28: {  	s2 =	sld [smem:$0x3FB0]  }
0x29: {  	s4 =	sld [smem:$0x3FB2]  }
0x2a: {  	p0 =	seq.s32 s5, $0x0;
	s5 =	sld [smem:$0x3FB3]  }
0x2b: {  	s6 =	sld [smem:$0x3FB4]  }
0x2c: {  	s7 =	sld [smem:$0x3FB5]  }
0x2d: {  	s3 =	simm.s32 $0x108;
	s8 =	sld [smem:$0x3FB6]  }
0x2e: {  	s3 =	simm.s32 @!p0 $0x1082;
	s9 =	sld [smem:$0x3FB7]  }
0x2f: {  	lr =	sadd.s32 s0, s3;
	s0 =	sld [smem:$0x3FAE]  }
0x30: {  	s3 =	sld [smem:$0x3FB1]  }
0x31: {  	[smem:$0x3FBA] =	sst s10  }
0x32: {  	s10 =	sld [smem:$0x3FB8];
	_ =	sdelay $0x3  }
0x33: {  	p0 =	seq.s32 s10, $0x1;
	s10 =	sld [smem:$0x3FBA];
	_ =	sdelay $0x3  }
0x34: {  	[smem:$0x3FBA] =	sst s10  }
0x35: {  	s10 =	sld [smem:$0x3FB9];
	_ =	sdelay $0x3  }
0x36: {  	p1 =	seq.s32 s10, $0x1;
	s10 =	sld [smem:$0x3FBA];
	_ =	sdelay $0x3  }
0x37: {  	[smem:$0x3FBA] =	sst s10  }
0x38: {  	s10 =	sld [smem:$0x3FBB]  }
0x39: {  	_ = 	snop;
	(pc) =	sbr.ind lr, $3  }
0x3a: {  	_ = 	snop  }
0x3b: {  	_ = 	snop  }
0x3c: {  	p2 =	seq.s32 s10, $0x1;
	s10 =	sld [smem:$0x3FBA]  }
0x3d: {  	_ =	shalt  }
0x3e: {  	_ =	shalt  }
0x3f: {  	_ =	shalt  }
0x40: {  	_ =	shalt  }
0x41: {  	_ =	shalt  }
0x42: {  	_ =	shalt  }
0x43: {  	_ =	shalt  }
0x44: {  	_ =	shalt  }
0x45: {  	_ =	shalt  }
0x46: {  	_ =	shalt  }
0x47: {  	_ =	shalt  }
0x48: {  	_ =	shalt  }
0x49: {  	_ =	shalt  }
0x4a: {  	_ =	shalt  }
0x4b: {  	_ =	shalt  }
0x4c: {  	_ =	shalt  }
0x4d: {  	_ =	shalt  }
0x4e: {  	_ =	shalt  }
0x4f: {  	_ =	shalt  }
0x50: {  	_ =	shalt  }
0x51: {  	_ =	shalt  }
0x52: {  	_ =	shalt  }
0x53: {  	_ =	shalt  }
0x54: {  	_ =	shalt  }
0x55: {  	_ =	shalt  }
0x56: {  	_ =	shalt  }
0x57: {  	_ =	shalt  }
0x58: {  	_ =	shalt  }
0x59: {  	_ =	shalt  }
0x5a: {  	_ =	shalt  }
0x5b: {  	_ =	shalt  }
0x5c: {  	_ =	shalt  }
0x5d: {  	_ =	shalt  }
0x5e: {  	_ =	shalt  }
0x5f: {  	_ =	shalt  }
0x60: {  	_ =	shalt  }
0x61: {  	_ =	shalt  }
0x62: {  	_ =	shalt  }
0x63: {  	_ =	shalt  }
0x64: {  	_ =	shalt  }
0x65: {  	_ =	shalt  }
0x66: {  	_ =	shalt  }
0x67: {  	_ =	shalt  }
0x68: {  	_ =	shalt  }
0x69: {  	_ =	shalt  }
0x6a: {  	_ =	shalt  }
0x6b: {  	_ =	shalt  }
0x6c: {  	_ =	shalt  }
0x6d: {  	_ =	shalt  }
0x6e: {  	_ =	shalt  }
0x6f: {  	_ =	shalt  }
0x70: {  	_ =	shalt  }
0x71: {  	_ =	shalt  }
0x72: {  	_ =	shalt  }
0x73: {  	_ =	shalt  }
0x74: {  	_ =	shalt  }
0x75: {  	_ =	shalt  }
0x76: {  	_ =	shalt  }
0x77: {  	_ =	shalt  }
0x78: {  	_ =	shalt  }
0x79: {  	_ =	shalt  }
0x7a: {  	_ =	shalt  }
0x7b: {  	_ =	shalt  }
0x7c: {  	_ =	shalt  }
0x7d: {  	_ =	shalt  }
0x7e: {  	_ =	shalt  }
0x7f: {  	_ =	shalt  }
0x80: {  	_ =	shalt  }
0x81: {  	_ =	shalt  }
0x82: {  	_ =	shalt  }
0x83: {  	_ =	shalt  }
0x84: {  	_ =	shalt  }
0x85: {  	_ =	shalt  }
0x86: {  	_ =	shalt  }
0x87: {  	_ =	shalt  }
.Lfunc_end0:
.L_simem_size_0:
called_computation.1_lowered:
.L_overlay_start_0:
0x88: {  	s2 =	sld [smem:$0x3FD9]  }
0x89: {  	s3 =	sld [smem:$0x3FFE];
	_ =	sdelay $0x1  }
0x8a: {  	s1 =	srdreg.scid  }
0x8b: {  	s0 =	sand.u32 $0x1, s1  }
0x8c: {  	s17 =	sshll.u32 s0, $0xA;
	s2 =	sadd.s32 s3, s2  }
0x8d: {  	s2 =	sadd.s32 s2, s17  }
0x8e: {  	[smem:$0x3FC6] =	sst s2  }
0x8f: {  	_ = 	snop  }
0x90: {  	s2 =	sld [smem:$0x3FD0];
	(tm) =	ssettm $0x1  }
0x91: {  	s18 =	sld [smem:$0x3FFB];
	_ =	sdelay $0x3  }
0x92: {  	_ =	strace s18  }
0x93: {  	s3 =	sld [smem:$0x3FFC];
	_ =	sdelay $0x3  }
0x94: {  	_ =	strace s3  }
0x95: {  	s3 =	sld [smem:$0x3FFD];
	_ =	sdelay $0x3  }
0x96: {  	_ =	strace s3  }
0x97: {  	_ =	strace $0x8FFFFFFF  }
0x98: {  	s19 =	sld [smem:$0x3FDB];
	_ =	sdelay $0x1  }
0x99: {  	s4 =	simm.s32 $_scs_section_size  }
0x9a: {  	s5 =	simm.s32 $_size__tile_overlayer_lowered;
	s6 =	simm.s32 $_tile_overlayer_lowered  }
0x9b: {  	s22 =	simm.s32 $0x1BFF;
	s21 =	sshll.u32 s6, $0x1;
	s3 =	sadd.s32 s4, s19  }
0x9c: {  	s7 =	simm.s32 $0x0;
	s20 =	sshll.u32 s5, $0x1;
	s5 =	sadd.s32 s21, s3  }
0x9d: {  	[timem:s7], [sflag:s22] =	dma.local [hbm:s5], s20  }
0x9e: {  	_ =	swait.ge [sflag:s22], s20  }
0x9f: {  	s4 =	ssub.s32 $0x0, s20;
	[sflag:s22] =	ssyncset.done $0x0  }
0xa0: {  	[sflag:s22] =	ssyncadd.s32 s4;
	_ =	sdelay $0x1  }
0xa1: {  	s23 =	simm.s32 $0x1B8B  }
0xa2: {  	_ =	swait.ge [sflag:s23], $0x1  }
0xa3: {  	[sflag:s23] =	ssyncset.done $0x0  }
0xa4: {  	s25 =	simm.s32 $0x1B8E;
	s24 =	sld [smem:$0x3FFE];
	[sflag:s23] =	ssyncadd.s32 $0xFFFFFFFF  }
0xa5: {  	s26 =	simm.s32 $execute0_lowered;
	[smem:$0x3FD2] =	sst s25  }
0xa6: {  	s5 =	sshll.u32 s26, $0x1;
	_ =	strace $0x80000049;
	[dreg:$0x1] =	wrdreg $0xFFFFFFFF  }
0xa7: {  	s28 =	simm.s32 $_size_execute0_lowered;
	s3 =	sadd.s32 s3, s5;
	[dreg:$0x0] =	wrdreg $0x0  }
0xa8: {  	s5 =	sshll.u32 s28, $0x1;
	[dreg:$0x2] =	wrdreg s3  }
0xa9: {  	[dreg:$0x3] =	wrdreg s5  }
0xaa: {  	[dreg:$0x4] =	wrdreg $0xC0  }
0xab: {  	_ =	task [dreg:s7], $0x5FFFF  }
0xac: {  	[dreg:$0x1] =	wrdreg $0xFFFFFFFF  }
0xad: {  	[dreg:$0x0] =	wrdreg $0x60  }
0xae: {  	[dreg:$0x2] =	wrdreg s24  }
0xaf: {  	[dreg:$0x3] =	wrdreg s2  }
0xb0: {  	[dreg:$0x4] =	wrdreg $0xC6000  }
0xb1: {  	[dreg:$0x5] =	wrdreg $0x9  }
0xb2: {  	_ =	task.clear_ibuf [dreg:s7], $0x6FFFF;
	_ =	strace $0x90000049  }
0xb3: {  	s29 =	simm.s32 $0x9;
	_ =	strace $0x8000004B  }
0xb4: {  	_ =	swait.ge [sflag:s29], $0x1  }
0xb5: {  	[sflag:s29] =	ssyncadd.s32 $0xFFFFFFFF  }
0xb6: {  	_ =	strace $0x9000004B  }
0xb7: {  	_ =	sfence  }
0xb8: {  	s30 =	sld [smem:$0x0];
	_ =	sdelay $0x2  }
0xb9: {  	s31 =	sshll.u32 s1, $0xD;
	s1 =	sshrl.u32 s1, $0x2  }
0xba: {  	s3 =	sand.u32 $0x4000, s31;
	s1 =	sadd.s32 s1, s30  }
0xbb: {  	s0 =	sor.u32 s3, s0;
	s1 =	sshll.u32 s1, $0x11  }
0xbc: {  	s0 =	sor.u32 s1, s0  }
0xbd: {  	s0 =	sadd.s32 $0x8F2B, s0  }
0xbe: {  	[sflag:s0] =	ssyncadd.remote.s32 $0x1  }
0xbf: {  	_ =	sfence.sel $0xFFFF  }
0xc0: {  	[dreg:$0x0] =	wrdreg $0xFFFFFFFF;
	(pc) =	sbr.abs _section_cstart, $3  }
0xc1: {  	[dreg:$0x1] =	wrdreg $0xFFFFFFFF  }
0xc2: {  	_ =	task.clear_ibuf [dreg:s7], $0x2FFFF;
	_ =	strace $0x9FFFFFFF  }
0xc3: {  	(tm) =	ssettm $0x7FFFFFFF  }
tec
execute0_lowered:
.L_overlay_start_1:
0x0: {  	(tag) =	ssettag $0x1  }
0x1: {  	s0 =	rddreg [dreg:$0x0]  }
0x2: {  	s2 =	rddreg [dreg:$0x2];
	s3 =	simm.s32 $0x0;
	s14 =	stileid.u32  }
0x3: {  	s1 =	srdreg.scid;
	s15 =	simm.s32 $0x5;
	s16 =	simm.s32 $0x300  }
0x4: {  	s17 =	simm.s32 $0x80;
	s18 =	simm.s32 $0x600;
	s19 =	simm.s32 $0x2600  }
0x5: {  	s20 =	simm.s32 $0x100;
	s21 =	simm.s32 $0x400;
	s22 =	simm.s32 $0x4600  }
0x6: {  	s23 =	simm.s32 $0x180;
	s28 =	simm.s32 $0x8600;
	s30 =	simm.s32 $0xA600  }
0x7: {  	s31 =	simm.s32 $0x1;
	s29 =	simm.s32 $0x0;
	[smem:$0x7FF] =	sst s3  }
0x8: {  	s4 =	sadd.s32 $0x15E00, s0;
	s6 =	sadd.s32 $0x29800, s0;
	s5 =	smul.u32 $0x9C, s14  }
0x9: {  	s7 =	sadd.s32 $0xC000, s0;
	s1 =	sand.u32 $0x1, s1;
	s8 =	smin.u32 s14, $0x4  }
0xa: {  	s9 =	sadd.s32 $0x2200, s0;
	s11 =	sadd.s32 $0x51200, s0;
	s0 =	sadd.s32 $0x3D200, s0  }
0xb: {  	p1 =	seq.s32 s14, $0x0;
	p2 =	sne.s32 s14, $0x0;
	p5 =	sgt.u32 s14, $0x3  }
0xc: {  	_ =	strace $0x8000004A;
	s10 =	ssub.s32 $0x2, s1;
	[dreg:$0x4] =	wrdreg s11  }
0xd: {  	[dreg:$0x5] =	wrdreg s0;
	p0 =	seq.s32 s1, $0x1;
	s11 =	sor.u32 s14, s1  }
0xe: {  	p3 =	sne.s32 s1, $0x0;
	s1 =	simm.s32 $0x2;
	s5 =	sadd.s32 s8, s5  }
0xf: {  	s24 =	sshrl.u32 s10, $0x1;
	p1 =	por !p1, !p0;
	p4 =	sne.s32 s11, $0x0  }
0x10: {  	s5 =	sshll.u32 s5, $0x4;
	s25 =	ssub.s32 s10, s24;
	s10 =	smul.u32 $0x9C0, s14  }
0x11: {  	p1 =	por !p1, !p1;
	s24 =	simm.s32 $0x6600;
	s5 =	sadd.s32 $0x9C0, s5  }
0x12: {  	s0 =	smax.u32 s25, $0x1;
	s26 =	sadd.s32 s7, s5;
	s5 =	sadd.s32 s9, s5  }
0x13: {  	[dreg:$0x8] =	wrdreg s0;
	s25 =	sadd.s32 s10, s7;
	s0 =	sshrl.u32 @!p2 s2, $0x3  }
.Ltmp0:
0x14: {  	s7 =	simm.s32 $0x3;
	[dreg:$0x6] =	wrdreg s26;
	(pc) =	sbr.rel .LBB2_1-.Ltmp0, $4  }
0x15: {  	[dreg:$0x7] =	wrdreg s5;
	s26 =	sshll.u32 s8, $0x4;
	s5 =	sadd.s32 s10, s9  }
0x16: {  	[dreg:$0x9] =	wrdreg s0;
	s0 =	simm.s32 $0x380;
	s8 =	simm.s32 $0x580  }
0x17: {  	s9 =	simm.s32 $0x4;
	s12 =	sadd.s32 s26, s25;
	s13 =	sadd.s32 s26, s5  }
0x18: {  	s25 =	simm.s32 $0x200;
	s26 =	simm.s32 $0x500;
	s5 =	simm.s32 $0x480  }
.LBB2_8:
0x19: {  	s10 =	sadd.s32 s11, s12;
	[sflag:s9] =	ssyncadd.s32 $0xFFFFE000  }
0x1a: {  	[tilespmem:s3], [sflag:$0x5] =	stream.linear.gather [hbm4b:s10+s3], $0x100, $0x38;
	[tilespmem:$0x16600] =	vst v63  }
0x1b: {  	_ =	swait.ge [sflag:s15], $0x100  }
0x1c: {  	[sflag:s15] =	ssyncset.done $0x0  }
0x1d: {  	s11 =	sadd.s32 s11, s13;
	[sflag:s15] =	ssyncadd.s32 $0xFFFFFF00  }
0x1e: {  	[tilespmem:s16], [sflag:$0x5] =	stream.linear.gather [hbm4b:s11+s3], $0x100, $0x38;
	[tilespmem:$0x16600] =	vst v63  }
0x1f: {  	_ =	swait.ge [sflag:s15], $0x100  }
0x20: {  	[sflag:s15] =	ssyncset.done $0x0  }
0x21: {  	[sflag:s15] =	ssyncadd.s32 $0xFFFFFF00  }
0x22: {  	[tilespmem:s18], [sflag:$0x1] =	stream.indirect.gather [hbm4b:s6+s17], $0x40, s3, s17, $0xb8;
	[tilespmem:$0x16600] =	vst v63  }
0x23: {  	_ = 	snop  }
0x24: {  	[tilespmem:s19], [sflag:$0x1] =	stream.indirect.gather [hbm4b:s6+s17], $0x40, s17, s17, $0xb8;
	[tilespmem:$0x16600] =	vst v63  }
0x25: {  	s14 =	sadd.s32 $0x20, s10  }
0x26: {  	[tilespmem:s20], [sflag:$0x5] =	stream.linear.gather [hbm4b:s14+s3], $0x100, $0x38;
	[tilespmem:$0x16600] =	vst v63  }
0x27: {  	_ =	swait.ge [sflag:s15], $0x100  }
0x28: {  	[sflag:s15] =	ssyncset.done $0x0  }
0x29: {  	s14 =	sadd.s32 $0x20, s11;
	[sflag:s15] =	ssyncadd.s32 $0xFFFFFF00  }
0x2a: {  	[tilespmem:s21], [sflag:$0x5] =	stream.linear.gather [hbm4b:s14+s3], $0x100, $0x38;
	[tilespmem:$0x16600] =	vst v63  }
0x2b: {  	_ =	swait.ge [sflag:s15], $0x100  }
0x2c: {  	[sflag:s15] =	ssyncset.done $0x0  }
0x2d: {  	[sflag:s15] =	ssyncadd.s32 $0xFFFFFF00  }
0x2e: {  	[tilespmem:s22], [sflag:$0x2] =	stream.indirect.gather [hbm4b:s6+s17], $0x40, s20, s17, $0xb8;
	[tilespmem:$0x16600] =	vst v63  }
0x2f: {  	_ = 	snop  }
0x30: {  	[tilespmem:s24], [sflag:$0x2] =	stream.indirect.gather [hbm4b:s6+s17], $0x40, s29, s17, $0xb8;
	[tilespmem:$0x16600] =	vst v63  }
0x31: {  	s10 =	sadd.s32 $0x40, s10  }
0x32: {  	[tilespmem:s25], [sflag:$0x5] =	stream.linear.gather [hbm4b:s10+s3], $0x100, $0x38;
	[tilespmem:$0x16600] =	vst v63  }
0x33: {  	_ =	swait.ge [sflag:s15], $0x100  }
0x34: {  	[sflag:s15] =	ssyncset.done $0x0  }
0x35: {  	s14 =	sadd.s32 $0x40, s11;
	[sflag:s15] =	ssyncadd.s32 $0xFFFFFF00  }
0x36: {  	[tilespmem:s26], [sflag:$0x5] =	stream.linear.gather [hbm4b:s14+s3], $0x100, $0x38;
	[tilespmem:$0x16600] =	vst v63  }
0x37: {  	_ =	swait.ge [sflag:s15], $0x100  }
0x38: {  	[sflag:s15] =	ssyncset.done $0x0  }
0x39: {  	[sflag:s15] =	ssyncadd.s32 $0xFFFFFF00  }
0x3a: {  	[tilespmem:s28], [sflag:$0x3] =	stream.indirect.gather [hbm4b:s6+s17], $0x40, s25, s17, $0xb8;
	[tilespmem:$0x16600] =	vst v63  }
0x3b: {  	_ = 	snop  }
0x3c: {  	[tilespmem:s30], [sflag:$0x3] =	stream.indirect.gather [hbm4b:s6+s17], $0x40, s23, s17, $0xb8;
	[tilespmem:$0x16600] =	vst v63  }
0x3d: {  	_ =	swait.ge [sflag:s31], $0x2000  }
0x3e: {  	[sflag:s31] =	ssyncset.done $0x0  }
0x3f: {  	[sflag:s31] =	ssyncadd.s32 $0xFFFFE000  }
0x40: {  	_ =	swait.ge [sflag:s31], $0x2000  }
0x41: {  	[sflag:s31] =	ssyncset.done $0x0  }
0x42: {  	[sflag:s31] =	ssyncadd.s32 $0xFFFFE000  }
0x43: {  	[spmem:s2] =	stream.indirect.scatter.add.f32 [tilespmem:s18], [sflag:$0x4], $0x40, s16, s17, $0xb8;
	[tilespmem:$0x16600] =	vst v63  }
0x44: {  	_ = 	snop  }
0x45: {  	[spmem:s2] =	stream.indirect.scatter.add.f32 [tilespmem:s19], [sflag:$0x4], $0x40, s0, s17, $0xb8;
	[tilespmem:$0x16600] =	vst v63  }
0x46: {  	_ =	swait.ge [sflag:s1], $0x2000  }
0x47: {  	[sflag:s1] =	ssyncset.done $0x0  }
0x48: {  	[sflag:s1] =	ssyncadd.s32 $0xFFFFE000  }
0x49: {  	_ =	swait.ge [sflag:s1], $0x2000  }
0x4a: {  	[sflag:s1] =	ssyncset.done $0x0  }
0x4b: {  	[sflag:s1] =	ssyncadd.s32 $0xFFFFE000  }
0x4c: {  	[spmem:s2] =	stream.indirect.scatter.add.f32 [tilespmem:s22], [sflag:$0x4], $0x40, s21, s17, $0xb8;
	[tilespmem:$0x16600] =	vst v63  }
0x4d: {  	_ = 	snop  }
0x4e: {  	[spmem:s2] =	stream.indirect.scatter.add.f32 [tilespmem:s24], [sflag:$0x4], $0x40, s5, s17, $0xb8;
	[tilespmem:$0x16600] =	vst v63  }
0x4f: {  	_ =	swait.ge [sflag:s7], $0x2000  }
0x50: {  	[sflag:s7] =	ssyncset.done $0x0  }
0x51: {  	[sflag:s7] =	ssyncadd.s32 $0xFFFFE000  }
0x52: {  	_ =	swait.ge [sflag:s7], $0x2000  }
0x53: {  	[sflag:s7] =	ssyncset.done $0x0  }
0x54: {  	[sflag:s7] =	ssyncadd.s32 $0xFFFFE000  }
0x55: {  	[spmem:s2] =	stream.indirect.scatter.add.f32 [tilespmem:s28], [sflag:$0x4], $0x40, s26, s17, $0xb8;
	[tilespmem:$0x16600] =	vst v63  }
0x56: {  	_ = 	snop  }
0x57: {  	[spmem:s2] =	stream.indirect.scatter.add.f32 [tilespmem:s30], [sflag:$0x4], $0x40, s8, s17, $0xb8;
	[tilespmem:$0x16600] =	vst v63  }
0x58: {  	_ =	swait.ge [sflag:s9], $0x2000  }
0x59: {  	[sflag:s9] =	ssyncset.done $0x0  }
0x5a: {  	[sflag:s9] =	ssyncadd.s32 $0xFFFFE000  }
0x5b: {  	_ =	swait.ge [sflag:s9], $0x2000  }
0x5c: {  	[sflag:s9] =	ssyncset.done $0x0  }
0x5d: {  	[sflag:s9] =	ssyncadd.s32 $0xFFFFE000  }
0x5e: {  	_ =	swait.ge [sflag:s9], $0x2000  }
0x5f: {  	[sflag:s9] =	ssyncset.done $0x0  }
0x60: {  	[sflag:s9] =	ssyncadd.s32 $0xFFFFE000  }
0x61: {  	_ =	swait.ge [sflag:s9], $0x2000  }
0x62: {  	[sflag:s9] =	ssyncset.done $0x0  }
0x63: {  	[sflag:s9] =	ssyncadd.s32 $0xFFFFE000  }
0x64: {  	_ =	swait.ge [sflag:s9], $0x2000  }
0x65: {  	[sflag:s9] =	ssyncset.done $0x0  }
0x66: {  	[sflag:s9] =	ssyncadd.s32 $0xFFFFE000  }
0x67: {  	_ =	swait.ge [sflag:s9], $0x2000  }
0x68: {  	[sflag:s9] =	ssyncset.done $0x0  }
0x69: {  	s10 =	simm.s32 @!p5 $0x0;
	s11 =	rddreg [dreg:$0x6];
	[sflag:s9] =	ssyncadd.s32 $0xFFFFE000  }
0x6a: {  	[tilespmem:s10], [sflag:$0x5] =	stream.linear.gather @!p5 [hbm4b:s11+s10], $0x80, $0x38;
	[tilespmem:$0x16600] =	vst v63  }
0x6b: {  	s11 =	simm.s32 @!p5 $0x5  }
0x6c: {  	_ =	swait.ge @!p5 [sflag:s11], $0x80  }
0x6d: {  	[sflag:s11] =	ssyncset.done @!p5 $0x0  }
0x6e: {  	s14 =	simm.s32 @!p5 $0x300;
	s23 =	rddreg [dreg:$0x7];
	[sflag:s11] =	ssyncadd.s32 @!p5 $0xFFFFFF80  }
0x6f: {  	[tilespmem:s14], [sflag:$0x5] =	stream.linear.gather @!p5 [hbm4b:s23+s10], $0x80, $0x38;
	[tilespmem:$0x16600] =	vst v63  }
0x70: {  	_ =	swait.ge @!p5 [sflag:s11], $0x80  }
0x71: {  	[sflag:s11] =	ssyncset.done @!p5 $0x0  }
0x72: {  	s29 =	simm.s32 @!p5 $0x600;
	s23 =	simm.s32 @!p5 $0x80;
	[sflag:s11] =	ssyncadd.s32 @!p5 $0xFFFFFF80  }
0x73: {  	[tilespmem:s29], [sflag:$0x1] =	stream.indirect.gather @!p5 [hbm4b:s6+s23], $0x40, s10, s23, $0xb8;
	[tilespmem:$0x16600] =	vst v63  }
0x74: {  	s10 =	simm.s32 @!p5 $0x1  }
0x75: {  	_ =	swait.ge @!p5 [sflag:s10], $0x2000  }
0x76: {  	[sflag:s10] =	ssyncset.done @!p5 $0x0  }
0x77: {  	[sflag:s10] =	ssyncadd.s32 @!p5 $0xFFFFE000  }
0x78: {  	[spmem:s2] =	stream.indirect.scatter.add.f32 @!p5 [tilespmem:s29], [sflag:$0x5], $0x40, s14, s23, $0xb8;
	[tilespmem:$0x16600] =	vst v63  }
0x79: {  	_ =	swait.ge @!p5 [sflag:s11], $0x2000  }
0x7a: {  	[sflag:s11] =	ssyncset.done @!p5 $0x0  }
0x7b: {  	s23 =	simm.s32 $0x180;
	s29 =	rddreg [dreg:$0xa];
	[sflag:s11] =	ssyncadd.s32 @!p5 $0xFFFFE000  }
.LBB2_9:
0x7c: {  	s10 =	stileid.u32  }
0x7d: {  	[bflag:$0x0] =	sbarrier.arrive $0xFFFF;
	s10 =	sshll.u32 @!p4 s10, $0x6  }
0x7e: {  	s11 =	sshrl.u32 @!p4 s2, $0x3;
	s14 =	rddreg [dreg:$0x4];
	s10 =	sor.u32 @!p4 $0x1C05, s10  }
0x7f: {  	[hbm:s14], [sflag:s10] =	dma.local @!p4 [spmem:s11], $0x14000  }
0x80: {  	s10 =	simm.s32 @!p4 $0x5  }
0x81: {  	_ =	swait.ge @!p4 [sflag:s10], $0x14000  }
0x82: {  	s11 =	simm.s32 @p1 $0x1C05;
	[sflag:s10] =	ssyncset.done @!p4 $0x0  }
0x83: {  	s14 =	rddreg [dreg:$0x5];
	[sflag:s10] =	ssyncadd.s32 @!p4 $0xFFFEC000;
	s10 =	sshrl.u32 @p1 s2, $0x3  }
0x84: {  	[hbm:s14], [sflag:s11] =	dma.local @p1 [spmem:s10], $0x14000  }
0x85: {  	s10 =	simm.s32 @p1 $0x5  }
0x86: {  	_ =	swait.ge @p1 [sflag:s10], $0x14000  }
0x87: {  	s29 =	sadd.s32 $0x1, s29;
	s14 =	rddreg [dreg:$0x8]  }
0x88: {  	p6 =	sne.s32 s29, s14  }
.Ltmp1:
0x89: {  	_ = 	snop;
	(pc) =	sbr.rel @!p6 .LBB2_10-.Ltmp1, $3  }
0x8a: {  	_ =	sdelay $0x1  }
0x8b: {  	[sflag:s10] =	ssyncset.done @p1 $0x0  }
0x8c: {  	[sflag:s10] =	ssyncadd.s32 @p1 $0xFFFEC000  }
.LBB2_1:
0x8d: {  	[dreg:$0xa] =	wrdreg s29  }
0x8e: {  	s11 =	rddreg [dreg:$0x1]  }
0x8f: {  	s10 =	simm.s32 @!p2 $0x1C05;
	s14 =	rddreg [dreg:$0x9]  }
0x90: {  	[spmem:s14], [sflag:s10] =	dma.local @!p2 [hbm:s11], $0x14000  }
0x91: {  	s10 =	simm.s32 @!p2 $0x5  }
.Ltmp2:
0x92: {  	_ =	swait.ge @!p2 [sflag:s10], $0x14000;
	(pc) =	sbr.rel @p3 .LBB2_5-.Ltmp2, $3  }
0x93: {  	[sflag:s10] =	ssyncset.done @!p2 $0x0  }
0x94: {  	[sflag:s10] =	ssyncadd.s32 @!p2 $0xFFFEC000  }
0x95: {  	[bflag:$0x0] =	sbarrier.arrive $0xFFFF;
	_ =	sdelay $0x1  }
0x96: {  	s10 =	sadd.s32 $0x0, s12  }
0x97: {  	[tilespmem:s3], [sflag:$0x5] =	stream.linear.gather [hbm4b:s10+s3], $0x100, $0x38;
	[tilespmem:$0x16600] =	vst v63  }
0x98: {  	_ =	swait.ge [sflag:s15], $0x100  }
0x99: {  	[sflag:s15] =	ssyncset.done $0x0  }
0x9a: {  	s11 =	sadd.s32 $0x0, s13;
	[sflag:s15] =	ssyncadd.s32 $0xFFFFFF00  }
0x9b: {  	[tilespmem:s16], [sflag:$0x5] =	stream.linear.gather [hbm4b:s11+s3], $0x100, $0x38;
	[tilespmem:$0x16600] =	vst v63  }
0x9c: {  	_ =	swait.ge [sflag:s15], $0x100  }
0x9d: {  	[sflag:s15] =	ssyncset.done $0x0  }
0x9e: {  	[sflag:s15] =	ssyncadd.s32 $0xFFFFFF00  }
0x9f: {  	[tilespmem:s18], [sflag:$0x1] =	stream.indirect.gather [hbm4b:s4+s17], $0x40, s3, s17, $0xb8;
	[tilespmem:$0x16600] =	vst v63  }
0xa0: {  	_ = 	snop  }
0xa1: {  	[tilespmem:s19], [sflag:$0x1] =	stream.indirect.gather [hbm4b:s4+s17], $0x40, s17, s17, $0xb8;
	[tilespmem:$0x16600] =	vst v63  }
0xa2: {  	s14 =	sadd.s32 $0x20, s10  }
0xa3: {  	[tilespmem:s20], [sflag:$0x5] =	stream.linear.gather [hbm4b:s14+s3], $0x100, $0x38;
	[tilespmem:$0x16600] =	vst v63  }
0xa4: {  	_ =	swait.ge [sflag:s15], $0x100  }
0xa5: {  	[sflag:s15] =	ssyncset.done $0x0  }
0xa6: {  	s29 =	sadd.s32 $0x20, s11;
	[sflag:s15] =	ssyncadd.s32 $0xFFFFFF00  }
0xa7: {  	[tilespmem:s21], [sflag:$0x5] =	stream.linear.gather [hbm4b:s29+s3], $0x100, $0x38;
	[tilespmem:$0x16600] =	vst v63  }
0xa8: {  	_ =	swait.ge [sflag:s15], $0x100  }
0xa9: {  	[sflag:s15] =	ssyncset.done $0x0  }
0xaa: {  	[sflag:s15] =	ssyncadd.s32 $0xFFFFFF00  }
0xab: {  	[tilespmem:s22], [sflag:$0x2] =	stream.indirect.gather [hbm4b:s4+s17], $0x40, s20, s17, $0xb8;
	[tilespmem:$0x16600] =	vst v63  }
0xac: {  	_ = 	snop  }
0xad: {  	[tilespmem:s24], [sflag:$0x2] =	stream.indirect.gather [hbm4b:s4+s17], $0x40, s23, s17, $0xb8;
	[tilespmem:$0x16600] =	vst v63  }
0xae: {  	s10 =	sadd.s32 $0x40, s10  }
0xaf: {  	[tilespmem:s25], [sflag:$0x5] =	stream.linear.gather [hbm4b:s10+s3], $0x100, $0x38;
	[tilespmem:$0x16600] =	vst v63  }
0xb0: {  	_ =	swait.ge [sflag:s15], $0x100  }
0xb1: {  	[sflag:s15] =	ssyncset.done $0x0  }
0xb2: {  	s23 =	sadd.s32 $0x40, s11;
	[sflag:s15] =	ssyncadd.s32 $0xFFFFFF00  }
0xb3: {  	[tilespmem:s26], [sflag:$0x5] =	stream.linear.gather [hbm4b:s23+s3], $0x100, $0x38;
	[tilespmem:$0x16600] =	vst v63  }
0xb4: {  	_ =	swait.ge [sflag:s15], $0x100  }
0xb5: {  	[sflag:s15] =	ssyncset.done $0x0  }
0xb6: {  	[sflag:s15] =	ssyncadd.s32 $0xFFFFFF00  }
0xb7: {  	[tilespmem:s28], [sflag:$0x3] =	stream.indirect.gather [hbm4b:s4+s17], $0x40, s25, s17, $0xb8;
	[tilespmem:$0x16600] =	vst v63  }
0xb8: {  	s29 =	simm.s32 $0x280  }
0xb9: {  	[tilespmem:s30], [sflag:$0x3] =	stream.indirect.gather [hbm4b:s4+s17], $0x40, s29, s17, $0xb8;
	[tilespmem:$0x16600] =	vst v63  }
0xba: {  	_ =	swait.ge [sflag:s31], $0x2000  }
0xbb: {  	[sflag:s31] =	ssyncset.done $0x0  }
0xbc: {  	[sflag:s31] =	ssyncadd.s32 $0xFFFFE000  }
0xbd: {  	_ =	swait.ge [sflag:s31], $0x2000  }
0xbe: {  	[sflag:s31] =	ssyncset.done $0x0  }
0xbf: {  	[sflag:s31] =	ssyncadd.s32 $0xFFFFE000  }
0xc0: {  	[spmem:s2] =	stream.indirect.scatter.add.f32 [tilespmem:s18], [sflag:$0x4], $0x40, s16, s17, $0xb8;
	[tilespmem:$0x16600] =	vst v63  }
0xc1: {  	_ = 	snop  }
0xc2: {  	[spmem:s2] =	stream.indirect.scatter.add.f32 [tilespmem:s19], [sflag:$0x4], $0x40, s0, s17, $0xb8;
	[tilespmem:$0x16600] =	vst v63  }
0xc3: {  	_ =	swait.ge [sflag:s1], $0x2000  }
0xc4: {  	[sflag:s1] =	ssyncset.done $0x0  }
0xc5: {  	[sflag:s1] =	ssyncadd.s32 $0xFFFFE000  }
0xc6: {  	_ =	swait.ge [sflag:s1], $0x2000  }
0xc7: {  	[sflag:s1] =	ssyncset.done $0x0  }
0xc8: {  	[sflag:s1] =	ssyncadd.s32 $0xFFFFE000  }
0xc9: {  	[spmem:s2] =	stream.indirect.scatter.add.f32 [tilespmem:s22], [sflag:$0x4], $0x40, s21, s17, $0xb8;
	[tilespmem:$0x16600] =	vst v63  }
0xca: {  	_ = 	snop  }
0xcb: {  	[spmem:s2] =	stream.indirect.scatter.add.f32 [tilespmem:s24], [sflag:$0x4], $0x40, s5, s17, $0xb8;
	[tilespmem:$0x16600] =	vst v63  }
0xcc: {  	_ =	swait.ge [sflag:s7], $0x2000  }
0xcd: {  	[sflag:s7] =	ssyncset.done $0x0  }
0xce: {  	[sflag:s7] =	ssyncadd.s32 $0xFFFFE000  }
0xcf: {  	_ =	swait.ge [sflag:s7], $0x2000  }
0xd0: {  	[sflag:s7] =	ssyncset.done $0x0  }
0xd1: {  	[sflag:s7] =	ssyncadd.s32 $0xFFFFE000  }
0xd2: {  	[spmem:s2] =	stream.indirect.scatter.add.f32 [tilespmem:s28], [sflag:$0x4], $0x40, s26, s17, $0xb8;
	[tilespmem:$0x16600] =	vst v63  }
0xd3: {  	_ = 	snop  }
0xd4: {  	[spmem:s2] =	stream.indirect.scatter.add.f32 [tilespmem:s30], [sflag:$0x4], $0x40, s8, s17, $0xb8;
	[tilespmem:$0x16600] =	vst v63  }
0xd5: {  	_ =	swait.ge [sflag:s9], $0x2000  }
0xd6: {  	[sflag:s9] =	ssyncset.done $0x0  }
0xd7: {  	[sflag:s9] =	ssyncadd.s32 $0xFFFFE000  }
0xd8: {  	_ =	swait.ge [sflag:s9], $0x2000  }
0xd9: {  	[sflag:s9] =	ssyncset.done $0x0  }
0xda: {  	[sflag:s9] =	ssyncadd.s32 $0xFFFFE000  }
0xdb: {  	_ =	swait.ge [sflag:s9], $0x2000  }
0xdc: {  	[sflag:s9] =	ssyncset.done $0x0  }
0xdd: {  	[sflag:s9] =	ssyncadd.s32 $0xFFFFE000  }
0xde: {  	_ =	swait.ge [sflag:s9], $0x2000  }
0xdf: {  	[sflag:s9] =	ssyncset.done $0x0  }
0xe0: {  	[sflag:s9] =	ssyncadd.s32 $0xFFFFE000  }
0xe1: {  	_ =	swait.ge [sflag:s9], $0x2000  }
0xe2: {  	[sflag:s9] =	ssyncset.done $0x0  }
0xe3: {  	[sflag:s9] =	ssyncadd.s32 $0xFFFFE000  }
0xe4: {  	_ =	swait.ge [sflag:s9], $0x2000  }
0xe5: {  	s14 =	simm.s32 $0xC0;
	s11 =	simm.s32 $0x60;
	[sflag:s9] =	ssyncset.done $0x0  }
.LBB2_3:
0xe6: {  	s23 =	sadd.s32 s11, s12  }
0xe7: {  	[sflag:s9] =	ssyncadd.s32 $0xFFFFE000;
	s29 =	smov.u32 s14;
	s10 =	sadd.s32 $0x60, s14  }
0xe8: {  	[tilespmem:s3], [sflag:$0x5] =	stream.linear.gather [hbm4b:s23+s3], $0x100, $0x38;
	[tilespmem:$0x16600] =	vst v63  }
0xe9: {  	p6 =	sne.s32 s14, $0x960;
	_ =	swait.ge [sflag:s15], $0x100  }
0xea: {  	[sflag:s15] =	ssyncset.done $0x0  }
0xeb: {  	s14 =	sadd.s32 s11, s13;
	s11 =	smov.u32 s29;
	[sflag:s15] =	ssyncadd.s32 $0xFFFFFF00  }
0xec: {  	[tilespmem:s16], [sflag:$0x5] =	stream.linear.gather [hbm4b:s14+s3], $0x100, $0x38;
	[tilespmem:$0x16600] =	vst v63  }
0xed: {  	_ =	swait.ge [sflag:s15], $0x100  }
0xee: {  	[sflag:s15] =	ssyncset.done $0x0  }
0xef: {  	[sflag:s15] =	ssyncadd.s32 $0xFFFFFF00  }
0xf0: {  	[tilespmem:s18], [sflag:$0x1] =	stream.indirect.gather [hbm4b:s4+s17], $0x40, s3, s17, $0xb8;
	[tilespmem:$0x16600] =	vst v63  }
0xf1: {  	_ = 	snop  }
0xf2: {  	[tilespmem:s19], [sflag:$0x1] =	stream.indirect.gather [hbm4b:s4+s17], $0x40, s17, s17, $0xb8;
	[tilespmem:$0x16600] =	vst v63  }
0xf3: {  	s29 =	sadd.s32 $0x20, s23  }
0xf4: {  	[tilespmem:s20], [sflag:$0x5] =	stream.linear.gather [hbm4b:s29+s3], $0x100, $0x38;
	[tilespmem:$0x16600] =	vst v63  }
0xf5: {  	_ =	swait.ge [sflag:s15], $0x100  }
0xf6: {  	[sflag:s15] =	ssyncset.done $0x0  }
0xf7: {  	s29 =	sadd.s32 $0x20, s14;
	[sflag:s15] =	ssyncadd.s32 $0xFFFFFF00  }
0xf8: {  	[tilespmem:s21], [sflag:$0x5] =	stream.linear.gather [hbm4b:s29+s3], $0x100, $0x38;
	[tilespmem:$0x16600] =	vst v63  }
0xf9: {  	s29 =	simm.s32 $0x180  }
0xfa: {  	_ =	swait.ge [sflag:s15], $0x100  }
0xfb: {  	[sflag:s15] =	ssyncset.done $0x0  }
0xfc: {  	[sflag:s15] =	ssyncadd.s32 $0xFFFFFF00  }
0xfd: {  	[tilespmem:s22], [sflag:$0x2] =	stream.indirect.gather [hbm4b:s4+s17], $0x40, s20, s17, $0xb8;
	[tilespmem:$0x16600] =	vst v63  }
0xfe: {  	_ = 	snop  }
0xff: {  	[tilespmem:s24], [sflag:$0x2] =	stream.indirect.gather [hbm4b:s4+s17], $0x40, s29, s17, $0xb8;
	[tilespmem:$0x16600] =	vst v63  }
0x100: {  	s23 =	sadd.s32 $0x40, s23  }
0x101: {  	[tilespmem:s25], [sflag:$0x5] =	stream.linear.gather [hbm4b:s23+s3], $0x100, $0x38;
	[tilespmem:$0x16600] =	vst v63  }
0x102: {  	s23 =	simm.s32 $0x280  }
0x103: {  	_ =	swait.ge [sflag:s15], $0x100  }
0x104: {  	[sflag:s15] =	ssyncset.done $0x0  }
0x105: {  	s14 =	sadd.s32 $0x40, s14;
	[sflag:s15] =	ssyncadd.s32 $0xFFFFFF00  }
0x106: {  	[tilespmem:s26], [sflag:$0x5] =	stream.linear.gather [hbm4b:s14+s3], $0x100, $0x38;
	[tilespmem:$0x16600] =	vst v63  }
0x107: {  	_ =	swait.ge [sflag:s15], $0x100  }
0x108: {  	[sflag:s15] =	ssyncset.done $0x0  }
0x109: {  	[sflag:s15] =	ssyncadd.s32 $0xFFFFFF00  }
0x10a: {  	[tilespmem:s28], [sflag:$0x3] =	stream.indirect.gather [hbm4b:s4+s17], $0x40, s25, s17, $0xb8;
	[tilespmem:$0x16600] =	vst v63  }
0x10b: {  	_ = 	snop  }
0x10c: {  	[tilespmem:s30], [sflag:$0x3] =	stream.indirect.gather [hbm4b:s4+s17], $0x40, s23, s17, $0xb8;
	[tilespmem:$0x16600] =	vst v63  }
0x10d: {  	_ =	swait.ge [sflag:s31], $0x2000  }
0x10e: {  	[sflag:s31] =	ssyncset.done $0x0  }
0x10f: {  	[sflag:s31] =	ssyncadd.s32 $0xFFFFE000  }
0x110: {  	_ =	swait.ge [sflag:s31], $0x2000  }
0x111: {  	[sflag:s31] =	ssyncset.done $0x0  }
0x112: {  	[sflag:s31] =	ssyncadd.s32 $0xFFFFE000  }
0x113: {  	[spmem:s2] =	stream.indirect.scatter.add.f32 [tilespmem:s18], [sflag:$0x4], $0x40, s16, s17, $0xb8;
	[tilespmem:$0x16600] =	vst v63  }
0x114: {  	_ = 	snop  }
0x115: {  	[spmem:s2] =	stream.indirect.scatter.add.f32 [tilespmem:s19], [sflag:$0x4], $0x40, s0, s17, $0xb8;
	[tilespmem:$0x16600] =	vst v63  }
0x116: {  	_ =	swait.ge [sflag:s1], $0x2000  }
0x117: {  	[sflag:s1] =	ssyncset.done $0x0  }
0x118: {  	[sflag:s1] =	ssyncadd.s32 $0xFFFFE000  }
0x119: {  	_ =	swait.ge [sflag:s1], $0x2000  }
0x11a: {  	[sflag:s1] =	ssyncset.done $0x0  }
0x11b: {  	[sflag:s1] =	ssyncadd.s32 $0xFFFFE000  }
0x11c: {  	[spmem:s2] =	stream.indirect.scatter.add.f32 [tilespmem:s22], [sflag:$0x4], $0x40, s21, s17, $0xb8;
	[tilespmem:$0x16600] =	vst v63  }
0x11d: {  	_ = 	snop  }
0x11e: {  	[spmem:s2] =	stream.indirect.scatter.add.f32 [tilespmem:s24], [sflag:$0x4], $0x40, s5, s17, $0xb8;
	[tilespmem:$0x16600] =	vst v63  }
0x11f: {  	_ =	swait.ge [sflag:s7], $0x2000  }
0x120: {  	[sflag:s7] =	ssyncset.done $0x0  }
0x121: {  	[sflag:s7] =	ssyncadd.s32 $0xFFFFE000  }
0x122: {  	_ =	swait.ge [sflag:s7], $0x2000  }
0x123: {  	[sflag:s7] =	ssyncset.done $0x0  }
0x124: {  	[sflag:s7] =	ssyncadd.s32 $0xFFFFE000  }
0x125: {  	[spmem:s2] =	stream.indirect.scatter.add.f32 [tilespmem:s28], [sflag:$0x4], $0x40, s26, s17, $0xb8;
	[tilespmem:$0x16600] =	vst v63  }
0x126: {  	_ = 	snop  }
0x127: {  	[spmem:s2] =	stream.indirect.scatter.add.f32 [tilespmem:s30], [sflag:$0x4], $0x40, s8, s17, $0xb8;
	[tilespmem:$0x16600] =	vst v63  }
0x128: {  	_ =	swait.ge [sflag:s9], $0x2000  }
0x129: {  	[sflag:s9] =	ssyncset.done $0x0  }
0x12a: {  	[sflag:s9] =	ssyncadd.s32 $0xFFFFE000  }
0x12b: {  	_ =	swait.ge [sflag:s9], $0x2000  }
0x12c: {  	[sflag:s9] =	ssyncset.done $0x0  }
0x12d: {  	[sflag:s9] =	ssyncadd.s32 $0xFFFFE000  }
0x12e: {  	_ =	swait.ge [sflag:s9], $0x2000  }
0x12f: {  	[sflag:s9] =	ssyncset.done $0x0  }
0x130: {  	[sflag:s9] =	ssyncadd.s32 $0xFFFFE000  }
0x131: {  	_ =	swait.ge [sflag:s9], $0x2000  }
0x132: {  	[sflag:s9] =	ssyncset.done $0x0  }
0x133: {  	[sflag:s9] =	ssyncadd.s32 $0xFFFFE000  }
.Ltmp3:
0x134: {  	_ =	swait.ge [sflag:s9], $0x2000;
	(pc) =	sbr.rel @p6 .LBB2_3-.Ltmp3, $4  }
0x135: {  	[sflag:s9] =	ssyncset.done $0x0  }
0x136: {  	[sflag:s9] =	ssyncadd.s32 $0xFFFFE000  }
0x137: {  	_ =	swait.ge [sflag:s9], $0x2000  }
0x138: {  	s14 =	smov.u32 s10;
	[sflag:s9] =	ssyncset.done $0x0  }
0x139: {  	s10 =	sadd.s32 s11, s12;
	[sflag:s9] =	ssyncadd.s32 $0xFFFFE000  }
0x13a: {  	[tilespmem:s3], [sflag:$0x5] =	stream.linear.gather [hbm4b:s10+s3], $0x100, $0x38;
	[tilespmem:$0x16600] =	vst v63  }
0x13b: {  	_ =	swait.ge [sflag:s15], $0x100  }
0x13c: {  	[sflag:s15] =	ssyncset.done $0x0  }
0x13d: {  	s11 =	sadd.s32 s11, s13;
	[sflag:s15] =	ssyncadd.s32 $0xFFFFFF00  }
0x13e: {  	[tilespmem:s16], [sflag:$0x5] =	stream.linear.gather [hbm4b:s11+s3], $0x100, $0x38;
	[tilespmem:$0x16600] =	vst v63  }
0x13f: {  	_ =	swait.ge [sflag:s15], $0x100  }
0x140: {  	[sflag:s15] =	ssyncset.done $0x0  }
0x141: {  	[sflag:s15] =	ssyncadd.s32 $0xFFFFFF00  }
0x142: {  	[tilespmem:s18], [sflag:$0x1] =	stream.indirect.gather [hbm4b:s4+s17], $0x40, s3, s17, $0xb8;
	[tilespmem:$0x16600] =	vst v63  }
0x143: {  	_ = 	snop  }
0x144: {  	[tilespmem:s19], [sflag:$0x1] =	stream.indirect.gather [hbm4b:s4+s17], $0x40, s17, s17, $0xb8;
	[tilespmem:$0x16600] =	vst v63  }
0x145: {  	s14 =	sadd.s32 $0x20, s10  }
0x146: {  	[tilespmem:s20], [sflag:$0x5] =	stream.linear.gather [hbm4b:s14+s3], $0x100, $0x38;
	[tilespmem:$0x16600] =	vst v63  }
0x147: {  	_ =	swait.ge [sflag:s15], $0x100  }
0x148: {  	[sflag:s15] =	ssyncset.done $0x0  }
0x149: {  	s14 =	sadd.s32 $0x20, s11;
	[sflag:s15] =	ssyncadd.s32 $0xFFFFFF00  }
0x14a: {  	[tilespmem:s21], [sflag:$0x5] =	stream.linear.gather [hbm4b:s14+s3], $0x100, $0x38;
	[tilespmem:$0x16600] =	vst v63  }
0x14b: {  	_ =	swait.ge [sflag:s15], $0x100  }
0x14c: {  	[sflag:s15] =	ssyncset.done $0x0  }
0x14d: {  	[sflag:s15] =	ssyncadd.s32 $0xFFFFFF00  }
0x14e: {  	[tilespmem:s22], [sflag:$0x2] =	stream.indirect.gather [hbm4b:s4+s17], $0x40, s20, s17, $0xb8;
	[tilespmem:$0x16600] =	vst v63  }
0x14f: {  	_ = 	snop  }
0x150: {  	[tilespmem:s24], [sflag:$0x2] =	stream.indirect.gather [hbm4b:s4+s17], $0x40, s29, s17, $0xb8;
	[tilespmem:$0x16600] =	vst v63  }
0x151: {  	s10 =	sadd.s32 $0x40, s10  }
0x152: {  	[tilespmem:s25], [sflag:$0x5] =	stream.linear.gather [hbm4b:s10+s3], $0x100, $0x38;
	[tilespmem:$0x16600] =	vst v63  }
0x153: {  	_ =	swait.ge [sflag:s15], $0x100  }
0x154: {  	[sflag:s15] =	ssyncset.done $0x0  }
0x155: {  	s29 =	sadd.s32 $0x40, s11;
	[sflag:s15] =	ssyncadd.s32 $0xFFFFFF00  }
0x156: {  	[tilespmem:s26], [sflag:$0x5] =	stream.linear.gather [hbm4b:s29+s3], $0x100, $0x38;
	[tilespmem:$0x16600] =	vst v63  }
0x157: {  	_ =	swait.ge [sflag:s15], $0x100  }
0x158: {  	[sflag:s15] =	ssyncset.done $0x0  }
0x159: {  	[sflag:s15] =	ssyncadd.s32 $0xFFFFFF00  }
0x15a: {  	[tilespmem:s28], [sflag:$0x3] =	stream.indirect.gather [hbm4b:s4+s17], $0x40, s25, s17, $0xb8;
	[tilespmem:$0x16600] =	vst v63  }
0x15b: {  	_ = 	snop  }
0x15c: {  	[tilespmem:s30], [sflag:$0x3] =	stream.indirect.gather [hbm4b:s4+s17], $0x40, s23, s17, $0xb8;
	[tilespmem:$0x16600] =	vst v63  }
0x15d: {  	_ =	swait.ge [sflag:s31], $0x2000  }
0x15e: {  	[sflag:s31] =	ssyncset.done $0x0  }
0x15f: {  	[sflag:s31] =	ssyncadd.s32 $0xFFFFE000  }
0x160: {  	_ =	swait.ge [sflag:s31], $0x2000  }
0x161: {  	[sflag:s31] =	ssyncset.done $0x0  }
0x162: {  	[sflag:s31] =	ssyncadd.s32 $0xFFFFE000  }
0x163: {  	[spmem:s2] =	stream.indirect.scatter.add.f32 [tilespmem:s18], [sflag:$0x4], $0x40, s16, s17, $0xb8;
	[tilespmem:$0x16600] =	vst v63  }
0x164: {  	_ = 	snop  }
0x165: {  	[spmem:s2] =	stream.indirect.scatter.add.f32 [tilespmem:s19], [sflag:$0x4], $0x40, s0, s17, $0xb8;
	[tilespmem:$0x16600] =	vst v63  }
0x166: {  	_ =	swait.ge [sflag:s1], $0x2000  }
0x167: {  	[sflag:s1] =	ssyncset.done $0x0  }
0x168: {  	[sflag:s1] =	ssyncadd.s32 $0xFFFFE000  }
0x169: {  	_ =	swait.ge [sflag:s1], $0x2000  }
0x16a: {  	[sflag:s1] =	ssyncset.done $0x0  }
0x16b: {  	[sflag:s1] =	ssyncadd.s32 $0xFFFFE000  }
0x16c: {  	[spmem:s2] =	stream.indirect.scatter.add.f32 [tilespmem:s22], [sflag:$0x4], $0x40, s21, s17, $0xb8;
	[tilespmem:$0x16600] =	vst v63  }
0x16d: {  	_ = 	snop  }
0x16e: {  	[spmem:s2] =	stream.indirect.scatter.add.f32 [tilespmem:s24], [sflag:$0x4], $0x40, s5, s17, $0xb8;
	[tilespmem:$0x16600] =	vst v63  }
0x16f: {  	_ =	swait.ge [sflag:s7], $0x2000  }
0x170: {  	[sflag:s7] =	ssyncset.done $0x0  }
0x171: {  	[sflag:s7] =	ssyncadd.s32 $0xFFFFE000  }
0x172: {  	_ =	swait.ge [sflag:s7], $0x2000  }
0x173: {  	[sflag:s7] =	ssyncset.done $0x0  }
0x174: {  	[sflag:s7] =	ssyncadd.s32 $0xFFFFE000  }
0x175: {  	[spmem:s2] =	stream.indirect.scatter.add.f32 [tilespmem:s28], [sflag:$0x4], $0x40, s26, s17, $0xb8;
	[tilespmem:$0x16600] =	vst v63  }
0x176: {  	_ = 	snop  }
0x177: {  	[spmem:s2] =	stream.indirect.scatter.add.f32 [tilespmem:s30], [sflag:$0x4], $0x40, s8, s17, $0xb8;
	[tilespmem:$0x16600] =	vst v63  }
0x178: {  	_ =	swait.ge [sflag:s9], $0x2000  }
0x179: {  	[sflag:s9] =	ssyncset.done $0x0  }
0x17a: {  	[sflag:s9] =	ssyncadd.s32 $0xFFFFE000  }
0x17b: {  	_ =	swait.ge [sflag:s9], $0x2000  }
0x17c: {  	[sflag:s9] =	ssyncset.done $0x0  }
0x17d: {  	[sflag:s9] =	ssyncadd.s32 $0xFFFFE000  }
0x17e: {  	_ =	swait.ge [sflag:s9], $0x2000  }
0x17f: {  	[sflag:s9] =	ssyncset.done $0x0  }
0x180: {  	[sflag:s9] =	ssyncadd.s32 $0xFFFFE000  }
0x181: {  	_ =	swait.ge [sflag:s9], $0x2000  }
0x182: {  	[sflag:s9] =	ssyncset.done $0x0  }
0x183: {  	[sflag:s9] =	ssyncadd.s32 $0xFFFFE000  }
0x184: {  	_ =	swait.ge [sflag:s9], $0x2000  }
0x185: {  	[sflag:s9] =	ssyncset.done $0x0  }
0x186: {  	[sflag:s9] =	ssyncadd.s32 $0xFFFFE000  }
0x187: {  	_ =	swait.ge [sflag:s9], $0x2000  }
0x188: {  	[sflag:s9] =	ssyncset.done $0x0  }
0x189: {  	s10 =	simm.s32 @!p5 $0x0;
	s11 =	rddreg [dreg:$0x6];
	[sflag:s9] =	ssyncadd.s32 $0xFFFFE000  }
0x18a: {  	[tilespmem:s10], [sflag:$0x5] =	stream.linear.gather @!p5 [hbm4b:s11+s10], $0x80, $0x38;
	[tilespmem:$0x16600] =	vst v63  }
0x18b: {  	s11 =	simm.s32 @!p5 $0x5  }
0x18c: {  	_ =	swait.ge @!p5 [sflag:s11], $0x80  }
0x18d: {  	[sflag:s11] =	ssyncset.done @!p5 $0x0  }
0x18e: {  	s14 =	simm.s32 @!p5 $0x300;
	s23 =	rddreg [dreg:$0x7];
	[sflag:s11] =	ssyncadd.s32 @!p5 $0xFFFFFF80  }
0x18f: {  	[tilespmem:s14], [sflag:$0x5] =	stream.linear.gather @!p5 [hbm4b:s23+s10], $0x80, $0x38;
	[tilespmem:$0x16600] =	vst v63  }
0x190: {  	_ =	swait.ge @!p5 [sflag:s11], $0x80  }
0x191: {  	[sflag:s11] =	ssyncset.done @!p5 $0x0  }
0x192: {  	s29 =	simm.s32 @!p5 $0x600;
	s23 =	simm.s32 @!p5 $0x80;
	[sflag:s11] =	ssyncadd.s32 @!p5 $0xFFFFFF80  }
0x193: {  	[tilespmem:s29], [sflag:$0x1] =	stream.indirect.gather @!p5 [hbm4b:s4+s23], $0x40, s10, s23, $0xb8;
	[tilespmem:$0x16600] =	vst v63  }
0x194: {  	s10 =	simm.s32 @!p5 $0x1  }
0x195: {  	_ =	swait.ge @!p5 [sflag:s10], $0x2000  }
0x196: {  	[sflag:s10] =	ssyncset.done @!p5 $0x0  }
0x197: {  	[sflag:s10] =	ssyncadd.s32 @!p5 $0xFFFFE000  }
0x198: {  	[spmem:s2] =	stream.indirect.scatter.add.f32 @!p5 [tilespmem:s29], [sflag:$0x5], $0x40, s14, s23, $0xb8;
	[tilespmem:$0x16600] =	vst v63  }
0x199: {  	_ =	swait.ge @!p5 [sflag:s11], $0x2000  }
0x19a: {  	[sflag:s11] =	ssyncset.done @!p5 $0x0  }
0x19b: {  	s23 =	simm.s32 $0x180;
	[sflag:s11] =	ssyncadd.s32 @!p5 $0xFFFFE000  }
.LBB2_5:
.Ltmp4:
0x19c: {  	(pc) =	sbr.rel @!p0 .LBB2_9-.Ltmp4, $2  }
0x19d: {  	_ =	sdelay $0x2  }
0x19e: {  	s29 =	rddreg [dreg:$0xa]  }
0x19f: {  	s10 =	sadd.s32 $0x0, s12  }
0x1a0: {  	[tilespmem:s3], [sflag:$0x5] =	stream.linear.gather [hbm4b:s10+s3], $0x100, $0x38;
	[tilespmem:$0x16600] =	vst v63  }
0x1a1: {  	_ =	swait.ge [sflag:s15], $0x100  }
0x1a2: {  	[sflag:s15] =	ssyncset.done $0x0  }
0x1a3: {  	s11 =	sadd.s32 $0x0, s13;
	[sflag:s15] =	ssyncadd.s32 $0xFFFFFF00  }
0x1a4: {  	[tilespmem:s16], [sflag:$0x5] =	stream.linear.gather [hbm4b:s11+s3], $0x100, $0x38;
	[tilespmem:$0x16600] =	vst v63  }
0x1a5: {  	_ =	swait.ge [sflag:s15], $0x100  }
0x1a6: {  	[sflag:s15] =	ssyncset.done $0x0  }
0x1a7: {  	[sflag:s15] =	ssyncadd.s32 $0xFFFFFF00  }
0x1a8: {  	[tilespmem:s18], [sflag:$0x1] =	stream.indirect.gather [hbm4b:s6+s17], $0x40, s3, s17, $0xb8;
	[tilespmem:$0x16600] =	vst v63  }
0x1a9: {  	_ = 	snop  }
0x1aa: {  	[tilespmem:s19], [sflag:$0x1] =	stream.indirect.gather [hbm4b:s6+s17], $0x40, s17, s17, $0xb8;
	[tilespmem:$0x16600] =	vst v63  }
0x1ab: {  	s14 =	sadd.s32 $0x20, s10  }
0x1ac: {  	[tilespmem:s20], [sflag:$0x5] =	stream.linear.gather [hbm4b:s14+s3], $0x100, $0x38;
	[tilespmem:$0x16600] =	vst v63  }
0x1ad: {  	_ =	swait.ge [sflag:s15], $0x100  }
0x1ae: {  	[sflag:s15] =	ssyncset.done $0x0  }
0x1af: {  	s29 =	sadd.s32 $0x20, s11;
	[sflag:s15] =	ssyncadd.s32 $0xFFFFFF00  }
0x1b0: {  	[tilespmem:s21], [sflag:$0x5] =	stream.linear.gather [hbm4b:s29+s3], $0x100, $0x38;
	[tilespmem:$0x16600] =	vst v63  }
0x1b1: {  	_ =	swait.ge [sflag:s15], $0x100  }
0x1b2: {  	[sflag:s15] =	ssyncset.done $0x0  }
0x1b3: {  	[sflag:s15] =	ssyncadd.s32 $0xFFFFFF00  }
0x1b4: {  	[tilespmem:s22], [sflag:$0x2] =	stream.indirect.gather [hbm4b:s6+s17], $0x40, s20, s17, $0xb8;
	[tilespmem:$0x16600] =	vst v63  }
0x1b5: {  	_ = 	snop  }
0x1b6: {  	[tilespmem:s24], [sflag:$0x2] =	stream.indirect.gather [hbm4b:s6+s17], $0x40, s23, s17, $0xb8;
	[tilespmem:$0x16600] =	vst v63  }
0x1b7: {  	s10 =	sadd.s32 $0x40, s10  }
0x1b8: {  	[tilespmem:s25], [sflag:$0x5] =	stream.linear.gather [hbm4b:s10+s3], $0x100, $0x38;
	[tilespmem:$0x16600] =	vst v63  }
0x1b9: {  	_ =	swait.ge [sflag:s15], $0x100  }
0x1ba: {  	[sflag:s15] =	ssyncset.done $0x0  }
0x1bb: {  	s23 =	sadd.s32 $0x40, s11;
	[sflag:s15] =	ssyncadd.s32 $0xFFFFFF00  }
0x1bc: {  	[tilespmem:s26], [sflag:$0x5] =	stream.linear.gather [hbm4b:s23+s3], $0x100, $0x38;
	[tilespmem:$0x16600] =	vst v63  }
0x1bd: {  	_ =	swait.ge [sflag:s15], $0x100  }
0x1be: {  	[sflag:s15] =	ssyncset.done $0x0  }
0x1bf: {  	[sflag:s15] =	ssyncadd.s32 $0xFFFFFF00  }
0x1c0: {  	[tilespmem:s28], [sflag:$0x3] =	stream.indirect.gather [hbm4b:s6+s17], $0x40, s25, s17, $0xb8;
	[tilespmem:$0x16600] =	vst v63  }
0x1c1: {  	s29 =	simm.s32 $0x280  }
0x1c2: {  	[tilespmem:s30], [sflag:$0x3] =	stream.indirect.gather [hbm4b:s6+s17], $0x40, s29, s17, $0xb8;
	[tilespmem:$0x16600] =	vst v63  }
0x1c3: {  	_ =	swait.ge [sflag:s31], $0x2000  }
0x1c4: {  	[sflag:s31] =	ssyncset.done $0x0  }
0x1c5: {  	[sflag:s31] =	ssyncadd.s32 $0xFFFFE000  }
0x1c6: {  	_ =	swait.ge [sflag:s31], $0x2000  }
0x1c7: {  	[sflag:s31] =	ssyncset.done $0x0  }
0x1c8: {  	[sflag:s31] =	ssyncadd.s32 $0xFFFFE000  }
0x1c9: {  	[spmem:s2] =	stream.indirect.scatter.add.f32 [tilespmem:s18], [sflag:$0x4], $0x40, s16, s17, $0xb8;
	[tilespmem:$0x16600] =	vst v63  }
0x1ca: {  	_ = 	snop  }
0x1cb: {  	[spmem:s2] =	stream.indirect.scatter.add.f32 [tilespmem:s19], [sflag:$0x4], $0x40, s0, s17, $0xb8;
	[tilespmem:$0x16600] =	vst v63  }
0x1cc: {  	_ =	swait.ge [sflag:s1], $0x2000  }
0x1cd: {  	[sflag:s1] =	ssyncset.done $0x0  }
0x1ce: {  	[sflag:s1] =	ssyncadd.s32 $0xFFFFE000  }
0x1cf: {  	_ =	swait.ge [sflag:s1], $0x2000  }
0x1d0: {  	[sflag:s1] =	ssyncset.done $0x0  }
0x1d1: {  	[sflag:s1] =	ssyncadd.s32 $0xFFFFE000  }
0x1d2: {  	[spmem:s2] =	stream.indirect.scatter.add.f32 [tilespmem:s22], [sflag:$0x4], $0x40, s21, s17, $0xb8;
	[tilespmem:$0x16600] =	vst v63  }
0x1d3: {  	_ = 	snop  }
0x1d4: {  	[spmem:s2] =	stream.indirect.scatter.add.f32 [tilespmem:s24], [sflag:$0x4], $0x40, s5, s17, $0xb8;
	[tilespmem:$0x16600] =	vst v63  }
0x1d5: {  	_ =	swait.ge [sflag:s7], $0x2000  }
0x1d6: {  	[sflag:s7] =	ssyncset.done $0x0  }
0x1d7: {  	[sflag:s7] =	ssyncadd.s32 $0xFFFFE000  }
0x1d8: {  	_ =	swait.ge [sflag:s7], $0x2000  }
0x1d9: {  	[sflag:s7] =	ssyncset.done $0x0  }
0x1da: {  	[sflag:s7] =	ssyncadd.s32 $0xFFFFE000  }
0x1db: {  	[spmem:s2] =	stream.indirect.scatter.add.f32 [tilespmem:s28], [sflag:$0x4], $0x40, s26, s17, $0xb8;
	[tilespmem:$0x16600] =	vst v63  }
0x1dc: {  	_ = 	snop  }
0x1dd: {  	[spmem:s2] =	stream.indirect.scatter.add.f32 [tilespmem:s30], [sflag:$0x4], $0x40, s8, s17, $0xb8;
	[tilespmem:$0x16600] =	vst v63  }
0x1de: {  	_ =	swait.ge [sflag:s9], $0x2000  }
0x1df: {  	[sflag:s9] =	ssyncset.done $0x0  }
0x1e0: {  	[sflag:s9] =	ssyncadd.s32 $0xFFFFE000  }
0x1e1: {  	_ =	swait.ge [sflag:s9], $0x2000  }
0x1e2: {  	[sflag:s9] =	ssyncset.done $0x0  }
0x1e3: {  	[sflag:s9] =	ssyncadd.s32 $0xFFFFE000  }
0x1e4: {  	_ =	swait.ge [sflag:s9], $0x2000  }
0x1e5: {  	[sflag:s9] =	ssyncset.done $0x0  }
0x1e6: {  	[sflag:s9] =	ssyncadd.s32 $0xFFFFE000  }
0x1e7: {  	_ =	swait.ge [sflag:s9], $0x2000  }
0x1e8: {  	[sflag:s9] =	ssyncset.done $0x0  }
0x1e9: {  	[sflag:s9] =	ssyncadd.s32 $0xFFFFE000  }
0x1ea: {  	_ =	swait.ge [sflag:s9], $0x2000  }
0x1eb: {  	[sflag:s9] =	ssyncset.done $0x0  }
0x1ec: {  	[sflag:s9] =	ssyncadd.s32 $0xFFFFE000  }
0x1ed: {  	_ =	swait.ge [sflag:s9], $0x2000  }
0x1ee: {  	s11 =	simm.s32 $0x60;
	s10 =	simm.s32 $0xC0;
	[sflag:s9] =	ssyncset.done $0x0  }
.LBB2_7:
0x1ef: {  	s23 =	sadd.s32 s11, s12  }
0x1f0: {  	[sflag:s9] =	ssyncadd.s32 $0xFFFFE000;
	s29 =	smov.u32 s10;
	s14 =	sadd.s32 $0x60, s10  }
0x1f1: {  	[tilespmem:s3], [sflag:$0x5] =	stream.linear.gather [hbm4b:s23+s3], $0x100, $0x38;
	[tilespmem:$0x16600] =	vst v63  }
0x1f2: {  	p6 =	sne.s32 s10, $0x960;
	_ =	swait.ge [sflag:s15], $0x100  }
0x1f3: {  	[sflag:s15] =	ssyncset.done $0x0  }
0x1f4: {  	s10 =	sadd.s32 s11, s13;
	s11 =	smov.u32 s29;
	[sflag:s15] =	ssyncadd.s32 $0xFFFFFF00  }
0x1f5: {  	[tilespmem:s16], [sflag:$0x5] =	stream.linear.gather [hbm4b:s10+s3], $0x100, $0x38;
	[tilespmem:$0x16600] =	vst v63  }
0x1f6: {  	_ =	swait.ge [sflag:s15], $0x100  }
0x1f7: {  	[sflag:s15] =	ssyncset.done $0x0  }
0x1f8: {  	[sflag:s15] =	ssyncadd.s32 $0xFFFFFF00  }
0x1f9: {  	[tilespmem:s18], [sflag:$0x1] =	stream.indirect.gather [hbm4b:s6+s17], $0x40, s3, s17, $0xb8;
	[tilespmem:$0x16600] =	vst v63  }
0x1fa: {  	_ = 	snop  }
0x1fb: {  	[tilespmem:s19], [sflag:$0x1] =	stream.indirect.gather [hbm4b:s6+s17], $0x40, s17, s17, $0xb8;
	[tilespmem:$0x16600] =	vst v63  }
0x1fc: {  	s29 =	sadd.s32 $0x20, s23  }
0x1fd: {  	[tilespmem:s20], [sflag:$0x5] =	stream.linear.gather [hbm4b:s29+s3], $0x100, $0x38;
	[tilespmem:$0x16600] =	vst v63  }
0x1fe: {  	_ =	swait.ge [sflag:s15], $0x100  }
0x1ff: {  	[sflag:s15] =	ssyncset.done $0x0  }
0x200: {  	s29 =	sadd.s32 $0x20, s10;
	[sflag:s15] =	ssyncadd.s32 $0xFFFFFF00  }
0x201: {  	[tilespmem:s21], [sflag:$0x5] =	stream.linear.gather [hbm4b:s29+s3], $0x100, $0x38;
	[tilespmem:$0x16600] =	vst v63  }
0x202: {  	s29 =	simm.s32 $0x180  }
0x203: {  	_ =	swait.ge [sflag:s15], $0x100  }
0x204: {  	[sflag:s15] =	ssyncset.done $0x0  }
0x205: {  	[sflag:s15] =	ssyncadd.s32 $0xFFFFFF00  }
0x206: {  	[tilespmem:s22], [sflag:$0x2] =	stream.indirect.gather [hbm4b:s6+s17], $0x40, s20, s17, $0xb8;
	[tilespmem:$0x16600] =	vst v63  }
0x207: {  	_ = 	snop  }
0x208: {  	[tilespmem:s24], [sflag:$0x2] =	stream.indirect.gather [hbm4b:s6+s17], $0x40, s29, s17, $0xb8;
	[tilespmem:$0x16600] =	vst v63  }
0x209: {  	s23 =	sadd.s32 $0x40, s23  }
0x20a: {  	[tilespmem:s25], [sflag:$0x5] =	stream.linear.gather [hbm4b:s23+s3], $0x100, $0x38;
	[tilespmem:$0x16600] =	vst v63  }
0x20b: {  	s23 =	simm.s32 $0x280  }
0x20c: {  	_ =	swait.ge [sflag:s15], $0x100  }
0x20d: {  	[sflag:s15] =	ssyncset.done $0x0  }
0x20e: {  	s10 =	sadd.s32 $0x40, s10;
	[sflag:s15] =	ssyncadd.s32 $0xFFFFFF00  }
0x20f: {  	[tilespmem:s26], [sflag:$0x5] =	stream.linear.gather [hbm4b:s10+s3], $0x100, $0x38;
	[tilespmem:$0x16600] =	vst v63  }
0x210: {  	_ =	swait.ge [sflag:s15], $0x100  }
0x211: {  	[sflag:s15] =	ssyncset.done $0x0  }
0x212: {  	[sflag:s15] =	ssyncadd.s32 $0xFFFFFF00  }
0x213: {  	[tilespmem:s28], [sflag:$0x3] =	stream.indirect.gather [hbm4b:s6+s17], $0x40, s25, s17, $0xb8;
	[tilespmem:$0x16600] =	vst v63  }
0x214: {  	_ = 	snop  }
0x215: {  	[tilespmem:s30], [sflag:$0x3] =	stream.indirect.gather [hbm4b:s6+s17], $0x40, s23, s17, $0xb8;
	[tilespmem:$0x16600] =	vst v63  }
0x216: {  	_ =	swait.ge [sflag:s31], $0x2000  }
0x217: {  	[sflag:s31] =	ssyncset.done $0x0  }
0x218: {  	[sflag:s31] =	ssyncadd.s32 $0xFFFFE000  }
0x219: {  	_ =	swait.ge [sflag:s31], $0x2000  }
0x21a: {  	[sflag:s31] =	ssyncset.done $0x0  }
0x21b: {  	[sflag:s31] =	ssyncadd.s32 $0xFFFFE000  }
0x21c: {  	[spmem:s2] =	stream.indirect.scatter.add.f32 [tilespmem:s18], [sflag:$0x4], $0x40, s16, s17, $0xb8;
	[tilespmem:$0x16600] =	vst v63  }
0x21d: {  	_ = 	snop  }
0x21e: {  	[spmem:s2] =	stream.indirect.scatter.add.f32 [tilespmem:s19], [sflag:$0x4], $0x40, s0, s17, $0xb8;
	[tilespmem:$0x16600] =	vst v63  }
0x21f: {  	_ =	swait.ge [sflag:s1], $0x2000  }
0x220: {  	[sflag:s1] =	ssyncset.done $0x0  }
0x221: {  	[sflag:s1] =	ssyncadd.s32 $0xFFFFE000  }
0x222: {  	_ =	swait.ge [sflag:s1], $0x2000  }
0x223: {  	[sflag:s1] =	ssyncset.done $0x0  }
0x224: {  	[sflag:s1] =	ssyncadd.s32 $0xFFFFE000  }
0x225: {  	[spmem:s2] =	stream.indirect.scatter.add.f32 [tilespmem:s22], [sflag:$0x4], $0x40, s21, s17, $0xb8;
	[tilespmem:$0x16600] =	vst v63  }
0x226: {  	_ = 	snop  }
0x227: {  	[spmem:s2] =	stream.indirect.scatter.add.f32 [tilespmem:s24], [sflag:$0x4], $0x40, s5, s17, $0xb8;
	[tilespmem:$0x16600] =	vst v63  }
0x228: {  	_ =	swait.ge [sflag:s7], $0x2000  }
0x229: {  	[sflag:s7] =	ssyncset.done $0x0  }
0x22a: {  	[sflag:s7] =	ssyncadd.s32 $0xFFFFE000  }
0x22b: {  	_ =	swait.ge [sflag:s7], $0x2000  }
0x22c: {  	[sflag:s7] =	ssyncset.done $0x0  }
0x22d: {  	[sflag:s7] =	ssyncadd.s32 $0xFFFFE000  }
0x22e: {  	[spmem:s2] =	stream.indirect.scatter.add.f32 [tilespmem:s28], [sflag:$0x4], $0x40, s26, s17, $0xb8;
	[tilespmem:$0x16600] =	vst v63  }
0x22f: {  	_ = 	snop  }
0x230: {  	[spmem:s2] =	stream.indirect.scatter.add.f32 [tilespmem:s30], [sflag:$0x4], $0x40, s8, s17, $0xb8;
	[tilespmem:$0x16600] =	vst v63  }
0x231: {  	_ =	swait.ge [sflag:s9], $0x2000  }
0x232: {  	[sflag:s9] =	ssyncset.done $0x0  }
0x233: {  	[sflag:s9] =	ssyncadd.s32 $0xFFFFE000  }
0x234: {  	_ =	swait.ge [sflag:s9], $0x2000  }
0x235: {  	[sflag:s9] =	ssyncset.done $0x0  }
0x236: {  	[sflag:s9] =	ssyncadd.s32 $0xFFFFE000  }
0x237: {  	_ =	swait.ge [sflag:s9], $0x2000  }
0x238: {  	[sflag:s9] =	ssyncset.done $0x0  }
0x239: {  	[sflag:s9] =	ssyncadd.s32 $0xFFFFE000  }
0x23a: {  	_ =	swait.ge [sflag:s9], $0x2000  }
0x23b: {  	[sflag:s9] =	ssyncset.done $0x0  }
0x23c: {  	[sflag:s9] =	ssyncadd.s32 $0xFFFFE000  }
.Ltmp5:
0x23d: {  	_ =	swait.ge [sflag:s9], $0x2000;
	(pc) =	sbr.rel @p6 .LBB2_7-.Ltmp5, $4  }
0x23e: {  	[sflag:s9] =	ssyncset.done $0x0  }
0x23f: {  	[sflag:s9] =	ssyncadd.s32 $0xFFFFE000  }
0x240: {  	_ =	swait.ge [sflag:s9], $0x2000  }
0x241: {  	s10 =	smov.u32 s14;
	[sflag:s9] =	ssyncset.done $0x0  }
.Ltmp6:
0x242: {  	_ = 	snop;
	(pc) =	sbr.rel .LBB2_8-.Ltmp6, $1  }
0x243: {  	_ =	sdelay $0x3  }
.LBB2_10:
0x244: {  	_ =	sfence.sel $0x180000  }
0x245: {  	[bflag:$0x0] =	sbarrier.arrive $0xFFFF  }
0x246: {  	_ =	strace $0x9000004A  }
0x247: {  	[bflag:$0x2] =	sbarrier.arrive $0xFFFF  }
0x248: {  	s0 =	rddreg [dreg:$0x3]  }
0x249: {  	s0 =	sadd.s32 @!p2 $0x100000, s0  }
0x24a: {  	[sflag:s0] =	ssyncadd.tile.s32 @!p2 $0x1;
	_ =	shalt  }
.Lfunc_end2:
_tile_overlayer_lowered:
.L_overlay_start_2:
0x24b: {  	(tag) =	ssettag $0x2  }
0x24c: {  	s0 =	rddreg [dreg:$0x0];
	s2 =	stileid.u32  }
0x24d: {  	s1 =	rddreg [dreg:$0x1];
	p0 =	sne.s32 s2, $0x0  }
0x24e: {  	s3 =	rddreg [dreg:$0x2];
	[bflag:$0x3] =	sbarrier.arrive $0xFFFF;
	s2 =	simm.s32 @!p0 $0x1C05  }
0x24f: {  	[timem:s3], [sflag:s2] =	dma.local @!p0 [hbm:s0], s1  }
0x250: {  	s0 =	simm.s32 @!p0 $0x5  }
0x251: {  	_ =	swait.ge @!p0 [sflag:s0], s1  }
0x252: {  	s1 =	ssub.s32 @!p0 $0x0, s1;
	[sflag:s0] =	ssyncset.done @!p0 $0x0  }
0x253: {  	[sflag:s0] =	ssyncadd.s32 @!p0 s1  }
0x254: {  	[bflag:$0x3] =	sbarrier.arrive $0xFFFF  }
0x255: {  	_ =	shalt  }

// kernel: kernel.14.cloned.1.call-start
scs
__scs_entry_jumppad:
0x0: {  	(pc) =	sbr.rel $0x88, $3  }
0x1: {  	(tag) =	ssettag $0x0;
	lr =	simm.s32 $0x1  }
0x2: {  	[smem:$0x3F9F] =	sst lr;
	_ =	strace $0xD0000000  }
0x3: {  	_ = 	snop  }
0x4: {  	_ = 	snop  }
0x5: {  	_ = 	snop  }
0x6: {  	_ = 	snop  }
0x7: {  	_ = 	snop  }
__scs_overlays_trampoline_lowered:
0x8: {  	[smem:$0x3FAE] =	sst s0  }
0x9: {  	[smem:$0x3FAF] =	sst s1  }
0xa: {  	[smem:$0x3FB0] =	sst s2  }
0xb: {  	[smem:$0x3FB1] =	sst s3  }
0xc: {  	[smem:$0x3FB2] =	sst s4  }
0xd: {  	[smem:$0x3FB3] =	sst s5  }
0xe: {  	[smem:$0x3FB4] =	sst s6  }
0xf: {  	[smem:$0x3FB5] =	sst s7  }
0x10: {  	[smem:$0x3FB6] =	sst s8  }
0x11: {  	[smem:$0x3FB7] =	sst s9;
	s0 =	simm.s32 @!p0 $0x0  }
0x12: {  	s1 =	sld [smem:$0x3F9D];
	s0 =	simm.s32 @p0 $0x1  }
0x13: {  	[smem:$0x3FB8] =	sst s0;
	s0 =	simm.s32 @!p1 $0x0  }
0x14: {  	s2 =	sld [smem:$0x3F9C];
	s0 =	simm.s32 @p1 $0x1  }
0x15: {  	[smem:$0x3FB9] =	sst s0;
	s0 =	simm.s32 @!p2 $0x0  }
0x16: {  	s3 =	sld [smem:$0x3FDB];
	s0 =	simm.s32 @p2 $0x1  }
0x17: {  	s4 =	simm.s32 $0x1BF5;
	[smem:$0x3FBB] =	sst s0  }
0x18: {  	s0 =	sld [smem:$0x3F9E];
	_ =	swait.ge [sflag:s4], $0x0  }
0x19: {  	s7 =	sld [smem:$0x3F9F]  }
0x1a: {  	s8 =	sadd.s32 $0xFFFFE003, lr  }
0x1b: {  	s9 =	sadd.s32 $0xFFFFFEF7, lr;
	s5 =	simm.s32 $0xFFFFFFFF;
	p2 =	slt.u32 s8, $0xFFFFF086  }
0x1c: {  	p1 =	slt.u32 s9, $0xF7A;
	s5 =	simm.s32 @!p2 $0x0  }
0x1d: {  	s5 =	simm.s32 @p1 $0x1;
	p0 =	seq.s32 s7, s2  }
0x1e: {  	s7 =	smul.u32 @!p0 $0xF7A, s2;
	p2 =	seq.s32 @!p0 s5, $0x0  }
0x1f: {  	s9 =	smul.u32 $0xF7A, s1;
	s8 =	simm.s32 @!p0 $0x1BF5;
	p2 =	por !p2, p0  }
0x20: {  	[sflag:s8] =	ssyncset.s32 @!p0 $0xFFFFF086;
	s6 =	sadd.s32 @!p0 s3, s7;
	s7 =	simm.s32 @!p0 $0x108  }
0x21: {  	s3 =	sadd.s32 s3, s9;
	s6 =	sadd.s32 @!p0 $0x88, s6;
	s7 =	simm.s32 @p2 $0x1082  }
0x22: {  	[simem:s7], [sflag:s8] =	dma.local @!p0 [hbm:s6], $0xF7A  }
0x23: {  	s9 =	sor.u32 $0xD0000000, s2;
	s6 =	simm.s32 $0x108;
	_ =	swait.ge @!p0 [sflag:s8], $0x0  }
0x24: {  	s3 =	sadd.s32 $0x88, s3;
	s6 =	simm.s32 @!p1 $0x1082;
	[sflag:s4] =	ssyncset.s32 $0xFFFFF086  }
0x25: {  	[simem:s6], [sflag:s4] =	dma.local [hbm:s3], $0xF7A  }
0x26: {  	[smem:$0x3F9F] =	sst s1;
	(tag) =	ssettag s2;
	_ =	strace s9  }
0x27: {  	s1 =	sld [smem:$0x3FAF]  }
0x28: {  	s2 =	sld [smem:$0x3FB0]  }
0x29: {  	s4 =	sld [smem:$0x3FB2]  }
0x2a: {  	p0 =	seq.s32 s5, $0x0;
	s5 =	sld [smem:$0x3FB3]  }
0x2b: {  	s6 =	sld [smem:$0x3FB4]  }
0x2c: {  	s7 =	sld [smem:$0x3FB5]  }
0x2d: {  	s3 =	simm.s32 $0x108;
	s8 =	sld [smem:$0x3FB6]  }
0x2e: {  	s3 =	simm.s32 @!p0 $0x1082;
	s9 =	sld [smem:$0x3FB7]  }
0x2f: {  	lr =	sadd.s32 s0, s3;
	s0 =	sld [smem:$0x3FAE]  }
0x30: {  	s3 =	sld [smem:$0x3FB1]  }
0x31: {  	[smem:$0x3FBA] =	sst s10  }
0x32: {  	s10 =	sld [smem:$0x3FB8];
	_ =	sdelay $0x3  }
0x33: {  	p0 =	seq.s32 s10, $0x1;
	s10 =	sld [smem:$0x3FBA];
	_ =	sdelay $0x3  }
0x34: {  	[smem:$0x3FBA] =	sst s10  }
0x35: {  	s10 =	sld [smem:$0x3FB9];
	_ =	sdelay $0x3  }
0x36: {  	p1 =	seq.s32 s10, $0x1;
	s10 =	sld [smem:$0x3FBA];
	_ =	sdelay $0x3  }
0x37: {  	[smem:$0x3FBA] =	sst s10  }
0x38: {  	s10 =	sld [smem:$0x3FBB]  }
0x39: {  	_ = 	snop;
	(pc) =	sbr.ind lr, $3  }
0x3a: {  	_ = 	snop  }
0x3b: {  	_ = 	snop  }
0x3c: {  	p2 =	seq.s32 s10, $0x1;
	s10 =	sld [smem:$0x3FBA]  }
0x3d: {  	_ =	shalt  }
0x3e: {  	_ =	shalt  }
0x3f: {  	_ =	shalt  }
0x40: {  	_ =	shalt  }
0x41: {  	_ =	shalt  }
0x42: {  	_ =	shalt  }
0x43: {  	_ =	shalt  }
0x44: {  	_ =	shalt  }
0x45: {  	_ =	shalt  }
0x46: {  	_ =	shalt  }
0x47: {  	_ =	shalt  }
0x48: {  	_ =	shalt  }
0x49: {  	_ =	shalt  }
0x4a: {  	_ =	shalt  }
0x4b: {  	_ =	shalt  }
0x4c: {  	_ =	shalt  }
0x4d: {  	_ =	shalt  }
0x4e: {  	_ =	shalt  }
0x4f: {  	_ =	shalt  }
0x50: {  	_ =	shalt  }
0x51: {  	_ =	shalt  }
0x52: {  	_ =	shalt  }
0x53: {  	_ =	shalt  }
0x54: {  	_ =	shalt  }
0x55: {  	_ =	shalt  }
0x56: {  	_ =	shalt  }
0x57: {  	_ =	shalt  }
0x58: {  	_ =	shalt  }
0x59: {  	_ =	shalt  }
0x5a: {  	_ =	shalt  }
0x5b: {  	_ =	shalt  }
0x5c: {  	_ =	shalt  }
0x5d: {  	_ =	shalt  }
0x5e: {  	_ =	shalt  }
0x5f: {  	_ =	shalt  }
0x60: {  	_ =	shalt  }
0x61: {  	_ =	shalt  }
0x62: {  	_ =	shalt  }
0x63: {  	_ =	shalt  }
0x64: {  	_ =	shalt  }
0x65: {  	_ =	shalt  }
0x66: {  	_ =	shalt  }
0x67: {  	_ =	shalt  }
0x68: {  	_ =	shalt  }
0x69: {  	_ =	shalt  }
0x6a: {  	_ =	shalt  }
0x6b: {  	_ =	shalt  }
0x6c: {  	_ =	shalt  }
0x6d: {  	_ =	shalt  }
0x6e: {  	_ =	shalt  }
0x6f: {  	_ =	shalt  }
0x70: {  	_ =	shalt  }
0x71: {  	_ =	shalt  }
0x72: {  	_ =	shalt  }
0x73: {  	_ =	shalt  }
0x74: {  	_ =	shalt  }
0x75: {  	_ =	shalt  }
0x76: {  	_ =	shalt  }
0x77: {  	_ =	shalt  }
0x78: {  	_ =	shalt  }
0x79: {  	_ =	shalt  }
0x7a: {  	_ =	shalt  }
0x7b: {  	_ =	shalt  }
0x7c: {  	_ =	shalt  }
0x7d: {  	_ =	shalt  }
0x7e: {  	_ =	shalt  }
0x7f: {  	_ =	shalt  }
0x80: {  	_ =	shalt  }
0x81: {  	_ =	shalt  }
0x82: {  	_ =	shalt  }
0x83: {  	_ =	shalt  }
0x84: {  	_ =	shalt  }
0x85: {  	_ =	shalt  }
0x86: {  	_ =	shalt  }
0x87: {  	_ =	shalt  }
.Lfunc_end0:
.L_simem_size_0:
called_computation.2_lowered:
.L_overlay_start_0:
0x88: {  	s2 =	sld [smem:$0x3FD9]  }
0x89: {  	s3 =	sld [smem:$0x3FFE];
	_ =	sdelay $0x1  }
0x8a: {  	s1 =	srdreg.scid  }
0x8b: {  	s0 =	sand.u32 $0x1, s1  }
0x8c: {  	s17 =	sshll.u32 s0, $0xA;
	s2 =	sadd.s32 s3, s2  }
0x8d: {  	s2 =	sadd.s32 s2, s17  }
0x8e: {  	[smem:$0x3FC6] =	sst s2  }
0x8f: {  	_ = 	snop  }
0x90: {  	s2 =	sld [smem:$0x3FD0];
	(tm) =	ssettm $0x1  }
0x91: {  	s18 =	sld [smem:$0x3FFB];
	_ =	sdelay $0x3  }
0x92: {  	_ =	strace s18  }
0x93: {  	s3 =	sld [smem:$0x3FFC];
	_ =	sdelay $0x3  }
0x94: {  	_ =	strace s3  }
0x95: {  	s3 =	sld [smem:$0x3FFD];
	_ =	sdelay $0x3  }
0x96: {  	_ =	strace s3  }
0x97: {  	_ =	strace $0x8FFFFFFF  }
0x98: {  	s19 =	sld [smem:$0x3FDB];
	_ =	sdelay $0x1  }
0x99: {  	s4 =	simm.s32 $_scs_section_size  }
0x9a: {  	s5 =	simm.s32 $_size__tile_overlayer_lowered;
	s6 =	simm.s32 $_tile_overlayer_lowered  }
0x9b: {  	s22 =	simm.s32 $0x1BFF;
	s21 =	sshll.u32 s6, $0x1;
	s3 =	sadd.s32 s4, s19  }
0x9c: {  	s7 =	simm.s32 $0x0;
	s20 =	sshll.u32 s5, $0x1;
	s5 =	sadd.s32 s21, s3  }
0x9d: {  	[timem:s7], [sflag:s22] =	dma.local [hbm:s5], s20  }
0x9e: {  	_ =	swait.ge [sflag:s22], s20  }
0x9f: {  	s4 =	ssub.s32 $0x0, s20;
	[sflag:s22] =	ssyncset.done $0x0  }
0xa0: {  	[sflag:s22] =	ssyncadd.s32 s4;
	_ =	sdelay $0x1  }
0xa1: {  	s23 =	simm.s32 $0x1B8B  }
0xa2: {  	_ =	swait.ge [sflag:s23], $0x1  }
0xa3: {  	[sflag:s23] =	ssyncset.done $0x0  }
0xa4: {  	s25 =	simm.s32 $0x1B8E;
	s24 =	sld [smem:$0x3FFE];
	[sflag:s23] =	ssyncadd.s32 $0xFFFFFFFF  }
0xa5: {  	s26 =	simm.s32 $execute0_lowered;
	[smem:$0x3FD2] =	sst s25  }
0xa6: {  	s5 =	sshll.u32 s26, $0x1;
	_ =	strace $0x8000004C;
	[dreg:$0x1] =	wrdreg $0xFFFFFFFF  }
0xa7: {  	s28 =	simm.s32 $_size_execute0_lowered;
	s3 =	sadd.s32 s3, s5;
	[dreg:$0x0] =	wrdreg $0x0  }
0xa8: {  	s5 =	sshll.u32 s28, $0x1;
	[dreg:$0x2] =	wrdreg s3  }
0xa9: {  	[dreg:$0x3] =	wrdreg s5  }
0xaa: {  	[dreg:$0x4] =	wrdreg $0xC0  }
0xab: {  	_ =	task [dreg:s7], $0x5FFFF  }
0xac: {  	[dreg:$0x1] =	wrdreg $0xFFFFFFFF  }
0xad: {  	[dreg:$0x0] =	wrdreg $0x60  }
0xae: {  	[dreg:$0x2] =	wrdreg s24  }
0xaf: {  	[dreg:$0x3] =	wrdreg s2  }
0xb0: {  	[dreg:$0x4] =	wrdreg $0xC6000  }
0xb1: {  	[dreg:$0x5] =	wrdreg $0x9  }
0xb2: {  	_ =	task.clear_ibuf [dreg:s7], $0x6FFFF;
	_ =	strace $0x9000004C  }
0xb3: {  	s29 =	simm.s32 $0x9;
	_ =	strace $0x8000004E  }
0xb4: {  	_ =	swait.ge [sflag:s29], $0x1  }
0xb5: {  	[sflag:s29] =	ssyncadd.s32 $0xFFFFFFFF  }
0xb6: {  	_ =	strace $0x9000004E  }
0xb7: {  	_ =	sfence  }
0xb8: {  	s30 =	sld [smem:$0x0];
	_ =	sdelay $0x2  }
0xb9: {  	s31 =	sshll.u32 s1, $0xD;
	s1 =	sshrl.u32 s1, $0x2  }
0xba: {  	s3 =	sand.u32 $0x4000, s31;
	s1 =	sadd.s32 s1, s30  }
0xbb: {  	s0 =	sor.u32 s3, s0;
	s1 =	sshll.u32 s1, $0x11  }
0xbc: {  	s0 =	sor.u32 s1, s0  }
0xbd: {  	s0 =	sadd.s32 $0x8F2B, s0  }
0xbe: {  	[sflag:s0] =	ssyncadd.remote.s32 $0x1  }
0xbf: {  	_ =	sfence.sel $0xFFFF  }
0xc0: {  	[dreg:$0x0] =	wrdreg $0xFFFFFFFF;
	(pc) =	sbr.abs _section_cstart, $3  }
0xc1: {  	[dreg:$0x1] =	wrdreg $0xFFFFFFFF  }
0xc2: {  	_ =	task.clear_ibuf [dreg:s7], $0x2FFFF;
	_ =	strace $0x9FFFFFFF  }
0xc3: {  	(tm) =	ssettm $0x7FFFFFFF  }
tec
execute0_lowered:
.L_overlay_start_1:
0x0: {  	(tag) =	ssettag $0x1  }
0x1: {  	s0 =	rddreg [dreg:$0x0]  }
0x2: {  	s2 =	rddreg [dreg:$0x2];
	s3 =	simm.s32 $0x0;
	s14 =	stileid.u32  }
0x3: {  	s1 =	srdreg.scid;
	s15 =	simm.s32 $0x5;
	s16 =	simm.s32 $0x300  }
0x4: {  	s17 =	simm.s32 $0x80;
	s18 =	simm.s32 $0x600;
	s19 =	simm.s32 $0x2600  }
0x5: {  	s20 =	simm.s32 $0x100;
	s21 =	simm.s32 $0x400;
	s22 =	simm.s32 $0x4600  }
0x6: {  	s23 =	simm.s32 $0x180;
	s28 =	simm.s32 $0x8600;
	s30 =	simm.s32 $0xA600  }
0x7: {  	s31 =	simm.s32 $0x1;
	s29 =	simm.s32 $0x0;
	[smem:$0x7FF] =	sst s3  }
0x8: {  	s4 =	sadd.s32 $0x15E00, s0;
	s6 =	sadd.s32 $0x29800, s0;
	s5 =	smul.u32 $0x9C, s14  }
0x9: {  	s7 =	sadd.s32 $0xC000, s0;
	s1 =	sand.u32 $0x1, s1;
	s8 =	smin.u32 s14, $0x4  }
0xa: {  	s9 =	sadd.s32 $0x2200, s0;
	s11 =	sadd.s32 $0x51200, s0;
	s0 =	sadd.s32 $0x3D200, s0  }
0xb: {  	p1 =	seq.s32 s14, $0x0;
	p2 =	sne.s32 s14, $0x0;
	p5 =	sgt.u32 s14, $0x3  }
0xc: {  	_ =	strace $0x8000004D;
	s10 =	ssub.s32 $0x2, s1;
	[dreg:$0x4] =	wrdreg s11  }
0xd: {  	[dreg:$0x5] =	wrdreg s0;
	p0 =	seq.s32 s1, $0x1;
	s11 =	sor.u32 s14, s1  }
0xe: {  	p3 =	sne.s32 s1, $0x0;
	s1 =	simm.s32 $0x2;
	s5 =	sadd.s32 s8, s5  }
0xf: {  	s24 =	sshrl.u32 s10, $0x1;
	p1 =	por !p1, !p0;
	p4 =	sne.s32 s11, $0x0  }
0x10: {  	s5 =	sshll.u32 s5, $0x4;
	s25 =	ssub.s32 s10, s24;
	s10 =	smul.u32 $0x9C0, s14  }
0x11: {  	p1 =	por !p1, !p1;
	s24 =	simm.s32 $0x6600;
	s5 =	sadd.s32 $0x9C0, s5  }
0x12: {  	s0 =	smax.u32 s25, $0x1;
	s26 =	sadd.s32 s7, s5;
	s5 =	sadd.s32 s9, s5  }
0x13: {  	[dreg:$0x8] =	wrdreg s0;
	s25 =	sadd.s32 s10, s7;
	s0 =	sshrl.u32 @!p2 s2, $0x3  }
.Ltmp0:
0x14: {  	s7 =	simm.s32 $0x3;
	[dreg:$0x6] =	wrdreg s26;
	(pc) =	sbr.rel .LBB2_1-.Ltmp0, $4  }
0x15: {  	[dreg:$0x7] =	wrdreg s5;
	s26 =	sshll.u32 s8, $0x4;
	s5 =	sadd.s32 s10, s9  }
0x16: {  	[dreg:$0x9] =	wrdreg s0;
	s0 =	simm.s32 $0x380;
	s8 =	simm.s32 $0x580  }
0x17: {  	s9 =	simm.s32 $0x4;
	s12 =	sadd.s32 s26, s25;
	s13 =	sadd.s32 s26, s5  }
0x18: {  	s25 =	simm.s32 $0x200;
	s26 =	simm.s32 $0x500;
	s5 =	simm.s32 $0x480  }
.LBB2_8:
0x19: {  	s10 =	sadd.s32 s11, s12;
	[sflag:s9] =	ssyncadd.s32 $0xFFFFE000  }
0x1a: {  	[tilespmem:s3], [sflag:$0x5] =	stream.linear.gather [hbm4b:s10+s3], $0x100, $0x38;
	[tilespmem:$0x16600] =	vst v63  }
0x1b: {  	_ =	swait.ge [sflag:s15], $0x100  }
0x1c: {  	[sflag:s15] =	ssyncset.done $0x0  }
0x1d: {  	s11 =	sadd.s32 s11, s13;
	[sflag:s15] =	ssyncadd.s32 $0xFFFFFF00  }
0x1e: {  	[tilespmem:s16], [sflag:$0x5] =	stream.linear.gather [hbm4b:s11+s3], $0x100, $0x38;
	[tilespmem:$0x16600] =	vst v63  }
0x1f: {  	_ =	swait.ge [sflag:s15], $0x100  }
0x20: {  	[sflag:s15] =	ssyncset.done $0x0  }
0x21: {  	[sflag:s15] =	ssyncadd.s32 $0xFFFFFF00  }
0x22: {  	[tilespmem:s18], [sflag:$0x1] =	stream.indirect.gather [hbm4b:s6+s17], $0x40, s3, s17, $0xb8;
	[tilespmem:$0x16600] =	vst v63  }
0x23: {  	_ = 	snop  }
0x24: {  	[tilespmem:s19], [sflag:$0x1] =	stream.indirect.gather [hbm4b:s6+s17], $0x40, s17, s17, $0xb8;
	[tilespmem:$0x16600] =	vst v63  }
0x25: {  	s14 =	sadd.s32 $0x20, s10  }
0x26: {  	[tilespmem:s20], [sflag:$0x5] =	stream.linear.gather [hbm4b:s14+s3], $0x100, $0x38;
	[tilespmem:$0x16600] =	vst v63  }
0x27: {  	_ =	swait.ge [sflag:s15], $0x100  }
0x28: {  	[sflag:s15] =	ssyncset.done $0x0  }
0x29: {  	s14 =	sadd.s32 $0x20, s11;
	[sflag:s15] =	ssyncadd.s32 $0xFFFFFF00  }
0x2a: {  	[tilespmem:s21], [sflag:$0x5] =	stream.linear.gather [hbm4b:s14+s3], $0x100, $0x38;
	[tilespmem:$0x16600] =	vst v63  }
0x2b: {  	_ =	swait.ge [sflag:s15], $0x100  }
0x2c: {  	[sflag:s15] =	ssyncset.done $0x0  }
0x2d: {  	[sflag:s15] =	ssyncadd.s32 $0xFFFFFF00  }
0x2e: {  	[tilespmem:s22], [sflag:$0x2] =	stream.indirect.gather [hbm4b:s6+s17], $0x40, s20, s17, $0xb8;
	[tilespmem:$0x16600] =	vst v63  }
0x2f: {  	_ = 	snop  }
0x30: {  	[tilespmem:s24], [sflag:$0x2] =	stream.indirect.gather [hbm4b:s6+s17], $0x40, s29, s17, $0xb8;
	[tilespmem:$0x16600] =	vst v63  }
0x31: {  	s10 =	sadd.s32 $0x40, s10  }
0x32: {  	[tilespmem:s25], [sflag:$0x5] =	stream.linear.gather [hbm4b:s10+s3], $0x100, $0x38;
	[tilespmem:$0x16600] =	vst v63  }
0x33: {  	_ =	swait.ge [sflag:s15], $0x100  }
0x34: {  	[sflag:s15] =	ssyncset.done $0x0  }
0x35: {  	s14 =	sadd.s32 $0x40, s11;
	[sflag:s15] =	ssyncadd.s32 $0xFFFFFF00  }
0x36: {  	[tilespmem:s26], [sflag:$0x5] =	stream.linear.gather [hbm4b:s14+s3], $0x100, $0x38;
	[tilespmem:$0x16600] =	vst v63  }
0x37: {  	_ =	swait.ge [sflag:s15], $0x100  }
0x38: {  	[sflag:s15] =	ssyncset.done $0x0  }
0x39: {  	[sflag:s15] =	ssyncadd.s32 $0xFFFFFF00  }
0x3a: {  	[tilespmem:s28], [sflag:$0x3] =	stream.indirect.gather [hbm4b:s6+s17], $0x40, s25, s17, $0xb8;
	[tilespmem:$0x16600] =	vst v63  }
0x3b: {  	_ = 	snop  }
0x3c: {  	[tilespmem:s30], [sflag:$0x3] =	stream.indirect.gather [hbm4b:s6+s17], $0x40, s23, s17, $0xb8;
	[tilespmem:$0x16600] =	vst v63  }
0x3d: {  	_ =	swait.ge [sflag:s31], $0x2000  }
0x3e: {  	[sflag:s31] =	ssyncset.done $0x0  }
0x3f: {  	[sflag:s31] =	ssyncadd.s32 $0xFFFFE000  }
0x40: {  	_ =	swait.ge [sflag:s31], $0x2000  }
0x41: {  	[sflag:s31] =	ssyncset.done $0x0  }
0x42: {  	[sflag:s31] =	ssyncadd.s32 $0xFFFFE000  }
0x43: {  	[spmem:s2] =	stream.indirect.scatter.add.f32 [tilespmem:s18], [sflag:$0x4], $0x40, s16, s17, $0xb8;
	[tilespmem:$0x16600] =	vst v63  }
0x44: {  	_ = 	snop  }
0x45: {  	[spmem:s2] =	stream.indirect.scatter.add.f32 [tilespmem:s19], [sflag:$0x4], $0x40, s0, s17, $0xb8;
	[tilespmem:$0x16600] =	vst v63  }
0x46: {  	_ =	swait.ge [sflag:s1], $0x2000  }
0x47: {  	[sflag:s1] =	ssyncset.done $0x0  }
0x48: {  	[sflag:s1] =	ssyncadd.s32 $0xFFFFE000  }
0x49: {  	_ =	swait.ge [sflag:s1], $0x2000  }
0x4a: {  	[sflag:s1] =	ssyncset.done $0x0  }
0x4b: {  	[sflag:s1] =	ssyncadd.s32 $0xFFFFE000  }
0x4c: {  	[spmem:s2] =	stream.indirect.scatter.add.f32 [tilespmem:s22], [sflag:$0x4], $0x40, s21, s17, $0xb8;
	[tilespmem:$0x16600] =	vst v63  }
0x4d: {  	_ = 	snop  }
0x4e: {  	[spmem:s2] =	stream.indirect.scatter.add.f32 [tilespmem:s24], [sflag:$0x4], $0x40, s5, s17, $0xb8;
	[tilespmem:$0x16600] =	vst v63  }
0x4f: {  	_ =	swait.ge [sflag:s7], $0x2000  }
0x50: {  	[sflag:s7] =	ssyncset.done $0x0  }
0x51: {  	[sflag:s7] =	ssyncadd.s32 $0xFFFFE000  }
0x52: {  	_ =	swait.ge [sflag:s7], $0x2000  }
0x53: {  	[sflag:s7] =	ssyncset.done $0x0  }
0x54: {  	[sflag:s7] =	ssyncadd.s32 $0xFFFFE000  }
0x55: {  	[spmem:s2] =	stream.indirect.scatter.add.f32 [tilespmem:s28], [sflag:$0x4], $0x40, s26, s17, $0xb8;
	[tilespmem:$0x16600] =	vst v63  }
0x56: {  	_ = 	snop  }
0x57: {  	[spmem:s2] =	stream.indirect.scatter.add.f32 [tilespmem:s30], [sflag:$0x4], $0x40, s8, s17, $0xb8;
	[tilespmem:$0x16600] =	vst v63  }
0x58: {  	_ =	swait.ge [sflag:s9], $0x2000  }
0x59: {  	[sflag:s9] =	ssyncset.done $0x0  }
0x5a: {  	[sflag:s9] =	ssyncadd.s32 $0xFFFFE000  }
0x5b: {  	_ =	swait.ge [sflag:s9], $0x2000  }
0x5c: {  	[sflag:s9] =	ssyncset.done $0x0  }
0x5d: {  	[sflag:s9] =	ssyncadd.s32 $0xFFFFE000  }
0x5e: {  	_ =	swait.ge [sflag:s9], $0x2000  }
0x5f: {  	[sflag:s9] =	ssyncset.done $0x0  }
0x60: {  	[sflag:s9] =	ssyncadd.s32 $0xFFFFE000  }
0x61: {  	_ =	swait.ge [sflag:s9], $0x2000  }
0x62: {  	[sflag:s9] =	ssyncset.done $0x0  }
0x63: {  	[sflag:s9] =	ssyncadd.s32 $0xFFFFE000  }
0x64: {  	_ =	swait.ge [sflag:s9], $0x2000  }
0x65: {  	[sflag:s9] =	ssyncset.done $0x0  }
0x66: {  	[sflag:s9] =	ssyncadd.s32 $0xFFFFE000  }
0x67: {  	_ =	swait.ge [sflag:s9], $0x2000  }
0x68: {  	[sflag:s9] =	ssyncset.done $0x0  }
0x69: {  	s10 =	simm.s32 @!p5 $0x0;
	s11 =	rddreg [dreg:$0x6];
	[sflag:s9] =	ssyncadd.s32 $0xFFFFE000  }
0x6a: {  	[tilespmem:s10], [sflag:$0x5] =	stream.linear.gather @!p5 [hbm4b:s11+s10], $0x80, $0x38;
	[tilespmem:$0x16600] =	vst v63  }
0x6b: {  	s11 =	simm.s32 @!p5 $0x5  }
0x6c: {  	_ =	swait.ge @!p5 [sflag:s11], $0x80  }
0x6d: {  	[sflag:s11] =	ssyncset.done @!p5 $0x0  }
0x6e: {  	s14 =	simm.s32 @!p5 $0x300;
	s23 =	rddreg [dreg:$0x7];
	[sflag:s11] =	ssyncadd.s32 @!p5 $0xFFFFFF80  }
0x6f: {  	[tilespmem:s14], [sflag:$0x5] =	stream.linear.gather @!p5 [hbm4b:s23+s10], $0x80, $0x38;
	[tilespmem:$0x16600] =	vst v63  }
0x70: {  	_ =	swait.ge @!p5 [sflag:s11], $0x80  }
0x71: {  	[sflag:s11] =	ssyncset.done @!p5 $0x0  }
0x72: {  	s29 =	simm.s32 @!p5 $0x600;
	s23 =	simm.s32 @!p5 $0x80;
	[sflag:s11] =	ssyncadd.s32 @!p5 $0xFFFFFF80  }
0x73: {  	[tilespmem:s29], [sflag:$0x1] =	stream.indirect.gather @!p5 [hbm4b:s6+s23], $0x40, s10, s23, $0xb8;
	[tilespmem:$0x16600] =	vst v63  }
0x74: {  	s10 =	simm.s32 @!p5 $0x1  }
0x75: {  	_ =	swait.ge @!p5 [sflag:s10], $0x2000  }
0x76: {  	[sflag:s10] =	ssyncset.done @!p5 $0x0  }
0x77: {  	[sflag:s10] =	ssyncadd.s32 @!p5 $0xFFFFE000  }
0x78: {  	[spmem:s2] =	stream.indirect.scatter.add.f32 @!p5 [tilespmem:s29], [sflag:$0x5], $0x40, s14, s23, $0xb8;
	[tilespmem:$0x16600] =	vst v63  }
0x79: {  	_ =	swait.ge @!p5 [sflag:s11], $0x2000  }
0x7a: {  	[sflag:s11] =	ssyncset.done @!p5 $0x0  }
0x7b: {  	s23 =	simm.s32 $0x180;
	s29 =	rddreg [dreg:$0xa];
	[sflag:s11] =	ssyncadd.s32 @!p5 $0xFFFFE000  }
.LBB2_9:
0x7c: {  	s10 =	stileid.u32  }
0x7d: {  	[bflag:$0x0] =	sbarrier.arrive $0xFFFF;
	s10 =	sshll.u32 @!p4 s10, $0x6  }
0x7e: {  	s11 =	sshrl.u32 @!p4 s2, $0x3;
	s14 =	rddreg [dreg:$0x4];
	s10 =	sor.u32 @!p4 $0x1C05, s10  }
0x7f: {  	[hbm:s14], [sflag:s10] =	dma.local @!p4 [spmem:s11], $0x14000  }
0x80: {  	s10 =	simm.s32 @!p4 $0x5  }
0x81: {  	_ =	swait.ge @!p4 [sflag:s10], $0x14000  }
0x82: {  	s11 =	simm.s32 @p1 $0x1C05;
	[sflag:s10] =	ssyncset.done @!p4 $0x0  }
0x83: {  	s14 =	rddreg [dreg:$0x5];
	[sflag:s10] =	ssyncadd.s32 @!p4 $0xFFFEC000;
	s10 =	sshrl.u32 @p1 s2, $0x3  }
0x84: {  	[hbm:s14], [sflag:s11] =	dma.local @p1 [spmem:s10], $0x14000  }
0x85: {  	s10 =	simm.s32 @p1 $0x5  }
0x86: {  	_ =	swait.ge @p1 [sflag:s10], $0x14000  }
0x87: {  	s29 =	sadd.s32 $0x1, s29;
	s14 =	rddreg [dreg:$0x8]  }
0x88: {  	p6 =	sne.s32 s29, s14  }
.Ltmp1:
0x89: {  	_ = 	snop;
	(pc) =	sbr.rel @!p6 .LBB2_10-.Ltmp1, $3  }
0x8a: {  	_ =	sdelay $0x1  }
0x8b: {  	[sflag:s10] =	ssyncset.done @p1 $0x0  }
0x8c: {  	[sflag:s10] =	ssyncadd.s32 @p1 $0xFFFEC000  }
.LBB2_1:
0x8d: {  	[dreg:$0xa] =	wrdreg s29  }
0x8e: {  	s11 =	rddreg [dreg:$0x1]  }
0x8f: {  	s10 =	simm.s32 @!p2 $0x1C05;
	s14 =	rddreg [dreg:$0x9]  }
0x90: {  	[spmem:s14], [sflag:s10] =	dma.local @!p2 [hbm:s11], $0x14000  }
0x91: {  	s10 =	simm.s32 @!p2 $0x5  }
.Ltmp2:
0x92: {  	_ =	swait.ge @!p2 [sflag:s10], $0x14000;
	(pc) =	sbr.rel @p3 .LBB2_5-.Ltmp2, $3  }
0x93: {  	[sflag:s10] =	ssyncset.done @!p2 $0x0  }
0x94: {  	[sflag:s10] =	ssyncadd.s32 @!p2 $0xFFFEC000  }
0x95: {  	[bflag:$0x0] =	sbarrier.arrive $0xFFFF;
	_ =	sdelay $0x1  }
0x96: {  	s10 =	sadd.s32 $0x0, s12  }
0x97: {  	[tilespmem:s3], [sflag:$0x5] =	stream.linear.gather [hbm4b:s10+s3], $0x100, $0x38;
	[tilespmem:$0x16600] =	vst v63  }
0x98: {  	_ =	swait.ge [sflag:s15], $0x100  }
0x99: {  	[sflag:s15] =	ssyncset.done $0x0  }
0x9a: {  	s11 =	sadd.s32 $0x0, s13;
	[sflag:s15] =	ssyncadd.s32 $0xFFFFFF00  }
0x9b: {  	[tilespmem:s16], [sflag:$0x5] =	stream.linear.gather [hbm4b:s11+s3], $0x100, $0x38;
	[tilespmem:$0x16600] =	vst v63  }
0x9c: {  	_ =	swait.ge [sflag:s15], $0x100  }
0x9d: {  	[sflag:s15] =	ssyncset.done $0x0  }
0x9e: {  	[sflag:s15] =	ssyncadd.s32 $0xFFFFFF00  }
0x9f: {  	[tilespmem:s18], [sflag:$0x1] =	stream.indirect.gather [hbm4b:s4+s17], $0x40, s3, s17, $0xb8;
	[tilespmem:$0x16600] =	vst v63  }
0xa0: {  	_ = 	snop  }
0xa1: {  	[tilespmem:s19], [sflag:$0x1] =	stream.indirect.gather [hbm4b:s4+s17], $0x40, s17, s17, $0xb8;
	[tilespmem:$0x16600] =	vst v63  }
0xa2: {  	s14 =	sadd.s32 $0x20, s10  }
0xa3: {  	[tilespmem:s20], [sflag:$0x5] =	stream.linear.gather [hbm4b:s14+s3], $0x100, $0x38;
	[tilespmem:$0x16600] =	vst v63  }
0xa4: {  	_ =	swait.ge [sflag:s15], $0x100  }
0xa5: {  	[sflag:s15] =	ssyncset.done $0x0  }
0xa6: {  	s29 =	sadd.s32 $0x20, s11;
	[sflag:s15] =	ssyncadd.s32 $0xFFFFFF00  }
0xa7: {  	[tilespmem:s21], [sflag:$0x5] =	stream.linear.gather [hbm4b:s29+s3], $0x100, $0x38;
	[tilespmem:$0x16600] =	vst v63  }
0xa8: {  	_ =	swait.ge [sflag:s15], $0x100  }
0xa9: {  	[sflag:s15] =	ssyncset.done $0x0  }
0xaa: {  	[sflag:s15] =	ssyncadd.s32 $0xFFFFFF00  }
0xab: {  	[tilespmem:s22], [sflag:$0x2] =	stream.indirect.gather [hbm4b:s4+s17], $0x40, s20, s17, $0xb8;
	[tilespmem:$0x16600] =	vst v63  }
0xac: {  	_ = 	snop  }
0xad: {  	[tilespmem:s24], [sflag:$0x2] =	stream.indirect.gather [hbm4b:s4+s17], $0x40, s23, s17, $0xb8;
	[tilespmem:$0x16600] =	vst v63  }
0xae: {  	s10 =	sadd.s32 $0x40, s10  }
0xaf: {  	[tilespmem:s25], [sflag:$0x5] =	stream.linear.gather [hbm4b:s10+s3], $0x100, $0x38;
	[tilespmem:$0x16600] =	vst v63  }
0xb0: {  	_ =	swait.ge [sflag:s15], $0x100  }
0xb1: {  	[sflag:s15] =	ssyncset.done $0x0  }
0xb2: {  	s23 =	sadd.s32 $0x40, s11;
	[sflag:s15] =	ssyncadd.s32 $0xFFFFFF00  }
0xb3: {  	[tilespmem:s26], [sflag:$0x5] =	stream.linear.gather [hbm4b:s23+s3], $0x100, $0x38;
	[tilespmem:$0x16600] =	vst v63  }
0xb4: {  	_ =	swait.ge [sflag:s15], $0x100  }
0xb5: {  	[sflag:s15] =	ssyncset.done $0x0  }
0xb6: {  	[sflag:s15] =	ssyncadd.s32 $0xFFFFFF00  }
0xb7: {  	[tilespmem:s28], [sflag:$0x3] =	stream.indirect.gather [hbm4b:s4+s17], $0x40, s25, s17, $0xb8;
	[tilespmem:$0x16600] =	vst v63  }
0xb8: {  	s29 =	simm.s32 $0x280  }
0xb9: {  	[tilespmem:s30], [sflag:$0x3] =	stream.indirect.gather [hbm4b:s4+s17], $0x40, s29, s17, $0xb8;
	[tilespmem:$0x16600] =	vst v63  }
0xba: {  	_ =	swait.ge [sflag:s31], $0x2000  }
0xbb: {  	[sflag:s31] =	ssyncset.done $0x0  }
0xbc: {  	[sflag:s31] =	ssyncadd.s32 $0xFFFFE000  }
0xbd: {  	_ =	swait.ge [sflag:s31], $0x2000  }
0xbe: {  	[sflag:s31] =	ssyncset.done $0x0  }
0xbf: {  	[sflag:s31] =	ssyncadd.s32 $0xFFFFE000  }
0xc0: {  	[spmem:s2] =	stream.indirect.scatter.add.f32 [tilespmem:s18], [sflag:$0x4], $0x40, s16, s17, $0xb8;
	[tilespmem:$0x16600] =	vst v63  }
0xc1: {  	_ = 	snop  }
0xc2: {  	[spmem:s2] =	stream.indirect.scatter.add.f32 [tilespmem:s19], [sflag:$0x4], $0x40, s0, s17, $0xb8;
	[tilespmem:$0x16600] =	vst v63  }
0xc3: {  	_ =	swait.ge [sflag:s1], $0x2000  }
0xc4: {  	[sflag:s1] =	ssyncset.done $0x0  }
0xc5: {  	[sflag:s1] =	ssyncadd.s32 $0xFFFFE000  }
0xc6: {  	_ =	swait.ge [sflag:s1], $0x2000  }
0xc7: {  	[sflag:s1] =	ssyncset.done $0x0  }
0xc8: {  	[sflag:s1] =	ssyncadd.s32 $0xFFFFE000  }
0xc9: {  	[spmem:s2] =	stream.indirect.scatter.add.f32 [tilespmem:s22], [sflag:$0x4], $0x40, s21, s17, $0xb8;
	[tilespmem:$0x16600] =	vst v63  }
0xca: {  	_ = 	snop  }
0xcb: {  	[spmem:s2] =	stream.indirect.scatter.add.f32 [tilespmem:s24], [sflag:$0x4], $0x40, s5, s17, $0xb8;
	[tilespmem:$0x16600] =	vst v63  }
0xcc: {  	_ =	swait.ge [sflag:s7], $0x2000  }
0xcd: {  	[sflag:s7] =	ssyncset.done $0x0  }
0xce: {  	[sflag:s7] =	ssyncadd.s32 $0xFFFFE000  }
0xcf: {  	_ =	swait.ge [sflag:s7], $0x2000  }
0xd0: {  	[sflag:s7] =	ssyncset.done $0x0  }
0xd1: {  	[sflag:s7] =	ssyncadd.s32 $0xFFFFE000  }
0xd2: {  	[spmem:s2] =	stream.indirect.scatter.add.f32 [tilespmem:s28], [sflag:$0x4], $0x40, s26, s17, $0xb8;
	[tilespmem:$0x16600] =	vst v63  }
0xd3: {  	_ = 	snop  }
0xd4: {  	[spmem:s2] =	stream.indirect.scatter.add.f32 [tilespmem:s30], [sflag:$0x4], $0x40, s8, s17, $0xb8;
	[tilespmem:$0x16600] =	vst v63  }
0xd5: {  	_ =	swait.ge [sflag:s9], $0x2000  }
0xd6: {  	[sflag:s9] =	ssyncset.done $0x0  }
0xd7: {  	[sflag:s9] =	ssyncadd.s32 $0xFFFFE000  }
0xd8: {  	_ =	swait.ge [sflag:s9], $0x2000  }
0xd9: {  	[sflag:s9] =	ssyncset.done $0x0  }
0xda: {  	[sflag:s9] =	ssyncadd.s32 $0xFFFFE000  }
0xdb: {  	_ =	swait.ge [sflag:s9], $0x2000  }
0xdc: {  	[sflag:s9] =	ssyncset.done $0x0  }
0xdd: {  	[sflag:s9] =	ssyncadd.s32 $0xFFFFE000  }
0xde: {  	_ =	swait.ge [sflag:s9], $0x2000  }
0xdf: {  	[sflag:s9] =	ssyncset.done $0x0  }
0xe0: {  	[sflag:s9] =	ssyncadd.s32 $0xFFFFE000  }
0xe1: {  	_ =	swait.ge [sflag:s9], $0x2000  }
0xe2: {  	[sflag:s9] =	ssyncset.done $0x0  }
0xe3: {  	[sflag:s9] =	ssyncadd.s32 $0xFFFFE000  }
0xe4: {  	_ =	swait.ge [sflag:s9], $0x2000  }
0xe5: {  	s14 =	simm.s32 $0xC0;
	s11 =	simm.s32 $0x60;
	[sflag:s9] =	ssyncset.done $0x0  }
.LBB2_3:
0xe6: {  	s23 =	sadd.s32 s11, s12  }
0xe7: {  	[sflag:s9] =	ssyncadd.s32 $0xFFFFE000;
	s29 =	smov.u32 s14;
	s10 =	sadd.s32 $0x60, s14  }
0xe8: {  	[tilespmem:s3], [sflag:$0x5] =	stream.linear.gather [hbm4b:s23+s3], $0x100, $0x38;
	[tilespmem:$0x16600] =	vst v63  }
0xe9: {  	p6 =	sne.s32 s14, $0x960;
	_ =	swait.ge [sflag:s15], $0x100  }
0xea: {  	[sflag:s15] =	ssyncset.done $0x0  }
0xeb: {  	s14 =	sadd.s32 s11, s13;
	s11 =	smov.u32 s29;
	[sflag:s15] =	ssyncadd.s32 $0xFFFFFF00  }
0xec: {  	[tilespmem:s16], [sflag:$0x5] =	stream.linear.gather [hbm4b:s14+s3], $0x100, $0x38;
	[tilespmem:$0x16600] =	vst v63  }
0xed: {  	_ =	swait.ge [sflag:s15], $0x100  }
0xee: {  	[sflag:s15] =	ssyncset.done $0x0  }
0xef: {  	[sflag:s15] =	ssyncadd.s32 $0xFFFFFF00  }
0xf0: {  	[tilespmem:s18], [sflag:$0x1] =	stream.indirect.gather [hbm4b:s4+s17], $0x40, s3, s17, $0xb8;
	[tilespmem:$0x16600] =	vst v63  }
0xf1: {  	_ = 	snop  }
0xf2: {  	[tilespmem:s19], [sflag:$0x1] =	stream.indirect.gather [hbm4b:s4+s17], $0x40, s17, s17, $0xb8;
	[tilespmem:$0x16600] =	vst v63  }
0xf3: {  	s29 =	sadd.s32 $0x20, s23  }
0xf4: {  	[tilespmem:s20], [sflag:$0x5] =	stream.linear.gather [hbm4b:s29+s3], $0x100, $0x38;
	[tilespmem:$0x16600] =	vst v63  }
0xf5: {  	_ =	swait.ge [sflag:s15], $0x100  }
0xf6: {  	[sflag:s15] =	ssyncset.done $0x0  }
0xf7: {  	s29 =	sadd.s32 $0x20, s14;
	[sflag:s15] =	ssyncadd.s32 $0xFFFFFF00  }
0xf8: {  	[tilespmem:s21], [sflag:$0x5] =	stream.linear.gather [hbm4b:s29+s3], $0x100, $0x38;
	[tilespmem:$0x16600] =	vst v63  }
0xf9: {  	s29 =	simm.s32 $0x180  }
0xfa: {  	_ =	swait.ge [sflag:s15], $0x100  }
0xfb: {  	[sflag:s15] =	ssyncset.done $0x0  }
0xfc: {  	[sflag:s15] =	ssyncadd.s32 $0xFFFFFF00  }
0xfd: {  	[tilespmem:s22], [sflag:$0x2] =	stream.indirect.gather [hbm4b:s4+s17], $0x40, s20, s17, $0xb8;
	[tilespmem:$0x16600] =	vst v63  }
0xfe: {  	_ = 	snop  }
0xff: {  	[tilespmem:s24], [sflag:$0x2] =	stream.indirect.gather [hbm4b:s4+s17], $0x40, s29, s17, $0xb8;
	[tilespmem:$0x16600] =	vst v63  }
0x100: {  	s23 =	sadd.s32 $0x40, s23  }
0x101: {  	[tilespmem:s25], [sflag:$0x5] =	stream.linear.gather [hbm4b:s23+s3], $0x100, $0x38;
	[tilespmem:$0x16600] =	vst v63  }
0x102: {  	s23 =	simm.s32 $0x280  }
0x103: {  	_ =	swait.ge [sflag:s15], $0x100  }
0x104: {  	[sflag:s15] =	ssyncset.done $0x0  }
0x105: {  	s14 =	sadd.s32 $0x40, s14;
	[sflag:s15] =	ssyncadd.s32 $0xFFFFFF00  }
0x106: {  	[tilespmem:s26], [sflag:$0x5] =	stream.linear.gather [hbm4b:s14+s3], $0x100, $0x38;
	[tilespmem:$0x16600] =	vst v63  }
0x107: {  	_ =	swait.ge [sflag:s15], $0x100  }
0x108: {  	[sflag:s15] =	ssyncset.done $0x0  }
0x109: {  	[sflag:s15] =	ssyncadd.s32 $0xFFFFFF00  }
0x10a: {  	[tilespmem:s28], [sflag:$0x3] =	stream.indirect.gather [hbm4b:s4+s17], $0x40, s25, s17, $0xb8;
	[tilespmem:$0x16600] =	vst v63  }
0x10b: {  	_ = 	snop  }
0x10c: {  	[tilespmem:s30], [sflag:$0x3] =	stream.indirect.gather [hbm4b:s4+s17], $0x40, s23, s17, $0xb8;
	[tilespmem:$0x16600] =	vst v63  }
0x10d: {  	_ =	swait.ge [sflag:s31], $0x2000  }
0x10e: {  	[sflag:s31] =	ssyncset.done $0x0  }
0x10f: {  	[sflag:s31] =	ssyncadd.s32 $0xFFFFE000  }
0x110: {  	_ =	swait.ge [sflag:s31], $0x2000  }
0x111: {  	[sflag:s31] =	ssyncset.done $0x0  }
0x112: {  	[sflag:s31] =	ssyncadd.s32 $0xFFFFE000  }
0x113: {  	[spmem:s2] =	stream.indirect.scatter.add.f32 [tilespmem:s18], [sflag:$0x4], $0x40, s16, s17, $0xb8;
	[tilespmem:$0x16600] =	vst v63  }
0x114: {  	_ = 	snop  }
0x115: {  	[spmem:s2] =	stream.indirect.scatter.add.f32 [tilespmem:s19], [sflag:$0x4], $0x40, s0, s17, $0xb8;
	[tilespmem:$0x16600] =	vst v63  }
0x116: {  	_ =	swait.ge [sflag:s1], $0x2000  }
0x117: {  	[sflag:s1] =	ssyncset.done $0x0  }
0x118: {  	[sflag:s1] =	ssyncadd.s32 $0xFFFFE000  }
0x119: {  	_ =	swait.ge [sflag:s1], $0x2000  }
0x11a: {  	[sflag:s1] =	ssyncset.done $0x0  }
0x11b: {  	[sflag:s1] =	ssyncadd.s32 $0xFFFFE000  }
0x11c: {  	[spmem:s2] =	stream.indirect.scatter.add.f32 [tilespmem:s22], [sflag:$0x4], $0x40, s21, s17, $0xb8;
	[tilespmem:$0x16600] =	vst v63  }
0x11d: {  	_ = 	snop  }
0x11e: {  	[spmem:s2] =	stream.indirect.scatter.add.f32 [tilespmem:s24], [sflag:$0x4], $0x40, s5, s17, $0xb8;
	[tilespmem:$0x16600] =	vst v63  }
0x11f: {  	_ =	swait.ge [sflag:s7], $0x2000  }
0x120: {  	[sflag:s7] =	ssyncset.done $0x0  }
0x121: {  	[sflag:s7] =	ssyncadd.s32 $0xFFFFE000  }
0x122: {  	_ =	swait.ge [sflag:s7], $0x2000  }
0x123: {  	[sflag:s7] =	ssyncset.done $0x0  }
0x124: {  	[sflag:s7] =	ssyncadd.s32 $0xFFFFE000  }
0x125: {  	[spmem:s2] =	stream.indirect.scatter.add.f32 [tilespmem:s28], [sflag:$0x4], $0x40, s26, s17, $0xb8;
	[tilespmem:$0x16600] =	vst v63  }
0x126: {  	_ = 	snop  }
0x127: {  	[spmem:s2] =	stream.indirect.scatter.add.f32 [tilespmem:s30], [sflag:$0x4], $0x40, s8, s17, $0xb8;
	[tilespmem:$0x16600] =	vst v63  }
0x128: {  	_ =	swait.ge [sflag:s9], $0x2000  }
0x129: {  	[sflag:s9] =	ssyncset.done $0x0  }
0x12a: {  	[sflag:s9] =	ssyncadd.s32 $0xFFFFE000  }
0x12b: {  	_ =	swait.ge [sflag:s9], $0x2000  }
0x12c: {  	[sflag:s9] =	ssyncset.done $0x0  }
0x12d: {  	[sflag:s9] =	ssyncadd.s32 $0xFFFFE000  }
0x12e: {  	_ =	swait.ge [sflag:s9], $0x2000  }
0x12f: {  	[sflag:s9] =	ssyncset.done $0x0  }
0x130: {  	[sflag:s9] =	ssyncadd.s32 $0xFFFFE000  }
0x131: {  	_ =	swait.ge [sflag:s9], $0x2000  }
0x132: {  	[sflag:s9] =	ssyncset.done $0x0  }
0x133: {  	[sflag:s9] =	ssyncadd.s32 $0xFFFFE000  }
.Ltmp3:
0x134: {  	_ =	swait.ge [sflag:s9], $0x2000;
	(pc) =	sbr.rel @p6 .LBB2_3-.Ltmp3, $4  }
0x135: {  	[sflag:s9] =	ssyncset.done $0x0  }
0x136: {  	[sflag:s9] =	ssyncadd.s32 $0xFFFFE000  }
0x137: {  	_ =	swait.ge [sflag:s9], $0x2000  }
0x138: {  	s14 =	smov.u32 s10;
	[sflag:s9] =	ssyncset.done $0x0  }
0x139: {  	s10 =	sadd.s32 s11, s12;
	[sflag:s9] =	ssyncadd.s32 $0xFFFFE000  }
0x13a: {  	[tilespmem:s3], [sflag:$0x5] =	stream.linear.gather [hbm4b:s10+s3], $0x100, $0x38;
	[tilespmem:$0x16600] =	vst v63  }
0x13b: {  	_ =	swait.ge [sflag:s15], $0x100  }
0x13c: {  	[sflag:s15] =	ssyncset.done $0x0  }
0x13d: {  	s11 =	sadd.s32 s11, s13;
	[sflag:s15] =	ssyncadd.s32 $0xFFFFFF00  }
0x13e: {  	[tilespmem:s16], [sflag:$0x5] =	stream.linear.gather [hbm4b:s11+s3], $0x100, $0x38;
	[tilespmem:$0x16600] =	vst v63  }
0x13f: {  	_ =	swait.ge [sflag:s15], $0x100  }
0x140: {  	[sflag:s15] =	ssyncset.done $0x0  }
0x141: {  	[sflag:s15] =	ssyncadd.s32 $0xFFFFFF00  }
0x142: {  	[tilespmem:s18], [sflag:$0x1] =	stream.indirect.gather [hbm4b:s4+s17], $0x40, s3, s17, $0xb8;
	[tilespmem:$0x16600] =	vst v63  }
0x143: {  	_ = 	snop  }
0x144: {  	[tilespmem:s19], [sflag:$0x1] =	stream.indirect.gather [hbm4b:s4+s17], $0x40, s17, s17, $0xb8;
	[tilespmem:$0x16600] =	vst v63  }
0x145: {  	s14 =	sadd.s32 $0x20, s10  }
0x146: {  	[tilespmem:s20], [sflag:$0x5] =	stream.linear.gather [hbm4b:s14+s3], $0x100, $0x38;
	[tilespmem:$0x16600] =	vst v63  }
0x147: {  	_ =	swait.ge [sflag:s15], $0x100  }
0x148: {  	[sflag:s15] =	ssyncset.done $0x0  }
0x149: {  	s14 =	sadd.s32 $0x20, s11;
	[sflag:s15] =	ssyncadd.s32 $0xFFFFFF00  }
0x14a: {  	[tilespmem:s21], [sflag:$0x5] =	stream.linear.gather [hbm4b:s14+s3], $0x100, $0x38;
	[tilespmem:$0x16600] =	vst v63  }
0x14b: {  	_ =	swait.ge [sflag:s15], $0x100  }
0x14c: {  	[sflag:s15] =	ssyncset.done $0x0  }
0x14d: {  	[sflag:s15] =	ssyncadd.s32 $0xFFFFFF00  }
0x14e: {  	[tilespmem:s22], [sflag:$0x2] =	stream.indirect.gather [hbm4b:s4+s17], $0x40, s20, s17, $0xb8;
	[tilespmem:$0x16600] =	vst v63  }
0x14f: {  	_ = 	snop  }
0x150: {  	[tilespmem:s24], [sflag:$0x2] =	stream.indirect.gather [hbm4b:s4+s17], $0x40, s29, s17, $0xb8;
	[tilespmem:$0x16600] =	vst v63  }
0x151: {  	s10 =	sadd.s32 $0x40, s10  }
0x152: {  	[tilespmem:s25], [sflag:$0x5] =	stream.linear.gather [hbm4b:s10+s3], $0x100, $0x38;
	[tilespmem:$0x16600] =	vst v63  }
0x153: {  	_ =	swait.ge [sflag:s15], $0x100  }
0x154: {  	[sflag:s15] =	ssyncset.done $0x0  }
0x155: {  	s29 =	sadd.s32 $0x40, s11;
	[sflag:s15] =	ssyncadd.s32 $0xFFFFFF00  }
0x156: {  	[tilespmem:s26], [sflag:$0x5] =	stream.linear.gather [hbm4b:s29+s3], $0x100, $0x38;
	[tilespmem:$0x16600] =	vst v63  }
0x157: {  	_ =	swait.ge [sflag:s15], $0x100  }
0x158: {  	[sflag:s15] =	ssyncset.done $0x0  }
0x159: {  	[sflag:s15] =	ssyncadd.s32 $0xFFFFFF00  }
0x15a: {  	[tilespmem:s28], [sflag:$0x3] =	stream.indirect.gather [hbm4b:s4+s17], $0x40, s25, s17, $0xb8;
	[tilespmem:$0x16600] =	vst v63  }
0x15b: {  	_ = 	snop  }
0x15c: {  	[tilespmem:s30], [sflag:$0x3] =	stream.indirect.gather [hbm4b:s4+s17], $0x40, s23, s17, $0xb8;
	[tilespmem:$0x16600] =	vst v63  }
0x15d: {  	_ =	swait.ge [sflag:s31], $0x2000  }
0x15e: {  	[sflag:s31] =	ssyncset.done $0x0  }
0x15f: {  	[sflag:s31] =	ssyncadd.s32 $0xFFFFE000  }
0x160: {  	_ =	swait.ge [sflag:s31], $0x2000  }
0x161: {  	[sflag:s31] =	ssyncset.done $0x0  }
0x162: {  	[sflag:s31] =	ssyncadd.s32 $0xFFFFE000  }
0x163: {  	[spmem:s2] =	stream.indirect.scatter.add.f32 [tilespmem:s18], [sflag:$0x4], $0x40, s16, s17, $0xb8;
	[tilespmem:$0x16600] =	vst v63  }
0x164: {  	_ = 	snop  }
0x165: {  	[spmem:s2] =	stream.indirect.scatter.add.f32 [tilespmem:s19], [sflag:$0x4], $0x40, s0, s17, $0xb8;
	[tilespmem:$0x16600] =	vst v63  }
0x166: {  	_ =	swait.ge [sflag:s1], $0x2000  }
0x167: {  	[sflag:s1] =	ssyncset.done $0x0  }
0x168: {  	[sflag:s1] =	ssyncadd.s32 $0xFFFFE000  }
0x169: {  	_ =	swait.ge [sflag:s1], $0x2000  }
0x16a: {  	[sflag:s1] =	ssyncset.done $0x0  }
0x16b: {  	[sflag:s1] =	ssyncadd.s32 $0xFFFFE000  }
0x16c: {  	[spmem:s2] =	stream.indirect.scatter.add.f32 [tilespmem:s22], [sflag:$0x4], $0x40, s21, s17, $0xb8;
	[tilespmem:$0x16600] =	vst v63  }
0x16d: {  	_ = 	snop  }
0x16e: {  	[spmem:s2] =	stream.indirect.scatter.add.f32 [tilespmem:s24], [sflag:$0x4], $0x40, s5, s17, $0xb8;
	[tilespmem:$0x16600] =	vst v63  }
0x16f: {  	_ =	swait.ge [sflag:s7], $0x2000  }
0x170: {  	[sflag:s7] =	ssyncset.done $0x0  }
0x171: {  	[sflag:s7] =	ssyncadd.s32 $0xFFFFE000  }
0x172: {  	_ =	swait.ge [sflag:s7], $0x2000  }
0x173: {  	[sflag:s7] =	ssyncset.done $0x0  }
0x174: {  	[sflag:s7] =	ssyncadd.s32 $0xFFFFE000  }
0x175: {  	[spmem:s2] =	stream.indirect.scatter.add.f32 [tilespmem:s28], [sflag:$0x4], $0x40, s26, s17, $0xb8;
	[tilespmem:$0x16600] =	vst v63  }
0x176: {  	_ = 	snop  }
0x177: {  	[spmem:s2] =	stream.indirect.scatter.add.f32 [tilespmem:s30], [sflag:$0x4], $0x40, s8, s17, $0xb8;
	[tilespmem:$0x16600] =	vst v63  }
0x178: {  	_ =	swait.ge [sflag:s9], $0x2000  }
0x179: {  	[sflag:s9] =	ssyncset.done $0x0  }
0x17a: {  	[sflag:s9] =	ssyncadd.s32 $0xFFFFE000  }
0x17b: {  	_ =	swait.ge [sflag:s9], $0x2000  }
0x17c: {  	[sflag:s9] =	ssyncset.done $0x0  }
0x17d: {  	[sflag:s9] =	ssyncadd.s32 $0xFFFFE000  }
0x17e: {  	_ =	swait.ge [sflag:s9], $0x2000  }
0x17f: {  	[sflag:s9] =	ssyncset.done $0x0  }
0x180: {  	[sflag:s9] =	ssyncadd.s32 $0xFFFFE000  }
0x181: {  	_ =	swait.ge [sflag:s9], $0x2000  }
0x182: {  	[sflag:s9] =	ssyncset.done $0x0  }
0x183: {  	[sflag:s9] =	ssyncadd.s32 $0xFFFFE000  }
0x184: {  	_ =	swait.ge [sflag:s9], $0x2000  }
0x185: {  	[sflag:s9] =	ssyncset.done $0x0  }
0x186: {  	[sflag:s9] =	ssyncadd.s32 $0xFFFFE000  }
0x187: {  	_ =	swait.ge [sflag:s9], $0x2000  }
0x188: {  	[sflag:s9] =	ssyncset.done $0x0  }
0x189: {  	s10 =	simm.s32 @!p5 $0x0;
	s11 =	rddreg [dreg:$0x6];
	[sflag:s9] =	ssyncadd.s32 $0xFFFFE000  }
0x18a: {  	[tilespmem:s10], [sflag:$0x5] =	stream.linear.gather @!p5 [hbm4b:s11+s10], $0x80, $0x38;
	[tilespmem:$0x16600] =	vst v63  }
0x18b: {  	s11 =	simm.s32 @!p5 $0x5  }
0x18c: {  	_ =	swait.ge @!p5 [sflag:s11], $0x80  }
0x18d: {  	[sflag:s11] =	ssyncset.done @!p5 $0x0  }
0x18e: {  	s14 =	simm.s32 @!p5 $0x300;
	s23 =	rddreg [dreg:$0x7];
	[sflag:s11] =	ssyncadd.s32 @!p5 $0xFFFFFF80  }
0x18f: {  	[tilespmem:s14], [sflag:$0x5] =	stream.linear.gather @!p5 [hbm4b:s23+s10], $0x80, $0x38;
	[tilespmem:$0x16600] =	vst v63  }
0x190: {  	_ =	swait.ge @!p5 [sflag:s11], $0x80  }
0x191: {  	[sflag:s11] =	ssyncset.done @!p5 $0x0  }
0x192: {  	s29 =	simm.s32 @!p5 $0x600;
	s23 =	simm.s32 @!p5 $0x80;
	[sflag:s11] =	ssyncadd.s32 @!p5 $0xFFFFFF80  }
0x193: {  	[tilespmem:s29], [sflag:$0x1] =	stream.indirect.gather @!p5 [hbm4b:s4+s23], $0x40, s10, s23, $0xb8;
	[tilespmem:$0x16600] =	vst v63  }
0x194: {  	s10 =	simm.s32 @!p5 $0x1  }
0x195: {  	_ =	swait.ge @!p5 [sflag:s10], $0x2000  }
0x196: {  	[sflag:s10] =	ssyncset.done @!p5 $0x0  }
0x197: {  	[sflag:s10] =	ssyncadd.s32 @!p5 $0xFFFFE000  }
0x198: {  	[spmem:s2] =	stream.indirect.scatter.add.f32 @!p5 [tilespmem:s29], [sflag:$0x5], $0x40, s14, s23, $0xb8;
	[tilespmem:$0x16600] =	vst v63  }
0x199: {  	_ =	swait.ge @!p5 [sflag:s11], $0x2000  }
0x19a: {  	[sflag:s11] =	ssyncset.done @!p5 $0x0  }
0x19b: {  	s23 =	simm.s32 $0x180;
	[sflag:s11] =	ssyncadd.s32 @!p5 $0xFFFFE000  }
.LBB2_5:
.Ltmp4:
0x19c: {  	(pc) =	sbr.rel @!p0 .LBB2_9-.Ltmp4, $2  }
0x19d: {  	_ =	sdelay $0x2  }
0x19e: {  	s29 =	rddreg [dreg:$0xa]  }
0x19f: {  	s10 =	sadd.s32 $0x0, s12  }
0x1a0: {  	[tilespmem:s3], [sflag:$0x5] =	stream.linear.gather [hbm4b:s10+s3], $0x100, $0x38;
	[tilespmem:$0x16600] =	vst v63  }
0x1a1: {  	_ =	swait.ge [sflag:s15], $0x100  }
0x1a2: {  	[sflag:s15] =	ssyncset.done $0x0  }
0x1a3: {  	s11 =	sadd.s32 $0x0, s13;
	[sflag:s15] =	ssyncadd.s32 $0xFFFFFF00  }
0x1a4: {  	[tilespmem:s16], [sflag:$0x5] =	stream.linear.gather [hbm4b:s11+s3], $0x100, $0x38;
	[tilespmem:$0x16600] =	vst v63  }
0x1a5: {  	_ =	swait.ge [sflag:s15], $0x100  }
0x1a6: {  	[sflag:s15] =	ssyncset.done $0x0  }
0x1a7: {  	[sflag:s15] =	ssyncadd.s32 $0xFFFFFF00  }
0x1a8: {  	[tilespmem:s18], [sflag:$0x1] =	stream.indirect.gather [hbm4b:s6+s17], $0x40, s3, s17, $0xb8;
	[tilespmem:$0x16600] =	vst v63  }
0x1a9: {  	_ = 	snop  }
0x1aa: {  	[tilespmem:s19], [sflag:$0x1] =	stream.indirect.gather [hbm4b:s6+s17], $0x40, s17, s17, $0xb8;
	[tilespmem:$0x16600] =	vst v63  }
0x1ab: {  	s14 =	sadd.s32 $0x20, s10  }
0x1ac: {  	[tilespmem:s20], [sflag:$0x5] =	stream.linear.gather [hbm4b:s14+s3], $0x100, $0x38;
	[tilespmem:$0x16600] =	vst v63  }
0x1ad: {  	_ =	swait.ge [sflag:s15], $0x100  }
0x1ae: {  	[sflag:s15] =	ssyncset.done $0x0  }
0x1af: {  	s29 =	sadd.s32 $0x20, s11;
	[sflag:s15] =	ssyncadd.s32 $0xFFFFFF00  }
0x1b0: {  	[tilespmem:s21], [sflag:$0x5] =	stream.linear.gather [hbm4b:s29+s3], $0x100, $0x38;
	[tilespmem:$0x16600] =	vst v63  }
0x1b1: {  	_ =	swait.ge [sflag:s15], $0x100  }
0x1b2: {  	[sflag:s15] =	ssyncset.done $0x0  }
0x1b3: {  	[sflag:s15] =	ssyncadd.s32 $0xFFFFFF00  }
0x1b4: {  	[tilespmem:s22], [sflag:$0x2] =	stream.indirect.gather [hbm4b:s6+s17], $0x40, s20, s17, $0xb8;
	[tilespmem:$0x16600] =	vst v63  }
0x1b5: {  	_ = 	snop  }
0x1b6: {  	[tilespmem:s24], [sflag:$0x2] =	stream.indirect.gather [hbm4b:s6+s17], $0x40, s23, s17, $0xb8;
	[tilespmem:$0x16600] =	vst v63  }
0x1b7: {  	s10 =	sadd.s32 $0x40, s10  }
0x1b8: {  	[tilespmem:s25], [sflag:$0x5] =	stream.linear.gather [hbm4b:s10+s3], $0x100, $0x38;
	[tilespmem:$0x16600] =	vst v63  }
0x1b9: {  	_ =	swait.ge [sflag:s15], $0x100  }
0x1ba: {  	[sflag:s15] =	ssyncset.done $0x0  }
0x1bb: {  	s23 =	sadd.s32 $0x40, s11;
	[sflag:s15] =	ssyncadd.s32 $0xFFFFFF00  }
0x1bc: {  	[tilespmem:s26], [sflag:$0x5] =	stream.linear.gather [hbm4b:s23+s3], $0x100, $0x38;
	[tilespmem:$0x16600] =	vst v63  }
0x1bd: {  	_ =	swait.ge [sflag:s15], $0x100  }
0x1be: {  	[sflag:s15] =	ssyncset.done $0x0  }
0x1bf: {  	[sflag:s15] =	ssyncadd.s32 $0xFFFFFF00  }
0x1c0: {  	[tilespmem:s28], [sflag:$0x3] =	stream.indirect.gather [hbm4b:s6+s17], $0x40, s25, s17, $0xb8;
	[tilespmem:$0x16600] =	vst v63  }
0x1c1: {  	s29 =	simm.s32 $0x280  }
0x1c2: {  	[tilespmem:s30], [sflag:$0x3] =	stream.indirect.gather [hbm4b:s6+s17], $0x40, s29, s17, $0xb8;
	[tilespmem:$0x16600] =	vst v63  }
0x1c3: {  	_ =	swait.ge [sflag:s31], $0x2000  }
0x1c4: {  	[sflag:s31] =	ssyncset.done $0x0  }
0x1c5: {  	[sflag:s31] =	ssyncadd.s32 $0xFFFFE000  }
0x1c6: {  	_ =	swait.ge [sflag:s31], $0x2000  }
0x1c7: {  	[sflag:s31] =	ssyncset.done $0x0  }
0x1c8: {  	[sflag:s31] =	ssyncadd.s32 $0xFFFFE000  }
0x1c9: {  	[spmem:s2] =	stream.indirect.scatter.add.f32 [tilespmem:s18], [sflag:$0x4], $0x40, s16, s17, $0xb8;
	[tilespmem:$0x16600] =	vst v63  }
0x1ca: {  	_ = 	snop  }
0x1cb: {  	[spmem:s2] =	stream.indirect.scatter.add.f32 [tilespmem:s19], [sflag:$0x4], $0x40, s0, s17, $0xb8;
	[tilespmem:$0x16600] =	vst v63  }
0x1cc: {  	_ =	swait.ge [sflag:s1], $0x2000  }
0x1cd: {  	[sflag:s1] =	ssyncset.done $0x0  }
0x1ce: {  	[sflag:s1] =	ssyncadd.s32 $0xFFFFE000  }
0x1cf: {  	_ =	swait.ge [sflag:s1], $0x2000  }
0x1d0: {  	[sflag:s1] =	ssyncset.done $0x0  }
0x1d1: {  	[sflag:s1] =	ssyncadd.s32 $0xFFFFE000  }
0x1d2: {  	[spmem:s2] =	stream.indirect.scatter.add.f32 [tilespmem:s22], [sflag:$0x4], $0x40, s21, s17, $0xb8;
	[tilespmem:$0x16600] =	vst v63  }
0x1d3: {  	_ = 	snop  }
0x1d4: {  	[spmem:s2] =	stream.indirect.scatter.add.f32 [tilespmem:s24], [sflag:$0x4], $0x40, s5, s17, $0xb8;
	[tilespmem:$0x16600] =	vst v63  }
0x1d5: {  	_ =	swait.ge [sflag:s7], $0x2000  }
0x1d6: {  	[sflag:s7] =	ssyncset.done $0x0  }
0x1d7: {  	[sflag:s7] =	ssyncadd.s32 $0xFFFFE000  }
0x1d8: {  	_ =	swait.ge [sflag:s7], $0x2000  }
0x1d9: {  	[sflag:s7] =	ssyncset.done $0x0  }
0x1da: {  	[sflag:s7] =	ssyncadd.s32 $0xFFFFE000  }
0x1db: {  	[spmem:s2] =	stream.indirect.scatter.add.f32 [tilespmem:s28], [sflag:$0x4], $0x40, s26, s17, $0xb8;
	[tilespmem:$0x16600] =	vst v63  }
0x1dc: {  	_ = 	snop  }
0x1dd: {  	[spmem:s2] =	stream.indirect.scatter.add.f32 [tilespmem:s30], [sflag:$0x4], $0x40, s8, s17, $0xb8;
	[tilespmem:$0x16600] =	vst v63  }
0x1de: {  	_ =	swait.ge [sflag:s9], $0x2000  }
0x1df: {  	[sflag:s9] =	ssyncset.done $0x0  }
0x1e0: {  	[sflag:s9] =	ssyncadd.s32 $0xFFFFE000  }
0x1e1: {  	_ =	swait.ge [sflag:s9], $0x2000  }
0x1e2: {  	[sflag:s9] =	ssyncset.done $0x0  }
0x1e3: {  	[sflag:s9] =	ssyncadd.s32 $0xFFFFE000  }
0x1e4: {  	_ =	swait.ge [sflag:s9], $0x2000  }
0x1e5: {  	[sflag:s9] =	ssyncset.done $0x0  }
0x1e6: {  	[sflag:s9] =	ssyncadd.s32 $0xFFFFE000  }
0x1e7: {  	_ =	swait.ge [sflag:s9], $0x2000  }
0x1e8: {  	[sflag:s9] =	ssyncset.done $0x0  }
0x1e9: {  	[sflag:s9] =	ssyncadd.s32 $0xFFFFE000  }
0x1ea: {  	_ =	swait.ge [sflag:s9], $0x2000  }
0x1eb: {  	[sflag:s9] =	ssyncset.done $0x0  }
0x1ec: {  	[sflag:s9] =	ssyncadd.s32 $0xFFFFE000  }
0x1ed: {  	_ =	swait.ge [sflag:s9], $0x2000  }
0x1ee: {  	s11 =	simm.s32 $0x60;
	s10 =	simm.s32 $0xC0;
	[sflag:s9] =	ssyncset.done $0x0  }
.LBB2_7:
0x1ef: {  	s23 =	sadd.s32 s11, s12  }
0x1f0: {  	[sflag:s9] =	ssyncadd.s32 $0xFFFFE000;
	s29 =	smov.u32 s10;
	s14 =	sadd.s32 $0x60, s10  }
0x1f1: {  	[tilespmem:s3], [sflag:$0x5] =	stream.linear.gather [hbm4b:s23+s3], $0x100, $0x38;
	[tilespmem:$0x16600] =	vst v63  }
0x1f2: {  	p6 =	sne.s32 s10, $0x960;
	_ =	swait.ge [sflag:s15], $0x100  }
0x1f3: {  	[sflag:s15] =	ssyncset.done $0x0  }
0x1f4: {  	s10 =	sadd.s32 s11, s13;
	s11 =	smov.u32 s29;
	[sflag:s15] =	ssyncadd.s32 $0xFFFFFF00  }
0x1f5: {  	[tilespmem:s16], [sflag:$0x5] =	stream.linear.gather [hbm4b:s10+s3], $0x100, $0x38;
	[tilespmem:$0x16600] =	vst v63  }
0x1f6: {  	_ =	swait.ge [sflag:s15], $0x100  }
0x1f7: {  	[sflag:s15] =	ssyncset.done $0x0  }
0x1f8: {  	[sflag:s15] =	ssyncadd.s32 $0xFFFFFF00  }
0x1f9: {  	[tilespmem:s18], [sflag:$0x1] =	stream.indirect.gather [hbm4b:s6+s17], $0x40, s3, s17, $0xb8;
	[tilespmem:$0x16600] =	vst v63  }
0x1fa: {  	_ = 	snop  }
0x1fb: {  	[tilespmem:s19], [sflag:$0x1] =	stream.indirect.gather [hbm4b:s6+s17], $0x40, s17, s17, $0xb8;
	[tilespmem:$0x16600] =	vst v63  }
0x1fc: {  	s29 =	sadd.s32 $0x20, s23  }
0x1fd: {  	[tilespmem:s20], [sflag:$0x5] =	stream.linear.gather [hbm4b:s29+s3], $0x100, $0x38;
	[tilespmem:$0x16600] =	vst v63  }
0x1fe: {  	_ =	swait.ge [sflag:s15], $0x100  }
0x1ff: {  	[sflag:s15] =	ssyncset.done $0x0  }
0x200: {  	s29 =	sadd.s32 $0x20, s10;
	[sflag:s15] =	ssyncadd.s32 $0xFFFFFF00  }
0x201: {  	[tilespmem:s21], [sflag:$0x5] =	stream.linear.gather [hbm4b:s29+s3], $0x100, $0x38;
	[tilespmem:$0x16600] =	vst v63  }
0x202: {  	s29 =	simm.s32 $0x180  }
0x203: {  	_ =	swait.ge [sflag:s15], $0x100  }
0x204: {  	[sflag:s15] =	ssyncset.done $0x0  }
0x205: {  	[sflag:s15] =	ssyncadd.s32 $0xFFFFFF00  }
0x206: {  	[tilespmem:s22], [sflag:$0x2] =	stream.indirect.gather [hbm4b:s6+s17], $0x40, s20, s17, $0xb8;
	[tilespmem:$0x16600] =	vst v63  }
0x207: {  	_ = 	snop  }
0x208: {  	[tilespmem:s24], [sflag:$0x2] =	stream.indirect.gather [hbm4b:s6+s17], $0x40, s29, s17, $0xb8;
	[tilespmem:$0x16600] =	vst v63  }
0x209: {  	s23 =	sadd.s32 $0x40, s23  }
0x20a: {  	[tilespmem:s25], [sflag:$0x5] =	stream.linear.gather [hbm4b:s23+s3], $0x100, $0x38;
	[tilespmem:$0x16600] =	vst v63  }
0x20b: {  	s23 =	simm.s32 $0x280  }
0x20c: {  	_ =	swait.ge [sflag:s15], $0x100  }
0x20d: {  	[sflag:s15] =	ssyncset.done $0x0  }
0x20e: {  	s10 =	sadd.s32 $0x40, s10;
	[sflag:s15] =	ssyncadd.s32 $0xFFFFFF00  }
0x20f: {  	[tilespmem:s26], [sflag:$0x5] =	stream.linear.gather [hbm4b:s10+s3], $0x100, $0x38;
	[tilespmem:$0x16600] =	vst v63  }
0x210: {  	_ =	swait.ge [sflag:s15], $0x100  }
0x211: {  	[sflag:s15] =	ssyncset.done $0x0  }
0x212: {  	[sflag:s15] =	ssyncadd.s32 $0xFFFFFF00  }
0x213: {  	[tilespmem:s28], [sflag:$0x3] =	stream.indirect.gather [hbm4b:s6+s17], $0x40, s25, s17, $0xb8;
	[tilespmem:$0x16600] =	vst v63  }
0x214: {  	_ = 	snop  }
0x215: {  	[tilespmem:s30], [sflag:$0x3] =	stream.indirect.gather [hbm4b:s6+s17], $0x40, s23, s17, $0xb8;
	[tilespmem:$0x16600] =	vst v63  }
0x216: {  	_ =	swait.ge [sflag:s31], $0x2000  }
0x217: {  	[sflag:s31] =	ssyncset.done $0x0  }
0x218: {  	[sflag:s31] =	ssyncadd.s32 $0xFFFFE000  }
0x219: {  	_ =	swait.ge [sflag:s31], $0x2000  }
0x21a: {  	[sflag:s31] =	ssyncset.done $0x0  }
0x21b: {  	[sflag:s31] =	ssyncadd.s32 $0xFFFFE000  }
0x21c: {  	[spmem:s2] =	stream.indirect.scatter.add.f32 [tilespmem:s18], [sflag:$0x4], $0x40, s16, s17, $0xb8;
	[tilespmem:$0x16600] =	vst v63  }
0x21d: {  	_ = 	snop  }
0x21e: {  	[spmem:s2] =	stream.indirect.scatter.add.f32 [tilespmem:s19], [sflag:$0x4], $0x40, s0, s17, $0xb8;
	[tilespmem:$0x16600] =	vst v63  }
0x21f: {  	_ =	swait.ge [sflag:s1], $0x2000  }
0x220: {  	[sflag:s1] =	ssyncset.done $0x0  }
0x221: {  	[sflag:s1] =	ssyncadd.s32 $0xFFFFE000  }
0x222: {  	_ =	swait.ge [sflag:s1], $0x2000  }
0x223: {  	[sflag:s1] =	ssyncset.done $0x0  }
0x224: {  	[sflag:s1] =	ssyncadd.s32 $0xFFFFE000  }
0x225: {  	[spmem:s2] =	stream.indirect.scatter.add.f32 [tilespmem:s22], [sflag:$0x4], $0x40, s21, s17, $0xb8;
	[tilespmem:$0x16600] =	vst v63  }
0x226: {  	_ = 	snop  }
0x227: {  	[spmem:s2] =	stream.indirect.scatter.add.f32 [tilespmem:s24], [sflag:$0x4], $0x40, s5, s17, $0xb8;
	[tilespmem:$0x16600] =	vst v63  }
0x228: {  	_ =	swait.ge [sflag:s7], $0x2000  }
0x229: {  	[sflag:s7] =	ssyncset.done $0x0  }
0x22a: {  	[sflag:s7] =	ssyncadd.s32 $0xFFFFE000  }
0x22b: {  	_ =	swait.ge [sflag:s7], $0x2000  }
0x22c: {  	[sflag:s7] =	ssyncset.done $0x0  }
0x22d: {  	[sflag:s7] =	ssyncadd.s32 $0xFFFFE000  }
0x22e: {  	[spmem:s2] =	stream.indirect.scatter.add.f32 [tilespmem:s28], [sflag:$0x4], $0x40, s26, s17, $0xb8;
	[tilespmem:$0x16600] =	vst v63  }
0x22f: {  	_ = 	snop  }
0x230: {  	[spmem:s2] =	stream.indirect.scatter.add.f32 [tilespmem:s30], [sflag:$0x4], $0x40, s8, s17, $0xb8;
	[tilespmem:$0x16600] =	vst v63  }
0x231: {  	_ =	swait.ge [sflag:s9], $0x2000  }
0x232: {  	[sflag:s9] =	ssyncset.done $0x0  }
0x233: {  	[sflag:s9] =	ssyncadd.s32 $0xFFFFE000  }
0x234: {  	_ =	swait.ge [sflag:s9], $0x2000  }
0x235: {  	[sflag:s9] =	ssyncset.done $0x0  }
0x236: {  	[sflag:s9] =	ssyncadd.s32 $0xFFFFE000  }
0x237: {  	_ =	swait.ge [sflag:s9], $0x2000  }
0x238: {  	[sflag:s9] =	ssyncset.done $0x0  }
0x239: {  	[sflag:s9] =	ssyncadd.s32 $0xFFFFE000  }
0x23a: {  	_ =	swait.ge [sflag:s9], $0x2000  }
0x23b: {  	[sflag:s9] =	ssyncset.done $0x0  }
0x23c: {  	[sflag:s9] =	ssyncadd.s32 $0xFFFFE000  }
.Ltmp5:
0x23d: {  	_ =	swait.ge [sflag:s9], $0x2000;
	(pc) =	sbr.rel @p6 .LBB2_7-.Ltmp5, $4  }
0x23e: {  	[sflag:s9] =	ssyncset.done $0x0  }
0x23f: {  	[sflag:s9] =	ssyncadd.s32 $0xFFFFE000  }
0x240: {  	_ =	swait.ge [sflag:s9], $0x2000  }
0x241: {  	s10 =	smov.u32 s14;
	[sflag:s9] =	ssyncset.done $0x0  }
.Ltmp6:
0x242: {  	_ = 	snop;
	(pc) =	sbr.rel .LBB2_8-.Ltmp6, $1  }
0x243: {  	_ =	sdelay $0x3  }
.LBB2_10:
0x244: {  	_ =	sfence.sel $0x180000  }
0x245: {  	[bflag:$0x0] =	sbarrier.arrive $0xFFFF  }
0x246: {  	_ =	strace $0x9000004D  }
0x247: {  	[bflag:$0x2] =	sbarrier.arrive $0xFFFF  }
0x248: {  	s0 =	rddreg [dreg:$0x3]  }
0x249: {  	s0 =	sadd.s32 @!p2 $0x100000, s0  }
0x24a: {  	[sflag:s0] =	ssyncadd.tile.s32 @!p2 $0x1;
	_ =	shalt  }
.Lfunc_end2:
_tile_overlayer_lowered:
.L_overlay_start_2:
0x24b: {  	(tag) =	ssettag $0x2  }
0x24c: {  	s0 =	rddreg [dreg:$0x0];
	s2 =	stileid.u32  }
0x24d: {  	s1 =	rddreg [dreg:$0x1];
	p0 =	sne.s32 s2, $0x0  }
0x24e: {  	s3 =	rddreg [dreg:$0x2];
	[bflag:$0x3] =	sbarrier.arrive $0xFFFF;
	s2 =	simm.s32 @!p0 $0x1C05  }
0x24f: {  	[timem:s3], [sflag:s2] =	dma.local @!p0 [hbm:s0], s1  }
0x250: {  	s0 =	simm.s32 @!p0 $0x5  }
0x251: {  	_ =	swait.ge @!p0 [sflag:s0], s1  }
0x252: {  	s1 =	ssub.s32 @!p0 $0x0, s1;
	[sflag:s0] =	ssyncset.done @!p0 $0x0  }
0x253: {  	[sflag:s0] =	ssyncadd.s32 @!p0 s1  }
0x254: {  	[bflag:$0x3] =	sbarrier.arrive $0xFFFF  }
0x255: {  	_ =	shalt  }

// kernel: kernel.8.cloned.1.call-start
scs
__scs_entry_jumppad:
0x0: {  	(pc) =	sbr.rel $0x88, $3  }
0x1: {  	(tag) =	ssettag $0x0;
	lr =	simm.s32 $0x1  }
0x2: {  	[smem:$0x3F9F] =	sst lr;
	_ =	strace $0xD0000000  }
0x3: {  	_ = 	snop  }
0x4: {  	_ = 	snop  }
0x5: {  	_ = 	snop  }
0x6: {  	_ = 	snop  }
0x7: {  	_ = 	snop  }
__scs_overlays_trampoline_lowered:
0x8: {  	[smem:$0x3FAE] =	sst s0  }
0x9: {  	[smem:$0x3FAF] =	sst s1  }
0xa: {  	[smem:$0x3FB0] =	sst s2  }
0xb: {  	[smem:$0x3FB1] =	sst s3  }
0xc: {  	[smem:$0x3FB2] =	sst s4  }
0xd: {  	[smem:$0x3FB3] =	sst s5  }
0xe: {  	[smem:$0x3FB4] =	sst s6  }
0xf: {  	[smem:$0x3FB5] =	sst s7  }
0x10: {  	[smem:$0x3FB6] =	sst s8  }
0x11: {  	[smem:$0x3FB7] =	sst s9;
	s0 =	simm.s32 @!p0 $0x0  }
0x12: {  	s1 =	sld [smem:$0x3F9D];
	s0 =	simm.s32 @p0 $0x1  }
0x13: {  	[smem:$0x3FB8] =	sst s0;
	s0 =	simm.s32 @!p1 $0x0  }
0x14: {  	s2 =	sld [smem:$0x3F9C];
	s0 =	simm.s32 @p1 $0x1  }
0x15: {  	[smem:$0x3FB9] =	sst s0;
	s0 =	simm.s32 @!p2 $0x0  }
0x16: {  	s3 =	sld [smem:$0x3FDB];
	s0 =	simm.s32 @p2 $0x1  }
0x17: {  	s4 =	simm.s32 $0x1BF5;
	[smem:$0x3FBB] =	sst s0  }
0x18: {  	s0 =	sld [smem:$0x3F9E];
	_ =	swait.ge [sflag:s4], $0x0  }
0x19: {  	s7 =	sld [smem:$0x3F9F]  }
0x1a: {  	s8 =	sadd.s32 $0xFFFFE003, lr  }
0x1b: {  	s9 =	sadd.s32 $0xFFFFFEF7, lr;
	s5 =	simm.s32 $0xFFFFFFFF;
	p2 =	slt.u32 s8, $0xFFFFF086  }
0x1c: {  	p1 =	slt.u32 s9, $0xF7A;
	s5 =	simm.s32 @!p2 $0x0  }
0x1d: {  	s5 =	simm.s32 @p1 $0x1;
	p0 =	seq.s32 s7, s2  }
0x1e: {  	s7 =	smul.u32 @!p0 $0xF7A, s2;
	p2 =	seq.s32 @!p0 s5, $0x0  }
0x1f: {  	s9 =	smul.u32 $0xF7A, s1;
	s8 =	simm.s32 @!p0 $0x1BF5;
	p2 =	por !p2, p0  }
0x20: {  	[sflag:s8] =	ssyncset.s32 @!p0 $0xFFFFF086;
	s6 =	sadd.s32 @!p0 s3, s7;
	s7 =	simm.s32 @!p0 $0x108  }
0x21: {  	s3 =	sadd.s32 s3, s9;
	s6 =	sadd.s32 @!p0 $0x88, s6;
	s7 =	simm.s32 @p2 $0x1082  }
0x22: {  	[simem:s7], [sflag:s8] =	dma.local @!p0 [hbm:s6], $0xF7A  }
0x23: {  	s9 =	sor.u32 $0xD0000000, s2;
	s6 =	simm.s32 $0x108;
	_ =	swait.ge @!p0 [sflag:s8], $0x0  }
0x24: {  	s3 =	sadd.s32 $0x88, s3;
	s6 =	simm.s32 @!p1 $0x1082;
	[sflag:s4] =	ssyncset.s32 $0xFFFFF086  }
0x25: {  	[simem:s6], [sflag:s4] =	dma.local [hbm:s3], $0xF7A  }
0x26: {  	[smem:$0x3F9F] =	sst s1;
	(tag) =	ssettag s2;
	_ =	strace s9  }
0x27: {  	s1 =	sld [smem:$0x3FAF]  }
0x28: {  	s2 =	sld [smem:$0x3FB0]  }
0x29: {  	s4 =	sld [smem:$0x3FB2]  }
0x2a: {  	p0 =	seq.s32 s5, $0x0;
	s5 =	sld [smem:$0x3FB3]  }
0x2b: {  	s6 =	sld [smem:$0x3FB4]  }
0x2c: {  	s7 =	sld [smem:$0x3FB5]  }
0x2d: {  	s3 =	simm.s32 $0x108;
	s8 =	sld [smem:$0x3FB6]  }
0x2e: {  	s3 =	simm.s32 @!p0 $0x1082;
	s9 =	sld [smem:$0x3FB7]  }
0x2f: {  	lr =	sadd.s32 s0, s3;
	s0 =	sld [smem:$0x3FAE]  }
0x30: {  	s3 =	sld [smem:$0x3FB1]  }
0x31: {  	[smem:$0x3FBA] =	sst s10  }
0x32: {  	s10 =	sld [smem:$0x3FB8];
	_ =	sdelay $0x3  }
0x33: {  	p0 =	seq.s32 s10, $0x1;
	s10 =	sld [smem:$0x3FBA];
	_ =	sdelay $0x3  }
0x34: {  	[smem:$0x3FBA] =	sst s10  }
0x35: {  	s10 =	sld [smem:$0x3FB9];
	_ =	sdelay $0x3  }
0x36: {  	p1 =	seq.s32 s10, $0x1;
	s10 =	sld [smem:$0x3FBA];
	_ =	sdelay $0x3  }
0x37: {  	[smem:$0x3FBA] =	sst s10  }
0x38: {  	s10 =	sld [smem:$0x3FBB]  }
0x39: {  	_ = 	snop;
	(pc) =	sbr.ind lr, $3  }
0x3a: {  	_ = 	snop  }
0x3b: {  	_ = 	snop  }
0x3c: {  	p2 =	seq.s32 s10, $0x1;
	s10 =	sld [smem:$0x3FBA]  }
0x3d: {  	_ =	shalt  }
0x3e: {  	_ =	shalt  }
0x3f: {  	_ =	shalt  }
0x40: {  	_ =	shalt  }
0x41: {  	_ =	shalt  }
0x42: {  	_ =	shalt  }
0x43: {  	_ =	shalt  }
0x44: {  	_ =	shalt  }
0x45: {  	_ =	shalt  }
0x46: {  	_ =	shalt  }
0x47: {  	_ =	shalt  }
0x48: {  	_ =	shalt  }
0x49: {  	_ =	shalt  }
0x4a: {  	_ =	shalt  }
0x4b: {  	_ =	shalt  }
0x4c: {  	_ =	shalt  }
0x4d: {  	_ =	shalt  }
0x4e: {  	_ =	shalt  }
0x4f: {  	_ =	shalt  }
0x50: {  	_ =	shalt  }
0x51: {  	_ =	shalt  }
0x52: {  	_ =	shalt  }
0x53: {  	_ =	shalt  }
0x54: {  	_ =	shalt  }
0x55: {  	_ =	shalt  }
0x56: {  	_ =	shalt  }
0x57: {  	_ =	shalt  }
0x58: {  	_ =	shalt  }
0x59: {  	_ =	shalt  }
0x5a: {  	_ =	shalt  }
0x5b: {  	_ =	shalt  }
0x5c: {  	_ =	shalt  }
0x5d: {  	_ =	shalt  }
0x5e: {  	_ =	shalt  }
0x5f: {  	_ =	shalt  }
0x60: {  	_ =	shalt  }
0x61: {  	_ =	shalt  }
0x62: {  	_ =	shalt  }
0x63: {  	_ =	shalt  }
0x64: {  	_ =	shalt  }
0x65: {  	_ =	shalt  }
0x66: {  	_ =	shalt  }
0x67: {  	_ =	shalt  }
0x68: {  	_ =	shalt  }
0x69: {  	_ =	shalt  }
0x6a: {  	_ =	shalt  }
0x6b: {  	_ =	shalt  }
0x6c: {  	_ =	shalt  }
0x6d: {  	_ =	shalt  }
0x6e: {  	_ =	shalt  }
0x6f: {  	_ =	shalt  }
0x70: {  	_ =	shalt  }
0x71: {  	_ =	shalt  }
0x72: {  	_ =	shalt  }
0x73: {  	_ =	shalt  }
0x74: {  	_ =	shalt  }
0x75: {  	_ =	shalt  }
0x76: {  	_ =	shalt  }
0x77: {  	_ =	shalt  }
0x78: {  	_ =	shalt  }
0x79: {  	_ =	shalt  }
0x7a: {  	_ =	shalt  }
0x7b: {  	_ =	shalt  }
0x7c: {  	_ =	shalt  }
0x7d: {  	_ =	shalt  }
0x7e: {  	_ =	shalt  }
0x7f: {  	_ =	shalt  }
0x80: {  	_ =	shalt  }
0x81: {  	_ =	shalt  }
0x82: {  	_ =	shalt  }
0x83: {  	_ =	shalt  }
0x84: {  	_ =	shalt  }
0x85: {  	_ =	shalt  }
0x86: {  	_ =	shalt  }
0x87: {  	_ =	shalt  }
.Lfunc_end0:
.L_simem_size_0:
called_computation_lowered:
.L_overlay_start_0:
0x88: {  	s2 =	sld [smem:$0x3FD9]  }
0x89: {  	s3 =	sld [smem:$0x3FFE];
	_ =	sdelay $0x1  }
0x8a: {  	s1 =	srdreg.scid  }
0x8b: {  	s0 =	sand.u32 $0x1, s1  }
0x8c: {  	s17 =	sshll.u32 s0, $0xA;
	s2 =	sadd.s32 s3, s2  }
0x8d: {  	s2 =	sadd.s32 s2, s17  }
0x8e: {  	[smem:$0x3FC6] =	sst s2  }
0x8f: {  	_ = 	snop  }
0x90: {  	s2 =	sld [smem:$0x3FD0];
	(tm) =	ssettm $0x1  }
0x91: {  	s18 =	sld [smem:$0x3FFB];
	_ =	sdelay $0x3  }
0x92: {  	_ =	strace s18  }
0x93: {  	s3 =	sld [smem:$0x3FFC];
	_ =	sdelay $0x3  }
0x94: {  	_ =	strace s3  }
0x95: {  	s3 =	sld [smem:$0x3FFD];
	_ =	sdelay $0x3  }
0x96: {  	_ =	strace s3  }
0x97: {  	_ =	strace $0x8FFFFFFF  }
0x98: {  	s19 =	sld [smem:$0x3FDB];
	_ =	sdelay $0x1  }
0x99: {  	s4 =	simm.s32 $_scs_section_size  }
0x9a: {  	s5 =	simm.s32 $_size__tile_overlayer_lowered;
	s6 =	simm.s32 $_tile_overlayer_lowered  }
0x9b: {  	s22 =	simm.s32 $0x1BFF;
	s21 =	sshll.u32 s6, $0x1;
	s3 =	sadd.s32 s4, s19  }
0x9c: {  	s7 =	simm.s32 $0x0;
	s20 =	sshll.u32 s5, $0x1;
	s5 =	sadd.s32 s21, s3  }
0x9d: {  	[timem:s7], [sflag:s22] =	dma.local [hbm:s5], s20  }
0x9e: {  	_ =	swait.ge [sflag:s22], s20  }
0x9f: {  	s4 =	ssub.s32 $0x0, s20;
	[sflag:s22] =	ssyncset.done $0x0  }
0xa0: {  	[sflag:s22] =	ssyncadd.s32 s4;
	_ =	sdelay $0x1  }
0xa1: {  	s23 =	simm.s32 $0x1B8B  }
0xa2: {  	_ =	swait.ge [sflag:s23], $0x1  }
0xa3: {  	[sflag:s23] =	ssyncset.done $0x0  }
0xa4: {  	s25 =	simm.s32 $0x1B8E;
	s24 =	sld [smem:$0x3FFE];
	[sflag:s23] =	ssyncadd.s32 $0xFFFFFFFF  }
0xa5: {  	s26 =	simm.s32 $execute0_lowered;
	[smem:$0x3FD2] =	sst s25  }
0xa6: {  	s5 =	sshll.u32 s26, $0x1;
	_ =	strace $0x80000046;
	[dreg:$0x1] =	wrdreg $0xFFFFFFFF  }
0xa7: {  	s28 =	simm.s32 $_size_execute0_lowered;
	s3 =	sadd.s32 s3, s5;
	[dreg:$0x0] =	wrdreg $0x0  }
0xa8: {  	s5 =	sshll.u32 s28, $0x1;
	[dreg:$0x2] =	wrdreg s3  }
0xa9: {  	[dreg:$0x3] =	wrdreg s5  }
0xaa: {  	[dreg:$0x4] =	wrdreg $0xC0  }
0xab: {  	_ =	task [dreg:s7], $0x5FFFF  }
0xac: {  	[dreg:$0x1] =	wrdreg $0xFFFFFFFF  }
0xad: {  	[dreg:$0x0] =	wrdreg $0x60  }
0xae: {  	[dreg:$0x2] =	wrdreg s24  }
0xaf: {  	[dreg:$0x3] =	wrdreg s2  }
0xb0: {  	[dreg:$0x4] =	wrdreg $0xB000  }
0xb1: {  	[dreg:$0x5] =	wrdreg $0x9  }
0xb2: {  	_ =	task.clear_ibuf [dreg:s7], $0x6FFFF;
	_ =	strace $0x90000046  }
0xb3: {  	s29 =	simm.s32 $0x9;
	_ =	strace $0x80000048  }
0xb4: {  	_ =	swait.ge [sflag:s29], $0x1  }
0xb5: {  	[sflag:s29] =	ssyncadd.s32 $0xFFFFFFFF  }
0xb6: {  	_ =	strace $0x90000048  }
0xb7: {  	_ =	sfence  }
0xb8: {  	s30 =	sld [smem:$0x0];
	_ =	sdelay $0x2  }
0xb9: {  	s31 =	sshll.u32 s1, $0xD;
	s1 =	sshrl.u32 s1, $0x2  }
0xba: {  	s3 =	sand.u32 $0x4000, s31;
	s1 =	sadd.s32 s1, s30  }
0xbb: {  	s0 =	sor.u32 s3, s0;
	s1 =	sshll.u32 s1, $0x11  }
0xbc: {  	s0 =	sor.u32 s1, s0  }
0xbd: {  	s0 =	sadd.s32 $0x8F2B, s0  }
0xbe: {  	[sflag:s0] =	ssyncadd.remote.s32 $0x1  }
0xbf: {  	_ =	sfence.sel $0xFFFF  }
0xc0: {  	[dreg:$0x0] =	wrdreg $0xFFFFFFFF;
	(pc) =	sbr.abs _section_cstart, $3  }
0xc1: {  	[dreg:$0x1] =	wrdreg $0xFFFFFFFF  }
0xc2: {  	_ =	task.clear_ibuf [dreg:s7], $0x2FFFF;
	_ =	strace $0x9FFFFFFF  }
0xc3: {  	(tm) =	ssettm $0x7FFFFFFF  }
tec
execute0_lowered:
.L_overlay_start_1:
0x0: {  	(tag) =	ssettag $0x1  }
0x1: {  	s6 =	rddreg [dreg:$0x0]  }
0x2: {  	s1 =	rddreg [dreg:$0x1]  }
0x3: {  	s2 =	rddreg [dreg:$0x2]  }
0x4: {  	s0 =	rddreg [dreg:$0x3]  }
0x5: {  	s3 =	simm.s32 $0x0;
	s4 =	stileid.u32;
	s7 =	srdreg.scid  }
0x6: {  	s16 =	simm.s32 $0x100;
	s17 =	simm.s32 $0x180;
	s18 =	simm.s32 $0x200  }
0x7: {  	s19 =	simm.s32 $0x280;
	s20 =	simm.s32 $0x1;
	[smem:$0x7FF] =	sst s3  }
0x8: {  	s5 =	smul.u32 $0x9C, s4;
	s10 =	sadd.s32 $0xC000, s6;
	s11 =	smin.u32 s4, $0x4  }
0x9: {  	s12 =	sadd.s32 $0x2200, s6;
	s13 =	sand.u32 $0x1, s7;
	p1 =	seq.s32 s4, $0x0  }
0xa: {  	s31 =	smul.u32 $0x9C0, s4;
	p4 =	sgt.u32 s4, $0x3;
	_ =	strace $0x80000047  }
0xb: {  	s8 =	ssub.s32 $0x2, s13;
	p0 =	seq.s32 s13, $0x1;
	s21 =	sor.u32 s4, s13  }
0xc: {  	p3 =	sne.s32 s13, $0x0;
	s13 =	simm.s32 $0x2;
	s28 =	sadd.s32 s11, s5  }
0xd: {  	s5 =	sadd.s32 $0x1AE00, s6;
	s6 =	sadd.s32 $0x15E00, s6;
	s29 =	sshrl.u32 s8, $0x1  }
0xe: {  	p1 =	por !p1, !p0;
	s11 =	sshll.u32 s11, $0x4;
	p5 =	sne.s32 s21, $0x0  }
0xf: {  	s21 =	simm.s32 $0x0;
	s9 =	sshll.u32 s28, $0x4;
	s15 =	ssub.s32 s8, s29  }
.Ltmp0:
0x10: {  	p2 =	por !p1, !p1;
	p1 =	sne.s32 s4, $0x0;
	(pc) =	sbr.rel .LBB2_1-.Ltmp0, $4  }
0x11: {  	s14 =	sadd.s32 s9, s12;
	s30 =	sadd.s32 s9, s10;
	s9 =	smax.u32 s15, $0x1  }
0x12: {  	s12 =	sadd.s32 s31, s12;
	s15 =	simm.s32 $0x300;
	s7 =	sadd.s32 $0x9C0, s14  }
0x13: {  	s8 =	sadd.s32 $0x9C0, s30;
	s14 =	sadd.s32 s31, s10;
	s10 =	sadd.s32 s11, s12  }
0x14: {  	v0 =	vimm.f32 $1.000000000e+00;
	s12 =	sshrl.u32 @!p1 s2, $0x3;
	s11 =	sadd.s32 s11, s14;
	s14 =	simm.s32 $0x80  }
.LBB2_10:
0x15: {  	s22 =	sadd.s32 s22, s11;
	[sflag:s20] =	ssyncadd.s32 $0xFFFFF800  }
0x16: {  	[tilespmem:s3], [sflag:$0x2] =	stream.linear.gather [hbm4b:s22+s3], $0x100, $0x38;
	[tilespmem:$0x3300] =	vst v63  }
0x17: {  	_ =	swait.ge [sflag:s13], $0x100  }
0x18: {  	[sflag:s13] =	ssyncset.done $0x0  }
0x19: {  	[sflag:s13] =	ssyncadd.s32 $0xFFFFFF00  }
0x1a: {  	[spmem:s2] =	stream.indirect.scatter.add.f32 [tilespmem:s15], [sflag:$0x1], $0x10, s3, s14, $0xb8;
	[tilespmem:$0x3300] =	vst v63  }
0x1b: {  	_ = 	snop  }
0x1c: {  	[spmem:s2] =	stream.indirect.scatter.add.f32 [tilespmem:s15], [sflag:$0x1], $0x10, s14, s14, $0xb8;
	[tilespmem:$0x3300] =	vst v63  }
0x1d: {  	s23 =	sadd.s32 $0x20, s22  }
0x1e: {  	[tilespmem:s16], [sflag:$0x2] =	stream.linear.gather [hbm4b:s23+s3], $0x100, $0x38;
	[tilespmem:$0x3300] =	vst v63  }
0x1f: {  	_ =	swait.ge [sflag:s13], $0x100  }
0x20: {  	[sflag:s13] =	ssyncset.done $0x0  }
0x21: {  	[sflag:s13] =	ssyncadd.s32 $0xFFFFFF00  }
0x22: {  	[spmem:s2] =	stream.indirect.scatter.add.f32 [tilespmem:s15], [sflag:$0x1], $0x10, s16, s14, $0xb8;
	[tilespmem:$0x3300] =	vst v63  }
0x23: {  	_ = 	snop  }
0x24: {  	[spmem:s2] =	stream.indirect.scatter.add.f32 [tilespmem:s15], [sflag:$0x1], $0x10, s17, s14, $0xb8;
	[tilespmem:$0x3300] =	vst v63  }
0x25: {  	s22 =	sadd.s32 $0x40, s22  }
0x26: {  	[tilespmem:s18], [sflag:$0x2] =	stream.linear.gather [hbm4b:s22+s3], $0x100, $0x38;
	[tilespmem:$0x3300] =	vst v63  }
0x27: {  	_ =	swait.ge [sflag:s13], $0x100  }
0x28: {  	[sflag:s13] =	ssyncset.done $0x0  }
0x29: {  	[sflag:s13] =	ssyncadd.s32 $0xFFFFFF00  }
0x2a: {  	[spmem:s2] =	stream.indirect.scatter.add.f32 [tilespmem:s15], [sflag:$0x1], $0x10, s18, s14, $0xb8;
	[tilespmem:$0x3300] =	vst v63  }
0x2b: {  	_ = 	snop  }
0x2c: {  	[spmem:s2] =	stream.indirect.scatter.add.f32 [tilespmem:s15], [sflag:$0x1], $0x10, s19, s14, $0xb8;
	[tilespmem:$0x3300] =	vst v63  }
0x2d: {  	_ =	swait.ge [sflag:s20], $0x800  }
0x2e: {  	[sflag:s20] =	ssyncset.done $0x0  }
0x2f: {  	[sflag:s20] =	ssyncadd.s32 $0xFFFFF800  }
0x30: {  	_ =	swait.ge [sflag:s20], $0x800  }
0x31: {  	[sflag:s20] =	ssyncset.done $0x0  }
0x32: {  	[sflag:s20] =	ssyncadd.s32 $0xFFFFF800  }
0x33: {  	_ =	swait.ge [sflag:s20], $0x800  }
0x34: {  	[sflag:s20] =	ssyncset.done $0x0  }
0x35: {  	[sflag:s20] =	ssyncadd.s32 $0xFFFFF800  }
0x36: {  	_ =	swait.ge [sflag:s20], $0x800  }
0x37: {  	[sflag:s20] =	ssyncset.done $0x0  }
0x38: {  	[sflag:s20] =	ssyncadd.s32 $0xFFFFF800  }
0x39: {  	_ =	swait.ge [sflag:s20], $0x800  }
0x3a: {  	[sflag:s20] =	ssyncset.done $0x0  }
0x3b: {  	[sflag:s20] =	ssyncadd.s32 $0xFFFFF800  }
0x3c: {  	_ =	swait.ge [sflag:s20], $0x800  }
0x3d: {  	[sflag:s20] =	ssyncset.done $0x0  }
0x3e: {  	s23 =	simm.s32 @!p4 $0x2;
	s22 =	simm.s32 @!p4 $0x0;
	[sflag:s20] =	ssyncadd.s32 $0xFFFFF800  }
0x3f: {  	[tilespmem:s22], [sflag:$0x2] =	stream.linear.gather @!p4 [hbm4b:s8+s22], $0x80, $0x38;
	[tilespmem:$0x3300] =	vst v63  }
0x40: {  	_ =	swait.ge @!p4 [sflag:s23], $0x80  }
0x41: {  	[sflag:s23] =	ssyncset.done @!p4 $0x0  }
0x42: {  	s24 =	simm.s32 @!p4 $0x80;
	s25 =	simm.s32 @!p4 $0x300;
	[sflag:s23] =	ssyncadd.s32 @!p4 $0xFFFFFF80  }
0x43: {  	[spmem:s2] =	stream.indirect.scatter.add.f32 @!p4 [tilespmem:s25], [sflag:$0x2], $0x10, s22, s24, $0xb8;
	[tilespmem:$0x3300] =	vst v63  }
0x44: {  	_ =	swait.ge @!p4 [sflag:s23], $0x800  }
0x45: {  	[sflag:s23] =	ssyncset.done @!p4 $0x0  }
0x46: {  	[sflag:s23] =	ssyncadd.s32 @!p4 $0xFFFFF800  }
.LBB2_11:
0x47: {  	s22 =	sshll.u32 @!p5 s4, $0x6  }
0x48: {  	[bflag:$0x0] =	sbarrier.arrive $0xFFFF;
	s23 =	sshrl.u32 @!p5 s2, $0x3;
	s22 =	sor.u32 @!p5 $0x1C02, s22  }
0x49: {  	[hbm:s5], [sflag:s22] =	dma.local @!p5 [spmem:s23], $0x5000  }
0x4a: {  	s22 =	simm.s32 @!p5 $0x2  }
0x4b: {  	s21 =	sadd.s32 $0x1, s21;
	_ =	swait.ge @!p5 [sflag:s22], $0x5000  }
0x4c: {  	p6 =	sne.s32 s21, s9;
	[sflag:s22] =	ssyncset.done @!p5 $0x0  }
0x4d: {  	s23 =	simm.s32 @p2 $0x1C02;
	[sflag:s22] =	ssyncadd.s32 @!p5 $0xFFFFB000;
	s22 =	sshrl.u32 @p2 s2, $0x3  }
0x4e: {  	[hbm:s6], [sflag:s23] =	dma.local @p2 [spmem:s22], $0x5000  }
.Ltmp1:
0x4f: {  	_ = 	snop;
	(pc) =	sbr.rel @!p6 .LBB2_12-.Ltmp1, $4  }
0x50: {  	s22 =	simm.s32 @p2 $0x2  }
0x51: {  	_ =	swait.ge @p2 [sflag:s22], $0x5000  }
0x52: {  	[sflag:s22] =	ssyncset.done @p2 $0x0  }
0x53: {  	[sflag:s22] =	ssyncadd.s32 @p2 $0xFFFFB000  }
.LBB2_1:
0x54: {  	s22 =	simm.s32 $0x40;
	s23 =	simm.s32 $0x0  }
.LBB2_2:
0x55: {  	p6 =	sne.s32 s22, $0x1FC0;
	[tilespmem:s23+$0x300] =	vst v0;
	s23 =	smov.u32 s22;
	s22 =	sadd.s32 $0x40, s22  }
.Ltmp2:
0x56: {  	(pc) =	sbr.rel @p6 .LBB2_2-.Ltmp2, $2  }
0x57: {  	_ =	sdelay $0x2  }
0x58: {  	s23 =	sshra.s32 s23, $0x2  }
0x59: {  	[tilespmem:s23+$0x300] =	vst v0;
	s22 =	simm.s32 @!p1 $0x1C02  }
0x5a: {  	[spmem:s12], [sflag:s22] =	dma.local @!p1 [hbm:s1], $0x5000  }
0x5b: {  	s22 =	simm.s32 @!p1 $0x2  }
.Ltmp3:
0x5c: {  	_ =	swait.ge @!p1 [sflag:s22], $0x5000;
	(pc) =	sbr.rel @p3 .LBB2_7-.Ltmp3, $3  }
0x5d: {  	[sflag:s22] =	ssyncset.done @!p1 $0x0  }
0x5e: {  	[sflag:s22] =	ssyncadd.s32 @!p1 $0xFFFFB000  }
0x5f: {  	[bflag:$0x0] =	sbarrier.arrive $0xFFFF;
	_ =	sdelay $0x1  }
0x60: {  	s22 =	sadd.s32 $0x0, s10  }
0x61: {  	[tilespmem:s3], [sflag:$0x2] =	stream.linear.gather [hbm4b:s22+s3], $0x100, $0x38;
	[tilespmem:$0x3300] =	vst v63  }
0x62: {  	_ =	swait.ge [sflag:s13], $0x100  }
0x63: {  	[sflag:s13] =	ssyncset.done $0x0  }
0x64: {  	[sflag:s13] =	ssyncadd.s32 $0xFFFFFF00  }
0x65: {  	[spmem:s2] =	stream.indirect.scatter.add.f32 [tilespmem:s15], [sflag:$0x1], $0x10, s3, s14, $0xb8;
	[tilespmem:$0x3300] =	vst v63  }
0x66: {  	_ = 	snop  }
0x67: {  	[spmem:s2] =	stream.indirect.scatter.add.f32 [tilespmem:s15], [sflag:$0x1], $0x10, s14, s14, $0xb8;
	[tilespmem:$0x3300] =	vst v63  }
0x68: {  	s23 =	sadd.s32 $0x20, s22  }
0x69: {  	[tilespmem:s16], [sflag:$0x2] =	stream.linear.gather [hbm4b:s23+s3], $0x100, $0x38;
	[tilespmem:$0x3300] =	vst v63  }
0x6a: {  	_ =	swait.ge [sflag:s13], $0x100  }
0x6b: {  	[sflag:s13] =	ssyncset.done $0x0  }
0x6c: {  	[sflag:s13] =	ssyncadd.s32 $0xFFFFFF00  }
0x6d: {  	[spmem:s2] =	stream.indirect.scatter.add.f32 [tilespmem:s15], [sflag:$0x1], $0x10, s16, s14, $0xb8;
	[tilespmem:$0x3300] =	vst v63  }
0x6e: {  	_ = 	snop  }
0x6f: {  	[spmem:s2] =	stream.indirect.scatter.add.f32 [tilespmem:s15], [sflag:$0x1], $0x10, s17, s14, $0xb8;
	[tilespmem:$0x3300] =	vst v63  }
0x70: {  	s22 =	sadd.s32 $0x40, s22  }
0x71: {  	[tilespmem:s18], [sflag:$0x2] =	stream.linear.gather [hbm4b:s22+s3], $0x100, $0x38;
	[tilespmem:$0x3300] =	vst v63  }
0x72: {  	_ =	swait.ge [sflag:s13], $0x100  }
0x73: {  	[sflag:s13] =	ssyncset.done $0x0  }
0x74: {  	[sflag:s13] =	ssyncadd.s32 $0xFFFFFF00  }
0x75: {  	[spmem:s2] =	stream.indirect.scatter.add.f32 [tilespmem:s15], [sflag:$0x1], $0x10, s18, s14, $0xb8;
	[tilespmem:$0x3300] =	vst v63  }
0x76: {  	_ = 	snop  }
0x77: {  	[spmem:s2] =	stream.indirect.scatter.add.f32 [tilespmem:s15], [sflag:$0x1], $0x10, s19, s14, $0xb8;
	[tilespmem:$0x3300] =	vst v63  }
0x78: {  	_ =	swait.ge [sflag:s20], $0x800  }
0x79: {  	[sflag:s20] =	ssyncset.done $0x0  }
0x7a: {  	[sflag:s20] =	ssyncadd.s32 $0xFFFFF800  }
0x7b: {  	_ =	swait.ge [sflag:s20], $0x800  }
0x7c: {  	[sflag:s20] =	ssyncset.done $0x0  }
0x7d: {  	[sflag:s20] =	ssyncadd.s32 $0xFFFFF800  }
0x7e: {  	_ =	swait.ge [sflag:s20], $0x800  }
0x7f: {  	[sflag:s20] =	ssyncset.done $0x0  }
0x80: {  	[sflag:s20] =	ssyncadd.s32 $0xFFFFF800  }
0x81: {  	_ =	swait.ge [sflag:s20], $0x800  }
0x82: {  	[sflag:s20] =	ssyncset.done $0x0  }
0x83: {  	[sflag:s20] =	ssyncadd.s32 $0xFFFFF800  }
0x84: {  	_ =	swait.ge [sflag:s20], $0x800  }
0x85: {  	[sflag:s20] =	ssyncset.done $0x0  }
0x86: {  	[sflag:s20] =	ssyncadd.s32 $0xFFFFF800  }
0x87: {  	_ =	swait.ge [sflag:s20], $0x800  }
0x88: {  	s24 =	simm.s32 $0xC0;
	s22 =	simm.s32 $0x60;
	[sflag:s20] =	ssyncset.done $0x0  }
.LBB2_5:
0x89: {  	s25 =	sadd.s32 s22, s10  }
0x8a: {  	[sflag:s20] =	ssyncadd.s32 $0xFFFFF800;
	s22 =	smov.u32 s24;
	s23 =	sadd.s32 $0x60, s24  }
0x8b: {  	[tilespmem:s3], [sflag:$0x2] =	stream.linear.gather [hbm4b:s25+s3], $0x100, $0x38;
	[tilespmem:$0x3300] =	vst v63  }
0x8c: {  	p6 =	sne.s32 s24, $0x960;
	_ =	swait.ge [sflag:s13], $0x100  }
0x8d: {  	[sflag:s13] =	ssyncset.done $0x0  }
0x8e: {  	[sflag:s13] =	ssyncadd.s32 $0xFFFFFF00  }
0x8f: {  	[spmem:s2] =	stream.indirect.scatter.add.f32 [tilespmem:s15], [sflag:$0x1], $0x10, s3, s14, $0xb8;
	[tilespmem:$0x3300] =	vst v63  }
0x90: {  	_ = 	snop  }
0x91: {  	[spmem:s2] =	stream.indirect.scatter.add.f32 [tilespmem:s15], [sflag:$0x1], $0x10, s14, s14, $0xb8;
	[tilespmem:$0x3300] =	vst v63  }
0x92: {  	s24 =	sadd.s32 $0x20, s25  }
0x93: {  	[tilespmem:s16], [sflag:$0x2] =	stream.linear.gather [hbm4b:s24+s3], $0x100, $0x38;
	[tilespmem:$0x3300] =	vst v63  }
0x94: {  	_ =	swait.ge [sflag:s13], $0x100  }
0x95: {  	[sflag:s13] =	ssyncset.done $0x0  }
0x96: {  	[sflag:s13] =	ssyncadd.s32 $0xFFFFFF00  }
0x97: {  	[spmem:s2] =	stream.indirect.scatter.add.f32 [tilespmem:s15], [sflag:$0x1], $0x10, s16, s14, $0xb8;
	[tilespmem:$0x3300] =	vst v63  }
0x98: {  	_ = 	snop  }
0x99: {  	[spmem:s2] =	stream.indirect.scatter.add.f32 [tilespmem:s15], [sflag:$0x1], $0x10, s17, s14, $0xb8;
	[tilespmem:$0x3300] =	vst v63  }
0x9a: {  	s24 =	sadd.s32 $0x40, s25  }
0x9b: {  	[tilespmem:s18], [sflag:$0x2] =	stream.linear.gather [hbm4b:s24+s3], $0x100, $0x38;
	[tilespmem:$0x3300] =	vst v63  }
0x9c: {  	_ =	swait.ge [sflag:s13], $0x100  }
0x9d: {  	[sflag:s13] =	ssyncset.done $0x0  }
0x9e: {  	[sflag:s13] =	ssyncadd.s32 $0xFFFFFF00  }
0x9f: {  	[spmem:s2] =	stream.indirect.scatter.add.f32 [tilespmem:s15], [sflag:$0x1], $0x10, s18, s14, $0xb8;
	[tilespmem:$0x3300] =	vst v63  }
0xa0: {  	_ = 	snop  }
0xa1: {  	[spmem:s2] =	stream.indirect.scatter.add.f32 [tilespmem:s15], [sflag:$0x1], $0x10, s19, s14, $0xb8;
	[tilespmem:$0x3300] =	vst v63  }
0xa2: {  	_ =	swait.ge [sflag:s20], $0x800  }
0xa3: {  	[sflag:s20] =	ssyncset.done $0x0  }
0xa4: {  	[sflag:s20] =	ssyncadd.s32 $0xFFFFF800  }
0xa5: {  	_ =	swait.ge [sflag:s20], $0x800  }
0xa6: {  	[sflag:s20] =	ssyncset.done $0x0  }
0xa7: {  	[sflag:s20] =	ssyncadd.s32 $0xFFFFF800  }
0xa8: {  	_ =	swait.ge [sflag:s20], $0x800  }
0xa9: {  	[sflag:s20] =	ssyncset.done $0x0  }
0xaa: {  	[sflag:s20] =	ssyncadd.s32 $0xFFFFF800  }
0xab: {  	_ =	swait.ge [sflag:s20], $0x800  }
0xac: {  	[sflag:s20] =	ssyncset.done $0x0  }
0xad: {  	[sflag:s20] =	ssyncadd.s32 $0xFFFFF800  }
.Ltmp4:
0xae: {  	_ =	swait.ge [sflag:s20], $0x800;
	(pc) =	sbr.rel @p6 .LBB2_5-.Ltmp4, $4  }
0xaf: {  	[sflag:s20] =	ssyncset.done $0x0  }
0xb0: {  	[sflag:s20] =	ssyncadd.s32 $0xFFFFF800  }
0xb1: {  	_ =	swait.ge [sflag:s20], $0x800  }
0xb2: {  	s24 =	smov.u32 s23;
	[sflag:s20] =	ssyncset.done $0x0  }
0xb3: {  	s22 =	sadd.s32 s22, s10;
	[sflag:s20] =	ssyncadd.s32 $0xFFFFF800  }
0xb4: {  	[tilespmem:s3], [sflag:$0x2] =	stream.linear.gather [hbm4b:s22+s3], $0x100, $0x38;
	[tilespmem:$0x3300] =	vst v63  }
0xb5: {  	_ =	swait.ge [sflag:s13], $0x100  }
0xb6: {  	[sflag:s13] =	ssyncset.done $0x0  }
0xb7: {  	[sflag:s13] =	ssyncadd.s32 $0xFFFFFF00  }
0xb8: {  	[spmem:s2] =	stream.indirect.scatter.add.f32 [tilespmem:s15], [sflag:$0x1], $0x10, s3, s14, $0xb8;
	[tilespmem:$0x3300] =	vst v63  }
0xb9: {  	_ = 	snop  }
0xba: {  	[spmem:s2] =	stream.indirect.scatter.add.f32 [tilespmem:s15], [sflag:$0x1], $0x10, s14, s14, $0xb8;
	[tilespmem:$0x3300] =	vst v63  }
0xbb: {  	s23 =	sadd.s32 $0x20, s22  }
0xbc: {  	[tilespmem:s16], [sflag:$0x2] =	stream.linear.gather [hbm4b:s23+s3], $0x100, $0x38;
	[tilespmem:$0x3300] =	vst v63  }
0xbd: {  	_ =	swait.ge [sflag:s13], $0x100  }
0xbe: {  	[sflag:s13] =	ssyncset.done $0x0  }
0xbf: {  	[sflag:s13] =	ssyncadd.s32 $0xFFFFFF00  }
0xc0: {  	[spmem:s2] =	stream.indirect.scatter.add.f32 [tilespmem:s15], [sflag:$0x1], $0x10, s16, s14, $0xb8;
	[tilespmem:$0x3300] =	vst v63  }
0xc1: {  	_ = 	snop  }
0xc2: {  	[spmem:s2] =	stream.indirect.scatter.add.f32 [tilespmem:s15], [sflag:$0x1], $0x10, s17, s14, $0xb8;
	[tilespmem:$0x3300] =	vst v63  }
0xc3: {  	s22 =	sadd.s32 $0x40, s22  }
0xc4: {  	[tilespmem:s18], [sflag:$0x2] =	stream.linear.gather [hbm4b:s22+s3], $0x100, $0x38;
	[tilespmem:$0x3300] =	vst v63  }
0xc5: {  	_ =	swait.ge [sflag:s13], $0x100  }
0xc6: {  	[sflag:s13] =	ssyncset.done $0x0  }
0xc7: {  	[sflag:s13] =	ssyncadd.s32 $0xFFFFFF00  }
0xc8: {  	[spmem:s2] =	stream.indirect.scatter.add.f32 [tilespmem:s15], [sflag:$0x1], $0x10, s18, s14, $0xb8;
	[tilespmem:$0x3300] =	vst v63  }
0xc9: {  	_ = 	snop  }
0xca: {  	[spmem:s2] =	stream.indirect.scatter.add.f32 [tilespmem:s15], [sflag:$0x1], $0x10, s19, s14, $0xb8;
	[tilespmem:$0x3300] =	vst v63  }
0xcb: {  	_ =	swait.ge [sflag:s20], $0x800  }
0xcc: {  	[sflag:s20] =	ssyncset.done $0x0  }
0xcd: {  	[sflag:s20] =	ssyncadd.s32 $0xFFFFF800  }
0xce: {  	_ =	swait.ge [sflag:s20], $0x800  }
0xcf: {  	[sflag:s20] =	ssyncset.done $0x0  }
0xd0: {  	[sflag:s20] =	ssyncadd.s32 $0xFFFFF800  }
0xd1: {  	_ =	swait.ge [sflag:s20], $0x800  }
0xd2: {  	[sflag:s20] =	ssyncset.done $0x0  }
0xd3: {  	[sflag:s20] =	ssyncadd.s32 $0xFFFFF800  }
0xd4: {  	_ =	swait.ge [sflag:s20], $0x800  }
0xd5: {  	[sflag:s20] =	ssyncset.done $0x0  }
0xd6: {  	[sflag:s20] =	ssyncadd.s32 $0xFFFFF800  }
0xd7: {  	_ =	swait.ge [sflag:s20], $0x800  }
0xd8: {  	[sflag:s20] =	ssyncset.done $0x0  }
0xd9: {  	[sflag:s20] =	ssyncadd.s32 $0xFFFFF800  }
0xda: {  	_ =	swait.ge [sflag:s20], $0x800  }
0xdb: {  	[sflag:s20] =	ssyncset.done $0x0  }
0xdc: {  	s23 =	simm.s32 @!p4 $0x2;
	s22 =	simm.s32 @!p4 $0x0;
	[sflag:s20] =	ssyncadd.s32 $0xFFFFF800  }
0xdd: {  	[tilespmem:s22], [sflag:$0x2] =	stream.linear.gather @!p4 [hbm4b:s7+s22], $0x80, $0x38;
	[tilespmem:$0x3300] =	vst v63  }
0xde: {  	_ =	swait.ge @!p4 [sflag:s23], $0x80  }
0xdf: {  	[sflag:s23] =	ssyncset.done @!p4 $0x0  }
0xe0: {  	s24 =	simm.s32 @!p4 $0x80;
	s25 =	simm.s32 @!p4 $0x300;
	[sflag:s23] =	ssyncadd.s32 @!p4 $0xFFFFFF80  }
0xe1: {  	[spmem:s2] =	stream.indirect.scatter.add.f32 @!p4 [tilespmem:s25], [sflag:$0x2], $0x10, s22, s24, $0xb8;
	[tilespmem:$0x3300] =	vst v63  }
0xe2: {  	_ =	swait.ge @!p4 [sflag:s23], $0x800  }
0xe3: {  	[sflag:s23] =	ssyncset.done @!p4 $0x0  }
0xe4: {  	[sflag:s23] =	ssyncadd.s32 @!p4 $0xFFFFF800  }
.LBB2_7:
.Ltmp5:
0xe5: {  	(pc) =	sbr.rel @!p0 .LBB2_11-.Ltmp5, $1  }
0xe6: {  	_ =	sdelay $0x3  }
0xe7: {  	s22 =	sadd.s32 $0x0, s11  }
0xe8: {  	[tilespmem:s3], [sflag:$0x2] =	stream.linear.gather [hbm4b:s22+s3], $0x100, $0x38;
	[tilespmem:$0x3300] =	vst v63  }
0xe9: {  	_ =	swait.ge [sflag:s13], $0x100  }
0xea: {  	[sflag:s13] =	ssyncset.done $0x0  }
0xeb: {  	[sflag:s13] =	ssyncadd.s32 $0xFFFFFF00  }
0xec: {  	[spmem:s2] =	stream.indirect.scatter.add.f32 [tilespmem:s15], [sflag:$0x1], $0x10, s3, s14, $0xb8;
	[tilespmem:$0x3300] =	vst v63  }
0xed: {  	_ = 	snop  }
0xee: {  	[spmem:s2] =	stream.indirect.scatter.add.f32 [tilespmem:s15], [sflag:$0x1], $0x10, s14, s14, $0xb8;
	[tilespmem:$0x3300] =	vst v63  }
0xef: {  	s23 =	sadd.s32 $0x20, s22  }
0xf0: {  	[tilespmem:s16], [sflag:$0x2] =	stream.linear.gather [hbm4b:s23+s3], $0x100, $0x38;
	[tilespmem:$0x3300] =	vst v63  }
0xf1: {  	_ =	swait.ge [sflag:s13], $0x100  }
0xf2: {  	[sflag:s13] =	ssyncset.done $0x0  }
0xf3: {  	[sflag:s13] =	ssyncadd.s32 $0xFFFFFF00  }
0xf4: {  	[spmem:s2] =	stream.indirect.scatter.add.f32 [tilespmem:s15], [sflag:$0x1], $0x10, s16, s14, $0xb8;
	[tilespmem:$0x3300] =	vst v63  }
0xf5: {  	_ = 	snop  }
0xf6: {  	[spmem:s2] =	stream.indirect.scatter.add.f32 [tilespmem:s15], [sflag:$0x1], $0x10, s17, s14, $0xb8;
	[tilespmem:$0x3300] =	vst v63  }
0xf7: {  	s22 =	sadd.s32 $0x40, s22  }
0xf8: {  	[tilespmem:s18], [sflag:$0x2] =	stream.linear.gather [hbm4b:s22+s3], $0x100, $0x38;
	[tilespmem:$0x3300] =	vst v63  }
0xf9: {  	_ =	swait.ge [sflag:s13], $0x100  }
0xfa: {  	[sflag:s13] =	ssyncset.done $0x0  }
0xfb: {  	[sflag:s13] =	ssyncadd.s32 $0xFFFFFF00  }
0xfc: {  	[spmem:s2] =	stream.indirect.scatter.add.f32 [tilespmem:s15], [sflag:$0x1], $0x10, s18, s14, $0xb8;
	[tilespmem:$0x3300] =	vst v63  }
0xfd: {  	_ = 	snop  }
0xfe: {  	[spmem:s2] =	stream.indirect.scatter.add.f32 [tilespmem:s15], [sflag:$0x1], $0x10, s19, s14, $0xb8;
	[tilespmem:$0x3300] =	vst v63  }
0xff: {  	_ =	swait.ge [sflag:s20], $0x800  }
0x100: {  	[sflag:s20] =	ssyncset.done $0x0  }
0x101: {  	[sflag:s20] =	ssyncadd.s32 $0xFFFFF800  }
0x102: {  	_ =	swait.ge [sflag:s20], $0x800  }
0x103: {  	[sflag:s20] =	ssyncset.done $0x0  }
0x104: {  	[sflag:s20] =	ssyncadd.s32 $0xFFFFF800  }
0x105: {  	_ =	swait.ge [sflag:s20], $0x800  }
0x106: {  	[sflag:s20] =	ssyncset.done $0x0  }
0x107: {  	[sflag:s20] =	ssyncadd.s32 $0xFFFFF800  }
0x108: {  	_ =	swait.ge [sflag:s20], $0x800  }
0x109: {  	[sflag:s20] =	ssyncset.done $0x0  }
0x10a: {  	[sflag:s20] =	ssyncadd.s32 $0xFFFFF800  }
0x10b: {  	_ =	swait.ge [sflag:s20], $0x800  }
0x10c: {  	[sflag:s20] =	ssyncset.done $0x0  }
0x10d: {  	[sflag:s20] =	ssyncadd.s32 $0xFFFFF800  }
0x10e: {  	_ =	swait.ge [sflag:s20], $0x800  }
0x10f: {  	s24 =	simm.s32 $0xC0;
	s22 =	simm.s32 $0x60;
	[sflag:s20] =	ssyncset.done $0x0  }
.LBB2_9:
0x110: {  	s25 =	sadd.s32 s22, s11  }
0x111: {  	[sflag:s20] =	ssyncadd.s32 $0xFFFFF800;
	s22 =	smov.u32 s24;
	s23 =	sadd.s32 $0x60, s24  }
0x112: {  	[tilespmem:s3], [sflag:$0x2] =	stream.linear.gather [hbm4b:s25+s3], $0x100, $0x38;
	[tilespmem:$0x3300] =	vst v63  }
0x113: {  	p6 =	sne.s32 s24, $0x960;
	_ =	swait.ge [sflag:s13], $0x100  }
0x114: {  	[sflag:s13] =	ssyncset.done $0x0  }
0x115: {  	[sflag:s13] =	ssyncadd.s32 $0xFFFFFF00  }
0x116: {  	[spmem:s2] =	stream.indirect.scatter.add.f32 [tilespmem:s15], [sflag:$0x1], $0x10, s3, s14, $0xb8;
	[tilespmem:$0x3300] =	vst v63  }
0x117: {  	_ = 	snop  }
0x118: {  	[spmem:s2] =	stream.indirect.scatter.add.f32 [tilespmem:s15], [sflag:$0x1], $0x10, s14, s14, $0xb8;
	[tilespmem:$0x3300] =	vst v63  }
0x119: {  	s24 =	sadd.s32 $0x20, s25  }
0x11a: {  	[tilespmem:s16], [sflag:$0x2] =	stream.linear.gather [hbm4b:s24+s3], $0x100, $0x38;
	[tilespmem:$0x3300] =	vst v63  }
0x11b: {  	_ =	swait.ge [sflag:s13], $0x100  }
0x11c: {  	[sflag:s13] =	ssyncset.done $0x0  }
0x11d: {  	[sflag:s13] =	ssyncadd.s32 $0xFFFFFF00  }
0x11e: {  	[spmem:s2] =	stream.indirect.scatter.add.f32 [tilespmem:s15], [sflag:$0x1], $0x10, s16, s14, $0xb8;
	[tilespmem:$0x3300] =	vst v63  }
0x11f: {  	_ = 	snop  }
0x120: {  	[spmem:s2] =	stream.indirect.scatter.add.f32 [tilespmem:s15], [sflag:$0x1], $0x10, s17, s14, $0xb8;
	[tilespmem:$0x3300] =	vst v63  }
0x121: {  	s24 =	sadd.s32 $0x40, s25  }
0x122: {  	[tilespmem:s18], [sflag:$0x2] =	stream.linear.gather [hbm4b:s24+s3], $0x100, $0x38;
	[tilespmem:$0x3300] =	vst v63  }
0x123: {  	_ =	swait.ge [sflag:s13], $0x100  }
0x124: {  	[sflag:s13] =	ssyncset.done $0x0  }
0x125: {  	[sflag:s13] =	ssyncadd.s32 $0xFFFFFF00  }
0x126: {  	[spmem:s2] =	stream.indirect.scatter.add.f32 [tilespmem:s15], [sflag:$0x1], $0x10, s18, s14, $0xb8;
	[tilespmem:$0x3300] =	vst v63  }
0x127: {  	_ = 	snop  }
0x128: {  	[spmem:s2] =	stream.indirect.scatter.add.f32 [tilespmem:s15], [sflag:$0x1], $0x10, s19, s14, $0xb8;
	[tilespmem:$0x3300] =	vst v63  }
0x129: {  	_ =	swait.ge [sflag:s20], $0x800  }
0x12a: {  	[sflag:s20] =	ssyncset.done $0x0  }
0x12b: {  	[sflag:s20] =	ssyncadd.s32 $0xFFFFF800  }
0x12c: {  	_ =	swait.ge [sflag:s20], $0x800  }
0x12d: {  	[sflag:s20] =	ssyncset.done $0x0  }
0x12e: {  	[sflag:s20] =	ssyncadd.s32 $0xFFFFF800  }
0x12f: {  	_ =	swait.ge [sflag:s20], $0x800  }
0x130: {  	[sflag:s20] =	ssyncset.done $0x0  }
0x131: {  	[sflag:s20] =	ssyncadd.s32 $0xFFFFF800  }
0x132: {  	_ =	swait.ge [sflag:s20], $0x800  }
0x133: {  	[sflag:s20] =	ssyncset.done $0x0  }
0x134: {  	[sflag:s20] =	ssyncadd.s32 $0xFFFFF800  }
.Ltmp6:
0x135: {  	_ =	swait.ge [sflag:s20], $0x800;
	(pc) =	sbr.rel @p6 .LBB2_9-.Ltmp6, $4  }
0x136: {  	[sflag:s20] =	ssyncset.done $0x0  }
0x137: {  	[sflag:s20] =	ssyncadd.s32 $0xFFFFF800  }
0x138: {  	_ =	swait.ge [sflag:s20], $0x800  }
0x139: {  	s24 =	smov.u32 s23;
	[sflag:s20] =	ssyncset.done $0x0  }
.Ltmp7:
0x13a: {  	_ = 	snop;
	(pc) =	sbr.rel .LBB2_10-.Ltmp7, $1  }
0x13b: {  	_ =	sdelay $0x3  }
.LBB2_12:
0x13c: {  	_ =	sfence.sel $0x180000  }
0x13d: {  	[bflag:$0x0] =	sbarrier.arrive $0xFFFF  }
0x13e: {  	_ =	strace $0x90000047  }
0x13f: {  	s0 =	sadd.s32 @!p1 $0x100000, s0;
	[bflag:$0x2] =	sbarrier.arrive $0xFFFF  }
0x140: {  	[sflag:s0] =	ssyncadd.tile.s32 @!p1 $0x1;
	_ =	shalt  }
.Lfunc_end2:
_tile_overlayer_lowered:
.L_overlay_start_2:
0x141: {  	(tag) =	ssettag $0x2  }
0x142: {  	s0 =	rddreg [dreg:$0x0];
	s2 =	stileid.u32  }
0x143: {  	s1 =	rddreg [dreg:$0x1];
	p0 =	sne.s32 s2, $0x0  }
0x144: {  	s3 =	rddreg [dreg:$0x2];
	[bflag:$0x3] =	sbarrier.arrive $0xFFFF;
	s2 =	simm.s32 @!p0 $0x1C02  }
0x145: {  	[timem:s3], [sflag:s2] =	dma.local @!p0 [hbm:s0], s1  }
0x146: {  	s0 =	simm.s32 @!p0 $0x2  }
0x147: {  	_ =	swait.ge @!p0 [sflag:s0], s1  }
0x148: {  	s1 =	ssub.s32 @!p0 $0x0, s1;
	[sflag:s0] =	ssyncset.done @!p0 $0x0  }
0x149: {  	[sflag:s0] =	ssyncadd.s32 @!p0 s1  }
0x14a: {  	[bflag:$0x3] =	sbarrier.arrive $0xFFFF  }
0x14b: {  	_ =	shalt  }

</sc_bundles>
